<compile_context>
chip_gen: v7x
topology: tpu7x:2x2x1
jax: 0.10.2.dev20260603
libtpu: 0.0.44.dev20260713+nightly
codegen_flags: <defaults>
</compile_context>

<pallas_src>
import functools

import jax
import jax.numpy as jnp
from jax import lax
from jax.experimental import pallas as pl
from jax.experimental.pallas import tpu as pltpu
from jax.experimental.pallas import tpu_sc as plsc

N = 10000
NPAD = 10240
D = 128
HID = 64
E = 160000
NW = 32
EPT = 5376
BB = 128
NBATCH = 40
NB2 = EPT // BB


def _dense_body(xr, xg, xp, Wsr, Wsg, Wsp, asr, asg, asp,
                Wdr, Wdg, Wdp, adr, adg, adp,
                hsr_o, hsg_o, hsp_o, esr_o, esg_o, esp_o, edr_o, edg_o, edp_o):
    hs_r = xr[...] @ Wsr[...]
    hs_g = xg[...] @ Wsg[...]
    hs_p = xp[...] @ Wsp[...]
    hsr_o[...] = hs_r
    hsg_o[...] = hs_g
    hsp_o[...] = hs_p
    esr_o[...] = hs_r @ asr[...]
    esg_o[...] = hs_g @ asg[...]
    esp_o[...] = hs_p @ asp[...]
    xpb = xp[...]
    edr_o[...] = xpb @ (Wdr[...] @ adr[...])
    edg_o[...] = xpb @ (Wdg[...] @ adg[...])
    edp_o[...] = xpb @ (Wdp[...] @ adp[...])


def _dense_stage(x_r, x_g, x_p, Ws, As, Wd, Ad):
    blk = 1000
    grid = (N // blk,)
    row = lambda i: (i, 0)
    full = lambda i: (0, 0)
    outs = pl.pallas_call(
        _dense_body,
        grid=grid,
        in_specs=[pl.BlockSpec((blk, D), row)] * 3
                 + [pl.BlockSpec((D, HID), full)] * 3
                 + [pl.BlockSpec((HID, 1), full)] * 3
                 + [pl.BlockSpec((D, HID), full)] * 3
                 + [pl.BlockSpec((HID, 1), full)] * 3,
        out_specs=[pl.BlockSpec((blk, HID), row)] * 3
                  + [pl.BlockSpec((blk, 1), row)] * 6,
        out_shape=[jax.ShapeDtypeStruct((N, HID), jnp.float32)] * 3
                  + [jax.ShapeDtypeStruct((N, 1), jnp.float32)] * 6,
    )(x_r, x_g, x_p, *Ws, *As, *Wd, *Ad)
    return outs


def _sc_edge_body(src_hbm, dst_hbm, es_hbm, ed_hbm, hs_hbm, z2_hbm, z1_hbm,
                  num_out, den_out,
                  srcv, dstv, esv, edv, srcvA, dstvA, exvA,
                  srcvB, dstvB, exvB, rowsA, rowsB,
                  num_sh, den_sh, semA, semB):
    c = lax.axis_index("c")
    s = lax.axis_index("s")
    w = c * 16 + s
    seg = pl.ds(s * 640, 640)
    pltpu.sync_copy(z2_hbm.at[seg], num_sh.at[seg])
    pltpu.sync_copy(z1_hbm.at[seg], den_sh.at[seg])
    pltpu.sync_copy(es_hbm, esv)
    pltpu.sync_copy(ed_hbm, edv)
    pltpu.sync_copy(src_hbm.at[w], srcv)
    pltpu.sync_copy(dst_hbm.at[w], dstv)

    plsc.subcore_barrier()

    def groups(b, srcb, dstb, exb):
        def group(j, carry2):
            o = b * BB + j * 16
            s16 = srcv[pl.ds(o, 16)]
            d16 = dstv[pl.ds(o, 16)]
            e = plsc.load_gather(esv, [s16]) + plsc.load_gather(edv, [d16])
            e = jnp.where(e > 0, e, 0.2 * e)
            srcb[pl.ds(j * 16, 16)] = s16
            dstb[pl.ds(j * 16, 16)] = jnp.where(s16 == d16, N, d16)
            exb[pl.ds(j * 16, 16)] = jnp.exp(e)
            return carry2

        lax.fori_loop(0, BB // 16, group, 0, unroll=True)

    def batch(b, carry):
        groups(b, srcvA, dstvA, exvA)
        pltpu.async_copy(hs_hbm.at[srcvA], rowsA, semA).wait()

        def scale(g, carry2):
            ex16 = exvA[pl.ds(g * 16, 16)]
            for k in range(16):
                v = ex16[k]
                i = g * 16 + k
                for h in range(HID // 32):
                    xi = plsc.bitcast(rowsA[i, pl.ds(h * 32, 32)], jnp.int32)
                    lo = plsc.bitcast(xi << 16, jnp.float32) * v
                    hi = plsc.bitcast(xi & jnp.int32(-65536), jnp.float32) * v
                    rowsB[i, pl.ds(h * 32, 16)] = lo
                    rowsB[i, pl.ds(h * 32 + 16, 16)] = hi
            return carry2

        lax.fori_loop(0, BB // 16, scale, 0)
        den_cp = pltpu.async_copy(exvA, den_sh.at[dstvA], sem=semB, add=True)
        num_cp = pltpu.async_copy(rowsB, num_sh.at[dstvA], sem=semA, add=True)
        den_cp.wait()
        num_cp.wait()
        return carry

    lax.fori_loop(0, NBATCH, batch, 0)
    plsc.subcore_barrier()
    pltpu.sync_copy(num_sh.at[seg], num_out.at[c, seg])
    pltpu.sync_copy(den_sh.at[seg], den_out.at[c, seg])


@functools.lru_cache(maxsize=1)
def _sc_edge_stage():
    return pl.kernel(
        _sc_edge_body,
        out_type=[jax.ShapeDtypeStruct((2, NPAD, HID), jnp.float32),
                  jax.ShapeDtypeStruct((2, NPAD), jnp.float32)],
        mesh=plsc.VectorSubcoreMesh(core_axis_name="c", subcore_axis_name="s"),
        compiler_params=pltpu.CompilerParams(needs_layout_passes=False,
                                             use_tc_tiling_on_sc=False),
        scratch_types=[
            pltpu.VMEM((EPT,), jnp.int32),
            pltpu.VMEM((EPT,), jnp.int32),
            pltpu.VMEM((NPAD,), jnp.float32),
            pltpu.VMEM((NPAD,), jnp.float32),
            pltpu.VMEM((BB,), jnp.int32),
            pltpu.VMEM((BB,), jnp.int32),
            pltpu.VMEM((BB,), jnp.float32),
            pltpu.VMEM((BB,), jnp.int32),
            pltpu.VMEM((BB,), jnp.int32),
            pltpu.VMEM((BB,), jnp.float32),
            pltpu.VMEM((BB, HID), jnp.bfloat16),
            pltpu.VMEM((BB, HID), jnp.float32),
            pltpu.VMEM_SHARED((NPAD, HID), jnp.float32),
            pltpu.VMEM_SHARED((NPAD,), jnp.float32),
            pltpu.SemaphoreType.DMA,
            pltpu.SemaphoreType.DMA,
        ],
    )


def _combine_body(n1, d1, n2, d2, n3, d3, h1, h2, h3,
                  es1, ed1, es2, ed2, es3, ed3, b1, b2, b3, Wl, bl, o_ref):
    acc = jnp.zeros(o_ref.shape[:1] + (HID,), jnp.float32)
    for (nu, de, hs, es, ed, b) in ((n1, d1, h1, es1, ed1, b1),
                                    (n2, d2, h2, es2, ed2, b2),
                                    (n3, d3, h3, es3, ed3, b3)):
        el = es[...] + ed[...]
        el = jnp.where(el > 0, el, 0.2 * el)
        exl = jnp.exp(el)
        nb = nu[...]
        num = nb[0] + nb[1] + exl * hs[...]
        db = de[...]
        den = db[0] + db[1] + exl
        acc = acc + num / den + b[...]
    h = jnp.where(acc > 0, acc, jnp.exp(jnp.minimum(acc, 0.0)) - 1.0)
    o_ref[...] = h @ Wl[...] + bl[...]


def _combine_stage(nums, dens, hss, ess, eds, bs, W_lin, b_lin):
    blk = 1000
    OUT = W_lin.shape[1]
    grid = (N // blk,)
    row = lambda i: (i, 0)
    args = []
    specs = []
    for t in range(3):
        args += [nums[t], dens[t]]
        specs += [pl.BlockSpec((2, blk, HID), lambda i: (0, i, 0)),
                  pl.BlockSpec((2, blk, 1), lambda i: (0, i, 0))]
    args += list(hss)
    specs += [pl.BlockSpec((blk, HID), row)] * 3
    for t in range(3):
        args += [ess[t], eds[t]]
        specs += [pl.BlockSpec((blk, 1), row)] * 2
    args += [b[None, :] for b in bs] + [W_lin, b_lin[None, :]]
    specs += [pl.BlockSpec((1, HID), lambda i: (0, 0))] * 3
    specs += [pl.BlockSpec((HID, OUT), lambda i: (0, 0)),
              pl.BlockSpec((1, OUT), lambda i: (0, 0))]
    return pl.pallas_call(
        _combine_body,
        grid=grid,
        in_specs=specs,
        out_specs=pl.BlockSpec((blk, OUT), row),
        out_shape=jax.ShapeDtypeStruct((N, OUT), jnp.float32),
    )(*args)


def _prep_edges(ei):
    src = ei[0].reshape(NW, E // NW)
    dst = ei[1].reshape(NW, E // NW)
    padw = EPT - E // NW
    src = jnp.pad(src, ((0, 0), (0, padw)))
    dst = jnp.pad(dst, ((0, 0), (0, padw)), constant_values=N)
    return src, dst


def kernel(x_radiomic, x_gene, x_patient, ei_rp, ei_gp, ei_pp,
           W_src_rp, W_dst_rp, a_src_rp, a_dst_rp, b_rp,
           W_src_gp, W_dst_gp, a_src_gp, a_dst_gp, b_gp,
           W_src_pp, W_dst_pp, a_src_pp, a_dst_pp, b_pp,
           W_lin, b_lin):
    As = (a_src_rp[:, None], a_src_gp[:, None], a_src_pp[:, None])
    Ad = (a_dst_rp[:, None], a_dst_gp[:, None], a_dst_pp[:, None])
    (hs_r, hs_g, hs_p, es_r, es_g, es_p, ed_r, ed_g, ed_p) = _dense_stage(
        x_radiomic, x_gene, x_patient,
        (W_src_rp, W_src_gp, W_src_pp), As,
        (W_dst_rp, W_dst_gp, W_dst_pp), Ad)

    z2 = jnp.zeros((NPAD, HID), jnp.float32)
    z1 = jnp.zeros((NPAD,), jnp.float32)
    pad1 = lambda v: jnp.pad(v[:, 0], (0, NPAD - N))
    perm = jnp.array([c for h in (0, 32) for j in range(16) for c in (h + j, h + j + 16)],
                     dtype=jnp.int32)

    nums, dens = [], []
    for ei, es, ed, hs in ((ei_rp, es_r, ed_r, hs_r),
                           (ei_gp, es_g, ed_g, hs_g),
                           (ei_pp, es_p, ed_p, hs_p)):
        srcp, dstp = _prep_edges(ei)
        hs16 = hs.astype(jnp.bfloat16)[:, perm]
        num, den = _sc_edge_stage()(srcp, dstp, pad1(es), pad1(ed), hs16, z2, z1)
        nums.append(num)
        dens.append(den[:, :, None])

    return _combine_stage(nums, dens, (hs_r, hs_g, hs_p),
                          (es_r, es_g, es_p), (ed_r, ed_g, ed_p),
                          (b_rp, b_gp, b_pp), W_lin, b_lin)

# --- scband reference (transcript-rebuilt; emitter-appended) ---
"""Pipeline reference for scband-patient-representation-gnn-73366631350607 (READ-ONLY COPY).

The authoritative reference and input builder live on the scoring server;
editing this copy changes nothing except your own understanding.
"""

import jax, jax.numpy as jnp
import numpy as np

N_R, N_G, N_P = 10000, 10000, 10000
D, HID, OUT = 128, 64, 32
E = 160000


def _prep(ei, n_src, n_dst):
    # PyG GATConv add_self_loops=True: remove existing self loops, then add
    # self loops for min(n_src, n_dst) nodes (even in bipartite mode).
    src = ei[0]
    dst = ei[1]
    m = src != dst
    src = jnp.where(m, src, n_dst)
    dst = jnp.where(m, dst, n_dst)
    n = min(n_src, n_dst)
    loop = jnp.arange(n, dtype=src.dtype)
    return jnp.concatenate([src, loop]), jnp.concatenate([dst, loop])


def _gat(x_src, x_dst, src, dst, W_src, W_dst, a_src, a_dst, b, num_dst):
    hs = x_src @ W_src            # [N_src, HID]  (lin_src, no bias)
    hd = x_dst @ W_dst            # [N_dst, HID]  (lin_dst, no bias)
    e = (hs @ a_src)[src] + (hd @ a_dst)[dst]
    e = jnp.where(e > 0, e, 0.2 * e)  # leaky_relu, negative_slope=0.2
    emax = jax.ops.segment_max(e, dst, num_segments=num_dst)
    emax = jax.lax.stop_gradient(jnp.where(jnp.isfinite(emax), emax, 0.0))
    ex = jnp.exp(e - emax[dst])
    den = jax.ops.segment_sum(ex, dst, num_segments=num_dst)
    alpha = ex / (den[dst] + 1e-16)   # PyG softmax epsilon
    out = jax.ops.segment_sum(hs[src] * alpha[:, None], dst, num_segments=num_dst)
    return out + b


def setup_inputs(seed: int = 0):
    key = jax.random.key(seed)
    k = lambda i: jax.random.fold_in(key, i)
    inp = {}
    inp["x_radiomic"] = jax.random.normal(k(0), (N_R, D), dtype=jnp.float32)
    inp["x_gene"] = jax.random.normal(k(1), (N_G, D), dtype=jnp.float32)
    inp["x_patient"] = jax.random.normal(k(2), (N_P, D), dtype=jnp.float32)
    inp["ei_rp"] = jax.random.randint(k(3), (2, E), 0, N_P, dtype=jnp.int32)
    inp["ei_gp"] = jax.random.randint(k(4), (2, E), 0, N_P, dtype=jnp.int32)
    inp["ei_pp"] = jax.random.randint(k(5), (2, E), 0, N_P, dtype=jnp.int32)
    i = 10
    for t in ("rp", "gp", "pp"):
        inp[f"W_src_{t}"] = jax.random.normal(k(i), (D, HID), dtype=jnp.float32) / np.sqrt(D); i += 1
        inp[f"W_dst_{t}"] = jax.random.normal(k(i), (D, HID), dtype=jnp.float32) / np.sqrt(D); i += 1
        inp[f"a_src_{t}"] = jax.random.normal(k(i), (HID,), dtype=jnp.float32) / np.sqrt(HID); i += 1
        inp[f"a_dst_{t}"] = jax.random.normal(k(i), (HID,), dtype=jnp.float32) / np.sqrt(HID); i += 1
        inp[f"b_{t}"] = jnp.zeros((HID,), dtype=jnp.float32)
    inp["W_lin"] = jax.random.normal(k(i), (HID, OUT), dtype=jnp.float32) / np.sqrt(HID)
    inp["b_lin"] = jnp.zeros((OUT,), dtype=jnp.float32)
    return inp


def reference(x_radiomic, x_gene, x_patient, ei_rp, ei_gp, ei_pp,
              W_src_rp, W_dst_rp, a_src_rp, a_dst_rp, b_rp,
              W_src_gp, W_dst_gp, a_src_gp, a_dst_gp, b_gp,
              W_src_pp, W_dst_pp, a_src_pp, a_dst_pp, b_pp,
              W_lin, b_lin):
    s1, d1 = _prep(ei_rp, N_R, N_P)
    s2, d2 = _prep(ei_gp, N_G, N_P)
    s3, d3 = _prep(ei_pp, N_P, N_P)
    # HeteroConv aggr='sum': sum contributions of all edge types into 'patient'
    out_p = (_gat(x_radiomic, x_patient, s1, d1, W_src_rp, W_dst_rp, a_src_rp, a_dst_rp, b_rp, N_P)
             + _gat(x_gene, x_patient, s2, d2, W_src_gp, W_dst_gp, a_src_gp, a_dst_gp, b_gp, N_P)
             + _gat(x_patient, x_patient, s3, d3, W_src_pp, W_dst_pp, a_src_pp, a_dst_pp, b_pp, N_P))
    h = jax.nn.elu(out_p)
    return h @ W_lin + b_lin

if __name__ == "__main__":
    import jax
    _d = setup_inputs()
    print(jax.jit(kernel)(*tuple(_d.values())))

</pallas_src>

<mosaic_0001>
#map = affine_map<(d0, d1) -> (0, 0)>
#map1 = affine_map<(d0, d1) -> (0)>
#map2 = affine_map<(d0, d1) -> (0, 0, 0)>
module attributes {stable_mosaic.version = 14 : i64} {
  func.func @_sc_edge_body(%arg0: i32, %arg1: i32, %arg2: memref<32x5376xi32, #tpu.memory_space<hbm>>, %arg3: memref<32x5376xi32, #tpu.memory_space<hbm>>, %arg4: memref<10240xf32, #tpu.memory_space<hbm>>, %arg5: memref<10240xf32, #tpu.memory_space<hbm>>, %arg6: memref<10000x64xbf16, #tpu.memory_space<hbm>>, %arg7: memref<10240x64xf32, #tpu.memory_space<hbm>>, %arg8: memref<10240xf32, #tpu.memory_space<hbm>>, %arg9: memref<2x10240x64xf32, #tpu.memory_space<hbm>>, %arg10: memref<2x10240xf32, #tpu.memory_space<hbm>>, %arg11: memref<5376xi32, #tpu.memory_space<vmem>>, %arg12: memref<5376xi32, #tpu.memory_space<vmem>>, %arg13: memref<10240xf32, #tpu.memory_space<vmem>>, %arg14: memref<10240xf32, #tpu.memory_space<vmem>>, %arg15: memref<128xi32, #tpu.memory_space<vmem>>, %arg16: memref<128xi32, #tpu.memory_space<vmem>>, %arg17: memref<128xf32, #tpu.memory_space<vmem>>, %arg18: memref<128xi32, #tpu.memory_space<vmem>>, %arg19: memref<128xi32, #tpu.memory_space<vmem>>, %arg20: memref<128xf32, #tpu.memory_space<vmem>>, %arg21: memref<128x64xbf16, #tpu.memory_space<vmem>>, %arg22: memref<128x64xf32, #tpu.memory_space<vmem>>, %arg23: memref<10240x64xf32, #tpu.memory_space<vmem_shared>>, %arg24: memref<10240xf32, #tpu.memory_space<vmem_shared>>, %arg25: memref<!tpu.dma_semaphore, #tpu.memory_space<semaphore_mem>>, %arg26: memref<!tpu.dma_semaphore, #tpu.memory_space<semaphore_mem>>) attributes {dimension_semantics = [#tpu.dimension_semantics<core_parallel>, #tpu.dimension_semantics<subcore_parallel>], iteration_bounds = array<i64: 2, 16>, scalar_prefetch = 0 : i64, scratch_operands = 16 : i64, tpu.core_type = #tpu.core_type<sc_vector_subcore>, window_params = [{transform_indices = #map}, {transform_indices = #map}, {transform_indices = #map1}, {transform_indices = #map1}, {transform_indices = #map}, {transform_indices = #map}, {transform_indices = #map1}, {transform_indices = #map2}, {transform_indices = #map}]} {
    %mul3A = arith.constant 16 : i32
    %mul3A_0 = arith.muli %arg0, %mul3A : i32
    %add3A = arith.addi %mul3A_0, %arg1 : i32
    %mul3A_1 = arith.constant 640 : i32
    %mul3A_2 = arith.muli %arg1, %mul3A_1 : i32
    "tpu.region"() ({
      %run_scoped3A = tpu.sem_alloc : memref<!tpu.dma_semaphore, #tpu.memory_space<semaphore_mem>>
      %dma_start3A = arith.constant 0 : i32
      %dma_start3A_9 = tpu.memref_slice %arg23[%mul3A_2, %dma_start3A] : memref<10240x64xf32, #tpu.memory_space<vmem_shared>> -> memref<640x64xf32, #tpu.memory_space<vmem_shared>>
      %dma_start3A_10 = arith.constant 0 : i32
      %dma_start3A_11 = tpu.memref_slice %arg7[%mul3A_2, %dma_start3A_10] : memref<10240x64xf32, #tpu.memory_space<hbm>> -> memref<640x64xf32, #tpu.memory_space<hbm>>
      tpu.enqueue_dma source(%dma_start3A_11 : memref<640x64xf32, #tpu.memory_space<hbm>>) target(%dma_start3A_9 : memref<640x64xf32, #tpu.memory_space<vmem_shared>>) target_semaphore(%run_scoped3A : memref<!tpu.dma_semaphore, #tpu.memory_space<semaphore_mem>>)
      %dma_wait3A = arith.constant 0 : i32
      %dma_wait3A_12 = tpu.memref_slice %arg23[%mul3A_2, %dma_wait3A] : memref<10240x64xf32, #tpu.memory_space<vmem_shared>> -> memref<640x64xf32, #tpu.memory_space<vmem_shared>>
      %dma_wait3A_13 = arith.constant 0 : i32
      %dma_wait3A_14 = tpu.memref_slice %arg7[%mul3A_2, %dma_wait3A_13] : memref<10240x64xf32, #tpu.memory_space<hbm>> -> memref<640x64xf32, #tpu.memory_space<hbm>>
      tpu.wait_dma2 semaphore(%run_scoped3A : memref<!tpu.dma_semaphore, #tpu.memory_space<semaphore_mem>>) src(%dma_wait3A_14 : memref<640x64xf32, #tpu.memory_space<hbm>>) dst(%dma_wait3A_12 : memref<640x64xf32, #tpu.memory_space<vmem_shared>>)
      tpu.yield
    }) : () -> ()
    "tpu.region"() ({
      %run_scoped3A = tpu.sem_alloc : memref<!tpu.dma_semaphore, #tpu.memory_space<semaphore_mem>>
      %dma_start3A = tpu.memref_slice %arg24[%mul3A_2] : memref<10240xf32, #tpu.memory_space<vmem_shared>> -> memref<640xf32, #tpu.memory_space<vmem_shared>>
      %dma_start3A_9 = tpu.memref_slice %arg8[%mul3A_2] : memref<10240xf32, #tpu.memory_space<hbm>> -> memref<640xf32, #tpu.memory_space<hbm>>
      tpu.enqueue_dma source(%dma_start3A_9 : memref<640xf32, #tpu.memory_space<hbm>>) target(%dma_start3A : memref<640xf32, #tpu.memory_space<vmem_shared>>) target_semaphore(%run_scoped3A : memref<!tpu.dma_semaphore, #tpu.memory_space<semaphore_mem>>)
      %dma_wait3A = tpu.memref_slice %arg24[%mul3A_2] : memref<10240xf32, #tpu.memory_space<vmem_shared>> -> memref<640xf32, #tpu.memory_space<vmem_shared>>
      %dma_wait3A_10 = tpu.memref_slice %arg8[%mul3A_2] : memref<10240xf32, #tpu.memory_space<hbm>> -> memref<640xf32, #tpu.memory_space<hbm>>
      tpu.wait_dma2 semaphore(%run_scoped3A : memref<!tpu.dma_semaphore, #tpu.memory_space<semaphore_mem>>) src(%dma_wait3A_10 : memref<640xf32, #tpu.memory_space<hbm>>) dst(%dma_wait3A : memref<640xf32, #tpu.memory_space<vmem_shared>>)
      tpu.yield
    }) : () -> ()
    "tpu.region"() ({
      %run_scoped3A = tpu.sem_alloc : memref<!tpu.dma_semaphore, #tpu.memory_space<semaphore_mem>>
      tpu.enqueue_dma source(%arg4 : memref<10240xf32, #tpu.memory_space<hbm>>) target(%arg13 : memref<10240xf32, #tpu.memory_space<vmem>>) target_semaphore(%run_scoped3A : memref<!tpu.dma_semaphore, #tpu.memory_space<semaphore_mem>>)
      tpu.wait_dma2 semaphore(%run_scoped3A : memref<!tpu.dma_semaphore, #tpu.memory_space<semaphore_mem>>) src(%arg4 : memref<10240xf32, #tpu.memory_space<hbm>>) dst(%arg13 : memref<10240xf32, #tpu.memory_space<vmem>>)
      tpu.yield
    }) : () -> ()
    "tpu.region"() ({
      %run_scoped3A = tpu.sem_alloc : memref<!tpu.dma_semaphore, #tpu.memory_space<semaphore_mem>>
      tpu.enqueue_dma source(%arg5 : memref<10240xf32, #tpu.memory_space<hbm>>) target(%arg14 : memref<10240xf32, #tpu.memory_space<vmem>>) target_semaphore(%run_scoped3A : memref<!tpu.dma_semaphore, #tpu.memory_space<semaphore_mem>>)
      tpu.wait_dma2 semaphore(%run_scoped3A : memref<!tpu.dma_semaphore, #tpu.memory_space<semaphore_mem>>) src(%arg5 : memref<10240xf32, #tpu.memory_space<hbm>>) dst(%arg14 : memref<10240xf32, #tpu.memory_space<vmem>>)
      tpu.yield
    }) : () -> ()
    "tpu.region"() ({
      %run_scoped3A = tpu.sem_alloc : memref<!tpu.dma_semaphore, #tpu.memory_space<semaphore_mem>>
      %dma_start3A = arith.constant 0 : i32
      %dma_start3A_9 = tpu.memref_slice %arg2[%add3A, %dma_start3A] : memref<32x5376xi32, #tpu.memory_space<hbm>> -> memref<1x5376xi32, #tpu.memory_space<hbm>>
      %dma_start3A_10 = tpu.memref_squeeze %dma_start3A_9 : memref<1x5376xi32, #tpu.memory_space<hbm>> -> memref<5376xi32, #tpu.memory_space<hbm>>
      %dma_start3A_11 = arith.constant 0 : i32
      %dma_start3A_12 = tpu.memref_slice %arg2[%add3A, %dma_start3A_11] : memref<32x5376xi32, #tpu.memory_space<hbm>> -> memref<1x5376xi32, #tpu.memory_space<hbm>>
      %dma_start3A_13 = tpu.memref_squeeze %dma_start3A_12 : memref<1x5376xi32, #tpu.memory_space<hbm>> -> memref<5376xi32, #tpu.memory_space<hbm>>
      tpu.enqueue_dma source(%dma_start3A_13 : memref<5376xi32, #tpu.memory_space<hbm>>) target(%arg11 : memref<5376xi32, #tpu.memory_space<vmem>>) target_semaphore(%run_scoped3A : memref<!tpu.dma_semaphore, #tpu.memory_space<semaphore_mem>>)
      %dma_wait3A = arith.constant 0 : i32
      %dma_wait3A_14 = tpu.memref_slice %arg2[%add3A, %dma_wait3A] : memref<32x5376xi32, #tpu.memory_space<hbm>> -> memref<1x5376xi32, #tpu.memory_space<hbm>>
      %dma_wait3A_15 = tpu.memref_squeeze %dma_wait3A_14 : memref<1x5376xi32, #tpu.memory_space<hbm>> -> memref<5376xi32, #tpu.memory_space<hbm>>
      %dma_wait3A_16 = arith.constant 0 : i32
      %dma_wait3A_17 = tpu.memref_slice %arg2[%add3A, %dma_wait3A_16] : memref<32x5376xi32, #tpu.memory_space<hbm>> -> memref<1x5376xi32, #tpu.memory_space<hbm>>
      %dma_wait3A_18 = tpu.memref_squeeze %dma_wait3A_17 : memref<1x5376xi32, #tpu.memory_space<hbm>> -> memref<5376xi32, #tpu.memory_space<hbm>>
      tpu.wait_dma2 semaphore(%run_scoped3A : memref<!tpu.dma_semaphore, #tpu.memory_space<semaphore_mem>>) src(%dma_wait3A_18 : memref<5376xi32, #tpu.memory_space<hbm>>) dst(%arg11 : memref<5376xi32, #tpu.memory_space<vmem>>)
      tpu.yield
    }) : () -> ()
    "tpu.region"() ({
      %run_scoped3A = tpu.sem_alloc : memref<!tpu.dma_semaphore, #tpu.memory_space<semaphore_mem>>
      %dma_start3A = arith.constant 0 : i32
      %dma_start3A_9 = tpu.memref_slice %arg3[%add3A, %dma_start3A] : memref<32x5376xi32, #tpu.memory_space<hbm>> -> memref<1x5376xi32, #tpu.memory_space<hbm>>
      %dma_start3A_10 = tpu.memref_squeeze %dma_start3A_9 : memref<1x5376xi32, #tpu.memory_space<hbm>> -> memref<5376xi32, #tpu.memory_space<hbm>>
      %dma_start3A_11 = arith.constant 0 : i32
      %dma_start3A_12 = tpu.memref_slice %arg3[%add3A, %dma_start3A_11] : memref<32x5376xi32, #tpu.memory_space<hbm>> -> memref<1x5376xi32, #tpu.memory_space<hbm>>
      %dma_start3A_13 = tpu.memref_squeeze %dma_start3A_12 : memref<1x5376xi32, #tpu.memory_space<hbm>> -> memref<5376xi32, #tpu.memory_space<hbm>>
      tpu.enqueue_dma source(%dma_start3A_13 : memref<5376xi32, #tpu.memory_space<hbm>>) target(%arg12 : memref<5376xi32, #tpu.memory_space<vmem>>) target_semaphore(%run_scoped3A : memref<!tpu.dma_semaphore, #tpu.memory_space<semaphore_mem>>)
      %dma_wait3A = arith.constant 0 : i32
      %dma_wait3A_14 = tpu.memref_slice %arg3[%add3A, %dma_wait3A] : memref<32x5376xi32, #tpu.memory_space<hbm>> -> memref<1x5376xi32, #tpu.memory_space<hbm>>
      %dma_wait3A_15 = tpu.memref_squeeze %dma_wait3A_14 : memref<1x5376xi32, #tpu.memory_space<hbm>> -> memref<5376xi32, #tpu.memory_space<hbm>>
      %dma_wait3A_16 = arith.constant 0 : i32
      %dma_wait3A_17 = tpu.memref_slice %arg3[%add3A, %dma_wait3A_16] : memref<32x5376xi32, #tpu.memory_space<hbm>> -> memref<1x5376xi32, #tpu.memory_space<hbm>>
      %dma_wait3A_18 = tpu.memref_squeeze %dma_wait3A_17 : memref<1x5376xi32, #tpu.memory_space<hbm>> -> memref<5376xi32, #tpu.memory_space<hbm>>
      tpu.wait_dma2 semaphore(%run_scoped3A : memref<!tpu.dma_semaphore, #tpu.memory_space<semaphore_mem>>) src(%dma_wait3A_18 : memref<5376xi32, #tpu.memory_space<hbm>>) dst(%arg12 : memref<5376xi32, #tpu.memory_space<vmem>>)
      tpu.yield
    }) : () -> ()
    %barrier3A = arith.constant 0 : index
    tpu.barrier barrier_id(%barrier3A)
    %scan3A = arith.constant 0 : i32
    %scan3A_3 = arith.constant 0 : i32
    %scan3A_4 = arith.constant 40 : i32
    %scan3A_5 = arith.addi %scan3A_3, %scan3A_4 : i32
    %scan3A_6 = arith.constant 1 : i32
    scf.for %scan3A_9 = %scan3A_3 to %scan3A_5 step %scan3A_6  : i32 {
      %scan3A_10 = arith.constant 0 : i32
      %scan3A_11 = arith.constant 0 : i32
      %mul3A_12 = arith.constant 128 : i32
      %mul3A_13 = arith.muli %scan3A_9, %mul3A_12 : i32
      %mul3A_14 = arith.constant 16 : i32
      %mul3A_15 = arith.muli %scan3A_11, %mul3A_14 : i32
      %add3A_16 = arith.addi %mul3A_13, %mul3A_15 : i32
      %get3A = arith.index_cast %add3A_16 : i32 to index
      %get3A_17 = tpu.vector_load %arg11[%get3A] {strides = array<i32>} : memref<5376xi32, #tpu.memory_space<vmem>>, vector<16xi32>,
      %get3A_18 = arith.index_cast %add3A_16 : i32 to index
      %get3A_19 = tpu.vector_load %arg12[%get3A_18] {strides = array<i32>} : memref<5376xi32, #tpu.memory_space<vmem>>, vector<16xi32>,
      %gather3A = tpu.vector_load_idx %arg13[%get3A_17] : memref<10240xf32, #tpu.memory_space<vmem>>[vector<16xi32>], vector<16xf32>,
      %gather3A_20 = tpu.vector_load_idx %arg14[%get3A_19] : memref<10240xf32, #tpu.memory_space<vmem>>[vector<16xi32>], vector<16xf32>,
      %add3A_21 = arith.addf %gather3A, %gather3A_20 : vector<16xf32>
      %gt3A = arith.constant 0.000000e+00 : f32
      %gt3A_22 = vector.broadcast %gt3A : f32 to vector<16xf32>
      %gt3A_23 = arith.cmpf ogt, %add3A_21, %gt3A_22 : vector<16xf32>
      %mul3A_24 = arith.constant 2.000000e-01 : f32
      %mul3A_25 = vector.broadcast %mul3A_24 : f32 to vector<16xf32>
      %mul3A_26 = arith.mulf %mul3A_25, %add3A_21 : vector<16xf32>
      %select_n3A = arith.select %gt3A_23, %add3A_21, %mul3A_26 : vector<16xi1>, vector<16xf32>
      %mul3A_27 = arith.constant 16 : i32
      %mul3A_28 = arith.muli %scan3A_11, %mul3A_27 : i32
      %swap3A = arith.index_cast %mul3A_28 : i32 to index
      %swap3A_29 = tpu.vector_load %arg15[%swap3A] {strides = array<i32>} : memref<128xi32, #tpu.memory_space<vmem>>, vector<16xi32>,
      tpu.vector_store %arg15[%swap3A], %get3A_17 {strides = array<i32>} : memref<128xi32, #tpu.memory_space<vmem>>, vector<16xi32>,
      %eq3A = arith.cmpi eq, %get3A_17, %get3A_19 : vector<16xi32>
      %jit3A = arith.constant 10000 : i32
      %broadcast_in_dim3A = vector.broadcast %jit3A : i32 to vector<16xi32>
      %select_n3A_30 = arith.select %eq3A, %broadcast_in_dim3A, %get3A_19 : vector<16xi1>, vector<16xi32>
      %mul3A_31 = arith.constant 16 : i32
      %mul3A_32 = arith.muli %scan3A_11, %mul3A_31 : i32
      %swap3A_33 = arith.index_cast %mul3A_32 : i32 to index
      %swap3A_34 = tpu.vector_load %arg16[%swap3A_33] {strides = array<i32>} : memref<128xi32, #tpu.memory_space<vmem>>, vector<16xi32>,
      tpu.vector_store %arg16[%swap3A_33], %select_n3A_30 {strides = array<i32>} : memref<128xi32, #tpu.memory_space<vmem>>, vector<16xi32>,
      %exp3A = math.exp %select_n3A : vector<16xf32>
      %mul3A_35 = arith.constant 16 : i32
      %mul3A_36 = arith.muli %scan3A_11, %mul3A_35 : i32
      %swap3A_37 = arith.index_cast %mul3A_36 : i32 to index
      %swap3A_38 = tpu.vector_load %arg17[%swap3A_37] {strides = array<i32>} : memref<128xf32, #tpu.memory_space<vmem>>, vector<16xf32>,
      tpu.vector_store %arg17[%swap3A_37], %exp3A {strides = array<i32>} : memref<128xf32, #tpu.memory_space<vmem>>, vector<16xf32>,
      %scan3A_39 = arith.constant 1 : i32
      %mul3A_40 = arith.constant 128 : i32
      %mul3A_41 = arith.muli %scan3A_9, %mul3A_40 : i32
      %mul3A_42 = arith.constant 16 : i32
      %mul3A_43 = arith.muli %scan3A_39, %mul3A_42 : i32
      %add3A_44 = arith.addi %mul3A_41, %mul3A_43 : i32
      %get3A_45 = arith.index_cast %add3A_44 : i32 to index
      %get3A_46 = tpu.vector_load %arg11[%get3A_45] {strides = array<i32>} : memref<5376xi32, #tpu.memory_space<vmem>>, vector<16xi32>,
      %get3A_47 = arith.index_cast %add3A_44 : i32 to index
      %get3A_48 = tpu.vector_load %arg12[%get3A_47] {strides = array<i32>} : memref<5376xi32, #tpu.memory_space<vmem>>, vector<16xi32>,
      %gather3A_49 = tpu.vector_load_idx %arg13[%get3A_46] : memref<10240xf32, #tpu.memory_space<vmem>>[vector<16xi32>], vector<16xf32>,
      %gather3A_50 = tpu.vector_load_idx %arg14[%get3A_48] : memref<10240xf32, #tpu.memory_space<vmem>>[vector<16xi32>], vector<16xf32>,
      %add3A_51 = arith.addf %gather3A_49, %gather3A_50 : vector<16xf32>
      %gt3A_52 = arith.constant 0.000000e+00 : f32
      %gt3A_53 = vector.broadcast %gt3A_52 : f32 to vector<16xf32>
      %gt3A_54 = arith.cmpf ogt, %add3A_51, %gt3A_53 : vector<16xf32>
      %mul3A_55 = arith.constant 2.000000e-01 : f32
      %mul3A_56 = vector.broadcast %mul3A_55 : f32 to vector<16xf32>
      %mul3A_57 = arith.mulf %mul3A_56, %add3A_51 : vector<16xf32>
      %select_n3A_58 = arith.select %gt3A_54, %add3A_51, %mul3A_57 : vector<16xi1>, vector<16xf32>
      %mul3A_59 = arith.constant 16 : i32
      %mul3A_60 = arith.muli %scan3A_39, %mul3A_59 : i32
      %swap3A_61 = arith.index_cast %mul3A_60 : i32 to index
      %swap3A_62 = tpu.vector_load %arg15[%swap3A_61] {strides = array<i32>} : memref<128xi32, #tpu.memory_space<vmem>>, vector<16xi32>,
      tpu.vector_store %arg15[%swap3A_61], %get3A_46 {strides = array<i32>} : memref<128xi32, #tpu.memory_space<vmem>>, vector<16xi32>,
      %eq3A_63 = arith.cmpi eq, %get3A_46, %get3A_48 : vector<16xi32>
      %jit3A_64 = arith.constant 10000 : i32
      %broadcast_in_dim3A_65 = vector.broadcast %jit3A_64 : i32 to vector<16xi32>
      %select_n3A_66 = arith.select %eq3A_63, %broadcast_in_dim3A_65, %get3A_48 : vector<16xi1>, vector<16xi32>
      %mul3A_67 = arith.constant 16 : i32
      %mul3A_68 = arith.muli %scan3A_39, %mul3A_67 : i32
      %swap3A_69 = arith.index_cast %mul3A_68 : i32 to index
      %swap3A_70 = tpu.vector_load %arg16[%swap3A_69] {strides = array<i32>} : memref<128xi32, #tpu.memory_space<vmem>>, vector<16xi32>,
      tpu.vector_store %arg16[%swap3A_69], %select_n3A_66 {strides = array<i32>} : memref<128xi32, #tpu.memory_space<vmem>>, vector<16xi32>,
      %exp3A_71 = math.exp %select_n3A_58 : vector<16xf32>
      %mul3A_72 = arith.constant 16 : i32
      %mul3A_73 = arith.muli %scan3A_39, %mul3A_72 : i32
      %swap3A_74 = arith.index_cast %mul3A_73 : i32 to index
      %swap3A_75 = tpu.vector_load %arg17[%swap3A_74] {strides = array<i32>} : memref<128xf32, #tpu.memory_space<vmem>>, vector<16xf32>,
      tpu.vector_store %arg17[%swap3A_74], %exp3A_71 {strides = array<i32>} : memref<128xf32, #tpu.memory_space<vmem>>, vector<16xf32>,
      %scan3A_76 = arith.constant 2 : i32
      %mul3A_77 = arith.constant 128 : i32
      %mul3A_78 = arith.muli %scan3A_9, %mul3A_77 : i32
      %mul3A_79 = arith.constant 16 : i32
      %mul3A_80 = arith.muli %scan3A_76, %mul3A_79 : i32
      %add3A_81 = arith.addi %mul3A_78, %mul3A_80 : i32
      %get3A_82 = arith.index_cast %add3A_81 : i32 to index
      %get3A_83 = tpu.vector_load %arg11[%get3A_82] {strides = array<i32>} : memref<5376xi32, #tpu.memory_space<vmem>>, vector<16xi32>,
      %get3A_84 = arith.index_cast %add3A_81 : i32 to index
      %get3A_85 = tpu.vector_load %arg12[%get3A_84] {strides = array<i32>} : memref<5376xi32, #tpu.memory_space<vmem>>, vector<16xi32>,
      %gather3A_86 = tpu.vector_load_idx %arg13[%get3A_83] : memref<10240xf32, #tpu.memory_space<vmem>>[vector<16xi32>], vector<16xf32>,
      %gather3A_87 = tpu.vector_load_idx %arg14[%get3A_85] : memref<10240xf32, #tpu.memory_space<vmem>>[vector<16xi32>], vector<16xf32>,
      %add3A_88 = arith.addf %gather3A_86, %gather3A_87 : vector<16xf32>
      %gt3A_89 = arith.constant 0.000000e+00 : f32
      %gt3A_90 = vector.broadcast %gt3A_89 : f32 to vector<16xf32>
      %gt3A_91 = arith.cmpf ogt, %add3A_88, %gt3A_90 : vector<16xf32>
      %mul3A_92 = arith.constant 2.000000e-01 : f32
      %mul3A_93 = vector.broadcast %mul3A_92 : f32 to vector<16xf32>
      %mul3A_94 = arith.mulf %mul3A_93, %add3A_88 : vector<16xf32>
      %select_n3A_95 = arith.select %gt3A_91, %add3A_88, %mul3A_94 : vector<16xi1>, vector<16xf32>
      %mul3A_96 = arith.constant 16 : i32
      %mul3A_97 = arith.muli %scan3A_76, %mul3A_96 : i32
      %swap3A_98 = arith.index_cast %mul3A_97 : i32 to index
      %swap3A_99 = tpu.vector_load %arg15[%swap3A_98] {strides = array<i32>} : memref<128xi32, #tpu.memory_space<vmem>>, vector<16xi32>,
      tpu.vector_store %arg15[%swap3A_98], %get3A_83 {strides = array<i32>} : memref<128xi32, #tpu.memory_space<vmem>>, vector<16xi32>,
      %eq3A_100 = arith.cmpi eq, %get3A_83, %get3A_85 : vector<16xi32>
      %jit3A_101 = arith.constant 10000 : i32
      %broadcast_in_dim3A_102 = vector.broadcast %jit3A_101 : i32 to vector<16xi32>
      %select_n3A_103 = arith.select %eq3A_100, %broadcast_in_dim3A_102, %get3A_85 : vector<16xi1>, vector<16xi32>
      %mul3A_104 = arith.constant 16 : i32
      %mul3A_105 = arith.muli %scan3A_76, %mul3A_104 : i32
      %swap3A_106 = arith.index_cast %mul3A_105 : i32 to index
      %swap3A_107 = tpu.vector_load %arg16[%swap3A_106] {strides = array<i32>} : memref<128xi32, #tpu.memory_space<vmem>>, vector<16xi32>,
      tpu.vector_store %arg16[%swap3A_106], %select_n3A_103 {strides = array<i32>} : memref<128xi32, #tpu.memory_space<vmem>>, vector<16xi32>,
      %exp3A_108 = math.exp %select_n3A_95 : vector<16xf32>
      %mul3A_109 = arith.constant 16 : i32
      %mul3A_110 = arith.muli %scan3A_76, %mul3A_109 : i32
      %swap3A_111 = arith.index_cast %mul3A_110 : i32 to index
      %swap3A_112 = tpu.vector_load %arg17[%swap3A_111] {strides = array<i32>} : memref<128xf32, #tpu.memory_space<vmem>>, vector<16xf32>,
      tpu.vector_store %arg17[%swap3A_111], %exp3A_108 {strides = array<i32>} : memref<128xf32, #tpu.memory_space<vmem>>, vector<16xf32>,
      %scan3A_113 = arith.constant 3 : i32
      %mul3A_114 = arith.constant 128 : i32
      %mul3A_115 = arith.muli %scan3A_9, %mul3A_114 : i32
      %mul3A_116 = arith.constant 16 : i32
      %mul3A_117 = arith.muli %scan3A_113, %mul3A_116 : i32
      %add3A_118 = arith.addi %mul3A_115, %mul3A_117 : i32
      %get3A_119 = arith.index_cast %add3A_118 : i32 to index
      %get3A_120 = tpu.vector_load %arg11[%get3A_119] {strides = array<i32>} : memref<5376xi32, #tpu.memory_space<vmem>>, vector<16xi32>,
      %get3A_121 = arith.index_cast %add3A_118 : i32 to index
      %get3A_122 = tpu.vector_load %arg12[%get3A_121] {strides = array<i32>} : memref<5376xi32, #tpu.memory_space<vmem>>, vector<16xi32>,
      %gather3A_123 = tpu.vector_load_idx %arg13[%get3A_120] : memref<10240xf32, #tpu.memory_space<vmem>>[vector<16xi32>], vector<16xf32>,
      %gather3A_124 = tpu.vector_load_idx %arg14[%get3A_122] : memref<10240xf32, #tpu.memory_space<vmem>>[vector<16xi32>], vector<16xf32>,
      %add3A_125 = arith.addf %gather3A_123, %gather3A_124 : vector<16xf32>
      %gt3A_126 = arith.constant 0.000000e+00 : f32
      %gt3A_127 = vector.broadcast %gt3A_126 : f32 to vector<16xf32>
      %gt3A_128 = arith.cmpf ogt, %add3A_125, %gt3A_127 : vector<16xf32>
      %mul3A_129 = arith.constant 2.000000e-01 : f32
      %mul3A_130 = vector.broadcast %mul3A_129 : f32 to vector<16xf32>
      %mul3A_131 = arith.mulf %mul3A_130, %add3A_125 : vector<16xf32>
      %select_n3A_132 = arith.select %gt3A_128, %add3A_125, %mul3A_131 : vector<16xi1>, vector<16xf32>
      %mul3A_133 = arith.constant 16 : i32
      %mul3A_134 = arith.muli %scan3A_113, %mul3A_133 : i32
      %swap3A_135 = arith.index_cast %mul3A_134 : i32 to index
      %swap3A_136 = tpu.vector_load %arg15[%swap3A_135] {strides = array<i32>} : memref<128xi32, #tpu.memory_space<vmem>>, vector<16xi32>,
      tpu.vector_store %arg15[%swap3A_135], %get3A_120 {strides = array<i32>} : memref<128xi32, #tpu.memory_space<vmem>>, vector<16xi32>,
      %eq3A_137 = arith.cmpi eq, %get3A_120, %get3A_122 : vector<16xi32>
      %jit3A_138 = arith.constant 10000 : i32
      %broadcast_in_dim3A_139 = vector.broadcast %jit3A_138 : i32 to vector<16xi32>
      %select_n3A_140 = arith.select %eq3A_137, %broadcast_in_dim3A_139, %get3A_122 : vector<16xi1>, vector<16xi32>
      %mul3A_141 = arith.constant 16 : i32
      %mul3A_142 = arith.muli %scan3A_113, %mul3A_141 : i32
      %swap3A_143 = arith.index_cast %mul3A_142 : i32 to index
      %swap3A_144 = tpu.vector_load %arg16[%swap3A_143] {strides = array<i32>} : memref<128xi32, #tpu.memory_space<vmem>>, vector<16xi32>,
      tpu.vector_store %arg16[%swap3A_143], %select_n3A_140 {strides = array<i32>} : memref<128xi32, #tpu.memory_space<vmem>>, vector<16xi32>,
      %exp3A_145 = math.exp %select_n3A_132 : vector<16xf32>
      %mul3A_146 = arith.constant 16 : i32
      %mul3A_147 = arith.muli %scan3A_113, %mul3A_146 : i32
      %swap3A_148 = arith.index_cast %mul3A_147 : i32 to index
      %swap3A_149 = tpu.vector_load %arg17[%swap3A_148] {strides = array<i32>} : memref<128xf32, #tpu.memory_space<vmem>>, vector<16xf32>,
      tpu.vector_store %arg17[%swap3A_148], %exp3A_145 {strides = array<i32>} : memref<128xf32, #tpu.memory_space<vmem>>, vector<16xf32>,
      %scan3A_150 = arith.constant 4 : i32
      %mul3A_151 = arith.constant 128 : i32
      %mul3A_152 = arith.muli %scan3A_9, %mul3A_151 : i32
      %mul3A_153 = arith.constant 16 : i32
      %mul3A_154 = arith.muli %scan3A_150, %mul3A_153 : i32
      %add3A_155 = arith.addi %mul3A_152, %mul3A_154 : i32
      %get3A_156 = arith.index_cast %add3A_155 : i32 to index
      %get3A_157 = tpu.vector_load %arg11[%get3A_156] {strides = array<i32>} : memref<5376xi32, #tpu.memory_space<vmem>>, vector<16xi32>,
      %get3A_158 = arith.index_cast %add3A_155 : i32 to index
      %get3A_159 = tpu.vector_load %arg12[%get3A_158] {strides = array<i32>} : memref<5376xi32, #tpu.memory_space<vmem>>, vector<16xi32>,
      %gather3A_160 = tpu.vector_load_idx %arg13[%get3A_157] : memref<10240xf32, #tpu.memory_space<vmem>>[vector<16xi32>], vector<16xf32>,
      %gather3A_161 = tpu.vector_load_idx %arg14[%get3A_159] : memref<10240xf32, #tpu.memory_space<vmem>>[vector<16xi32>], vector<16xf32>,
      %add3A_162 = arith.addf %gather3A_160, %gather3A_161 : vector<16xf32>
      %gt3A_163 = arith.constant 0.000000e+00 : f32
      %gt3A_164 = vector.broadcast %gt3A_163 : f32 to vector<16xf32>
      %gt3A_165 = arith.cmpf ogt, %add3A_162, %gt3A_164 : vector<16xf32>
      %mul3A_166 = arith.constant 2.000000e-01 : f32
      %mul3A_167 = vector.broadcast %mul3A_166 : f32 to vector<16xf32>
      %mul3A_168 = arith.mulf %mul3A_167, %add3A_162 : vector<16xf32>
      %select_n3A_169 = arith.select %gt3A_165, %add3A_162, %mul3A_168 : vector<16xi1>, vector<16xf32>
      %mul3A_170 = arith.constant 16 : i32
      %mul3A_171 = arith.muli %scan3A_150, %mul3A_170 : i32
      %swap3A_172 = arith.index_cast %mul3A_171 : i32 to index
      %swap3A_173 = tpu.vector_load %arg15[%swap3A_172] {strides = array<i32>} : memref<128xi32, #tpu.memory_space<vmem>>, vector<16xi32>,
      tpu.vector_store %arg15[%swap3A_172], %get3A_157 {strides = array<i32>} : memref<128xi32, #tpu.memory_space<vmem>>, vector<16xi32>,
      %eq3A_174 = arith.cmpi eq, %get3A_157, %get3A_159 : vector<16xi32>
      %jit3A_175 = arith.constant 10000 : i32
      %broadcast_in_dim3A_176 = vector.broadcast %jit3A_175 : i32 to vector<16xi32>
      %select_n3A_177 = arith.select %eq3A_174, %broadcast_in_dim3A_176, %get3A_159 : vector<16xi1>, vector<16xi32>
      %mul3A_178 = arith.constant 16 : i32
      %mul3A_179 = arith.muli %scan3A_150, %mul3A_178 : i32
      %swap3A_180 = arith.index_cast %mul3A_179 : i32 to index
      %swap3A_181 = tpu.vector_load %arg16[%swap3A_180] {strides = array<i32>} : memref<128xi32, #tpu.memory_space<vmem>>, vector<16xi32>,
      tpu.vector_store %arg16[%swap3A_180], %select_n3A_177 {strides = array<i32>} : memref<128xi32, #tpu.memory_space<vmem>>, vector<16xi32>,
      %exp3A_182 = math.exp %select_n3A_169 : vector<16xf32>
      %mul3A_183 = arith.constant 16 : i32
      %mul3A_184 = arith.muli %scan3A_150, %mul3A_183 : i32
      %swap3A_185 = arith.index_cast %mul3A_184 : i32 to index
      %swap3A_186 = tpu.vector_load %arg17[%swap3A_185] {strides = array<i32>} : memref<128xf32, #tpu.memory_space<vmem>>, vector<16xf32>,
      tpu.vector_store %arg17[%swap3A_185], %exp3A_182 {strides = array<i32>} : memref<128xf32, #tpu.memory_space<vmem>>, vector<16xf32>,
      %scan3A_187 = arith.constant 5 : i32
      %mul3A_188 = arith.constant 128 : i32
      %mul3A_189 = arith.muli %scan3A_9, %mul3A_188 : i32
      %mul3A_190 = arith.constant 16 : i32
      %mul3A_191 = arith.muli %scan3A_187, %mul3A_190 : i32
      %add3A_192 = arith.addi %mul3A_189, %mul3A_191 : i32
      %get3A_193 = arith.index_cast %add3A_192 : i32 to index
      %get3A_194 = tpu.vector_load %arg11[%get3A_193] {strides = array<i32>} : memref<5376xi32, #tpu.memory_space<vmem>>, vector<16xi32>,
      %get3A_195 = arith.index_cast %add3A_192 : i32 to index
      %get3A_196 = tpu.vector_load %arg12[%get3A_195] {strides = array<i32>} : memref<5376xi32, #tpu.memory_space<vmem>>, vector<16xi32>,
      %gather3A_197 = tpu.vector_load_idx %arg13[%get3A_194] : memref<10240xf32, #tpu.memory_space<vmem>>[vector<16xi32>], vector<16xf32>,
      %gather3A_198 = tpu.vector_load_idx %arg14[%get3A_196] : memref<10240xf32, #tpu.memory_space<vmem>>[vector<16xi32>], vector<16xf32>,
      %add3A_199 = arith.addf %gather3A_197, %gather3A_198 : vector<16xf32>
      %gt3A_200 = arith.constant 0.000000e+00 : f32
      %gt3A_201 = vector.broadcast %gt3A_200 : f32 to vector<16xf32>
      %gt3A_202 = arith.cmpf ogt, %add3A_199, %gt3A_201 : vector<16xf32>
      %mul3A_203 = arith.constant 2.000000e-01 : f32
      %mul3A_204 = vector.broadcast %mul3A_203 : f32 to vector<16xf32>
      %mul3A_205 = arith.mulf %mul3A_204, %add3A_199 : vector<16xf32>
      %select_n3A_206 = arith.select %gt3A_202, %add3A_199, %mul3A_205 : vector<16xi1>, vector<16xf32>
      %mul3A_207 = arith.constant 16 : i32
      %mul3A_208 = arith.muli %scan3A_187, %mul3A_207 : i32
      %swap3A_209 = arith.index_cast %mul3A_208 : i32 to index
      %swap3A_210 = tpu.vector_load %arg15[%swap3A_209] {strides = array<i32>} : memref<128xi32, #tpu.memory_space<vmem>>, vector<16xi32>,
      tpu.vector_store %arg15[%swap3A_209], %get3A_194 {strides = array<i32>} : memref<128xi32, #tpu.memory_space<vmem>>, vector<16xi32>,
      %eq3A_211 = arith.cmpi eq, %get3A_194, %get3A_196 : vector<16xi32>
      %jit3A_212 = arith.constant 10000 : i32
      %broadcast_in_dim3A_213 = vector.broadcast %jit3A_212 : i32 to vector<16xi32>
      %select_n3A_214 = arith.select %eq3A_211, %broadcast_in_dim3A_213, %get3A_196 : vector<16xi1>, vector<16xi32>
      %mul3A_215 = arith.constant 16 : i32
      %mul3A_216 = arith.muli %scan3A_187, %mul3A_215 : i32
      %swap3A_217 = arith.index_cast %mul3A_216 : i32 to index
      %swap3A_218 = tpu.vector_load %arg16[%swap3A_217] {strides = array<i32>} : memref<128xi32, #tpu.memory_space<vmem>>, vector<16xi32>,
      tpu.vector_store %arg16[%swap3A_217], %select_n3A_214 {strides = array<i32>} : memref<128xi32, #tpu.memory_space<vmem>>, vector<16xi32>,
      %exp3A_219 = math.exp %select_n3A_206 : vector<16xf32>
      %mul3A_220 = arith.constant 16 : i32
      %mul3A_221 = arith.muli %scan3A_187, %mul3A_220 : i32
      %swap3A_222 = arith.index_cast %mul3A_221 : i32 to index
      %swap3A_223 = tpu.vector_load %arg17[%swap3A_222] {strides = array<i32>} : memref<128xf32, #tpu.memory_space<vmem>>, vector<16xf32>,
      tpu.vector_store %arg17[%swap3A_222], %exp3A_219 {strides = array<i32>} : memref<128xf32, #tpu.memory_space<vmem>>, vector<16xf32>,
      %scan3A_224 = arith.constant 6 : i32
      %mul3A_225 = arith.constant 128 : i32
      %mul3A_226 = arith.muli %scan3A_9, %mul3A_225 : i32
      %mul3A_227 = arith.constant 16 : i32
      %mul3A_228 = arith.muli %scan3A_224, %mul3A_227 : i32
      %add3A_229 = arith.addi %mul3A_226, %mul3A_228 : i32
      %get3A_230 = arith.index_cast %add3A_229 : i32 to index
      %get3A_231 = tpu.vector_load %arg11[%get3A_230] {strides = array<i32>} : memref<5376xi32, #tpu.memory_space<vmem>>, vector<16xi32>,
      %get3A_232 = arith.index_cast %add3A_229 : i32 to index
      %get3A_233 = tpu.vector_load %arg12[%get3A_232] {strides = array<i32>} : memref<5376xi32, #tpu.memory_space<vmem>>, vector<16xi32>,
      %gather3A_234 = tpu.vector_load_idx %arg13[%get3A_231] : memref<10240xf32, #tpu.memory_space<vmem>>[vector<16xi32>], vector<16xf32>,
      %gather3A_235 = tpu.vector_load_idx %arg14[%get3A_233] : memref<10240xf32, #tpu.memory_space<vmem>>[vector<16xi32>], vector<16xf32>,
      %add3A_236 = arith.addf %gather3A_234, %gather3A_235 : vector<16xf32>
      %gt3A_237 = arith.constant 0.000000e+00 : f32
      %gt3A_238 = vector.broadcast %gt3A_237 : f32 to vector<16xf32>
      %gt3A_239 = arith.cmpf ogt, %add3A_236, %gt3A_238 : vector<16xf32>
      %mul3A_240 = arith.constant 2.000000e-01 : f32
      %mul3A_241 = vector.broadcast %mul3A_240 : f32 to vector<16xf32>
      %mul3A_242 = arith.mulf %mul3A_241, %add3A_236 : vector<16xf32>
      %select_n3A_243 = arith.select %gt3A_239, %add3A_236, %mul3A_242 : vector<16xi1>, vector<16xf32>
      %mul3A_244 = arith.constant 16 : i32
      %mul3A_245 = arith.muli %scan3A_224, %mul3A_244 : i32
      %swap3A_246 = arith.index_cast %mul3A_245 : i32 to index
      %swap3A_247 = tpu.vector_load %arg15[%swap3A_246] {strides = array<i32>} : memref<128xi32, #tpu.memory_space<vmem>>, vector<16xi32>,
      tpu.vector_store %arg15[%swap3A_246], %get3A_231 {strides = array<i32>} : memref<128xi32, #tpu.memory_space<vmem>>, vector<16xi32>,
      %eq3A_248 = arith.cmpi eq, %get3A_231, %get3A_233 : vector<16xi32>
      %jit3A_249 = arith.constant 10000 : i32
      %broadcast_in_dim3A_250 = vector.broadcast %jit3A_249 : i32 to vector<16xi32>
      %select_n3A_251 = arith.select %eq3A_248, %broadcast_in_dim3A_250, %get3A_233 : vector<16xi1>, vector<16xi32>
      %mul3A_252 = arith.constant 16 : i32
      %mul3A_253 = arith.muli %scan3A_224, %mul3A_252 : i32
      %swap3A_254 = arith.index_cast %mul3A_253 : i32 to index
      %swap3A_255 = tpu.vector_load %arg16[%swap3A_254] {strides = array<i32>} : memref<128xi32, #tpu.memory_space<vmem>>, vector<16xi32>,
      tpu.vector_store %arg16[%swap3A_254], %select_n3A_251 {strides = array<i32>} : memref<128xi32, #tpu.memory_space<vmem>>, vector<16xi32>,
      %exp3A_256 = math.exp %select_n3A_243 : vector<16xf32>
      %mul3A_257 = arith.constant 16 : i32
      %mul3A_258 = arith.muli %scan3A_224, %mul3A_257 : i32
      %swap3A_259 = arith.index_cast %mul3A_258 : i32 to index
      %swap3A_260 = tpu.vector_load %arg17[%swap3A_259] {strides = array<i32>} : memref<128xf32, #tpu.memory_space<vmem>>, vector<16xf32>,
      tpu.vector_store %arg17[%swap3A_259], %exp3A_256 {strides = array<i32>} : memref<128xf32, #tpu.memory_space<vmem>>, vector<16xf32>,
      %scan3A_261 = arith.constant 7 : i32
      %mul3A_262 = arith.constant 128 : i32
      %mul3A_263 = arith.muli %scan3A_9, %mul3A_262 : i32
      %mul3A_264 = arith.constant 16 : i32
      %mul3A_265 = arith.muli %scan3A_261, %mul3A_264 : i32
      %add3A_266 = arith.addi %mul3A_263, %mul3A_265 : i32
      %get3A_267 = arith.index_cast %add3A_266 : i32 to index
      %get3A_268 = tpu.vector_load %arg11[%get3A_267] {strides = array<i32>} : memref<5376xi32, #tpu.memory_space<vmem>>, vector<16xi32>,
      %get3A_269 = arith.index_cast %add3A_266 : i32 to index
      %get3A_270 = tpu.vector_load %arg12[%get3A_269] {strides = array<i32>} : memref<5376xi32, #tpu.memory_space<vmem>>, vector<16xi32>,
      %gather3A_271 = tpu.vector_load_idx %arg13[%get3A_268] : memref<10240xf32, #tpu.memory_space<vmem>>[vector<16xi32>], vector<16xf32>,
      %gather3A_272 = tpu.vector_load_idx %arg14[%get3A_270] : memref<10240xf32, #tpu.memory_space<vmem>>[vector<16xi32>], vector<16xf32>,
      %add3A_273 = arith.addf %gather3A_271, %gather3A_272 : vector<16xf32>
      %gt3A_274 = arith.constant 0.000000e+00 : f32
      %gt3A_275 = vector.broadcast %gt3A_274 : f32 to vector<16xf32>
      %gt3A_276 = arith.cmpf ogt, %add3A_273, %gt3A_275 : vector<16xf32>
      %mul3A_277 = arith.constant 2.000000e-01 : f32
      %mul3A_278 = vector.broadcast %mul3A_277 : f32 to vector<16xf32>
      %mul3A_279 = arith.mulf %mul3A_278, %add3A_273 : vector<16xf32>
      %select_n3A_280 = arith.select %gt3A_276, %add3A_273, %mul3A_279 : vector<16xi1>, vector<16xf32>
      %mul3A_281 = arith.constant 16 : i32
      %mul3A_282 = arith.muli %scan3A_261, %mul3A_281 : i32
      %swap3A_283 = arith.index_cast %mul3A_282 : i32 to index
      %swap3A_284 = tpu.vector_load %arg15[%swap3A_283] {strides = array<i32>} : memref<128xi32, #tpu.memory_space<vmem>>, vector<16xi32>,
      tpu.vector_store %arg15[%swap3A_283], %get3A_268 {strides = array<i32>} : memref<128xi32, #tpu.memory_space<vmem>>, vector<16xi32>,
      %eq3A_285 = arith.cmpi eq, %get3A_268, %get3A_270 : vector<16xi32>
      %jit3A_286 = arith.constant 10000 : i32
      %broadcast_in_dim3A_287 = vector.broadcast %jit3A_286 : i32 to vector<16xi32>
      %select_n3A_288 = arith.select %eq3A_285, %broadcast_in_dim3A_287, %get3A_270 : vector<16xi1>, vector<16xi32>
      %mul3A_289 = arith.constant 16 : i32
      %mul3A_290 = arith.muli %scan3A_261, %mul3A_289 : i32
      %swap3A_291 = arith.index_cast %mul3A_290 : i32 to index
      %swap3A_292 = tpu.vector_load %arg16[%swap3A_291] {strides = array<i32>} : memref<128xi32, #tpu.memory_space<vmem>>, vector<16xi32>,
      tpu.vector_store %arg16[%swap3A_291], %select_n3A_288 {strides = array<i32>} : memref<128xi32, #tpu.memory_space<vmem>>, vector<16xi32>,
      %exp3A_293 = math.exp %select_n3A_280 : vector<16xf32>
      %mul3A_294 = arith.constant 16 : i32
      %mul3A_295 = arith.muli %scan3A_261, %mul3A_294 : i32
      %swap3A_296 = arith.index_cast %mul3A_295 : i32 to index
      %swap3A_297 = tpu.vector_load %arg17[%swap3A_296] {strides = array<i32>} : memref<128xf32, #tpu.memory_space<vmem>>, vector<16xf32>,
      tpu.vector_store %arg17[%swap3A_296], %exp3A_293 {strides = array<i32>} : memref<128xf32, #tpu.memory_space<vmem>>, vector<16xf32>,
      %scan3A_298 = arith.constant 8 : i32
      %dma_start3A = arith.constant 0 : i32
      %dma_start3A_299 = arith.constant 0 : i32
      %dma_start3A_300 = tpu.memref_slice %arg6[%dma_start3A, %dma_start3A_299] : memref<10000x64xbf16, #tpu.memory_space<hbm>> -> memref<10000x64xbf16, #tpu.memory_space<hbm>>
      tpu.enqueue_indirect_dma source(%dma_start3A_300 : memref<10000x64xbf16, #tpu.memory_space<hbm>>) target(%arg21 : memref<128x64xbf16, #tpu.memory_space<vmem>>) offsets(%arg15 : memref<128xi32, #tpu.memory_space<vmem>>) semaphore(%arg25 : memref<!tpu.dma_semaphore, #tpu.memory_space<semaphore_mem>>)
      %dma_wait3A = arith.constant 0 : i32
      %dma_wait3A_301 = arith.constant 0 : i32
      %dma_wait3A_302 = tpu.memref_slice %arg6[%dma_wait3A, %dma_wait3A_301] : memref<10000x64xbf16, #tpu.memory_space<hbm>> -> memref<10000x64xbf16, #tpu.memory_space<hbm>>
      tpu.wait_indirect_dma semaphore(%arg25 : memref<!tpu.dma_semaphore, #tpu.memory_space<semaphore_mem>>) src(%dma_wait3A_302 : memref<10000x64xbf16, #tpu.memory_space<hbm>>) dst(%arg21 : memref<128x64xbf16, #tpu.memory_space<vmem>>)
      %scan3A_303 = arith.constant 0 : i32
      %scan3A_304 = arith.constant 0 : i32
      %scan3A_305 = arith.constant 8 : i32
      %scan3A_306 = arith.addi %scan3A_304, %scan3A_305 : i32
      %scan3A_307 = arith.constant 1 : i32
      scf.for %scan3A_319 = %scan3A_304 to %scan3A_306 step %scan3A_307  : i32 {
        %mul3A_320 = arith.constant 16 : i32
        %mul3A_321 = arith.muli %scan3A_319, %mul3A_320 : i32
        %get3A_322 = arith.index_cast %mul3A_321 : i32 to index
        %get3A_323 = tpu.vector_load %arg17[%get3A_322] {strides = array<i32>} : memref<128xf32, #tpu.memory_space<vmem>>, vector<16xf32>,
        %slice3A = vector.extract_strided_slice %get3A_323 {offsets = [0], sizes = [1], strides = [1]} : vector<16xf32> to vector<1xf32>
        %squeeze3A = vector.extract %slice3A[0] : f32 from vector<1xf32>
        %mul3A_324 = arith.constant 16 : i32
        %mul3A_325 = arith.muli %scan3A_319, %mul3A_324 : i32
        %add3A_326 = arith.constant 0 : i32
        %add3A_327 = arith.addi %mul3A_325, %add3A_326 : i32
        %get3A_328 = arith.index_cast %add3A_327 : i32 to index
        %get3A_329 = arith.constant 0 : index
        %get3A_330 = tpu.vector_load %arg21[%get3A_328, %get3A_329] {strides = array<i32>} : memref<128x64xbf16, #tpu.memory_space<vmem>>, vector<32xbf16>,
        %bitcast3A = vector.bitcast %get3A_330 : vector<32xbf16> to vector<16xi32>
        %shift_left3A = arith.constant 16 : i32
        %shift_left3A_331 = vector.broadcast %shift_left3A : i32 to vector<16xi32>
        %shift_left3A_332 = arith.shli %bitcast3A, %shift_left3A_331 : vector<16xi32>
        %bitcast3A_333 = vector.bitcast %shift_left3A_332 : vector<16xi32> to vector<16xf32>
        %mul3A_334 = vector.broadcast %squeeze3A : f32 to vector<16xf32>
        %mul3A_335 = arith.mulf %bitcast3A_333, %mul3A_334 : vector<16xf32>
        %and3A = arith.constant -65536 : i32
        %and3A_336 = vector.broadcast %and3A : i32 to vector<16xi32>
        %and3A_337 = arith.andi %bitcast3A, %and3A_336 : vector<16xi32>
        %bitcast3A_338 = vector.bitcast %and3A_337 : vector<16xi32> to vector<16xf32>
        %mul3A_339 = vector.broadcast %squeeze3A : f32 to vector<16xf32>
        %mul3A_340 = arith.mulf %bitcast3A_338, %mul3A_339 : vector<16xf32>
        %swap3A_341 = arith.index_cast %add3A_327 : i32 to index
        %swap3A_342 = arith.constant 0 : index
        %swap3A_343 = tpu.vector_load %arg22[%swap3A_341, %swap3A_342] {strides = array<i32>} : memref<128x64xf32, #tpu.memory_space<vmem>>, vector<16xf32>,
        tpu.vector_store %arg22[%swap3A_341, %swap3A_342], %mul3A_335 {strides = array<i32>} : memref<128x64xf32, #tpu.memory_space<vmem>>, vector<16xf32>,
        %swap3A_344 = arith.index_cast %add3A_327 : i32 to index
        %swap3A_345 = arith.constant 16 : index
        %swap3A_346 = tpu.vector_load %arg22[%swap3A_344, %swap3A_345] {strides = array<i32>} : memref<128x64xf32, #tpu.memory_space<vmem>>, vector<16xf32>,
        tpu.vector_store %arg22[%swap3A_344, %swap3A_345], %mul3A_340 {strides = array<i32>} : memref<128x64xf32, #tpu.memory_space<vmem>>, vector<16xf32>,
        %get3A_347 = arith.index_cast %add3A_327 : i32 to index
        %get3A_348 = arith.constant 32 : index
        %get3A_349 = tpu.vector_load %arg21[%get3A_347, %get3A_348] {strides = array<i32>} : memref<128x64xbf16, #tpu.memory_space<vmem>>, vector<32xbf16>,
        %bitcast3A_350 = vector.bitcast %get3A_349 : vector<32xbf16> to vector<16xi32>
        %shift_left3A_351 = arith.constant 16 : i32
        %shift_left3A_352 = vector.broadcast %shift_left3A_351 : i32 to vector<16xi32>
        %shift_left3A_353 = arith.shli %bitcast3A_350, %shift_left3A_352 : vector<16xi32>
        %bitcast3A_354 = vector.bitcast %shift_left3A_353 : vector<16xi32> to vector<16xf32>
        %mul3A_355 = vector.broadcast %squeeze3A : f32 to vector<16xf32>
        %mul3A_356 = arith.mulf %bitcast3A_354, %mul3A_355 : vector<16xf32>
        %and3A_357 = arith.constant -65536 : i32
        %and3A_358 = vector.broadcast %and3A_357 : i32 to vector<16xi32>
        %and3A_359 = arith.andi %bitcast3A_350, %and3A_358 : vector<16xi32>
        %bitcast3A_360 = vector.bitcast %and3A_359 : vector<16xi32> to vector<16xf32>
        %mul3A_361 = vector.broadcast %squeeze3A : f32 to vector<16xf32>
        %mul3A_362 = arith.mulf %bitcast3A_360, %mul3A_361 : vector<16xf32>
        %swap3A_363 = arith.index_cast %add3A_327 : i32 to index
        %swap3A_364 = arith.constant 32 : index
        %swap3A_365 = tpu.vector_load %arg22[%swap3A_363, %swap3A_364] {strides = array<i32>} : memref<128x64xf32, #tpu.memory_space<vmem>>, vector<16xf32>,
        tpu.vector_store %arg22[%swap3A_363, %swap3A_364], %mul3A_356 {strides = array<i32>} : memref<128x64xf32, #tpu.memory_space<vmem>>, vector<16xf32>,
        %swap3A_366 = arith.index_cast %add3A_327 : i32 to index
        %swap3A_367 = arith.constant 48 : index
        %swap3A_368 = tpu.vector_load %arg22[%swap3A_366, %swap3A_367] {strides = array<i32>} : memref<128x64xf32, #tpu.memory_space<vmem>>, vector<16xf32>,
        tpu.vector_store %arg22[%swap3A_366, %swap3A_367], %mul3A_362 {strides = array<i32>} : memref<128x64xf32, #tpu.memory_space<vmem>>, vector<16xf32>,
        %slice3A_369 = vector.extract_strided_slice %get3A_323 {offsets = [1], sizes = [1], strides = [1]} : vector<16xf32> to vector<1xf32>
        %squeeze3A_370 = vector.extract %slice3A_369[0] : f32 from vector<1xf32>
        %mul3A_371 = arith.constant 16 : i32
        %mul3A_372 = arith.muli %scan3A_319, %mul3A_371 : i32
        %add3A_373 = arith.constant 1 : i32
        %add3A_374 = arith.addi %mul3A_372, %add3A_373 : i32
        %get3A_375 = arith.index_cast %add3A_374 : i32 to index
        %get3A_376 = arith.constant 0 : index
        %get3A_377 = tpu.vector_load %arg21[%get3A_375, %get3A_376] {strides = array<i32>} : memref<128x64xbf16, #tpu.memory_space<vmem>>, vector<32xbf16>,
        %bitcast3A_378 = vector.bitcast %get3A_377 : vector<32xbf16> to vector<16xi32>
        %shift_left3A_379 = arith.constant 16 : i32
        %shift_left3A_380 = vector.broadcast %shift_left3A_379 : i32 to vector<16xi32>
        %shift_left3A_381 = arith.shli %bitcast3A_378, %shift_left3A_380 : vector<16xi32>
        %bitcast3A_382 = vector.bitcast %shift_left3A_381 : vector<16xi32> to vector<16xf32>
        %mul3A_383 = vector.broadcast %squeeze3A_370 : f32 to vector<16xf32>
        %mul3A_384 = arith.mulf %bitcast3A_382, %mul3A_383 : vector<16xf32>
        %and3A_385 = arith.constant -65536 : i32
        %and3A_386 = vector.broadcast %and3A_385 : i32 to vector<16xi32>
        %and3A_387 = arith.andi %bitcast3A_378, %and3A_386 : vector<16xi32>
        %bitcast3A_388 = vector.bitcast %and3A_387 : vector<16xi32> to vector<16xf32>
        %mul3A_389 = vector.broadcast %squeeze3A_370 : f32 to vector<16xf32>
        %mul3A_390 = arith.mulf %bitcast3A_388, %mul3A_389 : vector<16xf32>
        %swap3A_391 = arith.index_cast %add3A_374 : i32 to index
        %swap3A_392 = arith.constant 0 : index
        %swap3A_393 = tpu.vector_load %arg22[%swap3A_391, %swap3A_392] {strides = array<i32>} : memref<128x64xf32, #tpu.memory_space<vmem>>, vector<16xf32>,
        tpu.vector_store %arg22[%swap3A_391, %swap3A_392], %mul3A_384 {strides = array<i32>} : memref<128x64xf32, #tpu.memory_space<vmem>>, vector<16xf32>,
        %swap3A_394 = arith.index_cast %add3A_374 : i32 to index
        %swap3A_395 = arith.constant 16 : index
        %swap3A_396 = tpu.vector_load %arg22[%swap3A_394, %swap3A_395] {strides = array<i32>} : memref<128x64xf32, #tpu.memory_space<vmem>>, vector<16xf32>,
        tpu.vector_store %arg22[%swap3A_394, %swap3A_395], %mul3A_390 {strides = array<i32>} : memref<128x64xf32, #tpu.memory_space<vmem>>, vector<16xf32>,
        %get3A_397 = arith.index_cast %add3A_374 : i32 to index
        %get3A_398 = arith.constant 32 : index
        %get3A_399 = tpu.vector_load %arg21[%get3A_397, %get3A_398] {strides = array<i32>} : memref<128x64xbf16, #tpu.memory_space<vmem>>, vector<32xbf16>,
        %bitcast3A_400 = vector.bitcast %get3A_399 : vector<32xbf16> to vector<16xi32>
        %shift_left3A_401 = arith.constant 16 : i32
        %shift_left3A_402 = vector.broadcast %shift_left3A_401 : i32 to vector<16xi32>
        %shift_left3A_403 = arith.shli %bitcast3A_400, %shift_left3A_402 : vector<16xi32>
        %bitcast3A_404 = vector.bitcast %shift_left3A_403 : vector<16xi32> to vector<16xf32>
        %mul3A_405 = vector.broadcast %squeeze3A_370 : f32 to vector<16xf32>
        %mul3A_406 = arith.mulf %bitcast3A_404, %mul3A_405 : vector<16xf32>
        %and3A_407 = arith.constant -65536 : i32
        %and3A_408 = vector.broadcast %and3A_407 : i32 to vector<16xi32>
        %and3A_409 = arith.andi %bitcast3A_400, %and3A_408 : vector<16xi32>
        %bitcast3A_410 = vector.bitcast %and3A_409 : vector<16xi32> to vector<16xf32>
        %mul3A_411 = vector.broadcast %squeeze3A_370 : f32 to vector<16xf32>
        %mul3A_412 = arith.mulf %bitcast3A_410, %mul3A_411 : vector<16xf32>
        %swap3A_413 = arith.index_cast %add3A_374 : i32 to index
        %swap3A_414 = arith.constant 32 : index
        %swap3A_415 = tpu.vector_load %arg22[%swap3A_413, %swap3A_414] {strides = array<i32>} : memref<128x64xf32, #tpu.memory_space<vmem>>, vector<16xf32>,
        tpu.vector_store %arg22[%swap3A_413, %swap3A_414], %mul3A_406 {strides = array<i32>} : memref<128x64xf32, #tpu.memory_space<vmem>>, vector<16xf32>,
        %swap3A_416 = arith.index_cast %add3A_374 : i32 to index
        %swap3A_417 = arith.constant 48 : index
        %swap3A_418 = tpu.vector_load %arg22[%swap3A_416, %swap3A_417] {strides = array<i32>} : memref<128x64xf32, #tpu.memory_space<vmem>>, vector<16xf32>,
        tpu.vector_store %arg22[%swap3A_416, %swap3A_417], %mul3A_412 {strides = array<i32>} : memref<128x64xf32, #tpu.memory_space<vmem>>, vector<16xf32>,
        %slice3A_419 = vector.extract_strided_slice %get3A_323 {offsets = [2], sizes = [1], strides = [1]} : vector<16xf32> to vector<1xf32>
        %squeeze3A_420 = vector.extract %slice3A_419[0] : f32 from vector<1xf32>
        %mul3A_421 = arith.constant 16 : i32
        %mul3A_422 = arith.muli %scan3A_319, %mul3A_421 : i32
        %add3A_423 = arith.constant 2 : i32
        %add3A_424 = arith.addi %mul3A_422, %add3A_423 : i32
        %get3A_425 = arith.index_cast %add3A_424 : i32 to index
        %get3A_426 = arith.constant 0 : index
        %get3A_427 = tpu.vector_load %arg21[%get3A_425, %get3A_426] {strides = array<i32>} : memref<128x64xbf16, #tpu.memory_space<vmem>>, vector<32xbf16>,
        %bitcast3A_428 = vector.bitcast %get3A_427 : vector<32xbf16> to vector<16xi32>
        %shift_left3A_429 = arith.constant 16 : i32
        %shift_left3A_430 = vector.broadcast %shift_left3A_429 : i32 to vector<16xi32>
        %shift_left3A_431 = arith.shli %bitcast3A_428, %shift_left3A_430 : vector<16xi32>
        %bitcast3A_432 = vector.bitcast %shift_left3A_431 : vector<16xi32> to vector<16xf32>
        %mul3A_433 = vector.broadcast %squeeze3A_420 : f32 to vector<16xf32>
        %mul3A_434 = arith.mulf %bitcast3A_432, %mul3A_433 : vector<16xf32>
        %and3A_435 = arith.constant -65536 : i32
        %and3A_436 = vector.broadcast %and3A_435 : i32 to vector<16xi32>
        %and3A_437 = arith.andi %bitcast3A_428, %and3A_436 : vector<16xi32>
        %bitcast3A_438 = vector.bitcast %and3A_437 : vector<16xi32> to vector<16xf32>
        %mul3A_439 = vector.broadcast %squeeze3A_420 : f32 to vector<16xf32>
        %mul3A_440 = arith.mulf %bitcast3A_438, %mul3A_439 : vector<16xf32>
        %swap3A_441 = arith.index_cast %add3A_424 : i32 to index
        %swap3A_442 = arith.constant 0 : index
        %swap3A_443 = tpu.vector_load %arg22[%swap3A_441, %swap3A_442] {strides = array<i32>} : memref<128x64xf32, #tpu.memory_space<vmem>>, vector<16xf32>,
        tpu.vector_store %arg22[%swap3A_441, %swap3A_442], %mul3A_434 {strides = array<i32>} : memref<128x64xf32, #tpu.memory_space<vmem>>, vector<16xf32>,
        %swap3A_444 = arith.index_cast %add3A_424 : i32 to index
        %swap3A_445 = arith.constant 16 : index
        %swap3A_446 = tpu.vector_load %arg22[%swap3A_444, %swap3A_445] {strides = array<i32>} : memref<128x64xf32, #tpu.memory_space<vmem>>, vector<16xf32>,
        tpu.vector_store %arg22[%swap3A_444, %swap3A_445], %mul3A_440 {strides = array<i32>} : memref<128x64xf32, #tpu.memory_space<vmem>>, vector<16xf32>,
        %get3A_447 = arith.index_cast %add3A_424 : i32 to index
        %get3A_448 = arith.constant 32 : index
        %get3A_449 = tpu.vector_load %arg21[%get3A_447, %get3A_448] {strides = array<i32>} : memref<128x64xbf16, #tpu.memory_space<vmem>>, vector<32xbf16>,
        %bitcast3A_450 = vector.bitcast %get3A_449 : vector<32xbf16> to vector<16xi32>
        %shift_left3A_451 = arith.constant 16 : i32
        %shift_left3A_452 = vector.broadcast %shift_left3A_451 : i32 to vector<16xi32>
        %shift_left3A_453 = arith.shli %bitcast3A_450, %shift_left3A_452 : vector<16xi32>
        %bitcast3A_454 = vector.bitcast %shift_left3A_453 : vector<16xi32> to vector<16xf32>
        %mul3A_455 = vector.broadcast %squeeze3A_420 : f32 to vector<16xf32>
        %mul3A_456 = arith.mulf %bitcast3A_454, %mul3A_455 : vector<16xf32>
        %and3A_457 = arith.constant -65536 : i32
        %and3A_458 = vector.broadcast %and3A_457 : i32 to vector<16xi32>
        %and3A_459 = arith.andi %bitcast3A_450, %and3A_458 : vector<16xi32>
        %bitcast3A_460 = vector.bitcast %and3A_459 : vector<16xi32> to vector<16xf32>
        %mul3A_461 = vector.broadcast %squeeze3A_420 : f32 to vector<16xf32>
        %mul3A_462 = arith.mulf %bitcast3A_460, %mul3A_461 : vector<16xf32>
        %swap3A_463 = arith.index_cast %add3A_424 : i32 to index
        %swap3A_464 = arith.constant 32 : index
        %swap3A_465 = tpu.vector_load %arg22[%swap3A_463, %swap3A_464] {strides = array<i32>} : memref<128x64xf32, #tpu.memory_space<vmem>>, vector<16xf32>,
        tpu.vector_store %arg22[%swap3A_463, %swap3A_464], %mul3A_456 {strides = array<i32>} : memref<128x64xf32, #tpu.memory_space<vmem>>, vector<16xf32>,
        %swap3A_466 = arith.index_cast %add3A_424 : i32 to index
        %swap3A_467 = arith.constant 48 : index
        %swap3A_468 = tpu.vector_load %arg22[%swap3A_466, %swap3A_467] {strides = array<i32>} : memref<128x64xf32, #tpu.memory_space<vmem>>, vector<16xf32>,
        tpu.vector_store %arg22[%swap3A_466, %swap3A_467], %mul3A_462 {strides = array<i32>} : memref<128x64xf32, #tpu.memory_space<vmem>>, vector<16xf32>,
        %slice3A_469 = vector.extract_strided_slice %get3A_323 {offsets = [3], sizes = [1], strides = [1]} : vector<16xf32> to vector<1xf32>
        %squeeze3A_470 = vector.extract %slice3A_469[0] : f32 from vector<1xf32>
        %mul3A_471 = arith.constant 16 : i32
        %mul3A_472 = arith.muli %scan3A_319, %mul3A_471 : i32
        %add3A_473 = arith.constant 3 : i32
        %add3A_474 = arith.addi %mul3A_472, %add3A_473 : i32
        %get3A_475 = arith.index_cast %add3A_474 : i32 to index
        %get3A_476 = arith.constant 0 : index
        %get3A_477 = tpu.vector_load %arg21[%get3A_475, %get3A_476] {strides = array<i32>} : memref<128x64xbf16, #tpu.memory_space<vmem>>, vector<32xbf16>,
        %bitcast3A_478 = vector.bitcast %get3A_477 : vector<32xbf16> to vector<16xi32>
        %shift_left3A_479 = arith.constant 16 : i32
        %shift_left3A_480 = vector.broadcast %shift_left3A_479 : i32 to vector<16xi32>
        %shift_left3A_481 = arith.shli %bitcast3A_478, %shift_left3A_480 : vector<16xi32>
        %bitcast3A_482 = vector.bitcast %shift_left3A_481 : vector<16xi32> to vector<16xf32>
        %mul3A_483 = vector.broadcast %squeeze3A_470 : f32 to vector<16xf32>
        %mul3A_484 = arith.mulf %bitcast3A_482, %mul3A_483 : vector<16xf32>
        %and3A_485 = arith.constant -65536 : i32
        %and3A_486 = vector.broadcast %and3A_485 : i32 to vector<16xi32>
        %and3A_487 = arith.andi %bitcast3A_478, %and3A_486 : vector<16xi32>
        %bitcast3A_488 = vector.bitcast %and3A_487 : vector<16xi32> to vector<16xf32>
        %mul3A_489 = vector.broadcast %squeeze3A_470 : f32 to vector<16xf32>
        %mul3A_490 = arith.mulf %bitcast3A_488, %mul3A_489 : vector<16xf32>
        %swap3A_491 = arith.index_cast %add3A_474 : i32 to index
        %swap3A_492 = arith.constant 0 : index
        %swap3A_493 = tpu.vector_load %arg22[%swap3A_491, %swap3A_492] {strides = array<i32>} : memref<128x64xf32, #tpu.memory_space<vmem>>, vector<16xf32>,
        tpu.vector_store %arg22[%swap3A_491, %swap3A_492], %mul3A_484 {strides = array<i32>} : memref<128x64xf32, #tpu.memory_space<vmem>>, vector<16xf32>,
        %swap3A_494 = arith.index_cast %add3A_474 : i32 to index
        %swap3A_495 = arith.constant 16 : index
        %swap3A_496 = tpu.vector_load %arg22[%swap3A_494, %swap3A_495] {strides = array<i32>} : memref<128x64xf32, #tpu.memory_space<vmem>>, vector<16xf32>,
        tpu.vector_store %arg22[%swap3A_494, %swap3A_495], %mul3A_490 {strides = array<i32>} : memref<128x64xf32, #tpu.memory_space<vmem>>, vector<16xf32>,
        %get3A_497 = arith.index_cast %add3A_474 : i32 to index
        %get3A_498 = arith.constant 32 : index
        %get3A_499 = tpu.vector_load %arg21[%get3A_497, %get3A_498] {strides = array<i32>} : memref<128x64xbf16, #tpu.memory_space<vmem>>, vector<32xbf16>,
        %bitcast3A_500 = vector.bitcast %get3A_499 : vector<32xbf16> to vector<16xi32>
        %shift_left3A_501 = arith.constant 16 : i32
        %shift_left3A_502 = vector.broadcast %shift_left3A_501 : i32 to vector<16xi32>
        %shift_left3A_503 = arith.shli %bitcast3A_500, %shift_left3A_502 : vector<16xi32>
        %bitcast3A_504 = vector.bitcast %shift_left3A_503 : vector<16xi32> to vector<16xf32>
        %mul3A_505 = vector.broadcast %squeeze3A_470 : f32 to vector<16xf32>
        %mul3A_506 = arith.mulf %bitcast3A_504, %mul3A_505 : vector<16xf32>
        %and3A_507 = arith.constant -65536 : i32
        %and3A_508 = vector.broadcast %and3A_507 : i32 to vector<16xi32>
        %and3A_509 = arith.andi %bitcast3A_500, %and3A_508 : vector<16xi32>
        %bitcast3A_510 = vector.bitcast %and3A_509 : vector<16xi32> to vector<16xf32>
        %mul3A_511 = vector.broadcast %squeeze3A_470 : f32 to vector<16xf32>
        %mul3A_512 = arith.mulf %bitcast3A_510, %mul3A_511 : vector<16xf32>
        %swap3A_513 = arith.index_cast %add3A_474 : i32 to index
        %swap3A_514 = arith.constant 32 : index
        %swap3A_515 = tpu.vector_load %arg22[%swap3A_513, %swap3A_514] {strides = array<i32>} : memref<128x64xf32, #tpu.memory_space<vmem>>, vector<16xf32>,
        tpu.vector_store %arg22[%swap3A_513, %swap3A_514], %mul3A_506 {strides = array<i32>} : memref<128x64xf32, #tpu.memory_space<vmem>>, vector<16xf32>,
        %swap3A_516 = arith.index_cast %add3A_474 : i32 to index
        %swap3A_517 = arith.constant 48 : index
        %swap3A_518 = tpu.vector_load %arg22[%swap3A_516, %swap3A_517] {strides = array<i32>} : memref<128x64xf32, #tpu.memory_space<vmem>>, vector<16xf32>,
        tpu.vector_store %arg22[%swap3A_516, %swap3A_517], %mul3A_512 {strides = array<i32>} : memref<128x64xf32, #tpu.memory_space<vmem>>, vector<16xf32>,
        %slice3A_519 = vector.extract_strided_slice %get3A_323 {offsets = [4], sizes = [1], strides = [1]} : vector<16xf32> to vector<1xf32>
        %squeeze3A_520 = vector.extract %slice3A_519[0] : f32 from vector<1xf32>
        %mul3A_521 = arith.constant 16 : i32
        %mul3A_522 = arith.muli %scan3A_319, %mul3A_521 : i32
        %add3A_523 = arith.constant 4 : i32
        %add3A_524 = arith.addi %mul3A_522, %add3A_523 : i32
        %get3A_525 = arith.index_cast %add3A_524 : i32 to index
        %get3A_526 = arith.constant 0 : index
        %get3A_527 = tpu.vector_load %arg21[%get3A_525, %get3A_526] {strides = array<i32>} : memref<128x64xbf16, #tpu.memory_space<vmem>>, vector<32xbf16>,
        %bitcast3A_528 = vector.bitcast %get3A_527 : vector<32xbf16> to vector<16xi32>
        %shift_left3A_529 = arith.constant 16 : i32
        %shift_left3A_530 = vector.broadcast %shift_left3A_529 : i32 to vector<16xi32>
        %shift_left3A_531 = arith.shli %bitcast3A_528, %shift_left3A_530 : vector<16xi32>
        %bitcast3A_532 = vector.bitcast %shift_left3A_531 : vector<16xi32> to vector<16xf32>
        %mul3A_533 = vector.broadcast %squeeze3A_520 : f32 to vector<16xf32>
        %mul3A_534 = arith.mulf %bitcast3A_532, %mul3A_533 : vector<16xf32>
        %and3A_535 = arith.constant -65536 : i32
        %and3A_536 = vector.broadcast %and3A_535 : i32 to vector<16xi32>
        %and3A_537 = arith.andi %bitcast3A_528, %and3A_536 : vector<16xi32>
        %bitcast3A_538 = vector.bitcast %and3A_537 : vector<16xi32> to vector<16xf32>
        %mul3A_539 = vector.broadcast %squeeze3A_520 : f32 to vector<16xf32>
        %mul3A_540 = arith.mulf %bitcast3A_538, %mul3A_539 : vector<16xf32>
        %swap3A_541 = arith.index_cast %add3A_524 : i32 to index
        %swap3A_542 = arith.constant 0 : index
        %swap3A_543 = tpu.vector_load %arg22[%swap3A_541, %swap3A_542] {strides = array<i32>} : memref<128x64xf32, #tpu.memory_space<vmem>>, vector<16xf32>,
        tpu.vector_store %arg22[%swap3A_541, %swap3A_542], %mul3A_534 {strides = array<i32>} : memref<128x64xf32, #tpu.memory_space<vmem>>, vector<16xf32>,
        %swap3A_544 = arith.index_cast %add3A_524 : i32 to index
        %swap3A_545 = arith.constant 16 : index
        %swap3A_546 = tpu.vector_load %arg22[%swap3A_544, %swap3A_545] {strides = array<i32>} : memref<128x64xf32, #tpu.memory_space<vmem>>, vector<16xf32>,
        tpu.vector_store %arg22[%swap3A_544, %swap3A_545], %mul3A_540 {strides = array<i32>} : memref<128x64xf32, #tpu.memory_space<vmem>>, vector<16xf32>,
        %get3A_547 = arith.index_cast %add3A_524 : i32 to index
        %get3A_548 = arith.constant 32 : index
        %get3A_549 = tpu.vector_load %arg21[%get3A_547, %get3A_548] {strides = array<i32>} : memref<128x64xbf16, #tpu.memory_space<vmem>>, vector<32xbf16>,
        %bitcast3A_550 = vector.bitcast %get3A_549 : vector<32xbf16> to vector<16xi32>
        %shift_left3A_551 = arith.constant 16 : i32
        %shift_left3A_552 = vector.broadcast %shift_left3A_551 : i32 to vector<16xi32>
        %shift_left3A_553 = arith.shli %bitcast3A_550, %shift_left3A_552 : vector<16xi32>
        %bitcast3A_554 = vector.bitcast %shift_left3A_553 : vector<16xi32> to vector<16xf32>
        %mul3A_555 = vector.broadcast %squeeze3A_520 : f32 to vector<16xf32>
        %mul3A_556 = arith.mulf %bitcast3A_554, %mul3A_555 : vector<16xf32>
        %and3A_557 = arith.constant -65536 : i32
        %and3A_558 = vector.broadcast %and3A_557 : i32 to vector<16xi32>
        %and3A_559 = arith.andi %bitcast3A_550, %and3A_558 : vector<16xi32>
        %bitcast3A_560 = vector.bitcast %and3A_559 : vector<16xi32> to vector<16xf32>
        %mul3A_561 = vector.broadcast %squeeze3A_520 : f32 to vector<16xf32>
        %mul3A_562 = arith.mulf %bitcast3A_560, %mul3A_561 : vector<16xf32>
        %swap3A_563 = arith.index_cast %add3A_524 : i32 to index
        %swap3A_564 = arith.constant 32 : index
        %swap3A_565 = tpu.vector_load %arg22[%swap3A_563, %swap3A_564] {strides = array<i32>} : memref<128x64xf32, #tpu.memory_space<vmem>>, vector<16xf32>,
        tpu.vector_store %arg22[%swap3A_563, %swap3A_564], %mul3A_556 {strides = array<i32>} : memref<128x64xf32, #tpu.memory_space<vmem>>, vector<16xf32>,
        %swap3A_566 = arith.index_cast %add3A_524 : i32 to index
        %swap3A_567 = arith.constant 48 : index
        %swap3A_568 = tpu.vector_load %arg22[%swap3A_566, %swap3A_567] {strides = array<i32>} : memref<128x64xf32, #tpu.memory_space<vmem>>, vector<16xf32>,
        tpu.vector_store %arg22[%swap3A_566, %swap3A_567], %mul3A_562 {strides = array<i32>} : memref<128x64xf32, #tpu.memory_space<vmem>>, vector<16xf32>,
        %slice3A_569 = vector.extract_strided_slice %get3A_323 {offsets = [5], sizes = [1], strides = [1]} : vector<16xf32> to vector<1xf32>
        %squeeze3A_570 = vector.extract %slice3A_569[0] : f32 from vector<1xf32>
        %mul3A_571 = arith.constant 16 : i32
        %mul3A_572 = arith.muli %scan3A_319, %mul3A_571 : i32
        %add3A_573 = arith.constant 5 : i32
        %add3A_574 = arith.addi %mul3A_572, %add3A_573 : i32
        %get3A_575 = arith.index_cast %add3A_574 : i32 to index
        %get3A_576 = arith.constant 0 : index
        %get3A_577 = tpu.vector_load %arg21[%get3A_575, %get3A_576] {strides = array<i32>} : memref<128x64xbf16, #tpu.memory_space<vmem>>, vector<32xbf16>,
        %bitcast3A_578 = vector.bitcast %get3A_577 : vector<32xbf16> to vector<16xi32>
        %shift_left3A_579 = arith.constant 16 : i32
        %shift_left3A_580 = vector.broadcast %shift_left3A_579 : i32 to vector<16xi32>
        %shift_left3A_581 = arith.shli %bitcast3A_578, %shift_left3A_580 : vector<16xi32>
        %bitcast3A_582 = vector.bitcast %shift_left3A_581 : vector<16xi32> to vector<16xf32>
        %mul3A_583 = vector.broadcast %squeeze3A_570 : f32 to vector<16xf32>
        %mul3A_584 = arith.mulf %bitcast3A_582, %mul3A_583 : vector<16xf32>
        %and3A_585 = arith.constant -65536 : i32
        %and3A_586 = vector.broadcast %and3A_585 : i32 to vector<16xi32>
        %and3A_587 = arith.andi %bitcast3A_578, %and3A_586 : vector<16xi32>
        %bitcast3A_588 = vector.bitcast %and3A_587 : vector<16xi32> to vector<16xf32>
        %mul3A_589 = vector.broadcast %squeeze3A_570 : f32 to vector<16xf32>
        %mul3A_590 = arith.mulf %bitcast3A_588, %mul3A_589 : vector<16xf32>
        %swap3A_591 = arith.index_cast %add3A_574 : i32 to index
        %swap3A_592 = arith.constant 0 : index
        %swap3A_593 = tpu.vector_load %arg22[%swap3A_591, %swap3A_592] {strides = array<i32>} : memref<128x64xf32, #tpu.memory_space<vmem>>, vector<16xf32>,
        tpu.vector_store %arg22[%swap3A_591, %swap3A_592], %mul3A_584 {strides = array<i32>} : memref<128x64xf32, #tpu.memory_space<vmem>>, vector<16xf32>,
        %swap3A_594 = arith.index_cast %add3A_574 : i32 to index
        %swap3A_595 = arith.constant 16 : index
        %swap3A_596 = tpu.vector_load %arg22[%swap3A_594, %swap3A_595] {strides = array<i32>} : memref<128x64xf32, #tpu.memory_space<vmem>>, vector<16xf32>,
        tpu.vector_store %arg22[%swap3A_594, %swap3A_595], %mul3A_590 {strides = array<i32>} : memref<128x64xf32, #tpu.memory_space<vmem>>, vector<16xf32>,
        %get3A_597 = arith.index_cast %add3A_574 : i32 to index
        %get3A_598 = arith.constant 32 : index
        %get3A_599 = tpu.vector_load %arg21[%get3A_597, %get3A_598] {strides = array<i32>} : memref<128x64xbf16, #tpu.memory_space<vmem>>, vector<32xbf16>,
        %bitcast3A_600 = vector.bitcast %get3A_599 : vector<32xbf16> to vector<16xi32>
        %shift_left3A_601 = arith.constant 16 : i32
        %shift_left3A_602 = vector.broadcast %shift_left3A_601 : i32 to vector<16xi32>
        %shift_left3A_603 = arith.shli %bitcast3A_600, %shift_left3A_602 : vector<16xi32>
        %bitcast3A_604 = vector.bitcast %shift_left3A_603 : vector<16xi32> to vector<16xf32>
        %mul3A_605 = vector.broadcast %squeeze3A_570 : f32 to vector<16xf32>
        %mul3A_606 = arith.mulf %bitcast3A_604, %mul3A_605 : vector<16xf32>
        %and3A_607 = arith.constant -65536 : i32
        %and3A_608 = vector.broadcast %and3A_607 : i32 to vector<16xi32>
        %and3A_609 = arith.andi %bitcast3A_600, %and3A_608 : vector<16xi32>
        %bitcast3A_610 = vector.bitcast %and3A_609 : vector<16xi32> to vector<16xf32>
        %mul3A_611 = vector.broadcast %squeeze3A_570 : f32 to vector<16xf32>
        %mul3A_612 = arith.mulf %bitcast3A_610, %mul3A_611 : vector<16xf32>
        %swap3A_613 = arith.index_cast %add3A_574 : i32 to index
        %swap3A_614 = arith.constant 32 : index
        %swap3A_615 = tpu.vector_load %arg22[%swap3A_613, %swap3A_614] {strides = array<i32>} : memref<128x64xf32, #tpu.memory_space<vmem>>, vector<16xf32>,
        tpu.vector_store %arg22[%swap3A_613, %swap3A_614], %mul3A_606 {strides = array<i32>} : memref<128x64xf32, #tpu.memory_space<vmem>>, vector<16xf32>,
        %swap3A_616 = arith.index_cast %add3A_574 : i32 to index
        %swap3A_617 = arith.constant 48 : index
        %swap3A_618 = tpu.vector_load %arg22[%swap3A_616, %swap3A_617] {strides = array<i32>} : memref<128x64xf32, #tpu.memory_space<vmem>>, vector<16xf32>,
        tpu.vector_store %arg22[%swap3A_616, %swap3A_617], %mul3A_612 {strides = array<i32>} : memref<128x64xf32, #tpu.memory_space<vmem>>, vector<16xf32>,
        %slice3A_619 = vector.extract_strided_slice %get3A_323 {offsets = [6], sizes = [1], strides = [1]} : vector<16xf32> to vector<1xf32>
        %squeeze3A_620 = vector.extract %slice3A_619[0] : f32 from vector<1xf32>
        %mul3A_621 = arith.constant 16 : i32
        %mul3A_622 = arith.muli %scan3A_319, %mul3A_621 : i32
        %add3A_623 = arith.constant 6 : i32
        %add3A_624 = arith.addi %mul3A_622, %add3A_623 : i32
        %get3A_625 = arith.index_cast %add3A_624 : i32 to index
        %get3A_626 = arith.constant 0 : index
        %get3A_627 = tpu.vector_load %arg21[%get3A_625, %get3A_626] {strides = array<i32>} : memref<128x64xbf16, #tpu.memory_space<vmem>>, vector<32xbf16>,
        %bitcast3A_628 = vector.bitcast %get3A_627 : vector<32xbf16> to vector<16xi32>
        %shift_left3A_629 = arith.constant 16 : i32
        %shift_left3A_630 = vector.broadcast %shift_left3A_629 : i32 to vector<16xi32>
        %shift_left3A_631 = arith.shli %bitcast3A_628, %shift_left3A_630 : vector<16xi32>
        %bitcast3A_632 = vector.bitcast %shift_left3A_631 : vector<16xi32> to vector<16xf32>
        %mul3A_633 = vector.broadcast %squeeze3A_620 : f32 to vector<16xf32>
        %mul3A_634 = arith.mulf %bitcast3A_632, %mul3A_633 : vector<16xf32>
        %and3A_635 = arith.constant -65536 : i32
        %and3A_636 = vector.broadcast %and3A_635 : i32 to vector<16xi32>
        %and3A_637 = arith.andi %bitcast3A_628, %and3A_636 : vector<16xi32>
        %bitcast3A_638 = vector.bitcast %and3A_637 : vector<16xi32> to vector<16xf32>
        %mul3A_639 = vector.broadcast %squeeze3A_620 : f32 to vector<16xf32>
        %mul3A_640 = arith.mulf %bitcast3A_638, %mul3A_639 : vector<16xf32>
        %swap3A_641 = arith.index_cast %add3A_624 : i32 to index
        %swap3A_642 = arith.constant 0 : index
        %swap3A_643 = tpu.vector_load %arg22[%swap3A_641, %swap3A_642] {strides = array<i32>} : memref<128x64xf32, #tpu.memory_space<vmem>>, vector<16xf32>,
        tpu.vector_store %arg22[%swap3A_641, %swap3A_642], %mul3A_634 {strides = array<i32>} : memref<128x64xf32, #tpu.memory_space<vmem>>, vector<16xf32>,
        %swap3A_644 = arith.index_cast %add3A_624 : i32 to index
        %swap3A_645 = arith.constant 16 : index
        %swap3A_646 = tpu.vector_load %arg22[%swap3A_644, %swap3A_645] {strides = array<i32>} : memref<128x64xf32, #tpu.memory_space<vmem>>, vector<16xf32>,
        tpu.vector_store %arg22[%swap3A_644, %swap3A_645], %mul3A_640 {strides = array<i32>} : memref<128x64xf32, #tpu.memory_space<vmem>>, vector<16xf32>,
        %get3A_647 = arith.index_cast %add3A_624 : i32 to index
        %get3A_648 = arith.constant 32 : index
        %get3A_649 = tpu.vector_load %arg21[%get3A_647, %get3A_648] {strides = array<i32>} : memref<128x64xbf16, #tpu.memory_space<vmem>>, vector<32xbf16>,
        %bitcast3A_650 = vector.bitcast %get3A_649 : vector<32xbf16> to vector<16xi32>
        %shift_left3A_651 = arith.constant 16 : i32
        %shift_left3A_652 = vector.broadcast %shift_left3A_651 : i32 to vector<16xi32>
        %shift_left3A_653 = arith.shli %bitcast3A_650, %shift_left3A_652 : vector<16xi32>
        %bitcast3A_654 = vector.bitcast %shift_left3A_653 : vector<16xi32> to vector<16xf32>
        %mul3A_655 = vector.broadcast %squeeze3A_620 : f32 to vector<16xf32>
        %mul3A_656 = arith.mulf %bitcast3A_654, %mul3A_655 : vector<16xf32>
        %and3A_657 = arith.constant -65536 : i32
        %and3A_658 = vector.broadcast %and3A_657 : i32 to vector<16xi32>
        %and3A_659 = arith.andi %bitcast3A_650, %and3A_658 : vector<16xi32>
        %bitcast3A_660 = vector.bitcast %and3A_659 : vector<16xi32> to vector<16xf32>
        %mul3A_661 = vector.broadcast %squeeze3A_620 : f32 to vector<16xf32>
        %mul3A_662 = arith.mulf %bitcast3A_660, %mul3A_661 : vector<16xf32>
        %swap3A_663 = arith.index_cast %add3A_624 : i32 to index
        %swap3A_664 = arith.constant 32 : index
        %swap3A_665 = tpu.vector_load %arg22[%swap3A_663, %swap3A_664] {strides = array<i32>} : memref<128x64xf32, #tpu.memory_space<vmem>>, vector<16xf32>,
        tpu.vector_store %arg22[%swap3A_663, %swap3A_664], %mul3A_656 {strides = array<i32>} : memref<128x64xf32, #tpu.memory_space<vmem>>, vector<16xf32>,
        %swap3A_666 = arith.index_cast %add3A_624 : i32 to index
        %swap3A_667 = arith.constant 48 : index
        %swap3A_668 = tpu.vector_load %arg22[%swap3A_666, %swap3A_667] {strides = array<i32>} : memref<128x64xf32, #tpu.memory_space<vmem>>, vector<16xf32>,
        tpu.vector_store %arg22[%swap3A_666, %swap3A_667], %mul3A_662 {strides = array<i32>} : memref<128x64xf32, #tpu.memory_space<vmem>>, vector<16xf32>,
        %slice3A_669 = vector.extract_strided_slice %get3A_323 {offsets = [7], sizes = [1], strides = [1]} : vector<16xf32> to vector<1xf32>
        %squeeze3A_670 = vector.extract %slice3A_669[0] : f32 from vector<1xf32>
        %mul3A_671 = arith.constant 16 : i32
        %mul3A_672 = arith.muli %scan3A_319, %mul3A_671 : i32
        %add3A_673 = arith.constant 7 : i32
        %add3A_674 = arith.addi %mul3A_672, %add3A_673 : i32
        %get3A_675 = arith.index_cast %add3A_674 : i32 to index
        %get3A_676 = arith.constant 0 : index
        %get3A_677 = tpu.vector_load %arg21[%get3A_675, %get3A_676] {strides = array<i32>} : memref<128x64xbf16, #tpu.memory_space<vmem>>, vector<32xbf16>,
        %bitcast3A_678 = vector.bitcast %get3A_677 : vector<32xbf16> to vector<16xi32>
        %shift_left3A_679 = arith.constant 16 : i32
        %shift_left3A_680 = vector.broadcast %shift_left3A_679 : i32 to vector<16xi32>
        %shift_left3A_681 = arith.shli %bitcast3A_678, %shift_left3A_680 : vector<16xi32>
        %bitcast3A_682 = vector.bitcast %shift_left3A_681 : vector<16xi32> to vector<16xf32>
        %mul3A_683 = vector.broadcast %squeeze3A_670 : f32 to vector<16xf32>
        %mul3A_684 = arith.mulf %bitcast3A_682, %mul3A_683 : vector<16xf32>
        %and3A_685 = arith.constant -65536 : i32
        %and3A_686 = vector.broadcast %and3A_685 : i32 to vector<16xi32>
        %and3A_687 = arith.andi %bitcast3A_678, %and3A_686 : vector<16xi32>
        %bitcast3A_688 = vector.bitcast %and3A_687 : vector<16xi32> to vector<16xf32>
        %mul3A_689 = vector.broadcast %squeeze3A_670 : f32 to vector<16xf32>
        %mul3A_690 = arith.mulf %bitcast3A_688, %mul3A_689 : vector<16xf32>
        %swap3A_691 = arith.index_cast %add3A_674 : i32 to index
        %swap3A_692 = arith.constant 0 : index
        %swap3A_693 = tpu.vector_load %arg22[%swap3A_691, %swap3A_692] {strides = array<i32>} : memref<128x64xf32, #tpu.memory_space<vmem>>, vector<16xf32>,
        tpu.vector_store %arg22[%swap3A_691, %swap3A_692], %mul3A_684 {strides = array<i32>} : memref<128x64xf32, #tpu.memory_space<vmem>>, vector<16xf32>,
        %swap3A_694 = arith.index_cast %add3A_674 : i32 to index
        %swap3A_695 = arith.constant 16 : index
        %swap3A_696 = tpu.vector_load %arg22[%swap3A_694, %swap3A_695] {strides = array<i32>} : memref<128x64xf32, #tpu.memory_space<vmem>>, vector<16xf32>,
        tpu.vector_store %arg22[%swap3A_694, %swap3A_695], %mul3A_690 {strides = array<i32>} : memref<128x64xf32, #tpu.memory_space<vmem>>, vector<16xf32>,
        %get3A_697 = arith.index_cast %add3A_674 : i32 to index
        %get3A_698 = arith.constant 32 : index
        %get3A_699 = tpu.vector_load %arg21[%get3A_697, %get3A_698] {strides = array<i32>} : memref<128x64xbf16, #tpu.memory_space<vmem>>, vector<32xbf16>,
        %bitcast3A_700 = vector.bitcast %get3A_699 : vector<32xbf16> to vector<16xi32>
        %shift_left3A_701 = arith.constant 16 : i32
        %shift_left3A_702 = vector.broadcast %shift_left3A_701 : i32 to vector<16xi32>
        %shift_left3A_703 = arith.shli %bitcast3A_700, %shift_left3A_702 : vector<16xi32>
        %bitcast3A_704 = vector.bitcast %shift_left3A_703 : vector<16xi32> to vector<16xf32>
        %mul3A_705 = vector.broadcast %squeeze3A_670 : f32 to vector<16xf32>
        %mul3A_706 = arith.mulf %bitcast3A_704, %mul3A_705 : vector<16xf32>
        %and3A_707 = arith.constant -65536 : i32
        %and3A_708 = vector.broadcast %and3A_707 : i32 to vector<16xi32>
        %and3A_709 = arith.andi %bitcast3A_700, %and3A_708 : vector<16xi32>
        %bitcast3A_710 = vector.bitcast %and3A_709 : vector<16xi32> to vector<16xf32>
        %mul3A_711 = vector.broadcast %squeeze3A_670 : f32 to vector<16xf32>
        %mul3A_712 = arith.mulf %bitcast3A_710, %mul3A_711 : vector<16xf32>
        %swap3A_713 = arith.index_cast %add3A_674 : i32 to index
        %swap3A_714 = arith.constant 32 : index
        %swap3A_715 = tpu.vector_load %arg22[%swap3A_713, %swap3A_714] {strides = array<i32>} : memref<128x64xf32, #tpu.memory_space<vmem>>, vector<16xf32>,
        tpu.vector_store %arg22[%swap3A_713, %swap3A_714], %mul3A_706 {strides = array<i32>} : memref<128x64xf32, #tpu.memory_space<vmem>>, vector<16xf32>,
        %swap3A_716 = arith.index_cast %add3A_674 : i32 to index
        %swap3A_717 = arith.constant 48 : index
        %swap3A_718 = tpu.vector_load %arg22[%swap3A_716, %swap3A_717] {strides = array<i32>} : memref<128x64xf32, #tpu.memory_space<vmem>>, vector<16xf32>,
        tpu.vector_store %arg22[%swap3A_716, %swap3A_717], %mul3A_712 {strides = array<i32>} : memref<128x64xf32, #tpu.memory_space<vmem>>, vector<16xf32>,
        %slice3A_719 = vector.extract_strided_slice %get3A_323 {offsets = [8], sizes = [1], strides = [1]} : vector<16xf32> to vector<1xf32>
        %squeeze3A_720 = vector.extract %slice3A_719[0] : f32 from vector<1xf32>
        %mul3A_721 = arith.constant 16 : i32
        %mul3A_722 = arith.muli %scan3A_319, %mul3A_721 : i32
        %add3A_723 = arith.constant 8 : i32
        %add3A_724 = arith.addi %mul3A_722, %add3A_723 : i32
        %get3A_725 = arith.index_cast %add3A_724 : i32 to index
        %get3A_726 = arith.constant 0 : index
        %get3A_727 = tpu.vector_load %arg21[%get3A_725, %get3A_726] {strides = array<i32>} : memref<128x64xbf16, #tpu.memory_space<vmem>>, vector<32xbf16>,
        %bitcast3A_728 = vector.bitcast %get3A_727 : vector<32xbf16> to vector<16xi32>
        %shift_left3A_729 = arith.constant 16 : i32
        %shift_left3A_730 = vector.broadcast %shift_left3A_729 : i32 to vector<16xi32>
        %shift_left3A_731 = arith.shli %bitcast3A_728, %shift_left3A_730 : vector<16xi32>
        %bitcast3A_732 = vector.bitcast %shift_left3A_731 : vector<16xi32> to vector<16xf32>
        %mul3A_733 = vector.broadcast %squeeze3A_720 : f32 to vector<16xf32>
        %mul3A_734 = arith.mulf %bitcast3A_732, %mul3A_733 : vector<16xf32>
        %and3A_735 = arith.constant -65536 : i32
        %and3A_736 = vector.broadcast %and3A_735 : i32 to vector<16xi32>
        %and3A_737 = arith.andi %bitcast3A_728, %and3A_736 : vector<16xi32>
        %bitcast3A_738 = vector.bitcast %and3A_737 : vector<16xi32> to vector<16xf32>
        %mul3A_739 = vector.broadcast %squeeze3A_720 : f32 to vector<16xf32>
        %mul3A_740 = arith.mulf %bitcast3A_738, %mul3A_739 : vector<16xf32>
        %swap3A_741 = arith.index_cast %add3A_724 : i32 to index
        %swap3A_742 = arith.constant 0 : index
        %swap3A_743 = tpu.vector_load %arg22[%swap3A_741, %swap3A_742] {strides = array<i32>} : memref<128x64xf32, #tpu.memory_space<vmem>>, vector<16xf32>,
        tpu.vector_store %arg22[%swap3A_741, %swap3A_742], %mul3A_734 {strides = array<i32>} : memref<128x64xf32, #tpu.memory_space<vmem>>, vector<16xf32>,
        %swap3A_744 = arith.index_cast %add3A_724 : i32 to index
        %swap3A_745 = arith.constant 16 : index
        %swap3A_746 = tpu.vector_load %arg22[%swap3A_744, %swap3A_745] {strides = array<i32>} : memref<128x64xf32, #tpu.memory_space<vmem>>, vector<16xf32>,
        tpu.vector_store %arg22[%swap3A_744, %swap3A_745], %mul3A_740 {strides = array<i32>} : memref<128x64xf32, #tpu.memory_space<vmem>>, vector<16xf32>,
        %get3A_747 = arith.index_cast %add3A_724 : i32 to index
        %get3A_748 = arith.constant 32 : index
        %get3A_749 = tpu.vector_load %arg21[%get3A_747, %get3A_748] {strides = array<i32>} : memref<128x64xbf16, #tpu.memory_space<vmem>>, vector<32xbf16>,
        %bitcast3A_750 = vector.bitcast %get3A_749 : vector<32xbf16> to vector<16xi32>
        %shift_left3A_751 = arith.constant 16 : i32
        %shift_left3A_752 = vector.broadcast %shift_left3A_751 : i32 to vector<16xi32>
        %shift_left3A_753 = arith.shli %bitcast3A_750, %shift_left3A_752 : vector<16xi32>
        %bitcast3A_754 = vector.bitcast %shift_left3A_753 : vector<16xi32> to vector<16xf32>
        %mul3A_755 = vector.broadcast %squeeze3A_720 : f32 to vector<16xf32>
        %mul3A_756 = arith.mulf %bitcast3A_754, %mul3A_755 : vector<16xf32>
        %and3A_757 = arith.constant -65536 : i32
        %and3A_758 = vector.broadcast %and3A_757 : i32 to vector<16xi32>
        %and3A_759 = arith.andi %bitcast3A_750, %and3A_758 : vector<16xi32>
        %bitcast3A_760 = vector.bitcast %and3A_759 : vector<16xi32> to vector<16xf32>
        %mul3A_761 = vector.broadcast %squeeze3A_720 : f32 to vector<16xf32>
        %mul3A_762 = arith.mulf %bitcast3A_760, %mul3A_761 : vector<16xf32>
        %swap3A_763 = arith.index_cast %add3A_724 : i32 to index
        %swap3A_764 = arith.constant 32 : index
        %swap3A_765 = tpu.vector_load %arg22[%swap3A_763, %swap3A_764] {strides = array<i32>} : memref<128x64xf32, #tpu.memory_space<vmem>>, vector<16xf32>,
        tpu.vector_store %arg22[%swap3A_763, %swap3A_764], %mul3A_756 {strides = array<i32>} : memref<128x64xf32, #tpu.memory_space<vmem>>, vector<16xf32>,
        %swap3A_766 = arith.index_cast %add3A_724 : i32 to index
        %swap3A_767 = arith.constant 48 : index
        %swap3A_768 = tpu.vector_load %arg22[%swap3A_766, %swap3A_767] {strides = array<i32>} : memref<128x64xf32, #tpu.memory_space<vmem>>, vector<16xf32>,
        tpu.vector_store %arg22[%swap3A_766, %swap3A_767], %mul3A_762 {strides = array<i32>} : memref<128x64xf32, #tpu.memory_space<vmem>>, vector<16xf32>,
        %slice3A_769 = vector.extract_strided_slice %get3A_323 {offsets = [9], sizes = [1], strides = [1]} : vector<16xf32> to vector<1xf32>
        %squeeze3A_770 = vector.extract %slice3A_769[0] : f32 from vector<1xf32>
        %mul3A_771 = arith.constant 16 : i32
        %mul3A_772 = arith.muli %scan3A_319, %mul3A_771 : i32
        %add3A_773 = arith.constant 9 : i32
        %add3A_774 = arith.addi %mul3A_772, %add3A_773 : i32
        %get3A_775 = arith.index_cast %add3A_774 : i32 to index
        %get3A_776 = arith.constant 0 : index
        %get3A_777 = tpu.vector_load %arg21[%get3A_775, %get3A_776] {strides = array<i32>} : memref<128x64xbf16, #tpu.memory_space<vmem>>, vector<32xbf16>,
        %bitcast3A_778 = vector.bitcast %get3A_777 : vector<32xbf16> to vector<16xi32>
        %shift_left3A_779 = arith.constant 16 : i32
        %shift_left3A_780 = vector.broadcast %shift_left3A_779 : i32 to vector<16xi32>
        %shift_left3A_781 = arith.shli %bitcast3A_778, %shift_left3A_780 : vector<16xi32>
        %bitcast3A_782 = vector.bitcast %shift_left3A_781 : vector<16xi32> to vector<16xf32>
        %mul3A_783 = vector.broadcast %squeeze3A_770 : f32 to vector<16xf32>
        %mul3A_784 = arith.mulf %bitcast3A_782, %mul3A_783 : vector<16xf32>
        %and3A_785 = arith.constant -65536 : i32
        %and3A_786 = vector.broadcast %and3A_785 : i32 to vector<16xi32>
        %and3A_787 = arith.andi %bitcast3A_778, %and3A_786 : vector<16xi32>
        %bitcast3A_788 = vector.bitcast %and3A_787 : vector<16xi32> to vector<16xf32>
        %mul3A_789 = vector.broadcast %squeeze3A_770 : f32 to vector<16xf32>
        %mul3A_790 = arith.mulf %bitcast3A_788, %mul3A_789 : vector<16xf32>
        %swap3A_791 = arith.index_cast %add3A_774 : i32 to index
        %swap3A_792 = arith.constant 0 : index
        %swap3A_793 = tpu.vector_load %arg22[%swap3A_791, %swap3A_792] {strides = array<i32>} : memref<128x64xf32, #tpu.memory_space<vmem>>, vector<16xf32>,
        tpu.vector_store %arg22[%swap3A_791, %swap3A_792], %mul3A_784 {strides = array<i32>} : memref<128x64xf32, #tpu.memory_space<vmem>>, vector<16xf32>,
        %swap3A_794 = arith.index_cast %add3A_774 : i32 to index
        %swap3A_795 = arith.constant 16 : index
        %swap3A_796 = tpu.vector_load %arg22[%swap3A_794, %swap3A_795] {strides = array<i32>} : memref<128x64xf32, #tpu.memory_space<vmem>>, vector<16xf32>,
        tpu.vector_store %arg22[%swap3A_794, %swap3A_795], %mul3A_790 {strides = array<i32>} : memref<128x64xf32, #tpu.memory_space<vmem>>, vector<16xf32>,
        %get3A_797 = arith.index_cast %add3A_774 : i32 to index
        %get3A_798 = arith.constant 32 : index
        %get3A_799 = tpu.vector_load %arg21[%get3A_797, %get3A_798] {strides = array<i32>} : memref<128x64xbf16, #tpu.memory_space<vmem>>, vector<32xbf16>,
        %bitcast3A_800 = vector.bitcast %get3A_799 : vector<32xbf16> to vector<16xi32>
        %shift_left3A_801 = arith.constant 16 : i32
        %shift_left3A_802 = vector.broadcast %shift_left3A_801 : i32 to vector<16xi32>
        %shift_left3A_803 = arith.shli %bitcast3A_800, %shift_left3A_802 : vector<16xi32>
        %bitcast3A_804 = vector.bitcast %shift_left3A_803 : vector<16xi32> to vector<16xf32>
        %mul3A_805 = vector.broadcast %squeeze3A_770 : f32 to vector<16xf32>
        %mul3A_806 = arith.mulf %bitcast3A_804, %mul3A_805 : vector<16xf32>
        %and3A_807 = arith.constant -65536 : i32
        %and3A_808 = vector.broadcast %and3A_807 : i32 to vector<16xi32>
        %and3A_809 = arith.andi %bitcast3A_800, %and3A_808 : vector<16xi32>
        %bitcast3A_810 = vector.bitcast %and3A_809 : vector<16xi32> to vector<16xf32>
        %mul3A_811 = vector.broadcast %squeeze3A_770 : f32 to vector<16xf32>
        %mul3A_812 = arith.mulf %bitcast3A_810, %mul3A_811 : vector<16xf32>
        %swap3A_813 = arith.index_cast %add3A_774 : i32 to index
        %swap3A_814 = arith.constant 32 : index
        %swap3A_815 = tpu.vector_load %arg22[%swap3A_813, %swap3A_814] {strides = array<i32>} : memref<128x64xf32, #tpu.memory_space<vmem>>, vector<16xf32>,
        tpu.vector_store %arg22[%swap3A_813, %swap3A_814], %mul3A_806 {strides = array<i32>} : memref<128x64xf32, #tpu.memory_space<vmem>>, vector<16xf32>,
        %swap3A_816 = arith.index_cast %add3A_774 : i32 to index
        %swap3A_817 = arith.constant 48 : index
        %swap3A_818 = tpu.vector_load %arg22[%swap3A_816, %swap3A_817] {strides = array<i32>} : memref<128x64xf32, #tpu.memory_space<vmem>>, vector<16xf32>,
        tpu.vector_store %arg22[%swap3A_816, %swap3A_817], %mul3A_812 {strides = array<i32>} : memref<128x64xf32, #tpu.memory_space<vmem>>, vector<16xf32>,
        %slice3A_819 = vector.extract_strided_slice %get3A_323 {offsets = [10], sizes = [1], strides = [1]} : vector<16xf32> to vector<1xf32>
        %squeeze3A_820 = vector.extract %slice3A_819[0] : f32 from vector<1xf32>
        %mul3A_821 = arith.constant 16 : i32
        %mul3A_822 = arith.muli %scan3A_319, %mul3A_821 : i32
        %add3A_823 = arith.constant 10 : i32
        %add3A_824 = arith.addi %mul3A_822, %add3A_823 : i32
        %get3A_825 = arith.index_cast %add3A_824 : i32 to index
        %get3A_826 = arith.constant 0 : index
        %get3A_827 = tpu.vector_load %arg21[%get3A_825, %get3A_826] {strides = array<i32>} : memref<128x64xbf16, #tpu.memory_space<vmem>>, vector<32xbf16>,
        %bitcast3A_828 = vector.bitcast %get3A_827 : vector<32xbf16> to vector<16xi32>
        %shift_left3A_829 = arith.constant 16 : i32
        %shift_left3A_830 = vector.broadcast %shift_left3A_829 : i32 to vector<16xi32>
        %shift_left3A_831 = arith.shli %bitcast3A_828, %shift_left3A_830 : vector<16xi32>
        %bitcast3A_832 = vector.bitcast %shift_left3A_831 : vector<16xi32> to vector<16xf32>
        %mul3A_833 = vector.broadcast %squeeze3A_820 : f32 to vector<16xf32>
        %mul3A_834 = arith.mulf %bitcast3A_832, %mul3A_833 : vector<16xf32>
        %and3A_835 = arith.constant -65536 : i32
        %and3A_836 = vector.broadcast %and3A_835 : i32 to vector<16xi32>
        %and3A_837 = arith.andi %bitcast3A_828, %and3A_836 : vector<16xi32>
        %bitcast3A_838 = vector.bitcast %and3A_837 : vector<16xi32> to vector<16xf32>
        %mul3A_839 = vector.broadcast %squeeze3A_820 : f32 to vector<16xf32>
        %mul3A_840 = arith.mulf %bitcast3A_838, %mul3A_839 : vector<16xf32>
        %swap3A_841 = arith.index_cast %add3A_824 : i32 to index
        %swap3A_842 = arith.constant 0 : index
        %swap3A_843 = tpu.vector_load %arg22[%swap3A_841, %swap3A_842] {strides = array<i32>} : memref<128x64xf32, #tpu.memory_space<vmem>>, vector<16xf32>,
        tpu.vector_store %arg22[%swap3A_841, %swap3A_842], %mul3A_834 {strides = array<i32>} : memref<128x64xf32, #tpu.memory_space<vmem>>, vector<16xf32>,
        %swap3A_844 = arith.index_cast %add3A_824 : i32 to index
        %swap3A_845 = arith.constant 16 : index
        %swap3A_846 = tpu.vector_load %arg22[%swap3A_844, %swap3A_845] {strides = array<i32>} : memref<128x64xf32, #tpu.memory_space<vmem>>, vector<16xf32>,
        tpu.vector_store %arg22[%swap3A_844, %swap3A_845], %mul3A_840 {strides = array<i32>} : memref<128x64xf32, #tpu.memory_space<vmem>>, vector<16xf32>,
        %get3A_847 = arith.index_cast %add3A_824 : i32 to index
        %get3A_848 = arith.constant 32 : index
        %get3A_849 = tpu.vector_load %arg21[%get3A_847, %get3A_848] {strides = array<i32>} : memref<128x64xbf16, #tpu.memory_space<vmem>>, vector<32xbf16>,
        %bitcast3A_850 = vector.bitcast %get3A_849 : vector<32xbf16> to vector<16xi32>
        %shift_left3A_851 = arith.constant 16 : i32
        %shift_left3A_852 = vector.broadcast %shift_left3A_851 : i32 to vector<16xi32>
        %shift_left3A_853 = arith.shli %bitcast3A_850, %shift_left3A_852 : vector<16xi32>
        %bitcast3A_854 = vector.bitcast %shift_left3A_853 : vector<16xi32> to vector<16xf32>
        %mul3A_855 = vector.broadcast %squeeze3A_820 : f32 to vector<16xf32>
        %mul3A_856 = arith.mulf %bitcast3A_854, %mul3A_855 : vector<16xf32>
        %and3A_857 = arith.constant -65536 : i32
        %and3A_858 = vector.broadcast %and3A_857 : i32 to vector<16xi32>
        %and3A_859 = arith.andi %bitcast3A_850, %and3A_858 : vector<16xi32>
        %bitcast3A_860 = vector.bitcast %and3A_859 : vector<16xi32> to vector<16xf32>
        %mul3A_861 = vector.broadcast %squeeze3A_820 : f32 to vector<16xf32>
        %mul3A_862 = arith.mulf %bitcast3A_860, %mul3A_861 : vector<16xf32>
        %swap3A_863 = arith.index_cast %add3A_824 : i32 to index
        %swap3A_864 = arith.constant 32 : index
        %swap3A_865 = tpu.vector_load %arg22[%swap3A_863, %swap3A_864] {strides = array<i32>} : memref<128x64xf32, #tpu.memory_space<vmem>>, vector<16xf32>,
        tpu.vector_store %arg22[%swap3A_863, %swap3A_864], %mul3A_856 {strides = array<i32>} : memref<128x64xf32, #tpu.memory_space<vmem>>, vector<16xf32>,
        %swap3A_866 = arith.index_cast %add3A_824 : i32 to index
        %swap3A_867 = arith.constant 48 : index
        %swap3A_868 = tpu.vector_load %arg22[%swap3A_866, %swap3A_867] {strides = array<i32>} : memref<128x64xf32, #tpu.memory_space<vmem>>, vector<16xf32>,
        tpu.vector_store %arg22[%swap3A_866, %swap3A_867], %mul3A_862 {strides = array<i32>} : memref<128x64xf32, #tpu.memory_space<vmem>>, vector<16xf32>,
        %slice3A_869 = vector.extract_strided_slice %get3A_323 {offsets = [11], sizes = [1], strides = [1]} : vector<16xf32> to vector<1xf32>
        %squeeze3A_870 = vector.extract %slice3A_869[0] : f32 from vector<1xf32>
        %mul3A_871 = arith.constant 16 : i32
        %mul3A_872 = arith.muli %scan3A_319, %mul3A_871 : i32
        %add3A_873 = arith.constant 11 : i32
        %add3A_874 = arith.addi %mul3A_872, %add3A_873 : i32
        %get3A_875 = arith.index_cast %add3A_874 : i32 to index
        %get3A_876 = arith.constant 0 : index
        %get3A_877 = tpu.vector_load %arg21[%get3A_875, %get3A_876] {strides = array<i32>} : memref<128x64xbf16, #tpu.memory_space<vmem>>, vector<32xbf16>,
        %bitcast3A_878 = vector.bitcast %get3A_877 : vector<32xbf16> to vector<16xi32>
        %shift_left3A_879 = arith.constant 16 : i32
        %shift_left3A_880 = vector.broadcast %shift_left3A_879 : i32 to vector<16xi32>
        %shift_left3A_881 = arith.shli %bitcast3A_878, %shift_left3A_880 : vector<16xi32>
        %bitcast3A_882 = vector.bitcast %shift_left3A_881 : vector<16xi32> to vector<16xf32>
        %mul3A_883 = vector.broadcast %squeeze3A_870 : f32 to vector<16xf32>
        %mul3A_884 = arith.mulf %bitcast3A_882, %mul3A_883 : vector<16xf32>
        %and3A_885 = arith.constant -65536 : i32
        %and3A_886 = vector.broadcast %and3A_885 : i32 to vector<16xi32>
        %and3A_887 = arith.andi %bitcast3A_878, %and3A_886 : vector<16xi32>
        %bitcast3A_888 = vector.bitcast %and3A_887 : vector<16xi32> to vector<16xf32>
        %mul3A_889 = vector.broadcast %squeeze3A_870 : f32 to vector<16xf32>
        %mul3A_890 = arith.mulf %bitcast3A_888, %mul3A_889 : vector<16xf32>
        %swap3A_891 = arith.index_cast %add3A_874 : i32 to index
        %swap3A_892 = arith.constant 0 : index
        %swap3A_893 = tpu.vector_load %arg22[%swap3A_891, %swap3A_892] {strides = array<i32>} : memref<128x64xf32, #tpu.memory_space<vmem>>, vector<16xf32>,
        tpu.vector_store %arg22[%swap3A_891, %swap3A_892], %mul3A_884 {strides = array<i32>} : memref<128x64xf32, #tpu.memory_space<vmem>>, vector<16xf32>,
        %swap3A_894 = arith.index_cast %add3A_874 : i32 to index
        %swap3A_895 = arith.constant 16 : index
        %swap3A_896 = tpu.vector_load %arg22[%swap3A_894, %swap3A_895] {strides = array<i32>} : memref<128x64xf32, #tpu.memory_space<vmem>>, vector<16xf32>,
        tpu.vector_store %arg22[%swap3A_894, %swap3A_895], %mul3A_890 {strides = array<i32>} : memref<128x64xf32, #tpu.memory_space<vmem>>, vector<16xf32>,
        %get3A_897 = arith.index_cast %add3A_874 : i32 to index
        %get3A_898 = arith.constant 32 : index
        %get3A_899 = tpu.vector_load %arg21[%get3A_897, %get3A_898] {strides = array<i32>} : memref<128x64xbf16, #tpu.memory_space<vmem>>, vector<32xbf16>,
        %bitcast3A_900 = vector.bitcast %get3A_899 : vector<32xbf16> to vector<16xi32>
        %shift_left3A_901 = arith.constant 16 : i32
        %shift_left3A_902 = vector.broadcast %shift_left3A_901 : i32 to vector<16xi32>
        %shift_left3A_903 = arith.shli %bitcast3A_900, %shift_left3A_902 : vector<16xi32>
        %bitcast3A_904 = vector.bitcast %shift_left3A_903 : vector<16xi32> to vector<16xf32>
        %mul3A_905 = vector.broadcast %squeeze3A_870 : f32 to vector<16xf32>
        %mul3A_906 = arith.mulf %bitcast3A_904, %mul3A_905 : vector<16xf32>
        %and3A_907 = arith.constant -65536 : i32
        %and3A_908 = vector.broadcast %and3A_907 : i32 to vector<16xi32>
        %and3A_909 = arith.andi %bitcast3A_900, %and3A_908 : vector<16xi32>
        %bitcast3A_910 = vector.bitcast %and3A_909 : vector<16xi32> to vector<16xf32>
        %mul3A_911 = vector.broadcast %squeeze3A_870 : f32 to vector<16xf32>
        %mul3A_912 = arith.mulf %bitcast3A_910, %mul3A_911 : vector<16xf32>
        %swap3A_913 = arith.index_cast %add3A_874 : i32 to index
        %swap3A_914 = arith.constant 32 : index
        %swap3A_915 = tpu.vector_load %arg22[%swap3A_913, %swap3A_914] {strides = array<i32>} : memref<128x64xf32, #tpu.memory_space<vmem>>, vector<16xf32>,
        tpu.vector_store %arg22[%swap3A_913, %swap3A_914], %mul3A_906 {strides = array<i32>} : memref<128x64xf32, #tpu.memory_space<vmem>>, vector<16xf32>,
        %swap3A_916 = arith.index_cast %add3A_874 : i32 to index
        %swap3A_917 = arith.constant 48 : index
        %swap3A_918 = tpu.vector_load %arg22[%swap3A_916, %swap3A_917] {strides = array<i32>} : memref<128x64xf32, #tpu.memory_space<vmem>>, vector<16xf32>,
        tpu.vector_store %arg22[%swap3A_916, %swap3A_917], %mul3A_912 {strides = array<i32>} : memref<128x64xf32, #tpu.memory_space<vmem>>, vector<16xf32>,
        %slice3A_919 = vector.extract_strided_slice %get3A_323 {offsets = [12], sizes = [1], strides = [1]} : vector<16xf32> to vector<1xf32>
        %squeeze3A_920 = vector.extract %slice3A_919[0] : f32 from vector<1xf32>
        %mul3A_921 = arith.constant 16 : i32
        %mul3A_922 = arith.muli %scan3A_319, %mul3A_921 : i32
        %add3A_923 = arith.constant 12 : i32
        %add3A_924 = arith.addi %mul3A_922, %add3A_923 : i32
        %get3A_925 = arith.index_cast %add3A_924 : i32 to index
        %get3A_926 = arith.constant 0 : index
        %get3A_927 = tpu.vector_load %arg21[%get3A_925, %get3A_926] {strides = array<i32>} : memref<128x64xbf16, #tpu.memory_space<vmem>>, vector<32xbf16>,
        %bitcast3A_928 = vector.bitcast %get3A_927 : vector<32xbf16> to vector<16xi32>
        %shift_left3A_929 = arith.constant 16 : i32
        %shift_left3A_930 = vector.broadcast %shift_left3A_929 : i32 to vector<16xi32>
        %shift_left3A_931 = arith.shli %bitcast3A_928, %shift_left3A_930 : vector<16xi32>
        %bitcast3A_932 = vector.bitcast %shift_left3A_931 : vector<16xi32> to vector<16xf32>
        %mul3A_933 = vector.broadcast %squeeze3A_920 : f32 to vector<16xf32>
        %mul3A_934 = arith.mulf %bitcast3A_932, %mul3A_933 : vector<16xf32>
        %and3A_935 = arith.constant -65536 : i32
        %and3A_936 = vector.broadcast %and3A_935 : i32 to vector<16xi32>
        %and3A_937 = arith.andi %bitcast3A_928, %and3A_936 : vector<16xi32>
        %bitcast3A_938 = vector.bitcast %and3A_937 : vector<16xi32> to vector<16xf32>
        %mul3A_939 = vector.broadcast %squeeze3A_920 : f32 to vector<16xf32>
        %mul3A_940 = arith.mulf %bitcast3A_938, %mul3A_939 : vector<16xf32>
        %swap3A_941 = arith.index_cast %add3A_924 : i32 to index
        %swap3A_942 = arith.constant 0 : index
        %swap3A_943 = tpu.vector_load %arg22[%swap3A_941, %swap3A_942] {strides = array<i32>} : memref<128x64xf32, #tpu.memory_space<vmem>>, vector<16xf32>,
        tpu.vector_store %arg22[%swap3A_941, %swap3A_942], %mul3A_934 {strides = array<i32>} : memref<128x64xf32, #tpu.memory_space<vmem>>, vector<16xf32>,
        %swap3A_944 = arith.index_cast %add3A_924 : i32 to index
        %swap3A_945 = arith.constant 16 : index
        %swap3A_946 = tpu.vector_load %arg22[%swap3A_944, %swap3A_945] {strides = array<i32>} : memref<128x64xf32, #tpu.memory_space<vmem>>, vector<16xf32>,
        tpu.vector_store %arg22[%swap3A_944, %swap3A_945], %mul3A_940 {strides = array<i32>} : memref<128x64xf32, #tpu.memory_space<vmem>>, vector<16xf32>,
        %get3A_947 = arith.index_cast %add3A_924 : i32 to index
        %get3A_948 = arith.constant 32 : index
        %get3A_949 = tpu.vector_load %arg21[%get3A_947, %get3A_948] {strides = array<i32>} : memref<128x64xbf16, #tpu.memory_space<vmem>>, vector<32xbf16>,
        %bitcast3A_950 = vector.bitcast %get3A_949 : vector<32xbf16> to vector<16xi32>
        %shift_left3A_951 = arith.constant 16 : i32
        %shift_left3A_952 = vector.broadcast %shift_left3A_951 : i32 to vector<16xi32>
        %shift_left3A_953 = arith.shli %bitcast3A_950, %shift_left3A_952 : vector<16xi32>
        %bitcast3A_954 = vector.bitcast %shift_left3A_953 : vector<16xi32> to vector<16xf32>
        %mul3A_955 = vector.broadcast %squeeze3A_920 : f32 to vector<16xf32>
        %mul3A_956 = arith.mulf %bitcast3A_954, %mul3A_955 : vector<16xf32>
        %and3A_957 = arith.constant -65536 : i32
        %and3A_958 = vector.broadcast %and3A_957 : i32 to vector<16xi32>
        %and3A_959 = arith.andi %bitcast3A_950, %and3A_958 : vector<16xi32>
        %bitcast3A_960 = vector.bitcast %and3A_959 : vector<16xi32> to vector<16xf32>
        %mul3A_961 = vector.broadcast %squeeze3A_920 : f32 to vector<16xf32>
        %mul3A_962 = arith.mulf %bitcast3A_960, %mul3A_961 : vector<16xf32>
        %swap3A_963 = arith.index_cast %add3A_924 : i32 to index
        %swap3A_964 = arith.constant 32 : index
        %swap3A_965 = tpu.vector_load %arg22[%swap3A_963, %swap3A_964] {strides = array<i32>} : memref<128x64xf32, #tpu.memory_space<vmem>>, vector<16xf32>,
        tpu.vector_store %arg22[%swap3A_963, %swap3A_964], %mul3A_956 {strides = array<i32>} : memref<128x64xf32, #tpu.memory_space<vmem>>, vector<16xf32>,
        %swap3A_966 = arith.index_cast %add3A_924 : i32 to index
        %swap3A_967 = arith.constant 48 : index
        %swap3A_968 = tpu.vector_load %arg22[%swap3A_966, %swap3A_967] {strides = array<i32>} : memref<128x64xf32, #tpu.memory_space<vmem>>, vector<16xf32>,
        tpu.vector_store %arg22[%swap3A_966, %swap3A_967], %mul3A_962 {strides = array<i32>} : memref<128x64xf32, #tpu.memory_space<vmem>>, vector<16xf32>,
        %slice3A_969 = vector.extract_strided_slice %get3A_323 {offsets = [13], sizes = [1], strides = [1]} : vector<16xf32> to vector<1xf32>
        %squeeze3A_970 = vector.extract %slice3A_969[0] : f32 from vector<1xf32>
        %mul3A_971 = arith.constant 16 : i32
        %mul3A_972 = arith.muli %scan3A_319, %mul3A_971 : i32
        %add3A_973 = arith.constant 13 : i32
        %add3A_974 = arith.addi %mul3A_972, %add3A_973 : i32
        %get3A_975 = arith.index_cast %add3A_974 : i32 to index
        %get3A_976 = arith.constant 0 : index
        %get3A_977 = tpu.vector_load %arg21[%get3A_975, %get3A_976] {strides = array<i32>} : memref<128x64xbf16, #tpu.memory_space<vmem>>, vector<32xbf16>,
        %bitcast3A_978 = vector.bitcast %get3A_977 : vector<32xbf16> to vector<16xi32>
        %shift_left3A_979 = arith.constant 16 : i32
        %shift_left3A_980 = vector.broadcast %shift_left3A_979 : i32 to vector<16xi32>
        %shift_left3A_981 = arith.shli %bitcast3A_978, %shift_left3A_980 : vector<16xi32>
        %bitcast3A_982 = vector.bitcast %shift_left3A_981 : vector<16xi32> to vector<16xf32>
        %mul3A_983 = vector.broadcast %squeeze3A_970 : f32 to vector<16xf32>
        %mul3A_984 = arith.mulf %bitcast3A_982, %mul3A_983 : vector<16xf32>
        %and3A_985 = arith.constant -65536 : i32
        %and3A_986 = vector.broadcast %and3A_985 : i32 to vector<16xi32>
        %and3A_987 = arith.andi %bitcast3A_978, %and3A_986 : vector<16xi32>
        %bitcast3A_988 = vector.bitcast %and3A_987 : vector<16xi32> to vector<16xf32>
        %mul3A_989 = vector.broadcast %squeeze3A_970 : f32 to vector<16xf32>
        %mul3A_990 = arith.mulf %bitcast3A_988, %mul3A_989 : vector<16xf32>
        %swap3A_991 = arith.index_cast %add3A_974 : i32 to index
        %swap3A_992 = arith.constant 0 : index
        %swap3A_993 = tpu.vector_load %arg22[%swap3A_991, %swap3A_992] {strides = array<i32>} : memref<128x64xf32, #tpu.memory_space<vmem>>, vector<16xf32>,
        tpu.vector_store %arg22[%swap3A_991, %swap3A_992], %mul3A_984 {strides = array<i32>} : memref<128x64xf32, #tpu.memory_space<vmem>>, vector<16xf32>,
        %swap3A_994 = arith.index_cast %add3A_974 : i32 to index
        %swap3A_995 = arith.constant 16 : index
        %swap3A_996 = tpu.vector_load %arg22[%swap3A_994, %swap3A_995] {strides = array<i32>} : memref<128x64xf32, #tpu.memory_space<vmem>>, vector<16xf32>,
        tpu.vector_store %arg22[%swap3A_994, %swap3A_995], %mul3A_990 {strides = array<i32>} : memref<128x64xf32, #tpu.memory_space<vmem>>, vector<16xf32>,
        %get3A_997 = arith.index_cast %add3A_974 : i32 to index
        %get3A_998 = arith.constant 32 : index
        %get3A_999 = tpu.vector_load %arg21[%get3A_997, %get3A_998] {strides = array<i32>} : memref<128x64xbf16, #tpu.memory_space<vmem>>, vector<32xbf16>,
        %bitcast3A_1000 = vector.bitcast %get3A_999 : vector<32xbf16> to vector<16xi32>
        %shift_left3A_1001 = arith.constant 16 : i32
        %shift_left3A_1002 = vector.broadcast %shift_left3A_1001 : i32 to vector<16xi32>
        %shift_left3A_1003 = arith.shli %bitcast3A_1000, %shift_left3A_1002 : vector<16xi32>
        %bitcast3A_1004 = vector.bitcast %shift_left3A_1003 : vector<16xi32> to vector<16xf32>
        %mul3A_1005 = vector.broadcast %squeeze3A_970 : f32 to vector<16xf32>
        %mul3A_1006 = arith.mulf %bitcast3A_1004, %mul3A_1005 : vector<16xf32>
        %and3A_1007 = arith.constant -65536 : i32
        %and3A_1008 = vector.broadcast %and3A_1007 : i32 to vector<16xi32>
        %and3A_1009 = arith.andi %bitcast3A_1000, %and3A_1008 : vector<16xi32>
        %bitcast3A_1010 = vector.bitcast %and3A_1009 : vector<16xi32> to vector<16xf32>
        %mul3A_1011 = vector.broadcast %squeeze3A_970 : f32 to vector<16xf32>
        %mul3A_1012 = arith.mulf %bitcast3A_1010, %mul3A_1011 : vector<16xf32>
        %swap3A_1013 = arith.index_cast %add3A_974 : i32 to index
        %swap3A_1014 = arith.constant 32 : index
        %swap3A_1015 = tpu.vector_load %arg22[%swap3A_1013, %swap3A_1014] {strides = array<i32>} : memref<128x64xf32, #tpu.memory_space<vmem>>, vector<16xf32>,
        tpu.vector_store %arg22[%swap3A_1013, %swap3A_1014], %mul3A_1006 {strides = array<i32>} : memref<128x64xf32, #tpu.memory_space<vmem>>, vector<16xf32>,
        %swap3A_1016 = arith.index_cast %add3A_974 : i32 to index
        %swap3A_1017 = arith.constant 48 : index
        %swap3A_1018 = tpu.vector_load %arg22[%swap3A_1016, %swap3A_1017] {strides = array<i32>} : memref<128x64xf32, #tpu.memory_space<vmem>>, vector<16xf32>,
        tpu.vector_store %arg22[%swap3A_1016, %swap3A_1017], %mul3A_1012 {strides = array<i32>} : memref<128x64xf32, #tpu.memory_space<vmem>>, vector<16xf32>,
        %slice3A_1019 = vector.extract_strided_slice %get3A_323 {offsets = [14], sizes = [1], strides = [1]} : vector<16xf32> to vector<1xf32>
        %squeeze3A_1020 = vector.extract %slice3A_1019[0] : f32 from vector<1xf32>
        %mul3A_1021 = arith.constant 16 : i32
        %mul3A_1022 = arith.muli %scan3A_319, %mul3A_1021 : i32
        %add3A_1023 = arith.constant 14 : i32
        %add3A_1024 = arith.addi %mul3A_1022, %add3A_1023 : i32
        %get3A_1025 = arith.index_cast %add3A_1024 : i32 to index
        %get3A_1026 = arith.constant 0 : index
        %get3A_1027 = tpu.vector_load %arg21[%get3A_1025, %get3A_1026] {strides = array<i32>} : memref<128x64xbf16, #tpu.memory_space<vmem>>, vector<32xbf16>,
        %bitcast3A_1028 = vector.bitcast %get3A_1027 : vector<32xbf16> to vector<16xi32>
        %shift_left3A_1029 = arith.constant 16 : i32
        %shift_left3A_1030 = vector.broadcast %shift_left3A_1029 : i32 to vector<16xi32>
        %shift_left3A_1031 = arith.shli %bitcast3A_1028, %shift_left3A_1030 : vector<16xi32>
        %bitcast3A_1032 = vector.bitcast %shift_left3A_1031 : vector<16xi32> to vector<16xf32>
        %mul3A_1033 = vector.broadcast %squeeze3A_1020 : f32 to vector<16xf32>
        %mul3A_1034 = arith.mulf %bitcast3A_1032, %mul3A_1033 : vector<16xf32>
        %and3A_1035 = arith.constant -65536 : i32
        %and3A_1036 = vector.broadcast %and3A_1035 : i32 to vector<16xi32>
        %and3A_1037 = arith.andi %bitcast3A_1028, %and3A_1036 : vector<16xi32>
        %bitcast3A_1038 = vector.bitcast %and3A_1037 : vector<16xi32> to vector<16xf32>
        %mul3A_1039 = vector.broadcast %squeeze3A_1020 : f32 to vector<16xf32>
        %mul3A_1040 = arith.mulf %bitcast3A_1038, %mul3A_1039 : vector<16xf32>
        %swap3A_1041 = arith.index_cast %add3A_1024 : i32 to index
        %swap3A_1042 = arith.constant 0 : index
        %swap3A_1043 = tpu.vector_load %arg22[%swap3A_1041, %swap3A_1042] {strides = array<i32>} : memref<128x64xf32, #tpu.memory_space<vmem>>, vector<16xf32>,
        tpu.vector_store %arg22[%swap3A_1041, %swap3A_1042], %mul3A_1034 {strides = array<i32>} : memref<128x64xf32, #tpu.memory_space<vmem>>, vector<16xf32>,
        %swap3A_1044 = arith.index_cast %add3A_1024 : i32 to index
        %swap3A_1045 = arith.constant 16 : index
        %swap3A_1046 = tpu.vector_load %arg22[%swap3A_1044, %swap3A_1045] {strides = array<i32>} : memref<128x64xf32, #tpu.memory_space<vmem>>, vector<16xf32>,
        tpu.vector_store %arg22[%swap3A_1044, %swap3A_1045], %mul3A_1040 {strides = array<i32>} : memref<128x64xf32, #tpu.memory_space<vmem>>, vector<16xf32>,
        %get3A_1047 = arith.index_cast %add3A_1024 : i32 to index
        %get3A_1048 = arith.constant 32 : index
        %get3A_1049 = tpu.vector_load %arg21[%get3A_1047, %get3A_1048] {strides = array<i32>} : memref<128x64xbf16, #tpu.memory_space<vmem>>, vector<32xbf16>,
        %bitcast3A_1050 = vector.bitcast %get3A_1049 : vector<32xbf16> to vector<16xi32>
        %shift_left3A_1051 = arith.constant 16 : i32
        %shift_left3A_1052 = vector.broadcast %shift_left3A_1051 : i32 to vector<16xi32>
        %shift_left3A_1053 = arith.shli %bitcast3A_1050, %shift_left3A_1052 : vector<16xi32>
        %bitcast3A_1054 = vector.bitcast %shift_left3A_1053 : vector<16xi32> to vector<16xf32>
        %mul3A_1055 = vector.broadcast %squeeze3A_1020 : f32 to vector<16xf32>
        %mul3A_1056 = arith.mulf %bitcast3A_1054, %mul3A_1055 : vector<16xf32>
        %and3A_1057 = arith.constant -65536 : i32
        %and3A_1058 = vector.broadcast %and3A_1057 : i32 to vector<16xi32>
        %and3A_1059 = arith.andi %bitcast3A_1050, %and3A_1058 : vector<16xi32>
        %bitcast3A_1060 = vector.bitcast %and3A_1059 : vector<16xi32> to vector<16xf32>
        %mul3A_1061 = vector.broadcast %squeeze3A_1020 : f32 to vector<16xf32>
        %mul3A_1062 = arith.mulf %bitcast3A_1060, %mul3A_1061 : vector<16xf32>
        %swap3A_1063 = arith.index_cast %add3A_1024 : i32 to index
        %swap3A_1064 = arith.constant 32 : index
        %swap3A_1065 = tpu.vector_load %arg22[%swap3A_1063, %swap3A_1064] {strides = array<i32>} : memref<128x64xf32, #tpu.memory_space<vmem>>, vector<16xf32>,
        tpu.vector_store %arg22[%swap3A_1063, %swap3A_1064], %mul3A_1056 {strides = array<i32>} : memref<128x64xf32, #tpu.memory_space<vmem>>, vector<16xf32>,
        %swap3A_1066 = arith.index_cast %add3A_1024 : i32 to index
        %swap3A_1067 = arith.constant 48 : index
        %swap3A_1068 = tpu.vector_load %arg22[%swap3A_1066, %swap3A_1067] {strides = array<i32>} : memref<128x64xf32, #tpu.memory_space<vmem>>, vector<16xf32>,
        tpu.vector_store %arg22[%swap3A_1066, %swap3A_1067], %mul3A_1062 {strides = array<i32>} : memref<128x64xf32, #tpu.memory_space<vmem>>, vector<16xf32>,
        %slice3A_1069 = vector.extract_strided_slice %get3A_323 {offsets = [15], sizes = [1], strides = [1]} : vector<16xf32> to vector<1xf32>
        %squeeze3A_1070 = vector.extract %slice3A_1069[0] : f32 from vector<1xf32>
        %mul3A_1071 = arith.constant 16 : i32
        %mul3A_1072 = arith.muli %scan3A_319, %mul3A_1071 : i32
        %add3A_1073 = arith.constant 15 : i32
        %add3A_1074 = arith.addi %mul3A_1072, %add3A_1073 : i32
        %get3A_1075 = arith.index_cast %add3A_1074 : i32 to index
        %get3A_1076 = arith.constant 0 : index
        %get3A_1077 = tpu.vector_load %arg21[%get3A_1075, %get3A_1076] {strides = array<i32>} : memref<128x64xbf16, #tpu.memory_space<vmem>>, vector<32xbf16>,
        %bitcast3A_1078 = vector.bitcast %get3A_1077 : vector<32xbf16> to vector<16xi32>
        %shift_left3A_1079 = arith.constant 16 : i32
        %shift_left3A_1080 = vector.broadcast %shift_left3A_1079 : i32 to vector<16xi32>
        %shift_left3A_1081 = arith.shli %bitcast3A_1078, %shift_left3A_1080 : vector<16xi32>
        %bitcast3A_1082 = vector.bitcast %shift_left3A_1081 : vector<16xi32> to vector<16xf32>
        %mul3A_1083 = vector.broadcast %squeeze3A_1070 : f32 to vector<16xf32>
        %mul3A_1084 = arith.mulf %bitcast3A_1082, %mul3A_1083 : vector<16xf32>
        %and3A_1085 = arith.constant -65536 : i32
        %and3A_1086 = vector.broadcast %and3A_1085 : i32 to vector<16xi32>
        %and3A_1087 = arith.andi %bitcast3A_1078, %and3A_1086 : vector<16xi32>
        %bitcast3A_1088 = vector.bitcast %and3A_1087 : vector<16xi32> to vector<16xf32>
        %mul3A_1089 = vector.broadcast %squeeze3A_1070 : f32 to vector<16xf32>
        %mul3A_1090 = arith.mulf %bitcast3A_1088, %mul3A_1089 : vector<16xf32>
        %swap3A_1091 = arith.index_cast %add3A_1074 : i32 to index
        %swap3A_1092 = arith.constant 0 : index
        %swap3A_1093 = tpu.vector_load %arg22[%swap3A_1091, %swap3A_1092] {strides = array<i32>} : memref<128x64xf32, #tpu.memory_space<vmem>>, vector<16xf32>,
        tpu.vector_store %arg22[%swap3A_1091, %swap3A_1092], %mul3A_1084 {strides = array<i32>} : memref<128x64xf32, #tpu.memory_space<vmem>>, vector<16xf32>,
        %swap3A_1094 = arith.index_cast %add3A_1074 : i32 to index
        %swap3A_1095 = arith.constant 16 : index
        %swap3A_1096 = tpu.vector_load %arg22[%swap3A_1094, %swap3A_1095] {strides = array<i32>} : memref<128x64xf32, #tpu.memory_space<vmem>>, vector<16xf32>,
        tpu.vector_store %arg22[%swap3A_1094, %swap3A_1095], %mul3A_1090 {strides = array<i32>} : memref<128x64xf32, #tpu.memory_space<vmem>>, vector<16xf32>,
        %get3A_1097 = arith.index_cast %add3A_1074 : i32 to index
        %get3A_1098 = arith.constant 32 : index
        %get3A_1099 = tpu.vector_load %arg21[%get3A_1097, %get3A_1098] {strides = array<i32>} : memref<128x64xbf16, #tpu.memory_space<vmem>>, vector<32xbf16>,
        %bitcast3A_1100 = vector.bitcast %get3A_1099 : vector<32xbf16> to vector<16xi32>
        %shift_left3A_1101 = arith.constant 16 : i32
        %shift_left3A_1102 = vector.broadcast %shift_left3A_1101 : i32 to vector<16xi32>
        %shift_left3A_1103 = arith.shli %bitcast3A_1100, %shift_left3A_1102 : vector<16xi32>
        %bitcast3A_1104 = vector.bitcast %shift_left3A_1103 : vector<16xi32> to vector<16xf32>
        %mul3A_1105 = vector.broadcast %squeeze3A_1070 : f32 to vector<16xf32>
        %mul3A_1106 = arith.mulf %bitcast3A_1104, %mul3A_1105 : vector<16xf32>
        %and3A_1107 = arith.constant -65536 : i32
        %and3A_1108 = vector.broadcast %and3A_1107 : i32 to vector<16xi32>
        %and3A_1109 = arith.andi %bitcast3A_1100, %and3A_1108 : vector<16xi32>
        %bitcast3A_1110 = vector.bitcast %and3A_1109 : vector<16xi32> to vector<16xf32>
        %mul3A_1111 = vector.broadcast %squeeze3A_1070 : f32 to vector<16xf32>
        %mul3A_1112 = arith.mulf %bitcast3A_1110, %mul3A_1111 : vector<16xf32>
        %swap3A_1113 = arith.index_cast %add3A_1074 : i32 to index
        %swap3A_1114 = arith.constant 32 : index
        %swap3A_1115 = tpu.vector_load %arg22[%swap3A_1113, %swap3A_1114] {strides = array<i32>} : memref<128x64xf32, #tpu.memory_space<vmem>>, vector<16xf32>,
        tpu.vector_store %arg22[%swap3A_1113, %swap3A_1114], %mul3A_1106 {strides = array<i32>} : memref<128x64xf32, #tpu.memory_space<vmem>>, vector<16xf32>,
        %swap3A_1116 = arith.index_cast %add3A_1074 : i32 to index
        %swap3A_1117 = arith.constant 48 : index
        %swap3A_1118 = tpu.vector_load %arg22[%swap3A_1116, %swap3A_1117] {strides = array<i32>} : memref<128x64xf32, #tpu.memory_space<vmem>>, vector<16xf32>,
        tpu.vector_store %arg22[%swap3A_1116, %swap3A_1117], %mul3A_1112 {strides = array<i32>} : memref<128x64xf32, #tpu.memory_space<vmem>>, vector<16xf32>,
      }
      %scan3A_308 = arith.constant 8 : i32
      %dma_start3A_309 = arith.constant 0 : i32
      %dma_start3A_310 = tpu.memref_slice %arg24[%dma_start3A_309] : memref<10240xf32, #tpu.memory_space<vmem_shared>> -> memref<10240xf32, #tpu.memory_space<vmem_shared>>
      tpu.enqueue_indirect_dma source(%arg17 : memref<128xf32, #tpu.memory_space<vmem>>) target(%dma_start3A_310 : memref<10240xf32, #tpu.memory_space<vmem_shared>>) offsets(%arg16 : memref<128xi32, #tpu.memory_space<vmem>>) semaphore(%arg26 : memref<!tpu.dma_semaphore, #tpu.memory_space<semaphore_mem>>) {add = true}
      %dma_start3A_311 = arith.constant 0 : i32
      %dma_start3A_312 = arith.constant 0 : i32
      %dma_start3A_313 = tpu.memref_slice %arg23[%dma_start3A_311, %dma_start3A_312] : memref<10240x64xf32, #tpu.memory_space<vmem_shared>> -> memref<10240x64xf32, #tpu.memory_space<vmem_shared>>
      tpu.enqueue_indirect_dma source(%arg22 : memref<128x64xf32, #tpu.memory_space<vmem>>) target(%dma_start3A_313 : memref<10240x64xf32, #tpu.memory_space<vmem_shared>>) offsets(%arg16 : memref<128xi32, #tpu.memory_space<vmem>>) semaphore(%arg25 : memref<!tpu.dma_semaphore, #tpu.memory_space<semaphore_mem>>) {add = true}
      %dma_wait3A_314 = arith.constant 0 : i32
      %dma_wait3A_315 = tpu.memref_slice %arg24[%dma_wait3A_314] : memref<10240xf32, #tpu.memory_space<vmem_shared>> -> memref<10240xf32, #tpu.memory_space<vmem_shared>>
      tpu.wait_indirect_dma semaphore(%arg26 : memref<!tpu.dma_semaphore, #tpu.memory_space<semaphore_mem>>) src(%arg17 : memref<128xf32, #tpu.memory_space<vmem>>) dst(%dma_wait3A_315 : memref<10240xf32, #tpu.memory_space<vmem_shared>>)
      %dma_wait3A_316 = arith.constant 0 : i32
      %dma_wait3A_317 = arith.constant 0 : i32
      %dma_wait3A_318 = tpu.memref_slice %arg23[%dma_wait3A_316, %dma_wait3A_317] : memref<10240x64xf32, #tpu.memory_space<vmem_shared>> -> memref<10240x64xf32, #tpu.memory_space<vmem_shared>>
      tpu.wait_indirect_dma semaphore(%arg25 : memref<!tpu.dma_semaphore, #tpu.memory_space<semaphore_mem>>) src(%arg22 : memref<128x64xf32, #tpu.memory_space<vmem>>) dst(%dma_wait3A_318 : memref<10240x64xf32, #tpu.memory_space<vmem_shared>>)
    }
    %scan3A_7 = arith.constant 40 : i32
    %barrier3A_8 = arith.constant 0 : index
    tpu.barrier barrier_id(%barrier3A_8)
    "tpu.region"() ({
      %run_scoped3A = tpu.sem_alloc : memref<!tpu.dma_semaphore, #tpu.memory_space<semaphore_mem>>
      %dma_start3A = arith.constant 0 : i32
      %dma_start3A_9 = tpu.memref_slice %arg9[%arg0, %mul3A_2, %dma_start3A] : memref<2x10240x64xf32, #tpu.memory_space<hbm>> -> memref<1x640x64xf32, #tpu.memory_space<hbm>>
      %dma_start3A_10 = tpu.memref_squeeze %dma_start3A_9 : memref<1x640x64xf32, #tpu.memory_space<hbm>> -> memref<640x64xf32, #tpu.memory_space<hbm>>
      %dma_start3A_11 = arith.constant 0 : i32
      %dma_start3A_12 = tpu.memref_slice %arg23[%mul3A_2, %dma_start3A_11] : memref<10240x64xf32, #tpu.memory_space<vmem_shared>> -> memref<640x64xf32, #tpu.memory_space<vmem_shared>>
      tpu.enqueue_dma source(%dma_start3A_12 : memref<640x64xf32, #tpu.memory_space<vmem_shared>>) target(%dma_start3A_10 : memref<640x64xf32, #tpu.memory_space<hbm>>) target_semaphore(%run_scoped3A : memref<!tpu.dma_semaphore, #tpu.memory_space<semaphore_mem>>)
      %dma_wait3A = arith.constant 0 : i32
      %dma_wait3A_13 = tpu.memref_slice %arg9[%arg0, %mul3A_2, %dma_wait3A] : memref<2x10240x64xf32, #tpu.memory_space<hbm>> -> memref<1x640x64xf32, #tpu.memory_space<hbm>>
      %dma_wait3A_14 = tpu.memref_squeeze %dma_wait3A_13 : memref<1x640x64xf32, #tpu.memory_space<hbm>> -> memref<640x64xf32, #tpu.memory_space<hbm>>
      %dma_wait3A_15 = arith.constant 0 : i32
      %dma_wait3A_16 = tpu.memref_slice %arg23[%mul3A_2, %dma_wait3A_15] : memref<10240x64xf32, #tpu.memory_space<vmem_shared>> -> memref<640x64xf32, #tpu.memory_space<vmem_shared>>
      tpu.wait_dma2 semaphore(%run_scoped3A : memref<!tpu.dma_semaphore, #tpu.memory_space<semaphore_mem>>) src(%dma_wait3A_16 : memref<640x64xf32, #tpu.memory_space<vmem_shared>>) dst(%dma_wait3A_14 : memref<640x64xf32, #tpu.memory_space<hbm>>)
      tpu.yield
    }) : () -> ()
    "tpu.region"() ({
      %run_scoped3A = tpu.sem_alloc : memref<!tpu.dma_semaphore, #tpu.memory_space<semaphore_mem>>
      %dma_start3A = tpu.memref_slice %arg10[%arg0, %mul3A_2] : memref<2x10240xf32, #tpu.memory_space<hbm>> -> memref<1x640xf32, #tpu.memory_space<hbm>>
      %dma_start3A_9 = tpu.memref_squeeze %dma_start3A : memref<1x640xf32, #tpu.memory_space<hbm>> -> memref<640xf32, #tpu.memory_space<hbm>>
      %dma_start3A_10 = tpu.memref_slice %arg24[%mul3A_2] : memref<10240xf32, #tpu.memory_space<vmem_shared>> -> memref<640xf32, #tpu.memory_space<vmem_shared>>
      tpu.enqueue_dma source(%dma_start3A_10 : memref<640xf32, #tpu.memory_space<vmem_shared>>) target(%dma_start3A_9 : memref<640xf32, #tpu.memory_space<hbm>>) target_semaphore(%run_scoped3A : memref<!tpu.dma_semaphore, #tpu.memory_space<semaphore_mem>>)
      %dma_wait3A = tpu.memref_slice %arg10[%arg0, %mul3A_2] : memref<2x10240xf32, #tpu.memory_space<hbm>> -> memref<1x640xf32, #tpu.memory_space<hbm>>
      %dma_wait3A_11 = tpu.memref_squeeze %dma_wait3A : memref<1x640xf32, #tpu.memory_space<hbm>> -> memref<640xf32, #tpu.memory_space<hbm>>
      %dma_wait3A_12 = tpu.memref_slice %arg24[%mul3A_2] : memref<10240xf32, #tpu.memory_space<vmem_shared>> -> memref<640xf32, #tpu.memory_space<vmem_shared>>
      tpu.wait_dma2 semaphore(%run_scoped3A : memref<!tpu.dma_semaphore, #tpu.memory_space<semaphore_mem>>) src(%dma_wait3A_12 : memref<640xf32, #tpu.memory_space<vmem_shared>>) dst(%dma_wait3A_11 : memref<640xf32, #tpu.memory_space<hbm>>)
      tpu.yield
    }) : () -> ()
    return
  }
}

#map = affine_map<(d0, d1) -> (0, 0)>
#map1 = affine_map<(d0, d1) -> (0)>
#map2 = affine_map<(d0, d1) -> (0, 0, 0)>
module attributes {stable_mosaic.version = 14 : i64} {
  func.func @_sc_edge_body(%arg0: i32, %arg1: i32, %arg2: memref<32x5376xi32, #tpu.memory_space<hbm>>, %arg3: memref<32x5376xi32, #tpu.memory_space<hbm>>, %arg4: memref<10240xf32, #tpu.memory_space<hbm>>, %arg5: memref<10240xf32, #tpu.memory_space<hbm>>, %arg6: memref<10000x64xbf16, #tpu.memory_space<hbm>>, %arg7: memref<10240x64xf32, #tpu.memory_space<hbm>>, %arg8: memref<10240xf32, #tpu.memory_space<hbm>>, %arg9: memref<2x10240x64xf32, #tpu.memory_space<hbm>>, %arg10: memref<2x10240xf32, #tpu.memory_space<hbm>>, %arg11: memref<5376xi32, #tpu.memory_space<vmem>>, %arg12: memref<5376xi32, #tpu.memory_space<vmem>>, %arg13: memref<10240xf32, #tpu.memory_space<vmem>>, %arg14: memref<10240xf32, #tpu.memory_space<vmem>>, %arg15: memref<128xi32, #tpu.memory_space<vmem>>, %arg16: memref<128xi32, #tpu.memory_space<vmem>>, %arg17: memref<128xf32, #tpu.memory_space<vmem>>, %arg18: memref<128xi32, #tpu.memory_space<vmem>>, %arg19: memref<128xi32, #tpu.memory_space<vmem>>, %arg20: memref<128xf32, #tpu.memory_space<vmem>>, %arg21: memref<128x64xbf16, #tpu.memory_space<vmem>>, %arg22: memref<128x64xf32, #tpu.memory_space<vmem>>, %arg23: memref<10240x64xf32, #tpu.memory_space<vmem_shared>>, %arg24: memref<10240xf32, #tpu.memory_space<vmem_shared>>, %arg25: memref<!tpu.dma_semaphore, #tpu.memory_space<semaphore_mem>>, %arg26: memref<!tpu.dma_semaphore, #tpu.memory_space<semaphore_mem>>) attributes {dimension_semantics = [#tpu.dimension_semantics<core_parallel>, #tpu.dimension_semantics<subcore_parallel>], iteration_bounds = array<i64: 2, 16>, scalar_prefetch = 0 : i64, scratch_operands = 16 : i64, tpu.core_type = #tpu.core_type<sc_vector_subcore>, window_params = [{transform_indices = #map}, {transform_indices = #map}, {transform_indices = #map1}, {transform_indices = #map1}, {transform_indices = #map}, {transform_indices = #map}, {transform_indices = #map1}, {transform_indices = #map2}, {transform_indices = #map}]} {
    %mul3A = arith.constant 16 : i32
    %mul3A_0 = arith.muli %arg0, %mul3A : i32
    %add3A = arith.addi %mul3A_0, %arg1 : i32
    %mul3A_1 = arith.constant 640 : i32
    %mul3A_2 = arith.muli %arg1, %mul3A_1 : i32
    "tpu.region"() ({
      %run_scoped3A = tpu.sem_alloc : memref<!tpu.dma_semaphore, #tpu.memory_space<semaphore_mem>>
      %dma_start3A = arith.constant 0 : i32
      %dma_start3A_9 = tpu.memref_slice %arg23[%mul3A_2, %dma_start3A] : memref<10240x64xf32, #tpu.memory_space<vmem_shared>> -> memref<640x64xf32, #tpu.memory_space<vmem_shared>>
      %dma_start3A_10 = arith.constant 0 : i32
      %dma_start3A_11 = tpu.memref_slice %arg7[%mul3A_2, %dma_start3A_10] : memref<10240x64xf32, #tpu.memory_space<hbm>> -> memref<640x64xf32, #tpu.memory_space<hbm>>
      tpu.enqueue_dma source(%dma_start3A_11 : memref<640x64xf32, #tpu.memory_space<hbm>>) target(%dma_start3A_9 : memref<640x64xf32, #tpu.memory_space<vmem_shared>>) target_semaphore(%run_scoped3A : memref<!tpu.dma_semaphore, #tpu.memory_space<semaphore_mem>>)
      %dma_wait3A = arith.constant 0 : i32
      %dma_wait3A_12 = tpu.memref_slice %arg23[%mul3A_2, %dma_wait3A] : memref<10240x64xf32, #tpu.memory_space<vmem_shared>> -> memref<640x64xf32, #tpu.memory_space<vmem_shared>>
      %dma_wait3A_13 = arith.constant 0 : i32
      %dma_wait3A_14 = tpu.memref_slice %arg7[%mul3A_2, %dma_wait3A_13] : memref<10240x64xf32, #tpu.memory_space<hbm>> -> memref<640x64xf32, #tpu.memory_space<hbm>>
      tpu.wait_dma2 semaphore(%run_scoped3A : memref<!tpu.dma_semaphore, #tpu.memory_space<semaphore_mem>>) src(%dma_wait3A_14 : memref<640x64xf32, #tpu.memory_space<hbm>>) dst(%dma_wait3A_12 : memref<640x64xf32, #tpu.memory_space<vmem_shared>>)
      tpu.yield
    }) : () -> ()
    "tpu.region"() ({
      %run_scoped3A = tpu.sem_alloc : memref<!tpu.dma_semaphore, #tpu.memory_space<semaphore_mem>>
      %dma_start3A = tpu.memref_slice %arg24[%mul3A_2] : memref<10240xf32, #tpu.memory_space<vmem_shared>> -> memref<640xf32, #tpu.memory_space<vmem_shared>>
      %dma_start3A_9 = tpu.memref_slice %arg8[%mul3A_2] : memref<10240xf32, #tpu.memory_space<hbm>> -> memref<640xf32, #tpu.memory_space<hbm>>
      tpu.enqueue_dma source(%dma_start3A_9 : memref<640xf32, #tpu.memory_space<hbm>>) target(%dma_start3A : memref<640xf32, #tpu.memory_space<vmem_shared>>) target_semaphore(%run_scoped3A : memref<!tpu.dma_semaphore, #tpu.memory_space<semaphore_mem>>)
      %dma_wait3A = tpu.memref_slice %arg24[%mul3A_2] : memref<10240xf32, #tpu.memory_space<vmem_shared>> -> memref<640xf32, #tpu.memory_space<vmem_shared>>
      %dma_wait3A_10 = tpu.memref_slice %arg8[%mul3A_2] : memref<10240xf32, #tpu.memory_space<hbm>> -> memref<640xf32, #tpu.memory_space<hbm>>
      tpu.wait_dma2 semaphore(%run_scoped3A : memref<!tpu.dma_semaphore, #tpu.memory_space<semaphore_mem>>) src(%dma_wait3A_10 : memref<640xf32, #tpu.memory_space<hbm>>) dst(%dma_wait3A : memref<640xf32, #tpu.memory_space<vmem_shared>>)
      tpu.yield
    }) : () -> ()
    "tpu.region"() ({
      %run_scoped3A = tpu.sem_alloc : memref<!tpu.dma_semaphore, #tpu.memory_space<semaphore_mem>>
      tpu.enqueue_dma source(%arg4 : memref<10240xf32, #tpu.memory_space<hbm>>) target(%arg13 : memref<10240xf32, #tpu.memory_space<vmem>>) target_semaphore(%run_scoped3A : memref<!tpu.dma_semaphore, #tpu.memory_space<semaphore_mem>>)
      tpu.wait_dma2 semaphore(%run_scoped3A : memref<!tpu.dma_semaphore, #tpu.memory_space<semaphore_mem>>) src(%arg4 : memref<10240xf32, #tpu.memory_space<hbm>>) dst(%arg13 : memref<10240xf32, #tpu.memory_space<vmem>>)
      tpu.yield
    }) : () -> ()
    "tpu.region"() ({
      %run_scoped3A = tpu.sem_alloc : memref<!tpu.dma_semaphore, #tpu.memory_space<semaphore_mem>>
      tpu.enqueue_dma source(%arg5 : memref<10240xf32, #tpu.memory_space<hbm>>) target(%arg14 : memref<10240xf32, #tpu.memory_space<vmem>>) target_semaphore(%run_scoped3A : memref<!tpu.dma_semaphore, #tpu.memory_space<semaphore_mem>>)
      tpu.wait_dma2 semaphore(%run_scoped3A : memref<!tpu.dma_semaphore, #tpu.memory_space<semaphore_mem>>) src(%arg5 : memref<10240xf32, #tpu.memory_space<hbm>>) dst(%arg14 : memref<10240xf32, #tpu.memory_space<vmem>>)
      tpu.yield
    }) : () -> ()
    "tpu.region"() ({
      %run_scoped3A = tpu.sem_alloc : memref<!tpu.dma_semaphore, #tpu.memory_space<semaphore_mem>>
      %dma_start3A = arith.constant 0 : i32
      %dma_start3A_9 = tpu.memref_slice %arg2[%add3A, %dma_start3A] : memref<32x5376xi32, #tpu.memory_space<hbm>> -> memref<1x5376xi32, #tpu.memory_space<hbm>>
      %dma_start3A_10 = tpu.memref_squeeze %dma_start3A_9 : memref<1x5376xi32, #tpu.memory_space<hbm>> -> memref<5376xi32, #tpu.memory_space<hbm>>
      %dma_start3A_11 = arith.constant 0 : i32
      %dma_start3A_12 = tpu.memref_slice %arg2[%add3A, %dma_start3A_11] : memref<32x5376xi32, #tpu.memory_space<hbm>> -> memref<1x5376xi32, #tpu.memory_space<hbm>>
      %dma_start3A_13 = tpu.memref_squeeze %dma_start3A_12 : memref<1x5376xi32, #tpu.memory_space<hbm>> -> memref<5376xi32, #tpu.memory_space<hbm>>
      tpu.enqueue_dma source(%dma_start3A_13 : memref<5376xi32, #tpu.memory_space<hbm>>) target(%arg11 : memref<5376xi32, #tpu.memory_space<vmem>>) target_semaphore(%run_scoped3A : memref<!tpu.dma_semaphore, #tpu.memory_space<semaphore_mem>>)
      %dma_wait3A = arith.constant 0 : i32
      %dma_wait3A_14 = tpu.memref_slice %arg2[%add3A, %dma_wait3A] : memref<32x5376xi32, #tpu.memory_space<hbm>> -> memref<1x5376xi32, #tpu.memory_space<hbm>>
      %dma_wait3A_15 = tpu.memref_squeeze %dma_wait3A_14 : memref<1x5376xi32, #tpu.memory_space<hbm>> -> memref<5376xi32, #tpu.memory_space<hbm>>
      %dma_wait3A_16 = arith.constant 0 : i32
      %dma_wait3A_17 = tpu.memref_slice %arg2[%add3A, %dma_wait3A_16] : memref<32x5376xi32, #tpu.memory_space<hbm>> -> memref<1x5376xi32, #tpu.memory_space<hbm>>
      %dma_wait3A_18 = tpu.memref_squeeze %dma_wait3A_17 : memref<1x5376xi32, #tpu.memory_space<hbm>> -> memref<5376xi32, #tpu.memory_space<hbm>>
      tpu.wait_dma2 semaphore(%run_scoped3A : memref<!tpu.dma_semaphore, #tpu.memory_space<semaphore_mem>>) src(%dma_wait3A_18 : memref<5376xi32, #tpu.memory_space<hbm>>) dst(%arg11 : memref<5376xi32, #tpu.memory_space<vmem>>)
      tpu.yield
    }) : () -> ()
    "tpu.region"() ({
      %run_scoped3A = tpu.sem_alloc : memref<!tpu.dma_semaphore, #tpu.memory_space<semaphore_mem>>
      %dma_start3A = arith.constant 0 : i32
      %dma_start3A_9 = tpu.memref_slice %arg3[%add3A, %dma_start3A] : memref<32x5376xi32, #tpu.memory_space<hbm>> -> memref<1x5376xi32, #tpu.memory_space<hbm>>
      %dma_start3A_10 = tpu.memref_squeeze %dma_start3A_9 : memref<1x5376xi32, #tpu.memory_space<hbm>> -> memref<5376xi32, #tpu.memory_space<hbm>>
      %dma_start3A_11 = arith.constant 0 : i32
      %dma_start3A_12 = tpu.memref_slice %arg3[%add3A, %dma_start3A_11] : memref<32x5376xi32, #tpu.memory_space<hbm>> -> memref<1x5376xi32, #tpu.memory_space<hbm>>
      %dma_start3A_13 = tpu.memref_squeeze %dma_start3A_12 : memref<1x5376xi32, #tpu.memory_space<hbm>> -> memref<5376xi32, #tpu.memory_space<hbm>>
      tpu.enqueue_dma source(%dma_start3A_13 : memref<5376xi32, #tpu.memory_space<hbm>>) target(%arg12 : memref<5376xi32, #tpu.memory_space<vmem>>) target_semaphore(%run_scoped3A : memref<!tpu.dma_semaphore, #tpu.memory_space<semaphore_mem>>)
      %dma_wait3A = arith.constant 0 : i32
      %dma_wait3A_14 = tpu.memref_slice %arg3[%add3A, %dma_wait3A] : memref<32x5376xi32, #tpu.memory_space<hbm>> -> memref<1x5376xi32, #tpu.memory_space<hbm>>
      %dma_wait3A_15 = tpu.memref_squeeze %dma_wait3A_14 : memref<1x5376xi32, #tpu.memory_space<hbm>> -> memref<5376xi32, #tpu.memory_space<hbm>>
      %dma_wait3A_16 = arith.constant 0 : i32
      %dma_wait3A_17 = tpu.memref_slice %arg3[%add3A, %dma_wait3A_16] : memref<32x5376xi32, #tpu.memory_space<hbm>> -> memref<1x5376xi32, #tpu.memory_space<hbm>>
      %dma_wait3A_18 = tpu.memref_squeeze %dma_wait3A_17 : memref<1x5376xi32, #tpu.memory_space<hbm>> -> memref<5376xi32, #tpu.memory_space<hbm>>
      tpu.wait_dma2 semaphore(%run_scoped3A : memref<!tpu.dma_semaphore, #tpu.memory_space<semaphore_mem>>) src(%dma_wait3A_18 : memref<5376xi32, #tpu.memory_space<hbm>>) dst(%arg12 : memref<5376xi32, #tpu.memory_space<vmem>>)
      tpu.yield
    }) : () -> ()
    %barrier3A = arith.constant 0 : index
    tpu.barrier barrier_id(%barrier3A)
    %scan3A = arith.constant 0 : i32
    %scan3A_3 = arith.constant 0 : i32
    %scan3A_4 = arith.constant 40 : i32
    %scan3A_5 = arith.addi %scan3A_3, %scan3A_4 : i32
    %scan3A_6 = arith.constant 1 : i32
    scf.for %scan3A_9 = %scan3A_3 to %scan3A_5 step %scan3A_6  : i32 {
      %scan3A_10 = arith.constant 0 : i32
      %scan3A_11 = arith.constant 0 : i32
      %mul3A_12 = arith.constant 128 : i32
      %mul3A_13 = arith.muli %scan3A_9, %mul3A_12 : i32
      %mul3A_14 = arith.constant 16 : i32
      %mul3A_15 = arith.muli %scan3A_11, %mul3A_14 : i32
      %add3A_16 = arith.addi %mul3A_13, %mul3A_15 : i32
      %get3A = arith.index_cast %add3A_16 : i32 to index
      %get3A_17 = tpu.vector_load %arg11[%get3A] {strides = array<i32>} : memref<5376xi32, #tpu.memory_space<vmem>>, vector<16xi32>,
      %get3A_18 = arith.index_cast %add3A_16 : i32 to index
      %get3A_19 = tpu.vector_load %arg12[%get3A_18] {strides = array<i32>} : memref<5376xi32, #tpu.memory_space<vmem>>, vector<16xi32>,
      %gather3A = tpu.vector_load_idx %arg13[%get3A_17] : memref<10240xf32, #tpu.memory_space<vmem>>[vector<16xi32>], vector<16xf32>,
      %gather3A_20 = tpu.vector_load_idx %arg14[%get3A_19] : memref<10240xf32, #tpu.memory_space<vmem>>[vector<16xi32>], vector<16xf32>,
      %add3A_21 = arith.addf %gather3A, %gather3A_20 : vector<16xf32>
      %gt3A = arith.constant 0.000000e+00 : f32
      %gt3A_22 = vector.broadcast %gt3A : f32 to vector<16xf32>
      %gt3A_23 = arith.cmpf ogt, %add3A_21, %gt3A_22 : vector<16xf32>
      %mul3A_24 = arith.constant 2.000000e-01 : f32
      %mul3A_25 = vector.broadcast %mul3A_24 : f32 to vector<16xf32>
      %mul3A_26 = arith.mulf %mul3A_25, %add3A_21 : vector<16xf32>
      %select_n3A = arith.select %gt3A_23, %add3A_21, %mul3A_26 : vector<16xi1>, vector<16xf32>
      %mul3A_27 = arith.constant 16 : i32
      %mul3A_28 = arith.muli %scan3A_11, %mul3A_27 : i32
      %swap3A = arith.index_cast %mul3A_28 : i32 to index
      %swap3A_29 = tpu.vector_load %arg15[%swap3A] {strides = array<i32>} : memref<128xi32, #tpu.memory_space<vmem>>, vector<16xi32>,
      tpu.vector_store %arg15[%swap3A], %get3A_17 {strides = array<i32>} : memref<128xi32, #tpu.memory_space<vmem>>, vector<16xi32>,
      %eq3A = arith.cmpi eq, %get3A_17, %get3A_19 : vector<16xi32>
      %jit3A = arith.constant 10000 : i32
      %broadcast_in_dim3A = vector.broadcast %jit3A : i32 to vector<16xi32>
      %select_n3A_30 = arith.select %eq3A, %broadcast_in_dim3A, %get3A_19 : vector<16xi1>, vector<16xi32>
      %mul3A_31 = arith.constant 16 : i32
      %mul3A_32 = arith.muli %scan3A_11, %mul3A_31 : i32
      %swap3A_33 = arith.index_cast %mul3A_32 : i32 to index
      %swap3A_34 = tpu.vector_load %arg16[%swap3A_33] {strides = array<i32>} : memref<128xi32, #tpu.memory_space<vmem>>, vector<16xi32>,
      tpu.vector_store %arg16[%swap3A_33], %select_n3A_30 {strides = array<i32>} : memref<128xi32, #tpu.memory_space<vmem>>, vector<16xi32>,
      %exp3A = math.exp %select_n3A : vector<16xf32>
      %mul3A_35 = arith.constant 16 : i32
      %mul3A_36 = arith.muli %scan3A_11, %mul3A_35 : i32
      %swap3A_37 = arith.index_cast %mul3A_36 : i32 to index
      %swap3A_38 = tpu.vector_load %arg17[%swap3A_37] {strides = array<i32>} : memref<128xf32, #tpu.memory_space<vmem>>, vector<16xf32>,
      tpu.vector_store %arg17[%swap3A_37], %exp3A {strides = array<i32>} : memref<128xf32, #tpu.memory_space<vmem>>, vector<16xf32>,
      %scan3A_39 = arith.constant 1 : i32
      %mul3A_40 = arith.constant 128 : i32
      %mul3A_41 = arith.muli %scan3A_9, %mul3A_40 : i32
      %mul3A_42 = arith.constant 16 : i32
      %mul3A_43 = arith.muli %scan3A_39, %mul3A_42 : i32
      %add3A_44 = arith.addi %mul3A_41, %mul3A_43 : i32
      %get3A_45 = arith.index_cast %add3A_44 : i32 to index
      %get3A_46 = tpu.vector_load %arg11[%get3A_45] {strides = array<i32>} : memref<5376xi32, #tpu.memory_space<vmem>>, vector<16xi32>,
      %get3A_47 = arith.index_cast %add3A_44 : i32 to index
      %get3A_48 = tpu.vector_load %arg12[%get3A_47] {strides = array<i32>} : memref<5376xi32, #tpu.memory_space<vmem>>, vector<16xi32>,
      %gather3A_49 = tpu.vector_load_idx %arg13[%get3A_46] : memref<10240xf32, #tpu.memory_space<vmem>>[vector<16xi32>], vector<16xf32>,
      %gather3A_50 = tpu.vector_load_idx %arg14[%get3A_48] : memref<10240xf32, #tpu.memory_space<vmem>>[vector<16xi32>], vector<16xf32>,
      %add3A_51 = arith.addf %gather3A_49, %gather3A_50 : vector<16xf32>
      %gt3A_52 = arith.constant 0.000000e+00 : f32
      %gt3A_53 = vector.broadcast %gt3A_52 : f32 to vector<16xf32>
      %gt3A_54 = arith.cmpf ogt, %add3A_51, %gt3A_53 : vector<16xf32>
      %mul3A_55 = arith.constant 2.000000e-01 : f32
      %mul3A_56 = vector.broadcast %mul3A_55 : f32 to vector<16xf32>
      %mul3A_57 = arith.mulf %mul3A_56, %add3A_51 : vector<16xf32>
      %select_n3A_58 = arith.select %gt3A_54, %add3A_51, %mul3A_57 : vector<16xi1>, vector<16xf32>
      %mul3A_59 = arith.constant 16 : i32
      %mul3A_60 = arith.muli %scan3A_39, %mul3A_59 : i32
      %swap3A_61 = arith.index_cast %mul3A_60 : i32 to index
      %swap3A_62 = tpu.vector_load %arg15[%swap3A_61] {strides = array<i32>} : memref<128xi32, #tpu.memory_space<vmem>>, vector<16xi32>,
      tpu.vector_store %arg15[%swap3A_61], %get3A_46 {strides = array<i32>} : memref<128xi32, #tpu.memory_space<vmem>>, vector<16xi32>,
      %eq3A_63 = arith.cmpi eq, %get3A_46, %get3A_48 : vector<16xi32>
      %jit3A_64 = arith.constant 10000 : i32
      %broadcast_in_dim3A_65 = vector.broadcast %jit3A_64 : i32 to vector<16xi32>
      %select_n3A_66 = arith.select %eq3A_63, %broadcast_in_dim3A_65, %get3A_48 : vector<16xi1>, vector<16xi32>
      %mul3A_67 = arith.constant 16 : i32
      %mul3A_68 = arith.muli %scan3A_39, %mul3A_67 : i32
      %swap3A_69 = arith.index_cast %mul3A_68 : i32 to index
      %swap3A_70 = tpu.vector_load %arg16[%swap3A_69] {strides = array<i32>} : memref<128xi32, #tpu.memory_space<vmem>>, vector<16xi32>,
      tpu.vector_store %arg16[%swap3A_69], %select_n3A_66 {strides = array<i32>} : memref<128xi32, #tpu.memory_space<vmem>>, vector<16xi32>,
      %exp3A_71 = math.exp %select_n3A_58 : vector<16xf32>
      %mul3A_72 = arith.constant 16 : i32
      %mul3A_73 = arith.muli %scan3A_39, %mul3A_72 : i32
      %swap3A_74 = arith.index_cast %mul3A_73 : i32 to index
      %swap3A_75 = tpu.vector_load %arg17[%swap3A_74] {strides = array<i32>} : memref<128xf32, #tpu.memory_space<vmem>>, vector<16xf32>,
      tpu.vector_store %arg17[%swap3A_74], %exp3A_71 {strides = array<i32>} : memref<128xf32, #tpu.memory_space<vmem>>, vector<16xf32>,
      %scan3A_76 = arith.constant 2 : i32
      %mul3A_77 = arith.constant 128 : i32
      %mul3A_78 = arith.muli %scan3A_9, %mul3A_77 : i32
      %mul3A_79 = arith.constant 16 : i32
      %mul3A_80 = arith.muli %scan3A_76, %mul3A_79 : i32
      %add3A_81 = arith.addi %mul3A_78, %mul3A_80 : i32
      %get3A_82 = arith.index_cast %add3A_81 : i32 to index
      %get3A_83 = tpu.vector_load %arg11[%get3A_82] {strides = array<i32>} : memref<5376xi32, #tpu.memory_space<vmem>>, vector<16xi32>,
      %get3A_84 = arith.index_cast %add3A_81 : i32 to index
      %get3A_85 = tpu.vector_load %arg12[%get3A_84] {strides = array<i32>} : memref<5376xi32, #tpu.memory_space<vmem>>, vector<16xi32>,
      %gather3A_86 = tpu.vector_load_idx %arg13[%get3A_83] : memref<10240xf32, #tpu.memory_space<vmem>>[vector<16xi32>], vector<16xf32>,
      %gather3A_87 = tpu.vector_load_idx %arg14[%get3A_85] : memref<10240xf32, #tpu.memory_space<vmem>>[vector<16xi32>], vector<16xf32>,
      %add3A_88 = arith.addf %gather3A_86, %gather3A_87 : vector<16xf32>
      %gt3A_89 = arith.constant 0.000000e+00 : f32
      %gt3A_90 = vector.broadcast %gt3A_89 : f32 to vector<16xf32>
      %gt3A_91 = arith.cmpf ogt, %add3A_88, %gt3A_90 : vector<16xf32>
      %mul3A_92 = arith.constant 2.000000e-01 : f32
      %mul3A_93 = vector.broadcast %mul3A_92 : f32 to vector<16xf32>
      %mul3A_94 = arith.mulf %mul3A_93, %add3A_88 : vector<16xf32>
      %select_n3A_95 = arith.select %gt3A_91, %add3A_88, %mul3A_94 : vector<16xi1>, vector<16xf32>
      %mul3A_96 = arith.constant 16 : i32
      %mul3A_97 = arith.muli %scan3A_76, %mul3A_96 : i32
      %swap3A_98 = arith.index_cast %mul3A_97 : i32 to index
      %swap3A_99 = tpu.vector_load %arg15[%swap3A_98] {strides = array<i32>} : memref<128xi32, #tpu.memory_space<vmem>>, vector<16xi32>,
      tpu.vector_store %arg15[%swap3A_98], %get3A_83 {strides = array<i32>} : memref<128xi32, #tpu.memory_space<vmem>>, vector<16xi32>,
      %eq3A_100 = arith.cmpi eq, %get3A_83, %get3A_85 : vector<16xi32>
      %jit3A_101 = arith.constant 10000 : i32
      %broadcast_in_dim3A_102 = vector.broadcast %jit3A_101 : i32 to vector<16xi32>
      %select_n3A_103 = arith.select %eq3A_100, %broadcast_in_dim3A_102, %get3A_85 : vector<16xi1>, vector<16xi32>
      %mul3A_104 = arith.constant 16 : i32
      %mul3A_105 = arith.muli %scan3A_76, %mul3A_104 : i32
      %swap3A_106 = arith.index_cast %mul3A_105 : i32 to index
      %swap3A_107 = tpu.vector_load %arg16[%swap3A_106] {strides = array<i32>} : memref<128xi32, #tpu.memory_space<vmem>>, vector<16xi32>,
      tpu.vector_store %arg16[%swap3A_106], %select_n3A_103 {strides = array<i32>} : memref<128xi32, #tpu.memory_space<vmem>>, vector<16xi32>,
      %exp3A_108 = math.exp %select_n3A_95 : vector<16xf32>
      %mul3A_109 = arith.constant 16 : i32
      %mul3A_110 = arith.muli %scan3A_76, %mul3A_109 : i32
      %swap3A_111 = arith.index_cast %mul3A_110 : i32 to index
      %swap3A_112 = tpu.vector_load %arg17[%swap3A_111] {strides = array<i32>} : memref<128xf32, #tpu.memory_space<vmem>>, vector<16xf32>,
      tpu.vector_store %arg17[%swap3A_111], %exp3A_108 {strides = array<i32>} : memref<128xf32, #tpu.memory_space<vmem>>, vector<16xf32>,
      %scan3A_113 = arith.constant 3 : i32
      %mul3A_114 = arith.constant 128 : i32
      %mul3A_115 = arith.muli %scan3A_9, %mul3A_114 : i32
      %mul3A_116 = arith.constant 16 : i32
      %mul3A_117 = arith.muli %scan3A_113, %mul3A_116 : i32
      %add3A_118 = arith.addi %mul3A_115, %mul3A_117 : i32
      %get3A_119 = arith.index_cast %add3A_118 : i32 to index
      %get3A_120 = tpu.vector_load %arg11[%get3A_119] {strides = array<i32>} : memref<5376xi32, #tpu.memory_space<vmem>>, vector<16xi32>,
      %get3A_121 = arith.index_cast %add3A_118 : i32 to index
      %get3A_122 = tpu.vector_load %arg12[%get3A_121] {strides = array<i32>} : memref<5376xi32, #tpu.memory_space<vmem>>, vector<16xi32>,
      %gather3A_123 = tpu.vector_load_idx %arg13[%get3A_120] : memref<10240xf32, #tpu.memory_space<vmem>>[vector<16xi32>], vector<16xf32>,
      %gather3A_124 = tpu.vector_load_idx %arg14[%get3A_122] : memref<10240xf32, #tpu.memory_space<vmem>>[vector<16xi32>], vector<16xf32>,
      %add3A_125 = arith.addf %gather3A_123, %gather3A_124 : vector<16xf32>
      %gt3A_126 = arith.constant 0.000000e+00 : f32
      %gt3A_127 = vector.broadcast %gt3A_126 : f32 to vector<16xf32>
      %gt3A_128 = arith.cmpf ogt, %add3A_125, %gt3A_127 : vector<16xf32>
      %mul3A_129 = arith.constant 2.000000e-01 : f32
      %mul3A_130 = vector.broadcast %mul3A_129 : f32 to vector<16xf32>
      %mul3A_131 = arith.mulf %mul3A_130, %add3A_125 : vector<16xf32>
      %select_n3A_132 = arith.select %gt3A_128, %add3A_125, %mul3A_131 : vector<16xi1>, vector<16xf32>
      %mul3A_133 = arith.constant 16 : i32
      %mul3A_134 = arith.muli %scan3A_113, %mul3A_133 : i32
      %swap3A_135 = arith.index_cast %mul3A_134 : i32 to index
      %swap3A_136 = tpu.vector_load %arg15[%swap3A_135] {strides = array<i32>} : memref<128xi32, #tpu.memory_space<vmem>>, vector<16xi32>,
      tpu.vector_store %arg15[%swap3A_135], %get3A_120 {strides = array<i32>} : memref<128xi32, #tpu.memory_space<vmem>>, vector<16xi32>,
      %eq3A_137 = arith.cmpi eq, %get3A_120, %get3A_122 : vector<16xi32>
      %jit3A_138 = arith.constant 10000 : i32
      %broadcast_in_dim3A_139 = vector.broadcast %jit3A_138 : i32 to vector<16xi32>
      %select_n3A_140 = arith.select %eq3A_137, %broadcast_in_dim3A_139, %get3A_122 : vector<16xi1>, vector<16xi32>
      %mul3A_141 = arith.constant 16 : i32
      %mul3A_142 = arith.muli %scan3A_113, %mul3A_141 : i32
      %swap3A_143 = arith.index_cast %mul3A_142 : i32 to index
      %swap3A_144 = tpu.vector_load %arg16[%swap3A_143] {strides = array<i32>} : memref<128xi32, #tpu.memory_space<vmem>>, vector<16xi32>,
      tpu.vector_store %arg16[%swap3A_143], %select_n3A_140 {strides = array<i32>} : memref<128xi32, #tpu.memory_space<vmem>>, vector<16xi32>,
      %exp3A_145 = math.exp %select_n3A_132 : vector<16xf32>
      %mul3A_146 = arith.constant 16 : i32
      %mul3A_147 = arith.muli %scan3A_113, %mul3A_146 : i32
      %swap3A_148 = arith.index_cast %mul3A_147 : i32 to index
      %swap3A_149 = tpu.vector_load %arg17[%swap3A_148] {strides = array<i32>} : memref<128xf32, #tpu.memory_space<vmem>>, vector<16xf32>,
      tpu.vector_store %arg17[%swap3A_148], %exp3A_145 {strides = array<i32>} : memref<128xf32, #tpu.memory_space<vmem>>, vector<16xf32>,
      %scan3A_150 = arith.constant 4 : i32
      %mul3A_151 = arith.constant 128 : i32
      %mul3A_152 = arith.muli %scan3A_9, %mul3A_151 : i32
      %mul3A_153 = arith.constant 16 : i32
      %mul3A_154 = arith.muli %scan3A_150, %mul3A_153 : i32
      %add3A_155 = arith.addi %mul3A_152, %mul3A_154 : i32
      %get3A_156 = arith.index_cast %add3A_155 : i32 to index
      %get3A_157 = tpu.vector_load %arg11[%get3A_156] {strides = array<i32>} : memref<5376xi32, #tpu.memory_space<vmem>>, vector<16xi32>,
      %get3A_158 = arith.index_cast %add3A_155 : i32 to index
      %get3A_159 = tpu.vector_load %arg12[%get3A_158] {strides = array<i32>} : memref<5376xi32, #tpu.memory_space<vmem>>, vector<16xi32>,
      %gather3A_160 = tpu.vector_load_idx %arg13[%get3A_157] : memref<10240xf32, #tpu.memory_space<vmem>>[vector<16xi32>], vector<16xf32>,
      %gather3A_161 = tpu.vector_load_idx %arg14[%get3A_159] : memref<10240xf32, #tpu.memory_space<vmem>>[vector<16xi32>], vector<16xf32>,
      %add3A_162 = arith.addf %gather3A_160, %gather3A_161 : vector<16xf32>
      %gt3A_163 = arith.constant 0.000000e+00 : f32
      %gt3A_164 = vector.broadcast %gt3A_163 : f32 to vector<16xf32>
      %gt3A_165 = arith.cmpf ogt, %add3A_162, %gt3A_164 : vector<16xf32>
      %mul3A_166 = arith.constant 2.000000e-01 : f32
      %mul3A_167 = vector.broadcast %mul3A_166 : f32 to vector<16xf32>
      %mul3A_168 = arith.mulf %mul3A_167, %add3A_162 : vector<16xf32>
      %select_n3A_169 = arith.select %gt3A_165, %add3A_162, %mul3A_168 : vector<16xi1>, vector<16xf32>
      %mul3A_170 = arith.constant 16 : i32
      %mul3A_171 = arith.muli %scan3A_150, %mul3A_170 : i32
      %swap3A_172 = arith.index_cast %mul3A_171 : i32 to index
      %swap3A_173 = tpu.vector_load %arg15[%swap3A_172] {strides = array<i32>} : memref<128xi32, #tpu.memory_space<vmem>>, vector<16xi32>,
      tpu.vector_store %arg15[%swap3A_172], %get3A_157 {strides = array<i32>} : memref<128xi32, #tpu.memory_space<vmem>>, vector<16xi32>,
      %eq3A_174 = arith.cmpi eq, %get3A_157, %get3A_159 : vector<16xi32>
      %jit3A_175 = arith.constant 10000 : i32
      %broadcast_in_dim3A_176 = vector.broadcast %jit3A_175 : i32 to vector<16xi32>
      %select_n3A_177 = arith.select %eq3A_174, %broadcast_in_dim3A_176, %get3A_159 : vector<16xi1>, vector<16xi32>
      %mul3A_178 = arith.constant 16 : i32
      %mul3A_179 = arith.muli %scan3A_150, %mul3A_178 : i32
      %swap3A_180 = arith.index_cast %mul3A_179 : i32 to index
      %swap3A_181 = tpu.vector_load %arg16[%swap3A_180] {strides = array<i32>} : memref<128xi32, #tpu.memory_space<vmem>>, vector<16xi32>,
      tpu.vector_store %arg16[%swap3A_180], %select_n3A_177 {strides = array<i32>} : memref<128xi32, #tpu.memory_space<vmem>>, vector<16xi32>,
      %exp3A_182 = math.exp %select_n3A_169 : vector<16xf32>
      %mul3A_183 = arith.constant 16 : i32
      %mul3A_184 = arith.muli %scan3A_150, %mul3A_183 : i32
      %swap3A_185 = arith.index_cast %mul3A_184 : i32 to index
      %swap3A_186 = tpu.vector_load %arg17[%swap3A_185] {strides = array<i32>} : memref<128xf32, #tpu.memory_space<vmem>>, vector<16xf32>,
      tpu.vector_store %arg17[%swap3A_185], %exp3A_182 {strides = array<i32>} : memref<128xf32, #tpu.memory_space<vmem>>, vector<16xf32>,
      %scan3A_187 = arith.constant 5 : i32
      %mul3A_188 = arith.constant 128 : i32
      %mul3A_189 = arith.muli %scan3A_9, %mul3A_188 : i32
      %mul3A_190 = arith.constant 16 : i32
      %mul3A_191 = arith.muli %scan3A_187, %mul3A_190 : i32
      %add3A_192 = arith.addi %mul3A_189, %mul3A_191 : i32
      %get3A_193 = arith.index_cast %add3A_192 : i32 to index
      %get3A_194 = tpu.vector_load %arg11[%get3A_193] {strides = array<i32>} : memref<5376xi32, #tpu.memory_space<vmem>>, vector<16xi32>,
      %get3A_195 = arith.index_cast %add3A_192 : i32 to index
      %get3A_196 = tpu.vector_load %arg12[%get3A_195] {strides = array<i32>} : memref<5376xi32, #tpu.memory_space<vmem>>, vector<16xi32>,
      %gather3A_197 = tpu.vector_load_idx %arg13[%get3A_194] : memref<10240xf32, #tpu.memory_space<vmem>>[vector<16xi32>], vector<16xf32>,
      %gather3A_198 = tpu.vector_load_idx %arg14[%get3A_196] : memref<10240xf32, #tpu.memory_space<vmem>>[vector<16xi32>], vector<16xf32>,
      %add3A_199 = arith.addf %gather3A_197, %gather3A_198 : vector<16xf32>
      %gt3A_200 = arith.constant 0.000000e+00 : f32
      %gt3A_201 = vector.broadcast %gt3A_200 : f32 to vector<16xf32>
      %gt3A_202 = arith.cmpf ogt, %add3A_199, %gt3A_201 : vector<16xf32>
      %mul3A_203 = arith.constant 2.000000e-01 : f32
      %mul3A_204 = vector.broadcast %mul3A_203 : f32 to vector<16xf32>
      %mul3A_205 = arith.mulf %mul3A_204, %add3A_199 : vector<16xf32>
      %select_n3A_206 = arith.select %gt3A_202, %add3A_199, %mul3A_205 : vector<16xi1>, vector<16xf32>
      %mul3A_207 = arith.constant 16 : i32
      %mul3A_208 = arith.muli %scan3A_187, %mul3A_207 : i32
      %swap3A_209 = arith.index_cast %mul3A_208 : i32 to index
      %swap3A_210 = tpu.vector_load %arg15[%swap3A_209] {strides = array<i32>} : memref<128xi32, #tpu.memory_space<vmem>>, vector<16xi32>,
      tpu.vector_store %arg15[%swap3A_209], %get3A_194 {strides = array<i32>} : memref<128xi32, #tpu.memory_space<vmem>>, vector<16xi32>,
      %eq3A_211 = arith.cmpi eq, %get3A_194, %get3A_196 : vector<16xi32>
      %jit3A_212 = arith.constant 10000 : i32
      %broadcast_in_dim3A_213 = vector.broadcast %jit3A_212 : i32 to vector<16xi32>
      %select_n3A_214 = arith.select %eq3A_211, %broadcast_in_dim3A_213, %get3A_196 : vector<16xi1>, vector<16xi32>
      %mul3A_215 = arith.constant 16 : i32
      %mul3A_216 = arith.muli %scan3A_187, %mul3A_215 : i32
      %swap3A_217 = arith.index_cast %mul3A_216 : i32 to index
      %swap3A_218 = tpu.vector_load %arg16[%swap3A_217] {strides = array<i32>} : memref<128xi32, #tpu.memory_space<vmem>>, vector<16xi32>,
      tpu.vector_store %arg16[%swap3A_217], %select_n3A_214 {strides = array<i32>} : memref<128xi32, #tpu.memory_space<vmem>>, vector<16xi32>,
      %exp3A_219 = math.exp %select_n3A_206 : vector<16xf32>
      %mul3A_220 = arith.constant 16 : i32
      %mul3A_221 = arith.muli %scan3A_187, %mul3A_220 : i32
      %swap3A_222 = arith.index_cast %mul3A_221 : i32 to index
      %swap3A_223 = tpu.vector_load %arg17[%swap3A_222] {strides = array<i32>} : memref<128xf32, #tpu.memory_space<vmem>>, vector<16xf32>,
      tpu.vector_store %arg17[%swap3A_222], %exp3A_219 {strides = array<i32>} : memref<128xf32, #tpu.memory_space<vmem>>, vector<16xf32>,
      %scan3A_224 = arith.constant 6 : i32
      %mul3A_225 = arith.constant 128 : i32
      %mul3A_226 = arith.muli %scan3A_9, %mul3A_225 : i32
      %mul3A_227 = arith.constant 16 : i32
      %mul3A_228 = arith.muli %scan3A_224, %mul3A_227 : i32
      %add3A_229 = arith.addi %mul3A_226, %mul3A_228 : i32
      %get3A_230 = arith.index_cast %add3A_229 : i32 to index
      %get3A_231 = tpu.vector_load %arg11[%get3A_230] {strides = array<i32>} : memref<5376xi32, #tpu.memory_space<vmem>>, vector<16xi32>,
      %get3A_232 = arith.index_cast %add3A_229 : i32 to index
      %get3A_233 = tpu.vector_load %arg12[%get3A_232] {strides = array<i32>} : memref<5376xi32, #tpu.memory_space<vmem>>, vector<16xi32>,
      %gather3A_234 = tpu.vector_load_idx %arg13[%get3A_231] : memref<10240xf32, #tpu.memory_space<vmem>>[vector<16xi32>], vector<16xf32>,
      %gather3A_235 = tpu.vector_load_idx %arg14[%get3A_233] : memref<10240xf32, #tpu.memory_space<vmem>>[vector<16xi32>], vector<16xf32>,
      %add3A_236 = arith.addf %gather3A_234, %gather3A_235 : vector<16xf32>
      %gt3A_237 = arith.constant 0.000000e+00 : f32
      %gt3A_238 = vector.broadcast %gt3A_237 : f32 to vector<16xf32>
      %gt3A_239 = arith.cmpf ogt, %add3A_236, %gt3A_238 : vector<16xf32>
      %mul3A_240 = arith.constant 2.000000e-01 : f32
      %mul3A_241 = vector.broadcast %mul3A_240 : f32 to vector<16xf32>
      %mul3A_242 = arith.mulf %mul3A_241, %add3A_236 : vector<16xf32>
      %select_n3A_243 = arith.select %gt3A_239, %add3A_236, %mul3A_242 : vector<16xi1>, vector<16xf32>
      %mul3A_244 = arith.constant 16 : i32
      %mul3A_245 = arith.muli %scan3A_224, %mul3A_244 : i32
      %swap3A_246 = arith.index_cast %mul3A_245 : i32 to index
      %swap3A_247 = tpu.vector_load %arg15[%swap3A_246] {strides = array<i32>} : memref<128xi32, #tpu.memory_space<vmem>>, vector<16xi32>,
      tpu.vector_store %arg15[%swap3A_246], %get3A_231 {strides = array<i32>} : memref<128xi32, #tpu.memory_space<vmem>>, vector<16xi32>,
      %eq3A_248 = arith.cmpi eq, %get3A_231, %get3A_233 : vector<16xi32>
      %jit3A_249 = arith.constant 10000 : i32
      %broadcast_in_dim3A_250 = vector.broadcast %jit3A_249 : i32 to vector<16xi32>
      %select_n3A_251 = arith.select %eq3A_248, %broadcast_in_dim3A_250, %get3A_233 : vector<16xi1>, vector<16xi32>
      %mul3A_252 = arith.constant 16 : i32
      %mul3A_253 = arith.muli %scan3A_224, %mul3A_252 : i32
      %swap3A_254 = arith.index_cast %mul3A_253 : i32 to index
      %swap3A_255 = tpu.vector_load %arg16[%swap3A_254] {strides = array<i32>} : memref<128xi32, #tpu.memory_space<vmem>>, vector<16xi32>,
      tpu.vector_store %arg16[%swap3A_254], %select_n3A_251 {strides = array<i32>} : memref<128xi32, #tpu.memory_space<vmem>>, vector<16xi32>,
      %exp3A_256 = math.exp %select_n3A_243 : vector<16xf32>
      %mul3A_257 = arith.constant 16 : i32
      %mul3A_258 = arith.muli %scan3A_224, %mul3A_257 : i32
      %swap3A_259 = arith.index_cast %mul3A_258 : i32 to index
      %swap3A_260 = tpu.vector_load %arg17[%swap3A_259] {strides = array<i32>} : memref<128xf32, #tpu.memory_space<vmem>>, vector<16xf32>,
      tpu.vector_store %arg17[%swap3A_259], %exp3A_256 {strides = array<i32>} : memref<128xf32, #tpu.memory_space<vmem>>, vector<16xf32>,
      %scan3A_261 = arith.constant 7 : i32
      %mul3A_262 = arith.constant 128 : i32
      %mul3A_263 = arith.muli %scan3A_9, %mul3A_262 : i32
      %mul3A_264 = arith.constant 16 : i32
      %mul3A_265 = arith.muli %scan3A_261, %mul3A_264 : i32
      %add3A_266 = arith.addi %mul3A_263, %mul3A_265 : i32
      %get3A_267 = arith.index_cast %add3A_266 : i32 to index
      %get3A_268 = tpu.vector_load %arg11[%get3A_267] {strides = array<i32>} : memref<5376xi32, #tpu.memory_space<vmem>>, vector<16xi32>,
      %get3A_269 = arith.index_cast %add3A_266 : i32 to index
      %get3A_270 = tpu.vector_load %arg12[%get3A_269] {strides = array<i32>} : memref<5376xi32, #tpu.memory_space<vmem>>, vector<16xi32>,
      %gather3A_271 = tpu.vector_load_idx %arg13[%get3A_268] : memref<10240xf32, #tpu.memory_space<vmem>>[vector<16xi32>], vector<16xf32>,
      %gather3A_272 = tpu.vector_load_idx %arg14[%get3A_270] : memref<10240xf32, #tpu.memory_space<vmem>>[vector<16xi32>], vector<16xf32>,
      %add3A_273 = arith.addf %gather3A_271, %gather3A_272 : vector<16xf32>
      %gt3A_274 = arith.constant 0.000000e+00 : f32
      %gt3A_275 = vector.broadcast %gt3A_274 : f32 to vector<16xf32>
      %gt3A_276 = arith.cmpf ogt, %add3A_273, %gt3A_275 : vector<16xf32>
      %mul3A_277 = arith.constant 2.000000e-01 : f32
      %mul3A_278 = vector.broadcast %mul3A_277 : f32 to vector<16xf32>
      %mul3A_279 = arith.mulf %mul3A_278, %add3A_273 : vector<16xf32>
      %select_n3A_280 = arith.select %gt3A_276, %add3A_273, %mul3A_279 : vector<16xi1>, vector<16xf32>
      %mul3A_281 = arith.constant 16 : i32
      %mul3A_282 = arith.muli %scan3A_261, %mul3A_281 : i32
      %swap3A_283 = arith.index_cast %mul3A_282 : i32 to index
      %swap3A_284 = tpu.vector_load %arg15[%swap3A_283] {strides = array<i32>} : memref<128xi32, #tpu.memory_space<vmem>>, vector<16xi32>,
      tpu.vector_store %arg15[%swap3A_283], %get3A_268 {strides = array<i32>} : memref<128xi32, #tpu.memory_space<vmem>>, vector<16xi32>,
      %eq3A_285 = arith.cmpi eq, %get3A_268, %get3A_270 : vector<16xi32>
      %jit3A_286 = arith.constant 10000 : i32
      %broadcast_in_dim3A_287 = vector.broadcast %jit3A_286 : i32 to vector<16xi32>
      %select_n3A_288 = arith.select %eq3A_285, %broadcast_in_dim3A_287, %get3A_270 : vector<16xi1>, vector<16xi32>
      %mul3A_289 = arith.constant 16 : i32
      %mul3A_290 = arith.muli %scan3A_261, %mul3A_289 : i32
      %swap3A_291 = arith.index_cast %mul3A_290 : i32 to index
      %swap3A_292 = tpu.vector_load %arg16[%swap3A_291] {strides = array<i32>} : memref<128xi32, #tpu.memory_space<vmem>>, vector<16xi32>,
      tpu.vector_store %arg16[%swap3A_291], %select_n3A_288 {strides = array<i32>} : memref<128xi32, #tpu.memory_space<vmem>>, vector<16xi32>,
      %exp3A_293 = math.exp %select_n3A_280 : vector<16xf32>
      %mul3A_294 = arith.constant 16 : i32
      %mul3A_295 = arith.muli %scan3A_261, %mul3A_294 : i32
      %swap3A_296 = arith.index_cast %mul3A_295 : i32 to index
      %swap3A_297 = tpu.vector_load %arg17[%swap3A_296] {strides = array<i32>} : memref<128xf32, #tpu.memory_space<vmem>>, vector<16xf32>,
      tpu.vector_store %arg17[%swap3A_296], %exp3A_293 {strides = array<i32>} : memref<128xf32, #tpu.memory_space<vmem>>, vector<16xf32>,
      %scan3A_298 = arith.constant 8 : i32
      %dma_start3A = arith.constant 0 : i32
      %dma_start3A_299 = arith.constant 0 : i32
      %dma_start3A_300 = tpu.memref_slice %arg6[%dma_start3A, %dma_start3A_299] : memref<10000x64xbf16, #tpu.memory_space<hbm>> -> memref<10000x64xbf16, #tpu.memory_space<hbm>>
      tpu.enqueue_indirect_dma source(%dma_start3A_300 : memref<10000x64xbf16, #tpu.memory_space<hbm>>) target(%arg21 : memref<128x64xbf16, #tpu.memory_space<vmem>>) offsets(%arg15 : memref<128xi32, #tpu.memory_space<vmem>>) semaphore(%arg25 : memref<!tpu.dma_semaphore, #tpu.memory_space<semaphore_mem>>)
      %dma_wait3A = arith.constant 0 : i32
      %dma_wait3A_301 = arith.constant 0 : i32
      %dma_wait3A_302 = tpu.memref_slice %arg6[%dma_wait3A, %dma_wait3A_301] : memref<10000x64xbf16, #tpu.memory_space<hbm>> -> memref<10000x64xbf16, #tpu.memory_space<hbm>>
      tpu.wait_indirect_dma semaphore(%arg25 : memref<!tpu.dma_semaphore, #tpu.memory_space<semaphore_mem>>) src(%dma_wait3A_302 : memref<10000x64xbf16, #tpu.memory_space<hbm>>) dst(%arg21 : memref<128x64xbf16, #tpu.memory_space<vmem>>)
      %scan3A_303 = arith.constant 0 : i32
      %scan3A_304 = arith.constant 0 : i32
      %scan3A_305 = arith.constant 8 : i32
      %scan3A_306 = arith.addi %scan3A_304, %scan3A_305 : i32
      %scan3A_307 = arith.constant 1 : i32
      scf.for %scan3A_319 = %scan3A_304 to %scan3A_306 step %scan3A_307  : i32 {
        %mul3A_320 = arith.constant 16 : i32
        %mul3A_321 = arith.muli %scan3A_319, %mul3A_320 : i32
        %get3A_322 = arith.index_cast %mul3A_321 : i32 to index
        %get3A_323 = tpu.vector_load %arg17[%get3A_322] {strides = array<i32>} : memref<128xf32, #tpu.memory_space<vmem>>, vector<16xf32>,
        %slice3A = vector.extract_strided_slice %get3A_323 {offsets = [0], sizes = [1], strides = [1]} : vector<16xf32> to vector<1xf32>
        %squeeze3A = vector.extract %slice3A[0] : f32 from vector<1xf32>
        %mul3A_324 = arith.constant 16 : i32
        %mul3A_325 = arith.muli %scan3A_319, %mul3A_324 : i32
        %add3A_326 = arith.constant 0 : i32
        %add3A_327 = arith.addi %mul3A_325, %add3A_326 : i32
        %get3A_328 = arith.index_cast %add3A_327 : i32 to index
        %get3A_329 = arith.constant 0 : index
        %get3A_330 = tpu.vector_load %arg21[%get3A_328, %get3A_329] {strides = array<i32>} : memref<128x64xbf16, #tpu.memory_space<vmem>>, vector<32xbf16>,
        %bitcast3A = vector.bitcast %get3A_330 : vector<32xbf16> to vector<16xi32>
        %shift_left3A = arith.constant 16 : i32
        %shift_left3A_331 = vector.broadcast %shift_left3A : i32 to vector<16xi32>
        %shift_left3A_332 = arith.shli %bitcast3A, %shift_left3A_331 : vector<16xi32>
        %bitcast3A_333 = vector.bitcast %shift_left3A_332 : vector<16xi32> to vector<16xf32>
        %mul3A_334 = vector.broadcast %squeeze3A : f32 to vector<16xf32>
        %mul3A_335 = arith.mulf %bitcast3A_333, %mul3A_334 : vector<16xf32>
        %and3A = arith.constant -65536 : i32
        %and3A_336 = vector.broadcast %and3A : i32 to vector<16xi32>
        %and3A_337 = arith.andi %bitcast3A, %and3A_336 : vector<16xi32>
        %bitcast3A_338 = vector.bitcast %and3A_337 : vector<16xi32> to vector<16xf32>
        %mul3A_339 = vector.broadcast %squeeze3A : f32 to vector<16xf32>
        %mul3A_340 = arith.mulf %bitcast3A_338, %mul3A_339 : vector<16xf32>
        %swap3A_341 = arith.index_cast %add3A_327 : i32 to index
        %swap3A_342 = arith.constant 0 : index
        %swap3A_343 = tpu.vector_load %arg22[%swap3A_341, %swap3A_342] {strides = array<i32>} : memref<128x64xf32, #tpu.memory_space<vmem>>, vector<16xf32>,
        tpu.vector_store %arg22[%swap3A_341, %swap3A_342], %mul3A_335 {strides = array<i32>} : memref<128x64xf32, #tpu.memory_space<vmem>>, vector<16xf32>,
        %swap3A_344 = arith.index_cast %add3A_327 : i32 to index
        %swap3A_345 = arith.constant 16 : index
        %swap3A_346 = tpu.vector_load %arg22[%swap3A_344, %swap3A_345] {strides = array<i32>} : memref<128x64xf32, #tpu.memory_space<vmem>>, vector<16xf32>,
        tpu.vector_store %arg22[%swap3A_344, %swap3A_345], %mul3A_340 {strides = array<i32>} : memref<128x64xf32, #tpu.memory_space<vmem>>, vector<16xf32>,
        %get3A_347 = arith.index_cast %add3A_327 : i32 to index
        %get3A_348 = arith.constant 32 : index
        %get3A_349 = tpu.vector_load %arg21[%get3A_347, %get3A_348] {strides = array<i32>} : memref<128x64xbf16, #tpu.memory_space<vmem>>, vector<32xbf16>,
        %bitcast3A_350 = vector.bitcast %get3A_349 : vector<32xbf16> to vector<16xi32>
        %shift_left3A_351 = arith.constant 16 : i32
        %shift_left3A_352 = vector.broadcast %shift_left3A_351 : i32 to vector<16xi32>
        %shift_left3A_353 = arith.shli %bitcast3A_350, %shift_left3A_352 : vector<16xi32>
        %bitcast3A_354 = vector.bitcast %shift_left3A_353 : vector<16xi32> to vector<16xf32>
        %mul3A_355 = vector.broadcast %squeeze3A : f32 to vector<16xf32>
        %mul3A_356 = arith.mulf %bitcast3A_354, %mul3A_355 : vector<16xf32>
        %and3A_357 = arith.constant -65536 : i32
        %and3A_358 = vector.broadcast %and3A_357 : i32 to vector<16xi32>
        %and3A_359 = arith.andi %bitcast3A_350, %and3A_358 : vector<16xi32>
        %bitcast3A_360 = vector.bitcast %and3A_359 : vector<16xi32> to vector<16xf32>
        %mul3A_361 = vector.broadcast %squeeze3A : f32 to vector<16xf32>
        %mul3A_362 = arith.mulf %bitcast3A_360, %mul3A_361 : vector<16xf32>
        %swap3A_363 = arith.index_cast %add3A_327 : i32 to index
        %swap3A_364 = arith.constant 32 : index
        %swap3A_365 = tpu.vector_load %arg22[%swap3A_363, %swap3A_364] {strides = array<i32>} : memref<128x64xf32, #tpu.memory_space<vmem>>, vector<16xf32>,
        tpu.vector_store %arg22[%swap3A_363, %swap3A_364], %mul3A_356 {strides = array<i32>} : memref<128x64xf32, #tpu.memory_space<vmem>>, vector<16xf32>,
        %swap3A_366 = arith.index_cast %add3A_327 : i32 to index
        %swap3A_367 = arith.constant 48 : index
        %swap3A_368 = tpu.vector_load %arg22[%swap3A_366, %swap3A_367] {strides = array<i32>} : memref<128x64xf32, #tpu.memory_space<vmem>>, vector<16xf32>,
        tpu.vector_store %arg22[%swap3A_366, %swap3A_367], %mul3A_362 {strides = array<i32>} : memref<128x64xf32, #tpu.memory_space<vmem>>, vector<16xf32>,
        %slice3A_369 = vector.extract_strided_slice %get3A_323 {offsets = [1], sizes = [1], strides = [1]} : vector<16xf32> to vector<1xf32>
        %squeeze3A_370 = vector.extract %slice3A_369[0] : f32 from vector<1xf32>
        %mul3A_371 = arith.constant 16 : i32
        %mul3A_372 = arith.muli %scan3A_319, %mul3A_371 : i32
        %add3A_373 = arith.constant 1 : i32
        %add3A_374 = arith.addi %mul3A_372, %add3A_373 : i32
        %get3A_375 = arith.index_cast %add3A_374 : i32 to index
        %get3A_376 = arith.constant 0 : index
        %get3A_377 = tpu.vector_load %arg21[%get3A_375, %get3A_376] {strides = array<i32>} : memref<128x64xbf16, #tpu.memory_space<vmem>>, vector<32xbf16>,
        %bitcast3A_378 = vector.bitcast %get3A_377 : vector<32xbf16> to vector<16xi32>
        %shift_left3A_379 = arith.constant 16 : i32
        %shift_left3A_380 = vector.broadcast %shift_left3A_379 : i32 to vector<16xi32>
        %shift_left3A_381 = arith.shli %bitcast3A_378, %shift_left3A_380 : vector<16xi32>
        %bitcast3A_382 = vector.bitcast %shift_left3A_381 : vector<16xi32> to vector<16xf32>
        %mul3A_383 = vector.broadcast %squeeze3A_370 : f32 to vector<16xf32>
        %mul3A_384 = arith.mulf %bitcast3A_382, %mul3A_383 : vector<16xf32>
        %and3A_385 = arith.constant -65536 : i32
        %and3A_386 = vector.broadcast %and3A_385 : i32 to vector<16xi32>
        %and3A_387 = arith.andi %bitcast3A_378, %and3A_386 : vector<16xi32>
        %bitcast3A_388 = vector.bitcast %and3A_387 : vector<16xi32> to vector<16xf32>
        %mul3A_389 = vector.broadcast %squeeze3A_370 : f32 to vector<16xf32>
        %mul3A_390 = arith.mulf %bitcast3A_388, %mul3A_389 : vector<16xf32>
        %swap3A_391 = arith.index_cast %add3A_374 : i32 to index
        %swap3A_392 = arith.constant 0 : index
        %swap3A_393 = tpu.vector_load %arg22[%swap3A_391, %swap3A_392] {strides = array<i32>} : memref<128x64xf32, #tpu.memory_space<vmem>>, vector<16xf32>,
        tpu.vector_store %arg22[%swap3A_391, %swap3A_392], %mul3A_384 {strides = array<i32>} : memref<128x64xf32, #tpu.memory_space<vmem>>, vector<16xf32>,
        %swap3A_394 = arith.index_cast %add3A_374 : i32 to index
        %swap3A_395 = arith.constant 16 : index
        %swap3A_396 = tpu.vector_load %arg22[%swap3A_394, %swap3A_395] {strides = array<i32>} : memref<128x64xf32, #tpu.memory_space<vmem>>, vector<16xf32>,
        tpu.vector_store %arg22[%swap3A_394, %swap3A_395], %mul3A_390 {strides = array<i32>} : memref<128x64xf32, #tpu.memory_space<vmem>>, vector<16xf32>,
        %get3A_397 = arith.index_cast %add3A_374 : i32 to index
        %get3A_398 = arith.constant 32 : index
        %get3A_399 = tpu.vector_load %arg21[%get3A_397, %get3A_398] {strides = array<i32>} : memref<128x64xbf16, #tpu.memory_space<vmem>>, vector<32xbf16>,
        %bitcast3A_400 = vector.bitcast %get3A_399 : vector<32xbf16> to vector<16xi32>
        %shift_left3A_401 = arith.constant 16 : i32
        %shift_left3A_402 = vector.broadcast %shift_left3A_401 : i32 to vector<16xi32>
        %shift_left3A_403 = arith.shli %bitcast3A_400, %shift_left3A_402 : vector<16xi32>
        %bitcast3A_404 = vector.bitcast %shift_left3A_403 : vector<16xi32> to vector<16xf32>
        %mul3A_405 = vector.broadcast %squeeze3A_370 : f32 to vector<16xf32>
        %mul3A_406 = arith.mulf %bitcast3A_404, %mul3A_405 : vector<16xf32>
        %and3A_407 = arith.constant -65536 : i32
        %and3A_408 = vector.broadcast %and3A_407 : i32 to vector<16xi32>
        %and3A_409 = arith.andi %bitcast3A_400, %and3A_408 : vector<16xi32>
        %bitcast3A_410 = vector.bitcast %and3A_409 : vector<16xi32> to vector<16xf32>
        %mul3A_411 = vector.broadcast %squeeze3A_370 : f32 to vector<16xf32>
        %mul3A_412 = arith.mulf %bitcast3A_410, %mul3A_411 : vector<16xf32>
        %swap3A_413 = arith.index_cast %add3A_374 : i32 to index
        %swap3A_414 = arith.constant 32 : index
        %swap3A_415 = tpu.vector_load %arg22[%swap3A_413, %swap3A_414] {strides = array<i32>} : memref<128x64xf32, #tpu.memory_space<vmem>>, vector<16xf32>,
        tpu.vector_store %arg22[%swap3A_413, %swap3A_414], %mul3A_406 {strides = array<i32>} : memref<128x64xf32, #tpu.memory_space<vmem>>, vector<16xf32>,
        %swap3A_416 = arith.index_cast %add3A_374 : i32 to index
        %swap3A_417 = arith.constant 48 : index
        %swap3A_418 = tpu.vector_load %arg22[%swap3A_416, %swap3A_417] {strides = array<i32>} : memref<128x64xf32, #tpu.memory_space<vmem>>, vector<16xf32>,
        tpu.vector_store %arg22[%swap3A_416, %swap3A_417], %mul3A_412 {strides = array<i32>} : memref<128x64xf32, #tpu.memory_space<vmem>>, vector<16xf32>,
        %slice3A_419 = vector.extract_strided_slice %get3A_323 {offsets = [2], sizes = [1], strides = [1]} : vector<16xf32> to vector<1xf32>
        %squeeze3A_420 = vector.extract %slice3A_419[0] : f32 from vector<1xf32>
        %mul3A_421 = arith.constant 16 : i32
        %mul3A_422 = arith.muli %scan3A_319, %mul3A_421 : i32
        %add3A_423 = arith.constant 2 : i32
        %add3A_424 = arith.addi %mul3A_422, %add3A_423 : i32
        %get3A_425 = arith.index_cast %add3A_424 : i32 to index
        %get3A_426 = arith.constant 0 : index
        %get3A_427 = tpu.vector_load %arg21[%get3A_425, %get3A_426] {strides = array<i32>} : memref<128x64xbf16, #tpu.memory_space<vmem>>, vector<32xbf16>,
        %bitcast3A_428 = vector.bitcast %get3A_427 : vector<32xbf16> to vector<16xi32>
        %shift_left3A_429 = arith.constant 16 : i32
        %shift_left3A_430 = vector.broadcast %shift_left3A_429 : i32 to vector<16xi32>
        %shift_left3A_431 = arith.shli %bitcast3A_428, %shift_left3A_430 : vector<16xi32>
        %bitcast3A_432 = vector.bitcast %shift_left3A_431 : vector<16xi32> to vector<16xf32>
        %mul3A_433 = vector.broadcast %squeeze3A_420 : f32 to vector<16xf32>
        %mul3A_434 = arith.mulf %bitcast3A_432, %mul3A_433 : vector<16xf32>
        %and3A_435 = arith.constant -65536 : i32
        %and3A_436 = vector.broadcast %and3A_435 : i32 to vector<16xi32>
        %and3A_437 = arith.andi %bitcast3A_428, %and3A_436 : vector<16xi32>
        %bitcast3A_438 = vector.bitcast %and3A_437 : vector<16xi32> to vector<16xf32>
        %mul3A_439 = vector.broadcast %squeeze3A_420 : f32 to vector<16xf32>
        %mul3A_440 = arith.mulf %bitcast3A_438, %mul3A_439 : vector<16xf32>
        %swap3A_441 = arith.index_cast %add3A_424 : i32 to index
        %swap3A_442 = arith.constant 0 : index
        %swap3A_443 = tpu.vector_load %arg22[%swap3A_441, %swap3A_442] {strides = array<i32>} : memref<128x64xf32, #tpu.memory_space<vmem>>, vector<16xf32>,
        tpu.vector_store %arg22[%swap3A_441, %swap3A_442], %mul3A_434 {strides = array<i32>} : memref<128x64xf32, #tpu.memory_space<vmem>>, vector<16xf32>,
        %swap3A_444 = arith.index_cast %add3A_424 : i32 to index
        %swap3A_445 = arith.constant 16 : index
        %swap3A_446 = tpu.vector_load %arg22[%swap3A_444, %swap3A_445] {strides = array<i32>} : memref<128x64xf32, #tpu.memory_space<vmem>>, vector<16xf32>,
        tpu.vector_store %arg22[%swap3A_444, %swap3A_445], %mul3A_440 {strides = array<i32>} : memref<128x64xf32, #tpu.memory_space<vmem>>, vector<16xf32>,
        %get3A_447 = arith.index_cast %add3A_424 : i32 to index
        %get3A_448 = arith.constant 32 : index
        %get3A_449 = tpu.vector_load %arg21[%get3A_447, %get3A_448] {strides = array<i32>} : memref<128x64xbf16, #tpu.memory_space<vmem>>, vector<32xbf16>,
        %bitcast3A_450 = vector.bitcast %get3A_449 : vector<32xbf16> to vector<16xi32>
        %shift_left3A_451 = arith.constant 16 : i32
        %shift_left3A_452 = vector.broadcast %shift_left3A_451 : i32 to vector<16xi32>
        %shift_left3A_453 = arith.shli %bitcast3A_450, %shift_left3A_452 : vector<16xi32>
        %bitcast3A_454 = vector.bitcast %shift_left3A_453 : vector<16xi32> to vector<16xf32>
        %mul3A_455 = vector.broadcast %squeeze3A_420 : f32 to vector<16xf32>
        %mul3A_456 = arith.mulf %bitcast3A_454, %mul3A_455 : vector<16xf32>
        %and3A_457 = arith.constant -65536 : i32
        %and3A_458 = vector.broadcast %and3A_457 : i32 to vector<16xi32>
        %and3A_459 = arith.andi %bitcast3A_450, %and3A_458 : vector<16xi32>
        %bitcast3A_460 = vector.bitcast %and3A_459 : vector<16xi32> to vector<16xf32>
        %mul3A_461 = vector.broadcast %squeeze3A_420 : f32 to vector<16xf32>
        %mul3A_462 = arith.mulf %bitcast3A_460, %mul3A_461 : vector<16xf32>
        %swap3A_463 = arith.index_cast %add3A_424 : i32 to index
        %swap3A_464 = arith.constant 32 : index
        %swap3A_465 = tpu.vector_load %arg22[%swap3A_463, %swap3A_464] {strides = array<i32>} : memref<128x64xf32, #tpu.memory_space<vmem>>, vector<16xf32>,
        tpu.vector_store %arg22[%swap3A_463, %swap3A_464], %mul3A_456 {strides = array<i32>} : memref<128x64xf32, #tpu.memory_space<vmem>>, vector<16xf32>,
        %swap3A_466 = arith.index_cast %add3A_424 : i32 to index
        %swap3A_467 = arith.constant 48 : index
        %swap3A_468 = tpu.vector_load %arg22[%swap3A_466, %swap3A_467] {strides = array<i32>} : memref<128x64xf32, #tpu.memory_space<vmem>>, vector<16xf32>,
        tpu.vector_store %arg22[%swap3A_466, %swap3A_467], %mul3A_462 {strides = array<i32>} : memref<128x64xf32, #tpu.memory_space<vmem>>, vector<16xf32>,
        %slice3A_469 = vector.extract_strided_slice %get3A_323 {offsets = [3], sizes = [1], strides = [1]} : vector<16xf32> to vector<1xf32>
        %squeeze3A_470 = vector.extract %slice3A_469[0] : f32 from vector<1xf32>
        %mul3A_471 = arith.constant 16 : i32
        %mul3A_472 = arith.muli %scan3A_319, %mul3A_471 : i32
        %add3A_473 = arith.constant 3 : i32
        %add3A_474 = arith.addi %mul3A_472, %add3A_473 : i32
        %get3A_475 = arith.index_cast %add3A_474 : i32 to index
        %get3A_476 = arith.constant 0 : index
        %get3A_477 = tpu.vector_load %arg21[%get3A_475, %get3A_476] {strides = array<i32>} : memref<128x64xbf16, #tpu.memory_space<vmem>>, vector<32xbf16>,
        %bitcast3A_478 = vector.bitcast %get3A_477 : vector<32xbf16> to vector<16xi32>
        %shift_left3A_479 = arith.constant 16 : i32
        %shift_left3A_480 = vector.broadcast %shift_left3A_479 : i32 to vector<16xi32>
        %shift_left3A_481 = arith.shli %bitcast3A_478, %shift_left3A_480 : vector<16xi32>
        %bitcast3A_482 = vector.bitcast %shift_left3A_481 : vector<16xi32> to vector<16xf32>
        %mul3A_483 = vector.broadcast %squeeze3A_470 : f32 to vector<16xf32>
        %mul3A_484 = arith.mulf %bitcast3A_482, %mul3A_483 : vector<16xf32>
        %and3A_485 = arith.constant -65536 : i32
        %and3A_486 = vector.broadcast %and3A_485 : i32 to vector<16xi32>
        %and3A_487 = arith.andi %bitcast3A_478, %and3A_486 : vector<16xi32>
        %bitcast3A_488 = vector.bitcast %and3A_487 : vector<16xi32> to vector<16xf32>
        %mul3A_489 = vector.broadcast %squeeze3A_470 : f32 to vector<16xf32>
        %mul3A_490 = arith.mulf %bitcast3A_488, %mul3A_489 : vector<16xf32>
        %swap3A_491 = arith.index_cast %add3A_474 : i32 to index
        %swap3A_492 = arith.constant 0 : index
        %swap3A_493 = tpu.vector_load %arg22[%swap3A_491, %swap3A_492] {strides = array<i32>} : memref<128x64xf32, #tpu.memory_space<vmem>>, vector<16xf32>,
        tpu.vector_store %arg22[%swap3A_491, %swap3A_492], %mul3A_484 {strides = array<i32>} : memref<128x64xf32, #tpu.memory_space<vmem>>, vector<16xf32>,
        %swap3A_494 = arith.index_cast %add3A_474 : i32 to index
        %swap3A_495 = arith.constant 16 : index
        %swap3A_496 = tpu.vector_load %arg22[%swap3A_494, %swap3A_495] {strides = array<i32>} : memref<128x64xf32, #tpu.memory_space<vmem>>, vector<16xf32>,
        tpu.vector_store %arg22[%swap3A_494, %swap3A_495], %mul3A_490 {strides = array<i32>} : memref<128x64xf32, #tpu.memory_space<vmem>>, vector<16xf32>,
        %get3A_497 = arith.index_cast %add3A_474 : i32 to index
        %get3A_498 = arith.constant 32 : index
        %get3A_499 = tpu.vector_load %arg21[%get3A_497, %get3A_498] {strides = array<i32>} : memref<128x64xbf16, #tpu.memory_space<vmem>>, vector<32xbf16>,
        %bitcast3A_500 = vector.bitcast %get3A_499 : vector<32xbf16> to vector<16xi32>
        %shift_left3A_501 = arith.constant 16 : i32
        %shift_left3A_502 = vector.broadcast %shift_left3A_501 : i32 to vector<16xi32>
        %shift_left3A_503 = arith.shli %bitcast3A_500, %shift_left3A_502 : vector<16xi32>
        %bitcast3A_504 = vector.bitcast %shift_left3A_503 : vector<16xi32> to vector<16xf32>
        %mul3A_505 = vector.broadcast %squeeze3A_470 : f32 to vector<16xf32>
        %mul3A_506 = arith.mulf %bitcast3A_504, %mul3A_505 : vector<16xf32>
        %and3A_507 = arith.constant -65536 : i32
        %and3A_508 = vector.broadcast %and3A_507 : i32 to vector<16xi32>
        %and3A_509 = arith.andi %bitcast3A_500, %and3A_508 : vector<16xi32>
        %bitcast3A_510 = vector.bitcast %and3A_509 : vector<16xi32> to vector<16xf32>
        %mul3A_511 = vector.broadcast %squeeze3A_470 : f32 to vector<16xf32>
        %mul3A_512 = arith.mulf %bitcast3A_510, %mul3A_511 : vector<16xf32>
        %swap3A_513 = arith.index_cast %add3A_474 : i32 to index
        %swap3A_514 = arith.constant 32 : index
        %swap3A_515 = tpu.vector_load %arg22[%swap3A_513, %swap3A_514] {strides = array<i32>} : memref<128x64xf32, #tpu.memory_space<vmem>>, vector<16xf32>,
        tpu.vector_store %arg22[%swap3A_513, %swap3A_514], %mul3A_506 {strides = array<i32>} : memref<128x64xf32, #tpu.memory_space<vmem>>, vector<16xf32>,
        %swap3A_516 = arith.index_cast %add3A_474 : i32 to index
        %swap3A_517 = arith.constant 48 : index
        %swap3A_518 = tpu.vector_load %arg22[%swap3A_516, %swap3A_517] {strides = array<i32>} : memref<128x64xf32, #tpu.memory_space<vmem>>, vector<16xf32>,
        tpu.vector_store %arg22[%swap3A_516, %swap3A_517], %mul3A_512 {strides = array<i32>} : memref<128x64xf32, #tpu.memory_space<vmem>>, vector<16xf32>,
        %slice3A_519 = vector.extract_strided_slice %get3A_323 {offsets = [4], sizes = [1], strides = [1]} : vector<16xf32> to vector<1xf32>
        %squeeze3A_520 = vector.extract %slice3A_519[0] : f32 from vector<1xf32>
        %mul3A_521 = arith.constant 16 : i32
        %mul3A_522 = arith.muli %scan3A_319, %mul3A_521 : i32
        %add3A_523 = arith.constant 4 : i32
        %add3A_524 = arith.addi %mul3A_522, %add3A_523 : i32
        %get3A_525 = arith.index_cast %add3A_524 : i32 to index
        %get3A_526 = arith.constant 0 : index
        %get3A_527 = tpu.vector_load %arg21[%get3A_525, %get3A_526] {strides = array<i32>} : memref<128x64xbf16, #tpu.memory_space<vmem>>, vector<32xbf16>,
        %bitcast3A_528 = vector.bitcast %get3A_527 : vector<32xbf16> to vector<16xi32>
        %shift_left3A_529 = arith.constant 16 : i32
        %shift_left3A_530 = vector.broadcast %shift_left3A_529 : i32 to vector<16xi32>
        %shift_left3A_531 = arith.shli %bitcast3A_528, %shift_left3A_530 : vector<16xi32>
        %bitcast3A_532 = vector.bitcast %shift_left3A_531 : vector<16xi32> to vector<16xf32>
        %mul3A_533 = vector.broadcast %squeeze3A_520 : f32 to vector<16xf32>
        %mul3A_534 = arith.mulf %bitcast3A_532, %mul3A_533 : vector<16xf32>
        %and3A_535 = arith.constant -65536 : i32
        %and3A_536 = vector.broadcast %and3A_535 : i32 to vector<16xi32>
        %and3A_537 = arith.andi %bitcast3A_528, %and3A_536 : vector<16xi32>
        %bitcast3A_538 = vector.bitcast %and3A_537 : vector<16xi32> to vector<16xf32>
        %mul3A_539 = vector.broadcast %squeeze3A_520 : f32 to vector<16xf32>
        %mul3A_540 = arith.mulf %bitcast3A_538, %mul3A_539 : vector<16xf32>
        %swap3A_541 = arith.index_cast %add3A_524 : i32 to index
        %swap3A_542 = arith.constant 0 : index
        %swap3A_543 = tpu.vector_load %arg22[%swap3A_541, %swap3A_542] {strides = array<i32>} : memref<128x64xf32, #tpu.memory_space<vmem>>, vector<16xf32>,
        tpu.vector_store %arg22[%swap3A_541, %swap3A_542], %mul3A_534 {strides = array<i32>} : memref<128x64xf32, #tpu.memory_space<vmem>>, vector<16xf32>,
        %swap3A_544 = arith.index_cast %add3A_524 : i32 to index
        %swap3A_545 = arith.constant 16 : index
        %swap3A_546 = tpu.vector_load %arg22[%swap3A_544, %swap3A_545] {strides = array<i32>} : memref<128x64xf32, #tpu.memory_space<vmem>>, vector<16xf32>,
        tpu.vector_store %arg22[%swap3A_544, %swap3A_545], %mul3A_540 {strides = array<i32>} : memref<128x64xf32, #tpu.memory_space<vmem>>, vector<16xf32>,
        %get3A_547 = arith.index_cast %add3A_524 : i32 to index
        %get3A_548 = arith.constant 32 : index
        %get3A_549 = tpu.vector_load %arg21[%get3A_547, %get3A_548] {strides = array<i32>} : memref<128x64xbf16, #tpu.memory_space<vmem>>, vector<32xbf16>,
        %bitcast3A_550 = vector.bitcast %get3A_549 : vector<32xbf16> to vector<16xi32>
        %shift_left3A_551 = arith.constant 16 : i32
        %shift_left3A_552 = vector.broadcast %shift_left3A_551 : i32 to vector<16xi32>
        %shift_left3A_553 = arith.shli %bitcast3A_550, %shift_left3A_552 : vector<16xi32>
        %bitcast3A_554 = vector.bitcast %shift_left3A_553 : vector<16xi32> to vector<16xf32>
        %mul3A_555 = vector.broadcast %squeeze3A_520 : f32 to vector<16xf32>
        %mul3A_556 = arith.mulf %bitcast3A_554, %mul3A_555 : vector<16xf32>
        %and3A_557 = arith.constant -65536 : i32
        %and3A_558 = vector.broadcast %and3A_557 : i32 to vector<16xi32>
        %and3A_559 = arith.andi %bitcast3A_550, %and3A_558 : vector<16xi32>
        %bitcast3A_560 = vector.bitcast %and3A_559 : vector<16xi32> to vector<16xf32>
        %mul3A_561 = vector.broadcast %squeeze3A_520 : f32 to vector<16xf32>
        %mul3A_562 = arith.mulf %bitcast3A_560, %mul3A_561 : vector<16xf32>
        %swap3A_563 = arith.index_cast %add3A_524 : i32 to index
        %swap3A_564 = arith.constant 32 : index
        %swap3A_565 = tpu.vector_load %arg22[%swap3A_563, %swap3A_564] {strides = array<i32>} : memref<128x64xf32, #tpu.memory_space<vmem>>, vector<16xf32>,
        tpu.vector_store %arg22[%swap3A_563, %swap3A_564], %mul3A_556 {strides = array<i32>} : memref<128x64xf32, #tpu.memory_space<vmem>>, vector<16xf32>,
        %swap3A_566 = arith.index_cast %add3A_524 : i32 to index
        %swap3A_567 = arith.constant 48 : index
        %swap3A_568 = tpu.vector_load %arg22[%swap3A_566, %swap3A_567] {strides = array<i32>} : memref<128x64xf32, #tpu.memory_space<vmem>>, vector<16xf32>,
        tpu.vector_store %arg22[%swap3A_566, %swap3A_567], %mul3A_562 {strides = array<i32>} : memref<128x64xf32, #tpu.memory_space<vmem>>, vector<16xf32>,
        %slice3A_569 = vector.extract_strided_slice %get3A_323 {offsets = [5], sizes = [1], strides = [1]} : vector<16xf32> to vector<1xf32>
        %squeeze3A_570 = vector.extract %slice3A_569[0] : f32 from vector<1xf32>
        %mul3A_571 = arith.constant 16 : i32
        %mul3A_572 = arith.muli %scan3A_319, %mul3A_571 : i32
        %add3A_573 = arith.constant 5 : i32
        %add3A_574 = arith.addi %mul3A_572, %add3A_573 : i32
        %get3A_575 = arith.index_cast %add3A_574 : i32 to index
        %get3A_576 = arith.constant 0 : index
        %get3A_577 = tpu.vector_load %arg21[%get3A_575, %get3A_576] {strides = array<i32>} : memref<128x64xbf16, #tpu.memory_space<vmem>>, vector<32xbf16>,
        %bitcast3A_578 = vector.bitcast %get3A_577 : vector<32xbf16> to vector<16xi32>
        %shift_left3A_579 = arith.constant 16 : i32
        %shift_left3A_580 = vector.broadcast %shift_left3A_579 : i32 to vector<16xi32>
        %shift_left3A_581 = arith.shli %bitcast3A_578, %shift_left3A_580 : vector<16xi32>
        %bitcast3A_582 = vector.bitcast %shift_left3A_581 : vector<16xi32> to vector<16xf32>
        %mul3A_583 = vector.broadcast %squeeze3A_570 : f32 to vector<16xf32>
        %mul3A_584 = arith.mulf %bitcast3A_582, %mul3A_583 : vector<16xf32>
        %and3A_585 = arith.constant -65536 : i32
        %and3A_586 = vector.broadcast %and3A_585 : i32 to vector<16xi32>
        %and3A_587 = arith.andi %bitcast3A_578, %and3A_586 : vector<16xi32>
        %bitcast3A_588 = vector.bitcast %and3A_587 : vector<16xi32> to vector<16xf32>
        %mul3A_589 = vector.broadcast %squeeze3A_570 : f32 to vector<16xf32>
        %mul3A_590 = arith.mulf %bitcast3A_588, %mul3A_589 : vector<16xf32>
        %swap3A_591 = arith.index_cast %add3A_574 : i32 to index
        %swap3A_592 = arith.constant 0 : index
        %swap3A_593 = tpu.vector_load %arg22[%swap3A_591, %swap3A_592] {strides = array<i32>} : memref<128x64xf32, #tpu.memory_space<vmem>>, vector<16xf32>,
        tpu.vector_store %arg22[%swap3A_591, %swap3A_592], %mul3A_584 {strides = array<i32>} : memref<128x64xf32, #tpu.memory_space<vmem>>, vector<16xf32>,
        %swap3A_594 = arith.index_cast %add3A_574 : i32 to index
        %swap3A_595 = arith.constant 16 : index
        %swap3A_596 = tpu.vector_load %arg22[%swap3A_594, %swap3A_595] {strides = array<i32>} : memref<128x64xf32, #tpu.memory_space<vmem>>, vector<16xf32>,
        tpu.vector_store %arg22[%swap3A_594, %swap3A_595], %mul3A_590 {strides = array<i32>} : memref<128x64xf32, #tpu.memory_space<vmem>>, vector<16xf32>,
        %get3A_597 = arith.index_cast %add3A_574 : i32 to index
        %get3A_598 = arith.constant 32 : index
        %get3A_599 = tpu.vector_load %arg21[%get3A_597, %get3A_598] {strides = array<i32>} : memref<128x64xbf16, #tpu.memory_space<vmem>>, vector<32xbf16>,
        %bitcast3A_600 = vector.bitcast %get3A_599 : vector<32xbf16> to vector<16xi32>
        %shift_left3A_601 = arith.constant 16 : i32
        %shift_left3A_602 = vector.broadcast %shift_left3A_601 : i32 to vector<16xi32>
        %shift_left3A_603 = arith.shli %bitcast3A_600, %shift_left3A_602 : vector<16xi32>
        %bitcast3A_604 = vector.bitcast %shift_left3A_603 : vector<16xi32> to vector<16xf32>
        %mul3A_605 = vector.broadcast %squeeze3A_570 : f32 to vector<16xf32>
        %mul3A_606 = arith.mulf %bitcast3A_604, %mul3A_605 : vector<16xf32>
        %and3A_607 = arith.constant -65536 : i32
        %and3A_608 = vector.broadcast %and3A_607 : i32 to vector<16xi32>
        %and3A_609 = arith.andi %bitcast3A_600, %and3A_608 : vector<16xi32>
        %bitcast3A_610 = vector.bitcast %and3A_609 : vector<16xi32> to vector<16xf32>
        %mul3A_611 = vector.broadcast %squeeze3A_570 : f32 to vector<16xf32>
        %mul3A_612 = arith.mulf %bitcast3A_610, %mul3A_611 : vector<16xf32>
        %swap3A_613 = arith.index_cast %add3A_574 : i32 to index
        %swap3A_614 = arith.constant 32 : index
        %swap3A_615 = tpu.vector_load %arg22[%swap3A_613, %swap3A_614] {strides = array<i32>} : memref<128x64xf32, #tpu.memory_space<vmem>>, vector<16xf32>,
        tpu.vector_store %arg22[%swap3A_613, %swap3A_614], %mul3A_606 {strides = array<i32>} : memref<128x64xf32, #tpu.memory_space<vmem>>, vector<16xf32>,
        %swap3A_616 = arith.index_cast %add3A_574 : i32 to index
        %swap3A_617 = arith.constant 48 : index
        %swap3A_618 = tpu.vector_load %arg22[%swap3A_616, %swap3A_617] {strides = array<i32>} : memref<128x64xf32, #tpu.memory_space<vmem>>, vector<16xf32>,
        tpu.vector_store %arg22[%swap3A_616, %swap3A_617], %mul3A_612 {strides = array<i32>} : memref<128x64xf32, #tpu.memory_space<vmem>>, vector<16xf32>,
        %slice3A_619 = vector.extract_strided_slice %get3A_323 {offsets = [6], sizes = [1], strides = [1]} : vector<16xf32> to vector<1xf32>
        %squeeze3A_620 = vector.extract %slice3A_619[0] : f32 from vector<1xf32>
        %mul3A_621 = arith.constant 16 : i32
        %mul3A_622 = arith.muli %scan3A_319, %mul3A_621 : i32
        %add3A_623 = arith.constant 6 : i32
        %add3A_624 = arith.addi %mul3A_622, %add3A_623 : i32
        %get3A_625 = arith.index_cast %add3A_624 : i32 to index
        %get3A_626 = arith.constant 0 : index
        %get3A_627 = tpu.vector_load %arg21[%get3A_625, %get3A_626] {strides = array<i32>} : memref<128x64xbf16, #tpu.memory_space<vmem>>, vector<32xbf16>,
        %bitcast3A_628 = vector.bitcast %get3A_627 : vector<32xbf16> to vector<16xi32>
        %shift_left3A_629 = arith.constant 16 : i32
        %shift_left3A_630 = vector.broadcast %shift_left3A_629 : i32 to vector<16xi32>
        %shift_left3A_631 = arith.shli %bitcast3A_628, %shift_left3A_630 : vector<16xi32>
        %bitcast3A_632 = vector.bitcast %shift_left3A_631 : vector<16xi32> to vector<16xf32>
        %mul3A_633 = vector.broadcast %squeeze3A_620 : f32 to vector<16xf32>
        %mul3A_634 = arith.mulf %bitcast3A_632, %mul3A_633 : vector<16xf32>
        %and3A_635 = arith.constant -65536 : i32
        %and3A_636 = vector.broadcast %and3A_635 : i32 to vector<16xi32>
        %and3A_637 = arith.andi %bitcast3A_628, %and3A_636 : vector<16xi32>
        %bitcast3A_638 = vector.bitcast %and3A_637 : vector<16xi32> to vector<16xf32>
        %mul3A_639 = vector.broadcast %squeeze3A_620 : f32 to vector<16xf32>
        %mul3A_640 = arith.mulf %bitcast3A_638, %mul3A_639 : vector<16xf32>
        %swap3A_641 = arith.index_cast %add3A_624 : i32 to index
        %swap3A_642 = arith.constant 0 : index
        %swap3A_643 = tpu.vector_load %arg22[%swap3A_641, %swap3A_642] {strides = array<i32>} : memref<128x64xf32, #tpu.memory_space<vmem>>, vector<16xf32>,
        tpu.vector_store %arg22[%swap3A_641, %swap3A_642], %mul3A_634 {strides = array<i32>} : memref<128x64xf32, #tpu.memory_space<vmem>>, vector<16xf32>,
        %swap3A_644 = arith.index_cast %add3A_624 : i32 to index
        %swap3A_645 = arith.constant 16 : index
        %swap3A_646 = tpu.vector_load %arg22[%swap3A_644, %swap3A_645] {strides = array<i32>} : memref<128x64xf32, #tpu.memory_space<vmem>>, vector<16xf32>,
        tpu.vector_store %arg22[%swap3A_644, %swap3A_645], %mul3A_640 {strides = array<i32>} : memref<128x64xf32, #tpu.memory_space<vmem>>, vector<16xf32>,
        %get3A_647 = arith.index_cast %add3A_624 : i32 to index
        %get3A_648 = arith.constant 32 : index
        %get3A_649 = tpu.vector_load %arg21[%get3A_647, %get3A_648] {strides = array<i32>} : memref<128x64xbf16, #tpu.memory_space<vmem>>, vector<32xbf16>,
        %bitcast3A_650 = vector.bitcast %get3A_649 : vector<32xbf16> to vector<16xi32>
        %shift_left3A_651 = arith.constant 16 : i32
        %shift_left3A_652 = vector.broadcast %shift_left3A_651 : i32 to vector<16xi32>
        %shift_left3A_653 = arith.shli %bitcast3A_650, %shift_left3A_652 : vector<16xi32>
        %bitcast3A_654 = vector.bitcast %shift_left3A_653 : vector<16xi32> to vector<16xf32>
        %mul3A_655 = vector.broadcast %squeeze3A_620 : f32 to vector<16xf32>
        %mul3A_656 = arith.mulf %bitcast3A_654, %mul3A_655 : vector<16xf32>
        %and3A_657 = arith.constant -65536 : i32
        %and3A_658 = vector.broadcast %and3A_657 : i32 to vector<16xi32>
        %and3A_659 = arith.andi %bitcast3A_650, %and3A_658 : vector<16xi32>
        %bitcast3A_660 = vector.bitcast %and3A_659 : vector<16xi32> to vector<16xf32>
        %mul3A_661 = vector.broadcast %squeeze3A_620 : f32 to vector<16xf32>
        %mul3A_662 = arith.mulf %bitcast3A_660, %mul3A_661 : vector<16xf32>
        %swap3A_663 = arith.index_cast %add3A_624 : i32 to index
        %swap3A_664 = arith.constant 32 : index
        %swap3A_665 = tpu.vector_load %arg22[%swap3A_663, %swap3A_664] {strides = array<i32>} : memref<128x64xf32, #tpu.memory_space<vmem>>, vector<16xf32>,
        tpu.vector_store %arg22[%swap3A_663, %swap3A_664], %mul3A_656 {strides = array<i32>} : memref<128x64xf32, #tpu.memory_space<vmem>>, vector<16xf32>,
        %swap3A_666 = arith.index_cast %add3A_624 : i32 to index
        %swap3A_667 = arith.constant 48 : index
        %swap3A_668 = tpu.vector_load %arg22[%swap3A_666, %swap3A_667] {strides = array<i32>} : memref<128x64xf32, #tpu.memory_space<vmem>>, vector<16xf32>,
        tpu.vector_store %arg22[%swap3A_666, %swap3A_667], %mul3A_662 {strides = array<i32>} : memref<128x64xf32, #tpu.memory_space<vmem>>, vector<16xf32>,
        %slice3A_669 = vector.extract_strided_slice %get3A_323 {offsets = [7], sizes = [1], strides = [1]} : vector<16xf32> to vector<1xf32>
        %squeeze3A_670 = vector.extract %slice3A_669[0] : f32 from vector<1xf32>
        %mul3A_671 = arith.constant 16 : i32
        %mul3A_672 = arith.muli %scan3A_319, %mul3A_671 : i32
        %add3A_673 = arith.constant 7 : i32
        %add3A_674 = arith.addi %mul3A_672, %add3A_673 : i32
        %get3A_675 = arith.index_cast %add3A_674 : i32 to index
        %get3A_676 = arith.constant 0 : index
        %get3A_677 = tpu.vector_load %arg21[%get3A_675, %get3A_676] {strides = array<i32>} : memref<128x64xbf16, #tpu.memory_space<vmem>>, vector<32xbf16>,
        %bitcast3A_678 = vector.bitcast %get3A_677 : vector<32xbf16> to vector<16xi32>
        %shift_left3A_679 = arith.constant 16 : i32
        %shift_left3A_680 = vector.broadcast %shift_left3A_679 : i32 to vector<16xi32>
        %shift_left3A_681 = arith.shli %bitcast3A_678, %shift_left3A_680 : vector<16xi32>
        %bitcast3A_682 = vector.bitcast %shift_left3A_681 : vector<16xi32> to vector<16xf32>
        %mul3A_683 = vector.broadcast %squeeze3A_670 : f32 to vector<16xf32>
        %mul3A_684 = arith.mulf %bitcast3A_682, %mul3A_683 : vector<16xf32>
        %and3A_685 = arith.constant -65536 : i32
        %and3A_686 = vector.broadcast %and3A_685 : i32 to vector<16xi32>
        %and3A_687 = arith.andi %bitcast3A_678, %and3A_686 : vector<16xi32>
        %bitcast3A_688 = vector.bitcast %and3A_687 : vector<16xi32> to vector<16xf32>
        %mul3A_689 = vector.broadcast %squeeze3A_670 : f32 to vector<16xf32>
        %mul3A_690 = arith.mulf %bitcast3A_688, %mul3A_689 : vector<16xf32>
        %swap3A_691 = arith.index_cast %add3A_674 : i32 to index
        %swap3A_692 = arith.constant 0 : index
        %swap3A_693 = tpu.vector_load %arg22[%swap3A_691, %swap3A_692] {strides = array<i32>} : memref<128x64xf32, #tpu.memory_space<vmem>>, vector<16xf32>,
        tpu.vector_store %arg22[%swap3A_691, %swap3A_692], %mul3A_684 {strides = array<i32>} : memref<128x64xf32, #tpu.memory_space<vmem>>, vector<16xf32>,
        %swap3A_694 = arith.index_cast %add3A_674 : i32 to index
        %swap3A_695 = arith.constant 16 : index
        %swap3A_696 = tpu.vector_load %arg22[%swap3A_694, %swap3A_695] {strides = array<i32>} : memref<128x64xf32, #tpu.memory_space<vmem>>, vector<16xf32>,
        tpu.vector_store %arg22[%swap3A_694, %swap3A_695], %mul3A_690 {strides = array<i32>} : memref<128x64xf32, #tpu.memory_space<vmem>>, vector<16xf32>,
        %get3A_697 = arith.index_cast %add3A_674 : i32 to index
        %get3A_698 = arith.constant 32 : index
        %get3A_699 = tpu.vector_load %arg21[%get3A_697, %get3A_698] {strides = array<i32>} : memref<128x64xbf16, #tpu.memory_space<vmem>>, vector<32xbf16>,
        %bitcast3A_700 = vector.bitcast %get3A_699 : vector<32xbf16> to vector<16xi32>
        %shift_left3A_701 = arith.constant 16 : i32
        %shift_left3A_702 = vector.broadcast %shift_left3A_701 : i32 to vector<16xi32>
        %shift_left3A_703 = arith.shli %bitcast3A_700, %shift_left3A_702 : vector<16xi32>
        %bitcast3A_704 = vector.bitcast %shift_left3A_703 : vector<16xi32> to vector<16xf32>
        %mul3A_705 = vector.broadcast %squeeze3A_670 : f32 to vector<16xf32>
        %mul3A_706 = arith.mulf %bitcast3A_704, %mul3A_705 : vector<16xf32>
        %and3A_707 = arith.constant -65536 : i32
        %and3A_708 = vector.broadcast %and3A_707 : i32 to vector<16xi32>
        %and3A_709 = arith.andi %bitcast3A_700, %and3A_708 : vector<16xi32>
        %bitcast3A_710 = vector.bitcast %and3A_709 : vector<16xi32> to vector<16xf32>
        %mul3A_711 = vector.broadcast %squeeze3A_670 : f32 to vector<16xf32>
        %mul3A_712 = arith.mulf %bitcast3A_710, %mul3A_711 : vector<16xf32>
        %swap3A_713 = arith.index_cast %add3A_674 : i32 to index
        %swap3A_714 = arith.constant 32 : index
        %swap3A_715 = tpu.vector_load %arg22[%swap3A_713, %swap3A_714] {strides = array<i32>} : memref<128x64xf32, #tpu.memory_space<vmem>>, vector<16xf32>,
        tpu.vector_store %arg22[%swap3A_713, %swap3A_714], %mul3A_706 {strides = array<i32>} : memref<128x64xf32, #tpu.memory_space<vmem>>, vector<16xf32>,
        %swap3A_716 = arith.index_cast %add3A_674 : i32 to index
        %swap3A_717 = arith.constant 48 : index
        %swap3A_718 = tpu.vector_load %arg22[%swap3A_716, %swap3A_717] {strides = array<i32>} : memref<128x64xf32, #tpu.memory_space<vmem>>, vector<16xf32>,
        tpu.vector_store %arg22[%swap3A_716, %swap3A_717], %mul3A_712 {strides = array<i32>} : memref<128x64xf32, #tpu.memory_space<vmem>>, vector<16xf32>,
        %slice3A_719 = vector.extract_strided_slice %get3A_323 {offsets = [8], sizes = [1], strides = [1]} : vector<16xf32> to vector<1xf32>
        %squeeze3A_720 = vector.extract %slice3A_719[0] : f32 from vector<1xf32>
        %mul3A_721 = arith.constant 16 : i32
        %mul3A_722 = arith.muli %scan3A_319, %mul3A_721 : i32
        %add3A_723 = arith.constant 8 : i32
        %add3A_724 = arith.addi %mul3A_722, %add3A_723 : i32
        %get3A_725 = arith.index_cast %add3A_724 : i32 to index
        %get3A_726 = arith.constant 0 : index
        %get3A_727 = tpu.vector_load %arg21[%get3A_725, %get3A_726] {strides = array<i32>} : memref<128x64xbf16, #tpu.memory_space<vmem>>, vector<32xbf16>,
        %bitcast3A_728 = vector.bitcast %get3A_727 : vector<32xbf16> to vector<16xi32>
        %shift_left3A_729 = arith.constant 16 : i32
        %shift_left3A_730 = vector.broadcast %shift_left3A_729 : i32 to vector<16xi32>
        %shift_left3A_731 = arith.shli %bitcast3A_728, %shift_left3A_730 : vector<16xi32>
        %bitcast3A_732 = vector.bitcast %shift_left3A_731 : vector<16xi32> to vector<16xf32>
        %mul3A_733 = vector.broadcast %squeeze3A_720 : f32 to vector<16xf32>
        %mul3A_734 = arith.mulf %bitcast3A_732, %mul3A_733 : vector<16xf32>
        %and3A_735 = arith.constant -65536 : i32
        %and3A_736 = vector.broadcast %and3A_735 : i32 to vector<16xi32>
        %and3A_737 = arith.andi %bitcast3A_728, %and3A_736 : vector<16xi32>
        %bitcast3A_738 = vector.bitcast %and3A_737 : vector<16xi32> to vector<16xf32>
        %mul3A_739 = vector.broadcast %squeeze3A_720 : f32 to vector<16xf32>
        %mul3A_740 = arith.mulf %bitcast3A_738, %mul3A_739 : vector<16xf32>
        %swap3A_741 = arith.index_cast %add3A_724 : i32 to index
        %swap3A_742 = arith.constant 0 : index
        %swap3A_743 = tpu.vector_load %arg22[%swap3A_741, %swap3A_742] {strides = array<i32>} : memref<128x64xf32, #tpu.memory_space<vmem>>, vector<16xf32>,
        tpu.vector_store %arg22[%swap3A_741, %swap3A_742], %mul3A_734 {strides = array<i32>} : memref<128x64xf32, #tpu.memory_space<vmem>>, vector<16xf32>,
        %swap3A_744 = arith.index_cast %add3A_724 : i32 to index
        %swap3A_745 = arith.constant 16 : index
        %swap3A_746 = tpu.vector_load %arg22[%swap3A_744, %swap3A_745] {strides = array<i32>} : memref<128x64xf32, #tpu.memory_space<vmem>>, vector<16xf32>,
        tpu.vector_store %arg22[%swap3A_744, %swap3A_745], %mul3A_740 {strides = array<i32>} : memref<128x64xf32, #tpu.memory_space<vmem>>, vector<16xf32>,
        %get3A_747 = arith.index_cast %add3A_724 : i32 to index
        %get3A_748 = arith.constant 32 : index
        %get3A_749 = tpu.vector_load %arg21[%get3A_747, %get3A_748] {strides = array<i32>} : memref<128x64xbf16, #tpu.memory_space<vmem>>, vector<32xbf16>,
        %bitcast3A_750 = vector.bitcast %get3A_749 : vector<32xbf16> to vector<16xi32>
        %shift_left3A_751 = arith.constant 16 : i32
        %shift_left3A_752 = vector.broadcast %shift_left3A_751 : i32 to vector<16xi32>
        %shift_left3A_753 = arith.shli %bitcast3A_750, %shift_left3A_752 : vector<16xi32>
        %bitcast3A_754 = vector.bitcast %shift_left3A_753 : vector<16xi32> to vector<16xf32>
        %mul3A_755 = vector.broadcast %squeeze3A_720 : f32 to vector<16xf32>
        %mul3A_756 = arith.mulf %bitcast3A_754, %mul3A_755 : vector<16xf32>
        %and3A_757 = arith.constant -65536 : i32
        %and3A_758 = vector.broadcast %and3A_757 : i32 to vector<16xi32>
        %and3A_759 = arith.andi %bitcast3A_750, %and3A_758 : vector<16xi32>
        %bitcast3A_760 = vector.bitcast %and3A_759 : vector<16xi32> to vector<16xf32>
        %mul3A_761 = vector.broadcast %squeeze3A_720 : f32 to vector<16xf32>
        %mul3A_762 = arith.mulf %bitcast3A_760, %mul3A_761 : vector<16xf32>
        %swap3A_763 = arith.index_cast %add3A_724 : i32 to index
        %swap3A_764 = arith.constant 32 : index
        %swap3A_765 = tpu.vector_load %arg22[%swap3A_763, %swap3A_764] {strides = array<i32>} : memref<128x64xf32, #tpu.memory_space<vmem>>, vector<16xf32>,
        tpu.vector_store %arg22[%swap3A_763, %swap3A_764], %mul3A_756 {strides = array<i32>} : memref<128x64xf32, #tpu.memory_space<vmem>>, vector<16xf32>,
        %swap3A_766 = arith.index_cast %add3A_724 : i32 to index
        %swap3A_767 = arith.constant 48 : index
        %swap3A_768 = tpu.vector_load %arg22[%swap3A_766, %swap3A_767] {strides = array<i32>} : memref<128x64xf32, #tpu.memory_space<vmem>>, vector<16xf32>,
        tpu.vector_store %arg22[%swap3A_766, %swap3A_767], %mul3A_762 {strides = array<i32>} : memref<128x64xf32, #tpu.memory_space<vmem>>, vector<16xf32>,
        %slice3A_769 = vector.extract_strided_slice %get3A_323 {offsets = [9], sizes = [1], strides = [1]} : vector<16xf32> to vector<1xf32>
        %squeeze3A_770 = vector.extract %slice3A_769[0] : f32 from vector<1xf32>
        %mul3A_771 = arith.constant 16 : i32
        %mul3A_772 = arith.muli %scan3A_319, %mul3A_771 : i32
        %add3A_773 = arith.constant 9 : i32
        %add3A_774 = arith.addi %mul3A_772, %add3A_773 : i32
        %get3A_775 = arith.index_cast %add3A_774 : i32 to index
        %get3A_776 = arith.constant 0 : index
        %get3A_777 = tpu.vector_load %arg21[%get3A_775, %get3A_776] {strides = array<i32>} : memref<128x64xbf16, #tpu.memory_space<vmem>>, vector<32xbf16>,
        %bitcast3A_778 = vector.bitcast %get3A_777 : vector<32xbf16> to vector<16xi32>
        %shift_left3A_779 = arith.constant 16 : i32
        %shift_left3A_780 = vector.broadcast %shift_left3A_779 : i32 to vector<16xi32>
        %shift_left3A_781 = arith.shli %bitcast3A_778, %shift_left3A_780 : vector<16xi32>
        %bitcast3A_782 = vector.bitcast %shift_left3A_781 : vector<16xi32> to vector<16xf32>
        %mul3A_783 = vector.broadcast %squeeze3A_770 : f32 to vector<16xf32>
        %mul3A_784 = arith.mulf %bitcast3A_782, %mul3A_783 : vector<16xf32>
        %and3A_785 = arith.constant -65536 : i32
        %and3A_786 = vector.broadcast %and3A_785 : i32 to vector<16xi32>
        %and3A_787 = arith.andi %bitcast3A_778, %and3A_786 : vector<16xi32>
        %bitcast3A_788 = vector.bitcast %and3A_787 : vector<16xi32> to vector<16xf32>
        %mul3A_789 = vector.broadcast %squeeze3A_770 : f32 to vector<16xf32>
        %mul3A_790 = arith.mulf %bitcast3A_788, %mul3A_789 : vector<16xf32>
        %swap3A_791 = arith.index_cast %add3A_774 : i32 to index
        %swap3A_792 = arith.constant 0 : index
        %swap3A_793 = tpu.vector_load %arg22[%swap3A_791, %swap3A_792] {strides = array<i32>} : memref<128x64xf32, #tpu.memory_space<vmem>>, vector<16xf32>,
        tpu.vector_store %arg22[%swap3A_791, %swap3A_792], %mul3A_784 {strides = array<i32>} : memref<128x64xf32, #tpu.memory_space<vmem>>, vector<16xf32>,
        %swap3A_794 = arith.index_cast %add3A_774 : i32 to index
        %swap3A_795 = arith.constant 16 : index
        %swap3A_796 = tpu.vector_load %arg22[%swap3A_794, %swap3A_795] {strides = array<i32>} : memref<128x64xf32, #tpu.memory_space<vmem>>, vector<16xf32>,
        tpu.vector_store %arg22[%swap3A_794, %swap3A_795], %mul3A_790 {strides = array<i32>} : memref<128x64xf32, #tpu.memory_space<vmem>>, vector<16xf32>,
        %get3A_797 = arith.index_cast %add3A_774 : i32 to index
        %get3A_798 = arith.constant 32 : index
        %get3A_799 = tpu.vector_load %arg21[%get3A_797, %get3A_798] {strides = array<i32>} : memref<128x64xbf16, #tpu.memory_space<vmem>>, vector<32xbf16>,
        %bitcast3A_800 = vector.bitcast %get3A_799 : vector<32xbf16> to vector<16xi32>
        %shift_left3A_801 = arith.constant 16 : i32
        %shift_left3A_802 = vector.broadcast %shift_left3A_801 : i32 to vector<16xi32>
        %shift_left3A_803 = arith.shli %bitcast3A_800, %shift_left3A_802 : vector<16xi32>
        %bitcast3A_804 = vector.bitcast %shift_left3A_803 : vector<16xi32> to vector<16xf32>
        %mul3A_805 = vector.broadcast %squeeze3A_770 : f32 to vector<16xf32>
        %mul3A_806 = arith.mulf %bitcast3A_804, %mul3A_805 : vector<16xf32>
        %and3A_807 = arith.constant -65536 : i32
        %and3A_808 = vector.broadcast %and3A_807 : i32 to vector<16xi32>
        %and3A_809 = arith.andi %bitcast3A_800, %and3A_808 : vector<16xi32>
        %bitcast3A_810 = vector.bitcast %and3A_809 : vector<16xi32> to vector<16xf32>
        %mul3A_811 = vector.broadcast %squeeze3A_770 : f32 to vector<16xf32>
        %mul3A_812 = arith.mulf %bitcast3A_810, %mul3A_811 : vector<16xf32>
        %swap3A_813 = arith.index_cast %add3A_774 : i32 to index
        %swap3A_814 = arith.constant 32 : index
        %swap3A_815 = tpu.vector_load %arg22[%swap3A_813, %swap3A_814] {strides = array<i32>} : memref<128x64xf32, #tpu.memory_space<vmem>>, vector<16xf32>,
        tpu.vector_store %arg22[%swap3A_813, %swap3A_814], %mul3A_806 {strides = array<i32>} : memref<128x64xf32, #tpu.memory_space<vmem>>, vector<16xf32>,
        %swap3A_816 = arith.index_cast %add3A_774 : i32 to index
        %swap3A_817 = arith.constant 48 : index
        %swap3A_818 = tpu.vector_load %arg22[%swap3A_816, %swap3A_817] {strides = array<i32>} : memref<128x64xf32, #tpu.memory_space<vmem>>, vector<16xf32>,
        tpu.vector_store %arg22[%swap3A_816, %swap3A_817], %mul3A_812 {strides = array<i32>} : memref<128x64xf32, #tpu.memory_space<vmem>>, vector<16xf32>,
        %slice3A_819 = vector.extract_strided_slice %get3A_323 {offsets = [10], sizes = [1], strides = [1]} : vector<16xf32> to vector<1xf32>
        %squeeze3A_820 = vector.extract %slice3A_819[0] : f32 from vector<1xf32>
        %mul3A_821 = arith.constant 16 : i32
        %mul3A_822 = arith.muli %scan3A_319, %mul3A_821 : i32
        %add3A_823 = arith.constant 10 : i32
        %add3A_824 = arith.addi %mul3A_822, %add3A_823 : i32
        %get3A_825 = arith.index_cast %add3A_824 : i32 to index
        %get3A_826 = arith.constant 0 : index
        %get3A_827 = tpu.vector_load %arg21[%get3A_825, %get3A_826] {strides = array<i32>} : memref<128x64xbf16, #tpu.memory_space<vmem>>, vector<32xbf16>,
        %bitcast3A_828 = vector.bitcast %get3A_827 : vector<32xbf16> to vector<16xi32>
        %shift_left3A_829 = arith.constant 16 : i32
        %shift_left3A_830 = vector.broadcast %shift_left3A_829 : i32 to vector<16xi32>
        %shift_left3A_831 = arith.shli %bitcast3A_828, %shift_left3A_830 : vector<16xi32>
        %bitcast3A_832 = vector.bitcast %shift_left3A_831 : vector<16xi32> to vector<16xf32>
        %mul3A_833 = vector.broadcast %squeeze3A_820 : f32 to vector<16xf32>
        %mul3A_834 = arith.mulf %bitcast3A_832, %mul3A_833 : vector<16xf32>
        %and3A_835 = arith.constant -65536 : i32
        %and3A_836 = vector.broadcast %and3A_835 : i32 to vector<16xi32>
        %and3A_837 = arith.andi %bitcast3A_828, %and3A_836 : vector<16xi32>
        %bitcast3A_838 = vector.bitcast %and3A_837 : vector<16xi32> to vector<16xf32>
        %mul3A_839 = vector.broadcast %squeeze3A_820 : f32 to vector<16xf32>
        %mul3A_840 = arith.mulf %bitcast3A_838, %mul3A_839 : vector<16xf32>
        %swap3A_841 = arith.index_cast %add3A_824 : i32 to index
        %swap3A_842 = arith.constant 0 : index
        %swap3A_843 = tpu.vector_load %arg22[%swap3A_841, %swap3A_842] {strides = array<i32>} : memref<128x64xf32, #tpu.memory_space<vmem>>, vector<16xf32>,
        tpu.vector_store %arg22[%swap3A_841, %swap3A_842], %mul3A_834 {strides = array<i32>} : memref<128x64xf32, #tpu.memory_space<vmem>>, vector<16xf32>,
        %swap3A_844 = arith.index_cast %add3A_824 : i32 to index
        %swap3A_845 = arith.constant 16 : index
        %swap3A_846 = tpu.vector_load %arg22[%swap3A_844, %swap3A_845] {strides = array<i32>} : memref<128x64xf32, #tpu.memory_space<vmem>>, vector<16xf32>,
        tpu.vector_store %arg22[%swap3A_844, %swap3A_845], %mul3A_840 {strides = array<i32>} : memref<128x64xf32, #tpu.memory_space<vmem>>, vector<16xf32>,
        %get3A_847 = arith.index_cast %add3A_824 : i32 to index
        %get3A_848 = arith.constant 32 : index
        %get3A_849 = tpu.vector_load %arg21[%get3A_847, %get3A_848] {strides = array<i32>} : memref<128x64xbf16, #tpu.memory_space<vmem>>, vector<32xbf16>,
        %bitcast3A_850 = vector.bitcast %get3A_849 : vector<32xbf16> to vector<16xi32>
        %shift_left3A_851 = arith.constant 16 : i32
        %shift_left3A_852 = vector.broadcast %shift_left3A_851 : i32 to vector<16xi32>
        %shift_left3A_853 = arith.shli %bitcast3A_850, %shift_left3A_852 : vector<16xi32>
        %bitcast3A_854 = vector.bitcast %shift_left3A_853 : vector<16xi32> to vector<16xf32>
        %mul3A_855 = vector.broadcast %squeeze3A_820 : f32 to vector<16xf32>
        %mul3A_856 = arith.mulf %bitcast3A_854, %mul3A_855 : vector<16xf32>
        %and3A_857 = arith.constant -65536 : i32
        %and3A_858 = vector.broadcast %and3A_857 : i32 to vector<16xi32>
        %and3A_859 = arith.andi %bitcast3A_850, %and3A_858 : vector<16xi32>
        %bitcast3A_860 = vector.bitcast %and3A_859 : vector<16xi32> to vector<16xf32>
        %mul3A_861 = vector.broadcast %squeeze3A_820 : f32 to vector<16xf32>
        %mul3A_862 = arith.mulf %bitcast3A_860, %mul3A_861 : vector<16xf32>
        %swap3A_863 = arith.index_cast %add3A_824 : i32 to index
        %swap3A_864 = arith.constant 32 : index
        %swap3A_865 = tpu.vector_load %arg22[%swap3A_863, %swap3A_864] {strides = array<i32>} : memref<128x64xf32, #tpu.memory_space<vmem>>, vector<16xf32>,
        tpu.vector_store %arg22[%swap3A_863, %swap3A_864], %mul3A_856 {strides = array<i32>} : memref<128x64xf32, #tpu.memory_space<vmem>>, vector<16xf32>,
        %swap3A_866 = arith.index_cast %add3A_824 : i32 to index
        %swap3A_867 = arith.constant 48 : index
        %swap3A_868 = tpu.vector_load %arg22[%swap3A_866, %swap3A_867] {strides = array<i32>} : memref<128x64xf32, #tpu.memory_space<vmem>>, vector<16xf32>,
        tpu.vector_store %arg22[%swap3A_866, %swap3A_867], %mul3A_862 {strides = array<i32>} : memref<128x64xf32, #tpu.memory_space<vmem>>, vector<16xf32>,
        %slice3A_869 = vector.extract_strided_slice %get3A_323 {offsets = [11], sizes = [1], strides = [1]} : vector<16xf32> to vector<1xf32>
        %squeeze3A_870 = vector.extract %slice3A_869[0] : f32 from vector<1xf32>
        %mul3A_871 = arith.constant 16 : i32
        %mul3A_872 = arith.muli %scan3A_319, %mul3A_871 : i32
        %add3A_873 = arith.constant 11 : i32
        %add3A_874 = arith.addi %mul3A_872, %add3A_873 : i32
        %get3A_875 = arith.index_cast %add3A_874 : i32 to index
        %get3A_876 = arith.constant 0 : index
        %get3A_877 = tpu.vector_load %arg21[%get3A_875, %get3A_876] {strides = array<i32>} : memref<128x64xbf16, #tpu.memory_space<vmem>>, vector<32xbf16>,
        %bitcast3A_878 = vector.bitcast %get3A_877 : vector<32xbf16> to vector<16xi32>
        %shift_left3A_879 = arith.constant 16 : i32
        %shift_left3A_880 = vector.broadcast %shift_left3A_879 : i32 to vector<16xi32>
        %shift_left3A_881 = arith.shli %bitcast3A_878, %shift_left3A_880 : vector<16xi32>
        %bitcast3A_882 = vector.bitcast %shift_left3A_881 : vector<16xi32> to vector<16xf32>
        %mul3A_883 = vector.broadcast %squeeze3A_870 : f32 to vector<16xf32>
        %mul3A_884 = arith.mulf %bitcast3A_882, %mul3A_883 : vector<16xf32>
        %and3A_885 = arith.constant -65536 : i32
        %and3A_886 = vector.broadcast %and3A_885 : i32 to vector<16xi32>
        %and3A_887 = arith.andi %bitcast3A_878, %and3A_886 : vector<16xi32>
        %bitcast3A_888 = vector.bitcast %and3A_887 : vector<16xi32> to vector<16xf32>
        %mul3A_889 = vector.broadcast %squeeze3A_870 : f32 to vector<16xf32>
        %mul3A_890 = arith.mulf %bitcast3A_888, %mul3A_889 : vector<16xf32>
        %swap3A_891 = arith.index_cast %add3A_874 : i32 to index
        %swap3A_892 = arith.constant 0 : index
        %swap3A_893 = tpu.vector_load %arg22[%swap3A_891, %swap3A_892] {strides = array<i32>} : memref<128x64xf32, #tpu.memory_space<vmem>>, vector<16xf32>,
        tpu.vector_store %arg22[%swap3A_891, %swap3A_892], %mul3A_884 {strides = array<i32>} : memref<128x64xf32, #tpu.memory_space<vmem>>, vector<16xf32>,
        %swap3A_894 = arith.index_cast %add3A_874 : i32 to index
        %swap3A_895 = arith.constant 16 : index
        %swap3A_896 = tpu.vector_load %arg22[%swap3A_894, %swap3A_895] {strides = array<i32>} : memref<128x64xf32, #tpu.memory_space<vmem>>, vector<16xf32>,
        tpu.vector_store %arg22[%swap3A_894, %swap3A_895], %mul3A_890 {strides = array<i32>} : memref<128x64xf32, #tpu.memory_space<vmem>>, vector<16xf32>,
        %get3A_897 = arith.index_cast %add3A_874 : i32 to index
        %get3A_898 = arith.constant 32 : index
        %get3A_899 = tpu.vector_load %arg21[%get3A_897, %get3A_898] {strides = array<i32>} : memref<128x64xbf16, #tpu.memory_space<vmem>>, vector<32xbf16>,
        %bitcast3A_900 = vector.bitcast %get3A_899 : vector<32xbf16> to vector<16xi32>
        %shift_left3A_901 = arith.constant 16 : i32
        %shift_left3A_902 = vector.broadcast %shift_left3A_901 : i32 to vector<16xi32>
        %shift_left3A_903 = arith.shli %bitcast3A_900, %shift_left3A_902 : vector<16xi32>
        %bitcast3A_904 = vector.bitcast %shift_left3A_903 : vector<16xi32> to vector<16xf32>
        %mul3A_905 = vector.broadcast %squeeze3A_870 : f32 to vector<16xf32>
        %mul3A_906 = arith.mulf %bitcast3A_904, %mul3A_905 : vector<16xf32>
        %and3A_907 = arith.constant -65536 : i32
        %and3A_908 = vector.broadcast %and3A_907 : i32 to vector<16xi32>
        %and3A_909 = arith.andi %bitcast3A_900, %and3A_908 : vector<16xi32>
        %bitcast3A_910 = vector.bitcast %and3A_909 : vector<16xi32> to vector<16xf32>
        %mul3A_911 = vector.broadcast %squeeze3A_870 : f32 to vector<16xf32>
        %mul3A_912 = arith.mulf %bitcast3A_910, %mul3A_911 : vector<16xf32>
        %swap3A_913 = arith.index_cast %add3A_874 : i32 to index
        %swap3A_914 = arith.constant 32 : index
        %swap3A_915 = tpu.vector_load %arg22[%swap3A_913, %swap3A_914] {strides = array<i32>} : memref<128x64xf32, #tpu.memory_space<vmem>>, vector<16xf32>,
        tpu.vector_store %arg22[%swap3A_913, %swap3A_914], %mul3A_906 {strides = array<i32>} : memref<128x64xf32, #tpu.memory_space<vmem>>, vector<16xf32>,
        %swap3A_916 = arith.index_cast %add3A_874 : i32 to index
        %swap3A_917 = arith.constant 48 : index
        %swap3A_918 = tpu.vector_load %arg22[%swap3A_916, %swap3A_917] {strides = array<i32>} : memref<128x64xf32, #tpu.memory_space<vmem>>, vector<16xf32>,
        tpu.vector_store %arg22[%swap3A_916, %swap3A_917], %mul3A_912 {strides = array<i32>} : memref<128x64xf32, #tpu.memory_space<vmem>>, vector<16xf32>,
        %slice3A_919 = vector.extract_strided_slice %get3A_323 {offsets = [12], sizes = [1], strides = [1]} : vector<16xf32> to vector<1xf32>
        %squeeze3A_920 = vector.extract %slice3A_919[0] : f32 from vector<1xf32>
        %mul3A_921 = arith.constant 16 : i32
        %mul3A_922 = arith.muli %scan3A_319, %mul3A_921 : i32
        %add3A_923 = arith.constant 12 : i32
        %add3A_924 = arith.addi %mul3A_922, %add3A_923 : i32
        %get3A_925 = arith.index_cast %add3A_924 : i32 to index
        %get3A_926 = arith.constant 0 : index
        %get3A_927 = tpu.vector_load %arg21[%get3A_925, %get3A_926] {strides = array<i32>} : memref<128x64xbf16, #tpu.memory_space<vmem>>, vector<32xbf16>,
        %bitcast3A_928 = vector.bitcast %get3A_927 : vector<32xbf16> to vector<16xi32>
        %shift_left3A_929 = arith.constant 16 : i32
        %shift_left3A_930 = vector.broadcast %shift_left3A_929 : i32 to vector<16xi32>
        %shift_left3A_931 = arith.shli %bitcast3A_928, %shift_left3A_930 : vector<16xi32>
        %bitcast3A_932 = vector.bitcast %shift_left3A_931 : vector<16xi32> to vector<16xf32>
        %mul3A_933 = vector.broadcast %squeeze3A_920 : f32 to vector<16xf32>
        %mul3A_934 = arith.mulf %bitcast3A_932, %mul3A_933 : vector<16xf32>
        %and3A_935 = arith.constant -65536 : i32
        %and3A_936 = vector.broadcast %and3A_935 : i32 to vector<16xi32>
        %and3A_937 = arith.andi %bitcast3A_928, %and3A_936 : vector<16xi32>
        %bitcast3A_938 = vector.bitcast %and3A_937 : vector<16xi32> to vector<16xf32>
        %mul3A_939 = vector.broadcast %squeeze3A_920 : f32 to vector<16xf32>
        %mul3A_940 = arith.mulf %bitcast3A_938, %mul3A_939 : vector<16xf32>
        %swap3A_941 = arith.index_cast %add3A_924 : i32 to index
        %swap3A_942 = arith.constant 0 : index
        %swap3A_943 = tpu.vector_load %arg22[%swap3A_941, %swap3A_942] {strides = array<i32>} : memref<128x64xf32, #tpu.memory_space<vmem>>, vector<16xf32>,
        tpu.vector_store %arg22[%swap3A_941, %swap3A_942], %mul3A_934 {strides = array<i32>} : memref<128x64xf32, #tpu.memory_space<vmem>>, vector<16xf32>,
        %swap3A_944 = arith.index_cast %add3A_924 : i32 to index
        %swap3A_945 = arith.constant 16 : index
        %swap3A_946 = tpu.vector_load %arg22[%swap3A_944, %swap3A_945] {strides = array<i32>} : memref<128x64xf32, #tpu.memory_space<vmem>>, vector<16xf32>,
        tpu.vector_store %arg22[%swap3A_944, %swap3A_945], %mul3A_940 {strides = array<i32>} : memref<128x64xf32, #tpu.memory_space<vmem>>, vector<16xf32>,
        %get3A_947 = arith.index_cast %add3A_924 : i32 to index
        %get3A_948 = arith.constant 32 : index
        %get3A_949 = tpu.vector_load %arg21[%get3A_947, %get3A_948] {strides = array<i32>} : memref<128x64xbf16, #tpu.memory_space<vmem>>, vector<32xbf16>,
        %bitcast3A_950 = vector.bitcast %get3A_949 : vector<32xbf16> to vector<16xi32>
        %shift_left3A_951 = arith.constant 16 : i32
        %shift_left3A_952 = vector.broadcast %shift_left3A_951 : i32 to vector<16xi32>
        %shift_left3A_953 = arith.shli %bitcast3A_950, %shift_left3A_952 : vector<16xi32>
        %bitcast3A_954 = vector.bitcast %shift_left3A_953 : vector<16xi32> to vector<16xf32>
        %mul3A_955 = vector.broadcast %squeeze3A_920 : f32 to vector<16xf32>
        %mul3A_956 = arith.mulf %bitcast3A_954, %mul3A_955 : vector<16xf32>
        %and3A_957 = arith.constant -65536 : i32
        %and3A_958 = vector.broadcast %and3A_957 : i32 to vector<16xi32>
        %and3A_959 = arith.andi %bitcast3A_950, %and3A_958 : vector<16xi32>
        %bitcast3A_960 = vector.bitcast %and3A_959 : vector<16xi32> to vector<16xf32>
        %mul3A_961 = vector.broadcast %squeeze3A_920 : f32 to vector<16xf32>
        %mul3A_962 = arith.mulf %bitcast3A_960, %mul3A_961 : vector<16xf32>
        %swap3A_963 = arith.index_cast %add3A_924 : i32 to index
        %swap3A_964 = arith.constant 32 : index
        %swap3A_965 = tpu.vector_load %arg22[%swap3A_963, %swap3A_964] {strides = array<i32>} : memref<128x64xf32, #tpu.memory_space<vmem>>, vector<16xf32>,
        tpu.vector_store %arg22[%swap3A_963, %swap3A_964], %mul3A_956 {strides = array<i32>} : memref<128x64xf32, #tpu.memory_space<vmem>>, vector<16xf32>,
        %swap3A_966 = arith.index_cast %add3A_924 : i32 to index
        %swap3A_967 = arith.constant 48 : index
        %swap3A_968 = tpu.vector_load %arg22[%swap3A_966, %swap3A_967] {strides = array<i32>} : memref<128x64xf32, #tpu.memory_space<vmem>>, vector<16xf32>,
        tpu.vector_store %arg22[%swap3A_966, %swap3A_967], %mul3A_962 {strides = array<i32>} : memref<128x64xf32, #tpu.memory_space<vmem>>, vector<16xf32>,
        %slice3A_969 = vector.extract_strided_slice %get3A_323 {offsets = [13], sizes = [1], strides = [1]} : vector<16xf32> to vector<1xf32>
        %squeeze3A_970 = vector.extract %slice3A_969[0] : f32 from vector<1xf32>
        %mul3A_971 = arith.constant 16 : i32
        %mul3A_972 = arith.muli %scan3A_319, %mul3A_971 : i32
        %add3A_973 = arith.constant 13 : i32
        %add3A_974 = arith.addi %mul3A_972, %add3A_973 : i32
        %get3A_975 = arith.index_cast %add3A_974 : i32 to index
        %get3A_976 = arith.constant 0 : index
        %get3A_977 = tpu.vector_load %arg21[%get3A_975, %get3A_976] {strides = array<i32>} : memref<128x64xbf16, #tpu.memory_space<vmem>>, vector<32xbf16>,
        %bitcast3A_978 = vector.bitcast %get3A_977 : vector<32xbf16> to vector<16xi32>
        %shift_left3A_979 = arith.constant 16 : i32
        %shift_left3A_980 = vector.broadcast %shift_left3A_979 : i32 to vector<16xi32>
        %shift_left3A_981 = arith.shli %bitcast3A_978, %shift_left3A_980 : vector<16xi32>
        %bitcast3A_982 = vector.bitcast %shift_left3A_981 : vector<16xi32> to vector<16xf32>
        %mul3A_983 = vector.broadcast %squeeze3A_970 : f32 to vector<16xf32>
        %mul3A_984 = arith.mulf %bitcast3A_982, %mul3A_983 : vector<16xf32>
        %and3A_985 = arith.constant -65536 : i32
        %and3A_986 = vector.broadcast %and3A_985 : i32 to vector<16xi32>
        %and3A_987 = arith.andi %bitcast3A_978, %and3A_986 : vector<16xi32>
        %bitcast3A_988 = vector.bitcast %and3A_987 : vector<16xi32> to vector<16xf32>
        %mul3A_989 = vector.broadcast %squeeze3A_970 : f32 to vector<16xf32>
        %mul3A_990 = arith.mulf %bitcast3A_988, %mul3A_989 : vector<16xf32>
        %swap3A_991 = arith.index_cast %add3A_974 : i32 to index
        %swap3A_992 = arith.constant 0 : index
        %swap3A_993 = tpu.vector_load %arg22[%swap3A_991, %swap3A_992] {strides = array<i32>} : memref<128x64xf32, #tpu.memory_space<vmem>>, vector<16xf32>,
        tpu.vector_store %arg22[%swap3A_991, %swap3A_992], %mul3A_984 {strides = array<i32>} : memref<128x64xf32, #tpu.memory_space<vmem>>, vector<16xf32>,
        %swap3A_994 = arith.index_cast %add3A_974 : i32 to index
        %swap3A_995 = arith.constant 16 : index
        %swap3A_996 = tpu.vector_load %arg22[%swap3A_994, %swap3A_995] {strides = array<i32>} : memref<128x64xf32, #tpu.memory_space<vmem>>, vector<16xf32>,
        tpu.vector_store %arg22[%swap3A_994, %swap3A_995], %mul3A_990 {strides = array<i32>} : memref<128x64xf32, #tpu.memory_space<vmem>>, vector<16xf32>,
        %get3A_997 = arith.index_cast %add3A_974 : i32 to index
        %get3A_998 = arith.constant 32 : index
        %get3A_999 = tpu.vector_load %arg21[%get3A_997, %get3A_998] {strides = array<i32>} : memref<128x64xbf16, #tpu.memory_space<vmem>>, vector<32xbf16>,
        %bitcast3A_1000 = vector.bitcast %get3A_999 : vector<32xbf16> to vector<16xi32>
        %shift_left3A_1001 = arith.constant 16 : i32
        %shift_left3A_1002 = vector.broadcast %shift_left3A_1001 : i32 to vector<16xi32>
        %shift_left3A_1003 = arith.shli %bitcast3A_1000, %shift_left3A_1002 : vector<16xi32>
        %bitcast3A_1004 = vector.bitcast %shift_left3A_1003 : vector<16xi32> to vector<16xf32>
        %mul3A_1005 = vector.broadcast %squeeze3A_970 : f32 to vector<16xf32>
        %mul3A_1006 = arith.mulf %bitcast3A_1004, %mul3A_1005 : vector<16xf32>
        %and3A_1007 = arith.constant -65536 : i32
        %and3A_1008 = vector.broadcast %and3A_1007 : i32 to vector<16xi32>
        %and3A_1009 = arith.andi %bitcast3A_1000, %and3A_1008 : vector<16xi32>
        %bitcast3A_1010 = vector.bitcast %and3A_1009 : vector<16xi32> to vector<16xf32>
        %mul3A_1011 = vector.broadcast %squeeze3A_970 : f32 to vector<16xf32>
        %mul3A_1012 = arith.mulf %bitcast3A_1010, %mul3A_1011 : vector<16xf32>
        %swap3A_1013 = arith.index_cast %add3A_974 : i32 to index
        %swap3A_1014 = arith.constant 32 : index
        %swap3A_1015 = tpu.vector_load %arg22[%swap3A_1013, %swap3A_1014] {strides = array<i32>} : memref<128x64xf32, #tpu.memory_space<vmem>>, vector<16xf32>,
        tpu.vector_store %arg22[%swap3A_1013, %swap3A_1014], %mul3A_1006 {strides = array<i32>} : memref<128x64xf32, #tpu.memory_space<vmem>>, vector<16xf32>,
        %swap3A_1016 = arith.index_cast %add3A_974 : i32 to index
        %swap3A_1017 = arith.constant 48 : index
        %swap3A_1018 = tpu.vector_load %arg22[%swap3A_1016, %swap3A_1017] {strides = array<i32>} : memref<128x64xf32, #tpu.memory_space<vmem>>, vector<16xf32>,
        tpu.vector_store %arg22[%swap3A_1016, %swap3A_1017], %mul3A_1012 {strides = array<i32>} : memref<128x64xf32, #tpu.memory_space<vmem>>, vector<16xf32>,
        %slice3A_1019 = vector.extract_strided_slice %get3A_323 {offsets = [14], sizes = [1], strides = [1]} : vector<16xf32> to vector<1xf32>
        %squeeze3A_1020 = vector.extract %slice3A_1019[0] : f32 from vector<1xf32>
        %mul3A_1021 = arith.constant 16 : i32
        %mul3A_1022 = arith.muli %scan3A_319, %mul3A_1021 : i32
        %add3A_1023 = arith.constant 14 : i32
        %add3A_1024 = arith.addi %mul3A_1022, %add3A_1023 : i32
        %get3A_1025 = arith.index_cast %add3A_1024 : i32 to index
        %get3A_1026 = arith.constant 0 : index
        %get3A_1027 = tpu.vector_load %arg21[%get3A_1025, %get3A_1026] {strides = array<i32>} : memref<128x64xbf16, #tpu.memory_space<vmem>>, vector<32xbf16>,
        %bitcast3A_1028 = vector.bitcast %get3A_1027 : vector<32xbf16> to vector<16xi32>
        %shift_left3A_1029 = arith.constant 16 : i32
        %shift_left3A_1030 = vector.broadcast %shift_left3A_1029 : i32 to vector<16xi32>
        %shift_left3A_1031 = arith.shli %bitcast3A_1028, %shift_left3A_1030 : vector<16xi32>
        %bitcast3A_1032 = vector.bitcast %shift_left3A_1031 : vector<16xi32> to vector<16xf32>
        %mul3A_1033 = vector.broadcast %squeeze3A_1020 : f32 to vector<16xf32>
        %mul3A_1034 = arith.mulf %bitcast3A_1032, %mul3A_1033 : vector<16xf32>
        %and3A_1035 = arith.constant -65536 : i32
        %and3A_1036 = vector.broadcast %and3A_1035 : i32 to vector<16xi32>
        %and3A_1037 = arith.andi %bitcast3A_1028, %and3A_1036 : vector<16xi32>
        %bitcast3A_1038 = vector.bitcast %and3A_1037 : vector<16xi32> to vector<16xf32>
        %mul3A_1039 = vector.broadcast %squeeze3A_1020 : f32 to vector<16xf32>
        %mul3A_1040 = arith.mulf %bitcast3A_1038, %mul3A_1039 : vector<16xf32>
        %swap3A_1041 = arith.index_cast %add3A_1024 : i32 to index
        %swap3A_1042 = arith.constant 0 : index
        %swap3A_1043 = tpu.vector_load %arg22[%swap3A_1041, %swap3A_1042] {strides = array<i32>} : memref<128x64xf32, #tpu.memory_space<vmem>>, vector<16xf32>,
        tpu.vector_store %arg22[%swap3A_1041, %swap3A_1042], %mul3A_1034 {strides = array<i32>} : memref<128x64xf32, #tpu.memory_space<vmem>>, vector<16xf32>,
        %swap3A_1044 = arith.index_cast %add3A_1024 : i32 to index
        %swap3A_1045 = arith.constant 16 : index
        %swap3A_1046 = tpu.vector_load %arg22[%swap3A_1044, %swap3A_1045] {strides = array<i32>} : memref<128x64xf32, #tpu.memory_space<vmem>>, vector<16xf32>,
        tpu.vector_store %arg22[%swap3A_1044, %swap3A_1045], %mul3A_1040 {strides = array<i32>} : memref<128x64xf32, #tpu.memory_space<vmem>>, vector<16xf32>,
        %get3A_1047 = arith.index_cast %add3A_1024 : i32 to index
        %get3A_1048 = arith.constant 32 : index
        %get3A_1049 = tpu.vector_load %arg21[%get3A_1047, %get3A_1048] {strides = array<i32>} : memref<128x64xbf16, #tpu.memory_space<vmem>>, vector<32xbf16>,
        %bitcast3A_1050 = vector.bitcast %get3A_1049 : vector<32xbf16> to vector<16xi32>
        %shift_left3A_1051 = arith.constant 16 : i32
        %shift_left3A_1052 = vector.broadcast %shift_left3A_1051 : i32 to vector<16xi32>
        %shift_left3A_1053 = arith.shli %bitcast3A_1050, %shift_left3A_1052 : vector<16xi32>
        %bitcast3A_1054 = vector.bitcast %shift_left3A_1053 : vector<16xi32> to vector<16xf32>
        %mul3A_1055 = vector.broadcast %squeeze3A_1020 : f32 to vector<16xf32>
        %mul3A_1056 = arith.mulf %bitcast3A_1054, %mul3A_1055 : vector<16xf32>
        %and3A_1057 = arith.constant -65536 : i32
        %and3A_1058 = vector.broadcast %and3A_1057 : i32 to vector<16xi32>
        %and3A_1059 = arith.andi %bitcast3A_1050, %and3A_1058 : vector<16xi32>
        %bitcast3A_1060 = vector.bitcast %and3A_1059 : vector<16xi32> to vector<16xf32>
        %mul3A_1061 = vector.broadcast %squeeze3A_1020 : f32 to vector<16xf32>
        %mul3A_1062 = arith.mulf %bitcast3A_1060, %mul3A_1061 : vector<16xf32>
        %swap3A_1063 = arith.index_cast %add3A_1024 : i32 to index
        %swap3A_1064 = arith.constant 32 : index
        %swap3A_1065 = tpu.vector_load %arg22[%swap3A_1063, %swap3A_1064] {strides = array<i32>} : memref<128x64xf32, #tpu.memory_space<vmem>>, vector<16xf32>,
        tpu.vector_store %arg22[%swap3A_1063, %swap3A_1064], %mul3A_1056 {strides = array<i32>} : memref<128x64xf32, #tpu.memory_space<vmem>>, vector<16xf32>,
        %swap3A_1066 = arith.index_cast %add3A_1024 : i32 to index
        %swap3A_1067 = arith.constant 48 : index
        %swap3A_1068 = tpu.vector_load %arg22[%swap3A_1066, %swap3A_1067] {strides = array<i32>} : memref<128x64xf32, #tpu.memory_space<vmem>>, vector<16xf32>,
        tpu.vector_store %arg22[%swap3A_1066, %swap3A_1067], %mul3A_1062 {strides = array<i32>} : memref<128x64xf32, #tpu.memory_space<vmem>>, vector<16xf32>,
        %slice3A_1069 = vector.extract_strided_slice %get3A_323 {offsets = [15], sizes = [1], strides = [1]} : vector<16xf32> to vector<1xf32>
        %squeeze3A_1070 = vector.extract %slice3A_1069[0] : f32 from vector<1xf32>
        %mul3A_1071 = arith.constant 16 : i32
        %mul3A_1072 = arith.muli %scan3A_319, %mul3A_1071 : i32
        %add3A_1073 = arith.constant 15 : i32
        %add3A_1074 = arith.addi %mul3A_1072, %add3A_1073 : i32
        %get3A_1075 = arith.index_cast %add3A_1074 : i32 to index
        %get3A_1076 = arith.constant 0 : index
        %get3A_1077 = tpu.vector_load %arg21[%get3A_1075, %get3A_1076] {strides = array<i32>} : memref<128x64xbf16, #tpu.memory_space<vmem>>, vector<32xbf16>,
        %bitcast3A_1078 = vector.bitcast %get3A_1077 : vector<32xbf16> to vector<16xi32>
        %shift_left3A_1079 = arith.constant 16 : i32
        %shift_left3A_1080 = vector.broadcast %shift_left3A_1079 : i32 to vector<16xi32>
        %shift_left3A_1081 = arith.shli %bitcast3A_1078, %shift_left3A_1080 : vector<16xi32>
        %bitcast3A_1082 = vector.bitcast %shift_left3A_1081 : vector<16xi32> to vector<16xf32>
        %mul3A_1083 = vector.broadcast %squeeze3A_1070 : f32 to vector<16xf32>
        %mul3A_1084 = arith.mulf %bitcast3A_1082, %mul3A_1083 : vector<16xf32>
        %and3A_1085 = arith.constant -65536 : i32
        %and3A_1086 = vector.broadcast %and3A_1085 : i32 to vector<16xi32>
        %and3A_1087 = arith.andi %bitcast3A_1078, %and3A_1086 : vector<16xi32>
        %bitcast3A_1088 = vector.bitcast %and3A_1087 : vector<16xi32> to vector<16xf32>
        %mul3A_1089 = vector.broadcast %squeeze3A_1070 : f32 to vector<16xf32>
        %mul3A_1090 = arith.mulf %bitcast3A_1088, %mul3A_1089 : vector<16xf32>
        %swap3A_1091 = arith.index_cast %add3A_1074 : i32 to index
        %swap3A_1092 = arith.constant 0 : index
        %swap3A_1093 = tpu.vector_load %arg22[%swap3A_1091, %swap3A_1092] {strides = array<i32>} : memref<128x64xf32, #tpu.memory_space<vmem>>, vector<16xf32>,
        tpu.vector_store %arg22[%swap3A_1091, %swap3A_1092], %mul3A_1084 {strides = array<i32>} : memref<128x64xf32, #tpu.memory_space<vmem>>, vector<16xf32>,
        %swap3A_1094 = arith.index_cast %add3A_1074 : i32 to index
        %swap3A_1095 = arith.constant 16 : index
        %swap3A_1096 = tpu.vector_load %arg22[%swap3A_1094, %swap3A_1095] {strides = array<i32>} : memref<128x64xf32, #tpu.memory_space<vmem>>, vector<16xf32>,
        tpu.vector_store %arg22[%swap3A_1094, %swap3A_1095], %mul3A_1090 {strides = array<i32>} : memref<128x64xf32, #tpu.memory_space<vmem>>, vector<16xf32>,
        %get3A_1097 = arith.index_cast %add3A_1074 : i32 to index
        %get3A_1098 = arith.constant 32 : index
        %get3A_1099 = tpu.vector_load %arg21[%get3A_1097, %get3A_1098] {strides = array<i32>} : memref<128x64xbf16, #tpu.memory_space<vmem>>, vector<32xbf16>,
        %bitcast3A_1100 = vector.bitcast %get3A_1099 : vector<32xbf16> to vector<16xi32>
        %shift_left3A_1101 = arith.constant 16 : i32
        %shift_left3A_1102 = vector.broadcast %shift_left3A_1101 : i32 to vector<16xi32>
        %shift_left3A_1103 = arith.shli %bitcast3A_1100, %shift_left3A_1102 : vector<16xi32>
        %bitcast3A_1104 = vector.bitcast %shift_left3A_1103 : vector<16xi32> to vector<16xf32>
        %mul3A_1105 = vector.broadcast %squeeze3A_1070 : f32 to vector<16xf32>
        %mul3A_1106 = arith.mulf %bitcast3A_1104, %mul3A_1105 : vector<16xf32>
        %and3A_1107 = arith.constant -65536 : i32
        %and3A_1108 = vector.broadcast %and3A_1107 : i32 to vector<16xi32>
        %and3A_1109 = arith.andi %bitcast3A_1100, %and3A_1108 : vector<16xi32>
        %bitcast3A_1110 = vector.bitcast %and3A_1109 : vector<16xi32> to vector<16xf32>
        %mul3A_1111 = vector.broadcast %squeeze3A_1070 : f32 to vector<16xf32>
        %mul3A_1112 = arith.mulf %bitcast3A_1110, %mul3A_1111 : vector<16xf32>
        %swap3A_1113 = arith.index_cast %add3A_1074 : i32 to index
        %swap3A_1114 = arith.constant 32 : index
        %swap3A_1115 = tpu.vector_load %arg22[%swap3A_1113, %swap3A_1114] {strides = array<i32>} : memref<128x64xf32, #tpu.memory_space<vmem>>, vector<16xf32>,
        tpu.vector_store %arg22[%swap3A_1113, %swap3A_1114], %mul3A_1106 {strides = array<i32>} : memref<128x64xf32, #tpu.memory_space<vmem>>, vector<16xf32>,
        %swap3A_1116 = arith.index_cast %add3A_1074 : i32 to index
        %swap3A_1117 = arith.constant 48 : index
        %swap3A_1118 = tpu.vector_load %arg22[%swap3A_1116, %swap3A_1117] {strides = array<i32>} : memref<128x64xf32, #tpu.memory_space<vmem>>, vector<16xf32>,
        tpu.vector_store %arg22[%swap3A_1116, %swap3A_1117], %mul3A_1112 {strides = array<i32>} : memref<128x64xf32, #tpu.memory_space<vmem>>, vector<16xf32>,
      }
      %scan3A_308 = arith.constant 8 : i32
      %dma_start3A_309 = arith.constant 0 : i32
      %dma_start3A_310 = tpu.memref_slice %arg24[%dma_start3A_309] : memref<10240xf32, #tpu.memory_space<vmem_shared>> -> memref<10240xf32, #tpu.memory_space<vmem_shared>>
      tpu.enqueue_indirect_dma source(%arg17 : memref<128xf32, #tpu.memory_space<vmem>>) target(%dma_start3A_310 : memref<10240xf32, #tpu.memory_space<vmem_shared>>) offsets(%arg16 : memref<128xi32, #tpu.memory_space<vmem>>) semaphore(%arg26 : memref<!tpu.dma_semaphore, #tpu.memory_space<semaphore_mem>>) {add = true}
      %dma_start3A_311 = arith.constant 0 : i32
      %dma_start3A_312 = arith.constant 0 : i32
      %dma_start3A_313 = tpu.memref_slice %arg23[%dma_start3A_311, %dma_start3A_312] : memref<10240x64xf32, #tpu.memory_space<vmem_shared>> -> memref<10240x64xf32, #tpu.memory_space<vmem_shared>>
      tpu.enqueue_indirect_dma source(%arg22 : memref<128x64xf32, #tpu.memory_space<vmem>>) target(%dma_start3A_313 : memref<10240x64xf32, #tpu.memory_space<vmem_shared>>) offsets(%arg16 : memref<128xi32, #tpu.memory_space<vmem>>) semaphore(%arg25 : memref<!tpu.dma_semaphore, #tpu.memory_space<semaphore_mem>>) {add = true}
      %dma_wait3A_314 = arith.constant 0 : i32
      %dma_wait3A_315 = tpu.memref_slice %arg24[%dma_wait3A_314] : memref<10240xf32, #tpu.memory_space<vmem_shared>> -> memref<10240xf32, #tpu.memory_space<vmem_shared>>
      tpu.wait_indirect_dma semaphore(%arg26 : memref<!tpu.dma_semaphore, #tpu.memory_space<semaphore_mem>>) src(%arg17 : memref<128xf32, #tpu.memory_space<vmem>>) dst(%dma_wait3A_315 : memref<10240xf32, #tpu.memory_space<vmem_shared>>)
      %dma_wait3A_316 = arith.constant 0 : i32
      %dma_wait3A_317 = arith.constant 0 : i32
      %dma_wait3A_318 = tpu.memref_slice %arg23[%dma_wait3A_316, %dma_wait3A_317] : memref<10240x64xf32, #tpu.memory_space<vmem_shared>> -> memref<10240x64xf32, #tpu.memory_space<vmem_shared>>
      tpu.wait_indirect_dma semaphore(%arg25 : memref<!tpu.dma_semaphore, #tpu.memory_space<semaphore_mem>>) src(%arg22 : memref<128x64xf32, #tpu.memory_space<vmem>>) dst(%dma_wait3A_318 : memref<10240x64xf32, #tpu.memory_space<vmem_shared>>)
    }
    %scan3A_7 = arith.constant 40 : i32
    %barrier3A_8 = arith.constant 0 : index
    tpu.barrier barrier_id(%barrier3A_8)
    "tpu.region"() ({
      %run_scoped3A = tpu.sem_alloc : memref<!tpu.dma_semaphore, #tpu.memory_space<semaphore_mem>>
      %dma_start3A = arith.constant 0 : i32
      %dma_start3A_9 = tpu.memref_slice %arg9[%arg0, %mul3A_2, %dma_start3A] : memref<2x10240x64xf32, #tpu.memory_space<hbm>> -> memref<1x640x64xf32, #tpu.memory_space<hbm>>
      %dma_start3A_10 = tpu.memref_squeeze %dma_start3A_9 : memref<1x640x64xf32, #tpu.memory_space<hbm>> -> memref<640x64xf32, #tpu.memory_space<hbm>>
      %dma_start3A_11 = arith.constant 0 : i32
      %dma_start3A_12 = tpu.memref_slice %arg23[%mul3A_2, %dma_start3A_11] : memref<10240x64xf32, #tpu.memory_space<vmem_shared>> -> memref<640x64xf32, #tpu.memory_space<vmem_shared>>
      tpu.enqueue_dma source(%dma_start3A_12 : memref<640x64xf32, #tpu.memory_space<vmem_shared>>) target(%dma_start3A_10 : memref<640x64xf32, #tpu.memory_space<hbm>>) target_semaphore(%run_scoped3A : memref<!tpu.dma_semaphore, #tpu.memory_space<semaphore_mem>>)
      %dma_wait3A = arith.constant 0 : i32
      %dma_wait3A_13 = tpu.memref_slice %arg9[%arg0, %mul3A_2, %dma_wait3A] : memref<2x10240x64xf32, #tpu.memory_space<hbm>> -> memref<1x640x64xf32, #tpu.memory_space<hbm>>
      %dma_wait3A_14 = tpu.memref_squeeze %dma_wait3A_13 : memref<1x640x64xf32, #tpu.memory_space<hbm>> -> memref<640x64xf32, #tpu.memory_space<hbm>>
      %dma_wait3A_15 = arith.constant 0 : i32
      %dma_wait3A_16 = tpu.memref_slice %arg23[%mul3A_2, %dma_wait3A_15] : memref<10240x64xf32, #tpu.memory_space<vmem_shared>> -> memref<640x64xf32, #tpu.memory_space<vmem_shared>>
      tpu.wait_dma2 semaphore(%run_scoped3A : memref<!tpu.dma_semaphore, #tpu.memory_space<semaphore_mem>>) src(%dma_wait3A_16 : memref<640x64xf32, #tpu.memory_space<vmem_shared>>) dst(%dma_wait3A_14 : memref<640x64xf32, #tpu.memory_space<hbm>>)
      tpu.yield
    }) : () -> ()
    "tpu.region"() ({
      %run_scoped3A = tpu.sem_alloc : memref<!tpu.dma_semaphore, #tpu.memory_space<semaphore_mem>>
      %dma_start3A = tpu.memref_slice %arg10[%arg0, %mul3A_2] : memref<2x10240xf32, #tpu.memory_space<hbm>> -> memref<1x640xf32, #tpu.memory_space<hbm>>
      %dma_start3A_9 = tpu.memref_squeeze %dma_start3A : memref<1x640xf32, #tpu.memory_space<hbm>> -> memref<640xf32, #tpu.memory_space<hbm>>
      %dma_start3A_10 = tpu.memref_slice %arg24[%mul3A_2] : memref<10240xf32, #tpu.memory_space<vmem_shared>> -> memref<640xf32, #tpu.memory_space<vmem_shared>>
      tpu.enqueue_dma source(%dma_start3A_10 : memref<640xf32, #tpu.memory_space<vmem_shared>>) target(%dma_start3A_9 : memref<640xf32, #tpu.memory_space<hbm>>) target_semaphore(%run_scoped3A : memref<!tpu.dma_semaphore, #tpu.memory_space<semaphore_mem>>)
      %dma_wait3A = tpu.memref_slice %arg10[%arg0, %mul3A_2] : memref<2x10240xf32, #tpu.memory_space<hbm>> -> memref<1x640xf32, #tpu.memory_space<hbm>>
      %dma_wait3A_11 = tpu.memref_squeeze %dma_wait3A : memref<1x640xf32, #tpu.memory_space<hbm>> -> memref<640xf32, #tpu.memory_space<hbm>>
      %dma_wait3A_12 = tpu.memref_slice %arg24[%mul3A_2] : memref<10240xf32, #tpu.memory_space<vmem_shared>> -> memref<640xf32, #tpu.memory_space<vmem_shared>>
      tpu.wait_dma2 semaphore(%run_scoped3A : memref<!tpu.dma_semaphore, #tpu.memory_space<semaphore_mem>>) src(%dma_wait3A_12 : memref<640xf32, #tpu.memory_space<vmem_shared>>) dst(%dma_wait3A_11 : memref<640xf32, #tpu.memory_space<hbm>>)
      tpu.yield
    }) : () -> ()
    return
  }
}

#map = affine_map<(d0, d1) -> (0, 0)>
#map1 = affine_map<(d0, d1) -> (0)>
#map2 = affine_map<(d0, d1) -> (0, 0, 0)>
module attributes {stable_mosaic.version = 14 : i64} {
  func.func @_sc_edge_body(%arg0: i32, %arg1: i32, %arg2: memref<32x5376xi32, #tpu.memory_space<hbm>>, %arg3: memref<32x5376xi32, #tpu.memory_space<hbm>>, %arg4: memref<10240xf32, #tpu.memory_space<hbm>>, %arg5: memref<10240xf32, #tpu.memory_space<hbm>>, %arg6: memref<10000x64xbf16, #tpu.memory_space<hbm>>, %arg7: memref<10240x64xf32, #tpu.memory_space<hbm>>, %arg8: memref<10240xf32, #tpu.memory_space<hbm>>, %arg9: memref<2x10240x64xf32, #tpu.memory_space<hbm>>, %arg10: memref<2x10240xf32, #tpu.memory_space<hbm>>, %arg11: memref<5376xi32, #tpu.memory_space<vmem>>, %arg12: memref<5376xi32, #tpu.memory_space<vmem>>, %arg13: memref<10240xf32, #tpu.memory_space<vmem>>, %arg14: memref<10240xf32, #tpu.memory_space<vmem>>, %arg15: memref<128xi32, #tpu.memory_space<vmem>>, %arg16: memref<128xi32, #tpu.memory_space<vmem>>, %arg17: memref<128xf32, #tpu.memory_space<vmem>>, %arg18: memref<128xi32, #tpu.memory_space<vmem>>, %arg19: memref<128xi32, #tpu.memory_space<vmem>>, %arg20: memref<128xf32, #tpu.memory_space<vmem>>, %arg21: memref<128x64xbf16, #tpu.memory_space<vmem>>, %arg22: memref<128x64xf32, #tpu.memory_space<vmem>>, %arg23: memref<10240x64xf32, #tpu.memory_space<vmem_shared>>, %arg24: memref<10240xf32, #tpu.memory_space<vmem_shared>>, %arg25: memref<!tpu.dma_semaphore, #tpu.memory_space<semaphore_mem>>, %arg26: memref<!tpu.dma_semaphore, #tpu.memory_space<semaphore_mem>>) attributes {dimension_semantics = [#tpu.dimension_semantics<core_parallel>, #tpu.dimension_semantics<subcore_parallel>], iteration_bounds = array<i64: 2, 16>, scalar_prefetch = 0 : i64, scratch_operands = 16 : i64, tpu.core_type = #tpu.core_type<sc_vector_subcore>, window_params = [{transform_indices = #map}, {transform_indices = #map}, {transform_indices = #map1}, {transform_indices = #map1}, {transform_indices = #map}, {transform_indices = #map}, {transform_indices = #map1}, {transform_indices = #map2}, {transform_indices = #map}]} {
    %mul3A = arith.constant 16 : i32
    %mul3A_0 = arith.muli %arg0, %mul3A : i32
    %add3A = arith.addi %mul3A_0, %arg1 : i32
    %mul3A_1 = arith.constant 640 : i32
    %mul3A_2 = arith.muli %arg1, %mul3A_1 : i32
    "tpu.region"() ({
      %run_scoped3A = tpu.sem_alloc : memref<!tpu.dma_semaphore, #tpu.memory_space<semaphore_mem>>
      %dma_start3A = arith.constant 0 : i32
      %dma_start3A_9 = tpu.memref_slice %arg23[%mul3A_2, %dma_start3A] : memref<10240x64xf32, #tpu.memory_space<vmem_shared>> -> memref<640x64xf32, #tpu.memory_space<vmem_shared>>
      %dma_start3A_10 = arith.constant 0 : i32
      %dma_start3A_11 = tpu.memref_slice %arg7[%mul3A_2, %dma_start3A_10] : memref<10240x64xf32, #tpu.memory_space<hbm>> -> memref<640x64xf32, #tpu.memory_space<hbm>>
      tpu.enqueue_dma source(%dma_start3A_11 : memref<640x64xf32, #tpu.memory_space<hbm>>) target(%dma_start3A_9 : memref<640x64xf32, #tpu.memory_space<vmem_shared>>) target_semaphore(%run_scoped3A : memref<!tpu.dma_semaphore, #tpu.memory_space<semaphore_mem>>)
      %dma_wait3A = arith.constant 0 : i32
      %dma_wait3A_12 = tpu.memref_slice %arg23[%mul3A_2, %dma_wait3A] : memref<10240x64xf32, #tpu.memory_space<vmem_shared>> -> memref<640x64xf32, #tpu.memory_space<vmem_shared>>
      %dma_wait3A_13 = arith.constant 0 : i32
      %dma_wait3A_14 = tpu.memref_slice %arg7[%mul3A_2, %dma_wait3A_13] : memref<10240x64xf32, #tpu.memory_space<hbm>> -> memref<640x64xf32, #tpu.memory_space<hbm>>
      tpu.wait_dma2 semaphore(%run_scoped3A : memref<!tpu.dma_semaphore, #tpu.memory_space<semaphore_mem>>) src(%dma_wait3A_14 : memref<640x64xf32, #tpu.memory_space<hbm>>) dst(%dma_wait3A_12 : memref<640x64xf32, #tpu.memory_space<vmem_shared>>)
      tpu.yield
    }) : () -> ()
    "tpu.region"() ({
      %run_scoped3A = tpu.sem_alloc : memref<!tpu.dma_semaphore, #tpu.memory_space<semaphore_mem>>
      %dma_start3A = tpu.memref_slice %arg24[%mul3A_2] : memref<10240xf32, #tpu.memory_space<vmem_shared>> -> memref<640xf32, #tpu.memory_space<vmem_shared>>
      %dma_start3A_9 = tpu.memref_slice %arg8[%mul3A_2] : memref<10240xf32, #tpu.memory_space<hbm>> -> memref<640xf32, #tpu.memory_space<hbm>>
      tpu.enqueue_dma source(%dma_start3A_9 : memref<640xf32, #tpu.memory_space<hbm>>) target(%dma_start3A : memref<640xf32, #tpu.memory_space<vmem_shared>>) target_semaphore(%run_scoped3A : memref<!tpu.dma_semaphore, #tpu.memory_space<semaphore_mem>>)
      %dma_wait3A = tpu.memref_slice %arg24[%mul3A_2] : memref<10240xf32, #tpu.memory_space<vmem_shared>> -> memref<640xf32, #tpu.memory_space<vmem_shared>>
      %dma_wait3A_10 = tpu.memref_slice %arg8[%mul3A_2] : memref<10240xf32, #tpu.memory_space<hbm>> -> memref<640xf32, #tpu.memory_space<hbm>>
      tpu.wait_dma2 semaphore(%run_scoped3A : memref<!tpu.dma_semaphore, #tpu.memory_space<semaphore_mem>>) src(%dma_wait3A_10 : memref<640xf32, #tpu.memory_space<hbm>>) dst(%dma_wait3A : memref<640xf32, #tpu.memory_space<vmem_shared>>)
      tpu.yield
    }) : () -> ()
    "tpu.region"() ({
      %run_scoped3A = tpu.sem_alloc : memref<!tpu.dma_semaphore, #tpu.memory_space<semaphore_mem>>
      tpu.enqueue_dma source(%arg4 : memref<10240xf32, #tpu.memory_space<hbm>>) target(%arg13 : memref<10240xf32, #tpu.memory_space<vmem>>) target_semaphore(%run_scoped3A : memref<!tpu.dma_semaphore, #tpu.memory_space<semaphore_mem>>)
      tpu.wait_dma2 semaphore(%run_scoped3A : memref<!tpu.dma_semaphore, #tpu.memory_space<semaphore_mem>>) src(%arg4 : memref<10240xf32, #tpu.memory_space<hbm>>) dst(%arg13 : memref<10240xf32, #tpu.memory_space<vmem>>)
      tpu.yield
    }) : () -> ()
    "tpu.region"() ({
      %run_scoped3A = tpu.sem_alloc : memref<!tpu.dma_semaphore, #tpu.memory_space<semaphore_mem>>
      tpu.enqueue_dma source(%arg5 : memref<10240xf32, #tpu.memory_space<hbm>>) target(%arg14 : memref<10240xf32, #tpu.memory_space<vmem>>) target_semaphore(%run_scoped3A : memref<!tpu.dma_semaphore, #tpu.memory_space<semaphore_mem>>)
      tpu.wait_dma2 semaphore(%run_scoped3A : memref<!tpu.dma_semaphore, #tpu.memory_space<semaphore_mem>>) src(%arg5 : memref<10240xf32, #tpu.memory_space<hbm>>) dst(%arg14 : memref<10240xf32, #tpu.memory_space<vmem>>)
      tpu.yield
    }) : () -> ()
    "tpu.region"() ({
      %run_scoped3A = tpu.sem_alloc : memref<!tpu.dma_semaphore, #tpu.memory_space<semaphore_mem>>
      %dma_start3A = arith.constant 0 : i32
      %dma_start3A_9 = tpu.memref_slice %arg2[%add3A, %dma_start3A] : memref<32x5376xi32, #tpu.memory_space<hbm>> -> memref<1x5376xi32, #tpu.memory_space<hbm>>
      %dma_start3A_10 = tpu.memref_squeeze %dma_start3A_9 : memref<1x5376xi32, #tpu.memory_space<hbm>> -> memref<5376xi32, #tpu.memory_space<hbm>>
      %dma_start3A_11 = arith.constant 0 : i32
      %dma_start3A_12 = tpu.memref_slice %arg2[%add3A, %dma_start3A_11] : memref<32x5376xi32, #tpu.memory_space<hbm>> -> memref<1x5376xi32, #tpu.memory_space<hbm>>
      %dma_start3A_13 = tpu.memref_squeeze %dma_start3A_12 : memref<1x5376xi32, #tpu.memory_space<hbm>> -> memref<5376xi32, #tpu.memory_space<hbm>>
      tpu.enqueue_dma source(%dma_start3A_13 : memref<5376xi32, #tpu.memory_space<hbm>>) target(%arg11 : memref<5376xi32, #tpu.memory_space<vmem>>) target_semaphore(%run_scoped3A : memref<!tpu.dma_semaphore, #tpu.memory_space<semaphore_mem>>)
      %dma_wait3A = arith.constant 0 : i32
      %dma_wait3A_14 = tpu.memref_slice %arg2[%add3A, %dma_wait3A] : memref<32x5376xi32, #tpu.memory_space<hbm>> -> memref<1x5376xi32, #tpu.memory_space<hbm>>
      %dma_wait3A_15 = tpu.memref_squeeze %dma_wait3A_14 : memref<1x5376xi32, #tpu.memory_space<hbm>> -> memref<5376xi32, #tpu.memory_space<hbm>>
      %dma_wait3A_16 = arith.constant 0 : i32
      %dma_wait3A_17 = tpu.memref_slice %arg2[%add3A, %dma_wait3A_16] : memref<32x5376xi32, #tpu.memory_space<hbm>> -> memref<1x5376xi32, #tpu.memory_space<hbm>>
      %dma_wait3A_18 = tpu.memref_squeeze %dma_wait3A_17 : memref<1x5376xi32, #tpu.memory_space<hbm>> -> memref<5376xi32, #tpu.memory_space<hbm>>
      tpu.wait_dma2 semaphore(%run_scoped3A : memref<!tpu.dma_semaphore, #tpu.memory_space<semaphore_mem>>) src(%dma_wait3A_18 : memref<5376xi32, #tpu.memory_space<hbm>>) dst(%arg11 : memref<5376xi32, #tpu.memory_space<vmem>>)
      tpu.yield
    }) : () -> ()
    "tpu.region"() ({
      %run_scoped3A = tpu.sem_alloc : memref<!tpu.dma_semaphore, #tpu.memory_space<semaphore_mem>>
      %dma_start3A = arith.constant 0 : i32
      %dma_start3A_9 = tpu.memref_slice %arg3[%add3A, %dma_start3A] : memref<32x5376xi32, #tpu.memory_space<hbm>> -> memref<1x5376xi32, #tpu.memory_space<hbm>>
      %dma_start3A_10 = tpu.memref_squeeze %dma_start3A_9 : memref<1x5376xi32, #tpu.memory_space<hbm>> -> memref<5376xi32, #tpu.memory_space<hbm>>
      %dma_start3A_11 = arith.constant 0 : i32
      %dma_start3A_12 = tpu.memref_slice %arg3[%add3A, %dma_start3A_11] : memref<32x5376xi32, #tpu.memory_space<hbm>> -> memref<1x5376xi32, #tpu.memory_space<hbm>>
      %dma_start3A_13 = tpu.memref_squeeze %dma_start3A_12 : memref<1x5376xi32, #tpu.memory_space<hbm>> -> memref<5376xi32, #tpu.memory_space<hbm>>
      tpu.enqueue_dma source(%dma_start3A_13 : memref<5376xi32, #tpu.memory_space<hbm>>) target(%arg12 : memref<5376xi32, #tpu.memory_space<vmem>>) target_semaphore(%run_scoped3A : memref<!tpu.dma_semaphore, #tpu.memory_space<semaphore_mem>>)
      %dma_wait3A = arith.constant 0 : i32
      %dma_wait3A_14 = tpu.memref_slice %arg3[%add3A, %dma_wait3A] : memref<32x5376xi32, #tpu.memory_space<hbm>> -> memref<1x5376xi32, #tpu.memory_space<hbm>>
      %dma_wait3A_15 = tpu.memref_squeeze %dma_wait3A_14 : memref<1x5376xi32, #tpu.memory_space<hbm>> -> memref<5376xi32, #tpu.memory_space<hbm>>
      %dma_wait3A_16 = arith.constant 0 : i32
      %dma_wait3A_17 = tpu.memref_slice %arg3[%add3A, %dma_wait3A_16] : memref<32x5376xi32, #tpu.memory_space<hbm>> -> memref<1x5376xi32, #tpu.memory_space<hbm>>
      %dma_wait3A_18 = tpu.memref_squeeze %dma_wait3A_17 : memref<1x5376xi32, #tpu.memory_space<hbm>> -> memref<5376xi32, #tpu.memory_space<hbm>>
      tpu.wait_dma2 semaphore(%run_scoped3A : memref<!tpu.dma_semaphore, #tpu.memory_space<semaphore_mem>>) src(%dma_wait3A_18 : memref<5376xi32, #tpu.memory_space<hbm>>) dst(%arg12 : memref<5376xi32, #tpu.memory_space<vmem>>)
      tpu.yield
    }) : () -> ()
    %barrier3A = arith.constant 0 : index
    tpu.barrier barrier_id(%barrier3A)
    %scan3A = arith.constant 0 : i32
    %scan3A_3 = arith.constant 0 : i32
    %scan3A_4 = arith.constant 40 : i32
    %scan3A_5 = arith.addi %scan3A_3, %scan3A_4 : i32
    %scan3A_6 = arith.constant 1 : i32
    scf.for %scan3A_9 = %scan3A_3 to %scan3A_5 step %scan3A_6  : i32 {
      %scan3A_10 = arith.constant 0 : i32
      %scan3A_11 = arith.constant 0 : i32
      %mul3A_12 = arith.constant 128 : i32
      %mul3A_13 = arith.muli %scan3A_9, %mul3A_12 : i32
      %mul3A_14 = arith.constant 16 : i32
      %mul3A_15 = arith.muli %scan3A_11, %mul3A_14 : i32
      %add3A_16 = arith.addi %mul3A_13, %mul3A_15 : i32
      %get3A = arith.index_cast %add3A_16 : i32 to index
      %get3A_17 = tpu.vector_load %arg11[%get3A] {strides = array<i32>} : memref<5376xi32, #tpu.memory_space<vmem>>, vector<16xi32>,
      %get3A_18 = arith.index_cast %add3A_16 : i32 to index
      %get3A_19 = tpu.vector_load %arg12[%get3A_18] {strides = array<i32>} : memref<5376xi32, #tpu.memory_space<vmem>>, vector<16xi32>,
      %gather3A = tpu.vector_load_idx %arg13[%get3A_17] : memref<10240xf32, #tpu.memory_space<vmem>>[vector<16xi32>], vector<16xf32>,
      %gather3A_20 = tpu.vector_load_idx %arg14[%get3A_19] : memref<10240xf32, #tpu.memory_space<vmem>>[vector<16xi32>], vector<16xf32>,
      %add3A_21 = arith.addf %gather3A, %gather3A_20 : vector<16xf32>
      %gt3A = arith.constant 0.000000e+00 : f32
      %gt3A_22 = vector.broadcast %gt3A : f32 to vector<16xf32>
      %gt3A_23 = arith.cmpf ogt, %add3A_21, %gt3A_22 : vector<16xf32>
      %mul3A_24 = arith.constant 2.000000e-01 : f32
      %mul3A_25 = vector.broadcast %mul3A_24 : f32 to vector<16xf32>
      %mul3A_26 = arith.mulf %mul3A_25, %add3A_21 : vector<16xf32>
      %select_n3A = arith.select %gt3A_23, %add3A_21, %mul3A_26 : vector<16xi1>, vector<16xf32>
      %mul3A_27 = arith.constant 16 : i32
      %mul3A_28 = arith.muli %scan3A_11, %mul3A_27 : i32
      %swap3A = arith.index_cast %mul3A_28 : i32 to index
      %swap3A_29 = tpu.vector_load %arg15[%swap3A] {strides = array<i32>} : memref<128xi32, #tpu.memory_space<vmem>>, vector<16xi32>,
      tpu.vector_store %arg15[%swap3A], %get3A_17 {strides = array<i32>} : memref<128xi32, #tpu.memory_space<vmem>>, vector<16xi32>,
      %eq3A = arith.cmpi eq, %get3A_17, %get3A_19 : vector<16xi32>
      %jit3A = arith.constant 10000 : i32
      %broadcast_in_dim3A = vector.broadcast %jit3A : i32 to vector<16xi32>
      %select_n3A_30 = arith.select %eq3A, %broadcast_in_dim3A, %get3A_19 : vector<16xi1>, vector<16xi32>
      %mul3A_31 = arith.constant 16 : i32
      %mul3A_32 = arith.muli %scan3A_11, %mul3A_31 : i32
      %swap3A_33 = arith.index_cast %mul3A_32 : i32 to index
      %swap3A_34 = tpu.vector_load %arg16[%swap3A_33] {strides = array<i32>} : memref<128xi32, #tpu.memory_space<vmem>>, vector<16xi32>,
      tpu.vector_store %arg16[%swap3A_33], %select_n3A_30 {strides = array<i32>} : memref<128xi32, #tpu.memory_space<vmem>>, vector<16xi32>,
      %exp3A = math.exp %select_n3A : vector<16xf32>
      %mul3A_35 = arith.constant 16 : i32
      %mul3A_36 = arith.muli %scan3A_11, %mul3A_35 : i32
      %swap3A_37 = arith.index_cast %mul3A_36 : i32 to index
      %swap3A_38 = tpu.vector_load %arg17[%swap3A_37] {strides = array<i32>} : memref<128xf32, #tpu.memory_space<vmem>>, vector<16xf32>,
      tpu.vector_store %arg17[%swap3A_37], %exp3A {strides = array<i32>} : memref<128xf32, #tpu.memory_space<vmem>>, vector<16xf32>,
      %scan3A_39 = arith.constant 1 : i32
      %mul3A_40 = arith.constant 128 : i32
      %mul3A_41 = arith.muli %scan3A_9, %mul3A_40 : i32
      %mul3A_42 = arith.constant 16 : i32
      %mul3A_43 = arith.muli %scan3A_39, %mul3A_42 : i32
      %add3A_44 = arith.addi %mul3A_41, %mul3A_43 : i32
      %get3A_45 = arith.index_cast %add3A_44 : i32 to index
      %get3A_46 = tpu.vector_load %arg11[%get3A_45] {strides = array<i32>} : memref<5376xi32, #tpu.memory_space<vmem>>, vector<16xi32>,
      %get3A_47 = arith.index_cast %add3A_44 : i32 to index
      %get3A_48 = tpu.vector_load %arg12[%get3A_47] {strides = array<i32>} : memref<5376xi32, #tpu.memory_space<vmem>>, vector<16xi32>,
      %gather3A_49 = tpu.vector_load_idx %arg13[%get3A_46] : memref<10240xf32, #tpu.memory_space<vmem>>[vector<16xi32>], vector<16xf32>,
      %gather3A_50 = tpu.vector_load_idx %arg14[%get3A_48] : memref<10240xf32, #tpu.memory_space<vmem>>[vector<16xi32>], vector<16xf32>,
      %add3A_51 = arith.addf %gather3A_49, %gather3A_50 : vector<16xf32>
      %gt3A_52 = arith.constant 0.000000e+00 : f32
      %gt3A_53 = vector.broadcast %gt3A_52 : f32 to vector<16xf32>
      %gt3A_54 = arith.cmpf ogt, %add3A_51, %gt3A_53 : vector<16xf32>
      %mul3A_55 = arith.constant 2.000000e-01 : f32
      %mul3A_56 = vector.broadcast %mul3A_55 : f32 to vector<16xf32>
      %mul3A_57 = arith.mulf %mul3A_56, %add3A_51 : vector<16xf32>
      %select_n3A_58 = arith.select %gt3A_54, %add3A_51, %mul3A_57 : vector<16xi1>, vector<16xf32>
      %mul3A_59 = arith.constant 16 : i32
      %mul3A_60 = arith.muli %scan3A_39, %mul3A_59 : i32
      %swap3A_61 = arith.index_cast %mul3A_60 : i32 to index
      %swap3A_62 = tpu.vector_load %arg15[%swap3A_61] {strides = array<i32>} : memref<128xi32, #tpu.memory_space<vmem>>, vector<16xi32>,
      tpu.vector_store %arg15[%swap3A_61], %get3A_46 {strides = array<i32>} : memref<128xi32, #tpu.memory_space<vmem>>, vector<16xi32>,
      %eq3A_63 = arith.cmpi eq, %get3A_46, %get3A_48 : vector<16xi32>
      %jit3A_64 = arith.constant 10000 : i32
      %broadcast_in_dim3A_65 = vector.broadcast %jit3A_64 : i32 to vector<16xi32>
      %select_n3A_66 = arith.select %eq3A_63, %broadcast_in_dim3A_65, %get3A_48 : vector<16xi1>, vector<16xi32>
      %mul3A_67 = arith.constant 16 : i32
      %mul3A_68 = arith.muli %scan3A_39, %mul3A_67 : i32
      %swap3A_69 = arith.index_cast %mul3A_68 : i32 to index
      %swap3A_70 = tpu.vector_load %arg16[%swap3A_69] {strides = array<i32>} : memref<128xi32, #tpu.memory_space<vmem>>, vector<16xi32>,
      tpu.vector_store %arg16[%swap3A_69], %select_n3A_66 {strides = array<i32>} : memref<128xi32, #tpu.memory_space<vmem>>, vector<16xi32>,
      %exp3A_71 = math.exp %select_n3A_58 : vector<16xf32>
      %mul3A_72 = arith.constant 16 : i32
      %mul3A_73 = arith.muli %scan3A_39, %mul3A_72 : i32
      %swap3A_74 = arith.index_cast %mul3A_73 : i32 to index
      %swap3A_75 = tpu.vector_load %arg17[%swap3A_74] {strides = array<i32>} : memref<128xf32, #tpu.memory_space<vmem>>, vector<16xf32>,
      tpu.vector_store %arg17[%swap3A_74], %exp3A_71 {strides = array<i32>} : memref<128xf32, #tpu.memory_space<vmem>>, vector<16xf32>,
      %scan3A_76 = arith.constant 2 : i32
      %mul3A_77 = arith.constant 128 : i32
      %mul3A_78 = arith.muli %scan3A_9, %mul3A_77 : i32
      %mul3A_79 = arith.constant 16 : i32
      %mul3A_80 = arith.muli %scan3A_76, %mul3A_79 : i32
      %add3A_81 = arith.addi %mul3A_78, %mul3A_80 : i32
      %get3A_82 = arith.index_cast %add3A_81 : i32 to index
      %get3A_83 = tpu.vector_load %arg11[%get3A_82] {strides = array<i32>} : memref<5376xi32, #tpu.memory_space<vmem>>, vector<16xi32>,
      %get3A_84 = arith.index_cast %add3A_81 : i32 to index
      %get3A_85 = tpu.vector_load %arg12[%get3A_84] {strides = array<i32>} : memref<5376xi32, #tpu.memory_space<vmem>>, vector<16xi32>,
      %gather3A_86 = tpu.vector_load_idx %arg13[%get3A_83] : memref<10240xf32, #tpu.memory_space<vmem>>[vector<16xi32>], vector<16xf32>,
      %gather3A_87 = tpu.vector_load_idx %arg14[%get3A_85] : memref<10240xf32, #tpu.memory_space<vmem>>[vector<16xi32>], vector<16xf32>,
      %add3A_88 = arith.addf %gather3A_86, %gather3A_87 : vector<16xf32>
      %gt3A_89 = arith.constant 0.000000e+00 : f32
      %gt3A_90 = vector.broadcast %gt3A_89 : f32 to vector<16xf32>
      %gt3A_91 = arith.cmpf ogt, %add3A_88, %gt3A_90 : vector<16xf32>
      %mul3A_92 = arith.constant 2.000000e-01 : f32
      %mul3A_93 = vector.broadcast %mul3A_92 : f32 to vector<16xf32>
      %mul3A_94 = arith.mulf %mul3A_93, %add3A_88 : vector<16xf32>
      %select_n3A_95 = arith.select %gt3A_91, %add3A_88, %mul3A_94 : vector<16xi1>, vector<16xf32>
      %mul3A_96 = arith.constant 16 : i32
      %mul3A_97 = arith.muli %scan3A_76, %mul3A_96 : i32
      %swap3A_98 = arith.index_cast %mul3A_97 : i32 to index
      %swap3A_99 = tpu.vector_load %arg15[%swap3A_98] {strides = array<i32>} : memref<128xi32, #tpu.memory_space<vmem>>, vector<16xi32>,
      tpu.vector_store %arg15[%swap3A_98], %get3A_83 {strides = array<i32>} : memref<128xi32, #tpu.memory_space<vmem>>, vector<16xi32>,
      %eq3A_100 = arith.cmpi eq, %get3A_83, %get3A_85 : vector<16xi32>
      %jit3A_101 = arith.constant 10000 : i32
      %broadcast_in_dim3A_102 = vector.broadcast %jit3A_101 : i32 to vector<16xi32>
      %select_n3A_103 = arith.select %eq3A_100, %broadcast_in_dim3A_102, %get3A_85 : vector<16xi1>, vector<16xi32>
      %mul3A_104 = arith.constant 16 : i32
      %mul3A_105 = arith.muli %scan3A_76, %mul3A_104 : i32
      %swap3A_106 = arith.index_cast %mul3A_105 : i32 to index
      %swap3A_107 = tpu.vector_load %arg16[%swap3A_106] {strides = array<i32>} : memref<128xi32, #tpu.memory_space<vmem>>, vector<16xi32>,
      tpu.vector_store %arg16[%swap3A_106], %select_n3A_103 {strides = array<i32>} : memref<128xi32, #tpu.memory_space<vmem>>, vector<16xi32>,
      %exp3A_108 = math.exp %select_n3A_95 : vector<16xf32>
      %mul3A_109 = arith.constant 16 : i32
      %mul3A_110 = arith.muli %scan3A_76, %mul3A_109 : i32
      %swap3A_111 = arith.index_cast %mul3A_110 : i32 to index
      %swap3A_112 = tpu.vector_load %arg17[%swap3A_111] {strides = array<i32>} : memref<128xf32, #tpu.memory_space<vmem>>, vector<16xf32>,
      tpu.vector_store %arg17[%swap3A_111], %exp3A_108 {strides = array<i32>} : memref<128xf32, #tpu.memory_space<vmem>>, vector<16xf32>,
      %scan3A_113 = arith.constant 3 : i32
      %mul3A_114 = arith.constant 128 : i32
      %mul3A_115 = arith.muli %scan3A_9, %mul3A_114 : i32
      %mul3A_116 = arith.constant 16 : i32
      %mul3A_117 = arith.muli %scan3A_113, %mul3A_116 : i32
      %add3A_118 = arith.addi %mul3A_115, %mul3A_117 : i32
      %get3A_119 = arith.index_cast %add3A_118 : i32 to index
      %get3A_120 = tpu.vector_load %arg11[%get3A_119] {strides = array<i32>} : memref<5376xi32, #tpu.memory_space<vmem>>, vector<16xi32>,
      %get3A_121 = arith.index_cast %add3A_118 : i32 to index
      %get3A_122 = tpu.vector_load %arg12[%get3A_121] {strides = array<i32>} : memref<5376xi32, #tpu.memory_space<vmem>>, vector<16xi32>,
      %gather3A_123 = tpu.vector_load_idx %arg13[%get3A_120] : memref<10240xf32, #tpu.memory_space<vmem>>[vector<16xi32>], vector<16xf32>,
      %gather3A_124 = tpu.vector_load_idx %arg14[%get3A_122] : memref<10240xf32, #tpu.memory_space<vmem>>[vector<16xi32>], vector<16xf32>,
      %add3A_125 = arith.addf %gather3A_123, %gather3A_124 : vector<16xf32>
      %gt3A_126 = arith.constant 0.000000e+00 : f32
      %gt3A_127 = vector.broadcast %gt3A_126 : f32 to vector<16xf32>
      %gt3A_128 = arith.cmpf ogt, %add3A_125, %gt3A_127 : vector<16xf32>
      %mul3A_129 = arith.constant 2.000000e-01 : f32
      %mul3A_130 = vector.broadcast %mul3A_129 : f32 to vector<16xf32>
      %mul3A_131 = arith.mulf %mul3A_130, %add3A_125 : vector<16xf32>
      %select_n3A_132 = arith.select %gt3A_128, %add3A_125, %mul3A_131 : vector<16xi1>, vector<16xf32>
      %mul3A_133 = arith.constant 16 : i32
      %mul3A_134 = arith.muli %scan3A_113, %mul3A_133 : i32
      %swap3A_135 = arith.index_cast %mul3A_134 : i32 to index
      %swap3A_136 = tpu.vector_load %arg15[%swap3A_135] {strides = array<i32>} : memref<128xi32, #tpu.memory_space<vmem>>, vector<16xi32>,
      tpu.vector_store %arg15[%swap3A_135], %get3A_120 {strides = array<i32>} : memref<128xi32, #tpu.memory_space<vmem>>, vector<16xi32>,
      %eq3A_137 = arith.cmpi eq, %get3A_120, %get3A_122 : vector<16xi32>
      %jit3A_138 = arith.constant 10000 : i32
      %broadcast_in_dim3A_139 = vector.broadcast %jit3A_138 : i32 to vector<16xi32>
      %select_n3A_140 = arith.select %eq3A_137, %broadcast_in_dim3A_139, %get3A_122 : vector<16xi1>, vector<16xi32>
      %mul3A_141 = arith.constant 16 : i32
      %mul3A_142 = arith.muli %scan3A_113, %mul3A_141 : i32
      %swap3A_143 = arith.index_cast %mul3A_142 : i32 to index
      %swap3A_144 = tpu.vector_load %arg16[%swap3A_143] {strides = array<i32>} : memref<128xi32, #tpu.memory_space<vmem>>, vector<16xi32>,
      tpu.vector_store %arg16[%swap3A_143], %select_n3A_140 {strides = array<i32>} : memref<128xi32, #tpu.memory_space<vmem>>, vector<16xi32>,
      %exp3A_145 = math.exp %select_n3A_132 : vector<16xf32>
      %mul3A_146 = arith.constant 16 : i32
      %mul3A_147 = arith.muli %scan3A_113, %mul3A_146 : i32
      %swap3A_148 = arith.index_cast %mul3A_147 : i32 to index
      %swap3A_149 = tpu.vector_load %arg17[%swap3A_148] {strides = array<i32>} : memref<128xf32, #tpu.memory_space<vmem>>, vector<16xf32>,
      tpu.vector_store %arg17[%swap3A_148], %exp3A_145 {strides = array<i32>} : memref<128xf32, #tpu.memory_space<vmem>>, vector<16xf32>,
      %scan3A_150 = arith.constant 4 : i32
      %mul3A_151 = arith.constant 128 : i32
      %mul3A_152 = arith.muli %scan3A_9, %mul3A_151 : i32
      %mul3A_153 = arith.constant 16 : i32
      %mul3A_154 = arith.muli %scan3A_150, %mul3A_153 : i32
      %add3A_155 = arith.addi %mul3A_152, %mul3A_154 : i32
      %get3A_156 = arith.index_cast %add3A_155 : i32 to index
      %get3A_157 = tpu.vector_load %arg11[%get3A_156] {strides = array<i32>} : memref<5376xi32, #tpu.memory_space<vmem>>, vector<16xi32>,
      %get3A_158 = arith.index_cast %add3A_155 : i32 to index
      %get3A_159 = tpu.vector_load %arg12[%get3A_158] {strides = array<i32>} : memref<5376xi32, #tpu.memory_space<vmem>>, vector<16xi32>,
      %gather3A_160 = tpu.vector_load_idx %arg13[%get3A_157] : memref<10240xf32, #tpu.memory_space<vmem>>[vector<16xi32>], vector<16xf32>,
      %gather3A_161 = tpu.vector_load_idx %arg14[%get3A_159] : memref<10240xf32, #tpu.memory_space<vmem>>[vector<16xi32>], vector<16xf32>,
      %add3A_162 = arith.addf %gather3A_160, %gather3A_161 : vector<16xf32>
      %gt3A_163 = arith.constant 0.000000e+00 : f32
      %gt3A_164 = vector.broadcast %gt3A_163 : f32 to vector<16xf32>
      %gt3A_165 = arith.cmpf ogt, %add3A_162, %gt3A_164 : vector<16xf32>
      %mul3A_166 = arith.constant 2.000000e-01 : f32
      %mul3A_167 = vector.broadcast %mul3A_166 : f32 to vector<16xf32>
      %mul3A_168 = arith.mulf %mul3A_167, %add3A_162 : vector<16xf32>
      %select_n3A_169 = arith.select %gt3A_165, %add3A_162, %mul3A_168 : vector<16xi1>, vector<16xf32>
      %mul3A_170 = arith.constant 16 : i32
      %mul3A_171 = arith.muli %scan3A_150, %mul3A_170 : i32
      %swap3A_172 = arith.index_cast %mul3A_171 : i32 to index
      %swap3A_173 = tpu.vector_load %arg15[%swap3A_172] {strides = array<i32>} : memref<128xi32, #tpu.memory_space<vmem>>, vector<16xi32>,
      tpu.vector_store %arg15[%swap3A_172], %get3A_157 {strides = array<i32>} : memref<128xi32, #tpu.memory_space<vmem>>, vector<16xi32>,
      %eq3A_174 = arith.cmpi eq, %get3A_157, %get3A_159 : vector<16xi32>
      %jit3A_175 = arith.constant 10000 : i32
      %broadcast_in_dim3A_176 = vector.broadcast %jit3A_175 : i32 to vector<16xi32>
      %select_n3A_177 = arith.select %eq3A_174, %broadcast_in_dim3A_176, %get3A_159 : vector<16xi1>, vector<16xi32>
      %mul3A_178 = arith.constant 16 : i32
      %mul3A_179 = arith.muli %scan3A_150, %mul3A_178 : i32
      %swap3A_180 = arith.index_cast %mul3A_179 : i32 to index
      %swap3A_181 = tpu.vector_load %arg16[%swap3A_180] {strides = array<i32>} : memref<128xi32, #tpu.memory_space<vmem>>, vector<16xi32>,
      tpu.vector_store %arg16[%swap3A_180], %select_n3A_177 {strides = array<i32>} : memref<128xi32, #tpu.memory_space<vmem>>, vector<16xi32>,
      %exp3A_182 = math.exp %select_n3A_169 : vector<16xf32>
      %mul3A_183 = arith.constant 16 : i32
      %mul3A_184 = arith.muli %scan3A_150, %mul3A_183 : i32
      %swap3A_185 = arith.index_cast %mul3A_184 : i32 to index
      %swap3A_186 = tpu.vector_load %arg17[%swap3A_185] {strides = array<i32>} : memref<128xf32, #tpu.memory_space<vmem>>, vector<16xf32>,
      tpu.vector_store %arg17[%swap3A_185], %exp3A_182 {strides = array<i32>} : memref<128xf32, #tpu.memory_space<vmem>>, vector<16xf32>,
      %scan3A_187 = arith.constant 5 : i32
      %mul3A_188 = arith.constant 128 : i32
      %mul3A_189 = arith.muli %scan3A_9, %mul3A_188 : i32
      %mul3A_190 = arith.constant 16 : i32
      %mul3A_191 = arith.muli %scan3A_187, %mul3A_190 : i32
      %add3A_192 = arith.addi %mul3A_189, %mul3A_191 : i32
      %get3A_193 = arith.index_cast %add3A_192 : i32 to index
      %get3A_194 = tpu.vector_load %arg11[%get3A_193] {strides = array<i32>} : memref<5376xi32, #tpu.memory_space<vmem>>, vector<16xi32>,
      %get3A_195 = arith.index_cast %add3A_192 : i32 to index
      %get3A_196 = tpu.vector_load %arg12[%get3A_195] {strides = array<i32>} : memref<5376xi32, #tpu.memory_space<vmem>>, vector<16xi32>,
      %gather3A_197 = tpu.vector_load_idx %arg13[%get3A_194] : memref<10240xf32, #tpu.memory_space<vmem>>[vector<16xi32>], vector<16xf32>,
      %gather3A_198 = tpu.vector_load_idx %arg14[%get3A_196] : memref<10240xf32, #tpu.memory_space<vmem>>[vector<16xi32>], vector<16xf32>,
      %add3A_199 = arith.addf %gather3A_197, %gather3A_198 : vector<16xf32>
      %gt3A_200 = arith.constant 0.000000e+00 : f32
      %gt3A_201 = vector.broadcast %gt3A_200 : f32 to vector<16xf32>
      %gt3A_202 = arith.cmpf ogt, %add3A_199, %gt3A_201 : vector<16xf32>
      %mul3A_203 = arith.constant 2.000000e-01 : f32
      %mul3A_204 = vector.broadcast %mul3A_203 : f32 to vector<16xf32>
      %mul3A_205 = arith.mulf %mul3A_204, %add3A_199 : vector<16xf32>
      %select_n3A_206 = arith.select %gt3A_202, %add3A_199, %mul3A_205 : vector<16xi1>, vector<16xf32>
      %mul3A_207 = arith.constant 16 : i32
      %mul3A_208 = arith.muli %scan3A_187, %mul3A_207 : i32
      %swap3A_209 = arith.index_cast %mul3A_208 : i32 to index
      %swap3A_210 = tpu.vector_load %arg15[%swap3A_209] {strides = array<i32>} : memref<128xi32, #tpu.memory_space<vmem>>, vector<16xi32>,
      tpu.vector_store %arg15[%swap3A_209], %get3A_194 {strides = array<i32>} : memref<128xi32, #tpu.memory_space<vmem>>, vector<16xi32>,
      %eq3A_211 = arith.cmpi eq, %get3A_194, %get3A_196 : vector<16xi32>
      %jit3A_212 = arith.constant 10000 : i32
      %broadcast_in_dim3A_213 = vector.broadcast %jit3A_212 : i32 to vector<16xi32>
      %select_n3A_214 = arith.select %eq3A_211, %broadcast_in_dim3A_213, %get3A_196 : vector<16xi1>, vector<16xi32>
      %mul3A_215 = arith.constant 16 : i32
      %mul3A_216 = arith.muli %scan3A_187, %mul3A_215 : i32
      %swap3A_217 = arith.index_cast %mul3A_216 : i32 to index
      %swap3A_218 = tpu.vector_load %arg16[%swap3A_217] {strides = array<i32>} : memref<128xi32, #tpu.memory_space<vmem>>, vector<16xi32>,
      tpu.vector_store %arg16[%swap3A_217], %select_n3A_214 {strides = array<i32>} : memref<128xi32, #tpu.memory_space<vmem>>, vector<16xi32>,
      %exp3A_219 = math.exp %select_n3A_206 : vector<16xf32>
      %mul3A_220 = arith.constant 16 : i32
      %mul3A_221 = arith.muli %scan3A_187, %mul3A_220 : i32
      %swap3A_222 = arith.index_cast %mul3A_221 : i32 to index
      %swap3A_223 = tpu.vector_load %arg17[%swap3A_222] {strides = array<i32>} : memref<128xf32, #tpu.memory_space<vmem>>, vector<16xf32>,
      tpu.vector_store %arg17[%swap3A_222], %exp3A_219 {strides = array<i32>} : memref<128xf32, #tpu.memory_space<vmem>>, vector<16xf32>,
      %scan3A_224 = arith.constant 6 : i32
      %mul3A_225 = arith.constant 128 : i32
      %mul3A_226 = arith.muli %scan3A_9, %mul3A_225 : i32
      %mul3A_227 = arith.constant 16 : i32
      %mul3A_228 = arith.muli %scan3A_224, %mul3A_227 : i32
      %add3A_229 = arith.addi %mul3A_226, %mul3A_228 : i32
      %get3A_230 = arith.index_cast %add3A_229 : i32 to index
      %get3A_231 = tpu.vector_load %arg11[%get3A_230] {strides = array<i32>} : memref<5376xi32, #tpu.memory_space<vmem>>, vector<16xi32>,
      %get3A_232 = arith.index_cast %add3A_229 : i32 to index
      %get3A_233 = tpu.vector_load %arg12[%get3A_232] {strides = array<i32>} : memref<5376xi32, #tpu.memory_space<vmem>>, vector<16xi32>,
      %gather3A_234 = tpu.vector_load_idx %arg13[%get3A_231] : memref<10240xf32, #tpu.memory_space<vmem>>[vector<16xi32>], vector<16xf32>,
      %gather3A_235 = tpu.vector_load_idx %arg14[%get3A_233] : memref<10240xf32, #tpu.memory_space<vmem>>[vector<16xi32>], vector<16xf32>,
      %add3A_236 = arith.addf %gather3A_234, %gather3A_235 : vector<16xf32>
      %gt3A_237 = arith.constant 0.000000e+00 : f32
      %gt3A_238 = vector.broadcast %gt3A_237 : f32 to vector<16xf32>
      %gt3A_239 = arith.cmpf ogt, %add3A_236, %gt3A_238 : vector<16xf32>
      %mul3A_240 = arith.constant 2.000000e-01 : f32
      %mul3A_241 = vector.broadcast %mul3A_240 : f32 to vector<16xf32>
      %mul3A_242 = arith.mulf %mul3A_241, %add3A_236 : vector<16xf32>
      %select_n3A_243 = arith.select %gt3A_239, %add3A_236, %mul3A_242 : vector<16xi1>, vector<16xf32>
      %mul3A_244 = arith.constant 16 : i32
      %mul3A_245 = arith.muli %scan3A_224, %mul3A_244 : i32
      %swap3A_246 = arith.index_cast %mul3A_245 : i32 to index
      %swap3A_247 = tpu.vector_load %arg15[%swap3A_246] {strides = array<i32>} : memref<128xi32, #tpu.memory_space<vmem>>, vector<16xi32>,
      tpu.vector_store %arg15[%swap3A_246], %get3A_231 {strides = array<i32>} : memref<128xi32, #tpu.memory_space<vmem>>, vector<16xi32>,
      %eq3A_248 = arith.cmpi eq, %get3A_231, %get3A_233 : vector<16xi32>
      %jit3A_249 = arith.constant 10000 : i32
      %broadcast_in_dim3A_250 = vector.broadcast %jit3A_249 : i32 to vector<16xi32>
      %select_n3A_251 = arith.select %eq3A_248, %broadcast_in_dim3A_250, %get3A_233 : vector<16xi1>, vector<16xi32>
      %mul3A_252 = arith.constant 16 : i32
      %mul3A_253 = arith.muli %scan3A_224, %mul3A_252 : i32
      %swap3A_254 = arith.index_cast %mul3A_253 : i32 to index
      %swap3A_255 = tpu.vector_load %arg16[%swap3A_254] {strides = array<i32>} : memref<128xi32, #tpu.memory_space<vmem>>, vector<16xi32>,
      tpu.vector_store %arg16[%swap3A_254], %select_n3A_251 {strides = array<i32>} : memref<128xi32, #tpu.memory_space<vmem>>, vector<16xi32>,
      %exp3A_256 = math.exp %select_n3A_243 : vector<16xf32>
      %mul3A_257 = arith.constant 16 : i32
      %mul3A_258 = arith.muli %scan3A_224, %mul3A_257 : i32
      %swap3A_259 = arith.index_cast %mul3A_258 : i32 to index
      %swap3A_260 = tpu.vector_load %arg17[%swap3A_259] {strides = array<i32>} : memref<128xf32, #tpu.memory_space<vmem>>, vector<16xf32>,
      tpu.vector_store %arg17[%swap3A_259], %exp3A_256 {strides = array<i32>} : memref<128xf32, #tpu.memory_space<vmem>>, vector<16xf32>,
      %scan3A_261 = arith.constant 7 : i32
      %mul3A_262 = arith.constant 128 : i32
      %mul3A_263 = arith.muli %scan3A_9, %mul3A_262 : i32
      %mul3A_264 = arith.constant 16 : i32
      %mul3A_265 = arith.muli %scan3A_261, %mul3A_264 : i32
      %add3A_266 = arith.addi %mul3A_263, %mul3A_265 : i32
      %get3A_267 = arith.index_cast %add3A_266 : i32 to index
      %get3A_268 = tpu.vector_load %arg11[%get3A_267] {strides = array<i32>} : memref<5376xi32, #tpu.memory_space<vmem>>, vector<16xi32>,
      %get3A_269 = arith.index_cast %add3A_266 : i32 to index
      %get3A_270 = tpu.vector_load %arg12[%get3A_269] {strides = array<i32>} : memref<5376xi32, #tpu.memory_space<vmem>>, vector<16xi32>,
      %gather3A_271 = tpu.vector_load_idx %arg13[%get3A_268] : memref<10240xf32, #tpu.memory_space<vmem>>[vector<16xi32>], vector<16xf32>,
      %gather3A_272 = tpu.vector_load_idx %arg14[%get3A_270] : memref<10240xf32, #tpu.memory_space<vmem>>[vector<16xi32>], vector<16xf32>,
      %add3A_273 = arith.addf %gather3A_271, %gather3A_272 : vector<16xf32>
      %gt3A_274 = arith.constant 0.000000e+00 : f32
      %gt3A_275 = vector.broadcast %gt3A_274 : f32 to vector<16xf32>
      %gt3A_276 = arith.cmpf ogt, %add3A_273, %gt3A_275 : vector<16xf32>
      %mul3A_277 = arith.constant 2.000000e-01 : f32
      %mul3A_278 = vector.broadcast %mul3A_277 : f32 to vector<16xf32>
      %mul3A_279 = arith.mulf %mul3A_278, %add3A_273 : vector<16xf32>
      %select_n3A_280 = arith.select %gt3A_276, %add3A_273, %mul3A_279 : vector<16xi1>, vector<16xf32>
      %mul3A_281 = arith.constant 16 : i32
      %mul3A_282 = arith.muli %scan3A_261, %mul3A_281 : i32
      %swap3A_283 = arith.index_cast %mul3A_282 : i32 to index
      %swap3A_284 = tpu.vector_load %arg15[%swap3A_283] {strides = array<i32>} : memref<128xi32, #tpu.memory_space<vmem>>, vector<16xi32>,
      tpu.vector_store %arg15[%swap3A_283], %get3A_268 {strides = array<i32>} : memref<128xi32, #tpu.memory_space<vmem>>, vector<16xi32>,
      %eq3A_285 = arith.cmpi eq, %get3A_268, %get3A_270 : vector<16xi32>
      %jit3A_286 = arith.constant 10000 : i32
      %broadcast_in_dim3A_287 = vector.broadcast %jit3A_286 : i32 to vector<16xi32>
      %select_n3A_288 = arith.select %eq3A_285, %broadcast_in_dim3A_287, %get3A_270 : vector<16xi1>, vector<16xi32>
      %mul3A_289 = arith.constant 16 : i32
      %mul3A_290 = arith.muli %scan3A_261, %mul3A_289 : i32
      %swap3A_291 = arith.index_cast %mul3A_290 : i32 to index
      %swap3A_292 = tpu.vector_load %arg16[%swap3A_291] {strides = array<i32>} : memref<128xi32, #tpu.memory_space<vmem>>, vector<16xi32>,
      tpu.vector_store %arg16[%swap3A_291], %select_n3A_288 {strides = array<i32>} : memref<128xi32, #tpu.memory_space<vmem>>, vector<16xi32>,
      %exp3A_293 = math.exp %select_n3A_280 : vector<16xf32>
      %mul3A_294 = arith.constant 16 : i32
      %mul3A_295 = arith.muli %scan3A_261, %mul3A_294 : i32
      %swap3A_296 = arith.index_cast %mul3A_295 : i32 to index
      %swap3A_297 = tpu.vector_load %arg17[%swap3A_296] {strides = array<i32>} : memref<128xf32, #tpu.memory_space<vmem>>, vector<16xf32>,
      tpu.vector_store %arg17[%swap3A_296], %exp3A_293 {strides = array<i32>} : memref<128xf32, #tpu.memory_space<vmem>>, vector<16xf32>,
      %scan3A_298 = arith.constant 8 : i32
      %dma_start3A = arith.constant 0 : i32
      %dma_start3A_299 = arith.constant 0 : i32
      %dma_start3A_300 = tpu.memref_slice %arg6[%dma_start3A, %dma_start3A_299] : memref<10000x64xbf16, #tpu.memory_space<hbm>> -> memref<10000x64xbf16, #tpu.memory_space<hbm>>
      tpu.enqueue_indirect_dma source(%dma_start3A_300 : memref<10000x64xbf16, #tpu.memory_space<hbm>>) target(%arg21 : memref<128x64xbf16, #tpu.memory_space<vmem>>) offsets(%arg15 : memref<128xi32, #tpu.memory_space<vmem>>) semaphore(%arg25 : memref<!tpu.dma_semaphore, #tpu.memory_space<semaphore_mem>>)
      %dma_wait3A = arith.constant 0 : i32
      %dma_wait3A_301 = arith.constant 0 : i32
      %dma_wait3A_302 = tpu.memref_slice %arg6[%dma_wait3A, %dma_wait3A_301] : memref<10000x64xbf16, #tpu.memory_space<hbm>> -> memref<10000x64xbf16, #tpu.memory_space<hbm>>
      tpu.wait_indirect_dma semaphore(%arg25 : memref<!tpu.dma_semaphore, #tpu.memory_space<semaphore_mem>>) src(%dma_wait3A_302 : memref<10000x64xbf16, #tpu.memory_space<hbm>>) dst(%arg21 : memref<128x64xbf16, #tpu.memory_space<vmem>>)
      %scan3A_303 = arith.constant 0 : i32
      %scan3A_304 = arith.constant 0 : i32
      %scan3A_305 = arith.constant 8 : i32
      %scan3A_306 = arith.addi %scan3A_304, %scan3A_305 : i32
      %scan3A_307 = arith.constant 1 : i32
      scf.for %scan3A_319 = %scan3A_304 to %scan3A_306 step %scan3A_307  : i32 {
        %mul3A_320 = arith.constant 16 : i32
        %mul3A_321 = arith.muli %scan3A_319, %mul3A_320 : i32
        %get3A_322 = arith.index_cast %mul3A_321 : i32 to index
        %get3A_323 = tpu.vector_load %arg17[%get3A_322] {strides = array<i32>} : memref<128xf32, #tpu.memory_space<vmem>>, vector<16xf32>,
        %slice3A = vector.extract_strided_slice %get3A_323 {offsets = [0], sizes = [1], strides = [1]} : vector<16xf32> to vector<1xf32>
        %squeeze3A = vector.extract %slice3A[0] : f32 from vector<1xf32>
        %mul3A_324 = arith.constant 16 : i32
        %mul3A_325 = arith.muli %scan3A_319, %mul3A_324 : i32
        %add3A_326 = arith.constant 0 : i32
        %add3A_327 = arith.addi %mul3A_325, %add3A_326 : i32
        %get3A_328 = arith.index_cast %add3A_327 : i32 to index
        %get3A_329 = arith.constant 0 : index
        %get3A_330 = tpu.vector_load %arg21[%get3A_328, %get3A_329] {strides = array<i32>} : memref<128x64xbf16, #tpu.memory_space<vmem>>, vector<32xbf16>,
        %bitcast3A = vector.bitcast %get3A_330 : vector<32xbf16> to vector<16xi32>
        %shift_left3A = arith.constant 16 : i32
        %shift_left3A_331 = vector.broadcast %shift_left3A : i32 to vector<16xi32>
        %shift_left3A_332 = arith.shli %bitcast3A, %shift_left3A_331 : vector<16xi32>
        %bitcast3A_333 = vector.bitcast %shift_left3A_332 : vector<16xi32> to vector<16xf32>
        %mul3A_334 = vector.broadcast %squeeze3A : f32 to vector<16xf32>
        %mul3A_335 = arith.mulf %bitcast3A_333, %mul3A_334 : vector<16xf32>
        %and3A = arith.constant -65536 : i32
        %and3A_336 = vector.broadcast %and3A : i32 to vector<16xi32>
        %and3A_337 = arith.andi %bitcast3A, %and3A_336 : vector<16xi32>
        %bitcast3A_338 = vector.bitcast %and3A_337 : vector<16xi32> to vector<16xf32>
        %mul3A_339 = vector.broadcast %squeeze3A : f32 to vector<16xf32>
        %mul3A_340 = arith.mulf %bitcast3A_338, %mul3A_339 : vector<16xf32>
        %swap3A_341 = arith.index_cast %add3A_327 : i32 to index
        %swap3A_342 = arith.constant 0 : index
        %swap3A_343 = tpu.vector_load %arg22[%swap3A_341, %swap3A_342] {strides = array<i32>} : memref<128x64xf32, #tpu.memory_space<vmem>>, vector<16xf32>,
        tpu.vector_store %arg22[%swap3A_341, %swap3A_342], %mul3A_335 {strides = array<i32>} : memref<128x64xf32, #tpu.memory_space<vmem>>, vector<16xf32>,
        %swap3A_344 = arith.index_cast %add3A_327 : i32 to index
        %swap3A_345 = arith.constant 16 : index
        %swap3A_346 = tpu.vector_load %arg22[%swap3A_344, %swap3A_345] {strides = array<i32>} : memref<128x64xf32, #tpu.memory_space<vmem>>, vector<16xf32>,
        tpu.vector_store %arg22[%swap3A_344, %swap3A_345], %mul3A_340 {strides = array<i32>} : memref<128x64xf32, #tpu.memory_space<vmem>>, vector<16xf32>,
        %get3A_347 = arith.index_cast %add3A_327 : i32 to index
        %get3A_348 = arith.constant 32 : index
        %get3A_349 = tpu.vector_load %arg21[%get3A_347, %get3A_348] {strides = array<i32>} : memref<128x64xbf16, #tpu.memory_space<vmem>>, vector<32xbf16>,
        %bitcast3A_350 = vector.bitcast %get3A_349 : vector<32xbf16> to vector<16xi32>
        %shift_left3A_351 = arith.constant 16 : i32
        %shift_left3A_352 = vector.broadcast %shift_left3A_351 : i32 to vector<16xi32>
        %shift_left3A_353 = arith.shli %bitcast3A_350, %shift_left3A_352 : vector<16xi32>
        %bitcast3A_354 = vector.bitcast %shift_left3A_353 : vector<16xi32> to vector<16xf32>
        %mul3A_355 = vector.broadcast %squeeze3A : f32 to vector<16xf32>
        %mul3A_356 = arith.mulf %bitcast3A_354, %mul3A_355 : vector<16xf32>
        %and3A_357 = arith.constant -65536 : i32
        %and3A_358 = vector.broadcast %and3A_357 : i32 to vector<16xi32>
        %and3A_359 = arith.andi %bitcast3A_350, %and3A_358 : vector<16xi32>
        %bitcast3A_360 = vector.bitcast %and3A_359 : vector<16xi32> to vector<16xf32>
        %mul3A_361 = vector.broadcast %squeeze3A : f32 to vector<16xf32>
        %mul3A_362 = arith.mulf %bitcast3A_360, %mul3A_361 : vector<16xf32>
        %swap3A_363 = arith.index_cast %add3A_327 : i32 to index
        %swap3A_364 = arith.constant 32 : index
        %swap3A_365 = tpu.vector_load %arg22[%swap3A_363, %swap3A_364] {strides = array<i32>} : memref<128x64xf32, #tpu.memory_space<vmem>>, vector<16xf32>,
        tpu.vector_store %arg22[%swap3A_363, %swap3A_364], %mul3A_356 {strides = array<i32>} : memref<128x64xf32, #tpu.memory_space<vmem>>, vector<16xf32>,
        %swap3A_366 = arith.index_cast %add3A_327 : i32 to index
        %swap3A_367 = arith.constant 48 : index
        %swap3A_368 = tpu.vector_load %arg22[%swap3A_366, %swap3A_367] {strides = array<i32>} : memref<128x64xf32, #tpu.memory_space<vmem>>, vector<16xf32>,
        tpu.vector_store %arg22[%swap3A_366, %swap3A_367], %mul3A_362 {strides = array<i32>} : memref<128x64xf32, #tpu.memory_space<vmem>>, vector<16xf32>,
        %slice3A_369 = vector.extract_strided_slice %get3A_323 {offsets = [1], sizes = [1], strides = [1]} : vector<16xf32> to vector<1xf32>
        %squeeze3A_370 = vector.extract %slice3A_369[0] : f32 from vector<1xf32>
        %mul3A_371 = arith.constant 16 : i32
        %mul3A_372 = arith.muli %scan3A_319, %mul3A_371 : i32
        %add3A_373 = arith.constant 1 : i32
        %add3A_374 = arith.addi %mul3A_372, %add3A_373 : i32
        %get3A_375 = arith.index_cast %add3A_374 : i32 to index
        %get3A_376 = arith.constant 0 : index
        %get3A_377 = tpu.vector_load %arg21[%get3A_375, %get3A_376] {strides = array<i32>} : memref<128x64xbf16, #tpu.memory_space<vmem>>, vector<32xbf16>,
        %bitcast3A_378 = vector.bitcast %get3A_377 : vector<32xbf16> to vector<16xi32>
        %shift_left3A_379 = arith.constant 16 : i32
        %shift_left3A_380 = vector.broadcast %shift_left3A_379 : i32 to vector<16xi32>
        %shift_left3A_381 = arith.shli %bitcast3A_378, %shift_left3A_380 : vector<16xi32>
        %bitcast3A_382 = vector.bitcast %shift_left3A_381 : vector<16xi32> to vector<16xf32>
        %mul3A_383 = vector.broadcast %squeeze3A_370 : f32 to vector<16xf32>
        %mul3A_384 = arith.mulf %bitcast3A_382, %mul3A_383 : vector<16xf32>
        %and3A_385 = arith.constant -65536 : i32
        %and3A_386 = vector.broadcast %and3A_385 : i32 to vector<16xi32>
        %and3A_387 = arith.andi %bitcast3A_378, %and3A_386 : vector<16xi32>
        %bitcast3A_388 = vector.bitcast %and3A_387 : vector<16xi32> to vector<16xf32>
        %mul3A_389 = vector.broadcast %squeeze3A_370 : f32 to vector<16xf32>
        %mul3A_390 = arith.mulf %bitcast3A_388, %mul3A_389 : vector<16xf32>
        %swap3A_391 = arith.index_cast %add3A_374 : i32 to index
        %swap3A_392 = arith.constant 0 : index
        %swap3A_393 = tpu.vector_load %arg22[%swap3A_391, %swap3A_392] {strides = array<i32>} : memref<128x64xf32, #tpu.memory_space<vmem>>, vector<16xf32>,
        tpu.vector_store %arg22[%swap3A_391, %swap3A_392], %mul3A_384 {strides = array<i32>} : memref<128x64xf32, #tpu.memory_space<vmem>>, vector<16xf32>,
        %swap3A_394 = arith.index_cast %add3A_374 : i32 to index
        %swap3A_395 = arith.constant 16 : index
        %swap3A_396 = tpu.vector_load %arg22[%swap3A_394, %swap3A_395] {strides = array<i32>} : memref<128x64xf32, #tpu.memory_space<vmem>>, vector<16xf32>,
        tpu.vector_store %arg22[%swap3A_394, %swap3A_395], %mul3A_390 {strides = array<i32>} : memref<128x64xf32, #tpu.memory_space<vmem>>, vector<16xf32>,
        %get3A_397 = arith.index_cast %add3A_374 : i32 to index
        %get3A_398 = arith.constant 32 : index
        %get3A_399 = tpu.vector_load %arg21[%get3A_397, %get3A_398] {strides = array<i32>} : memref<128x64xbf16, #tpu.memory_space<vmem>>, vector<32xbf16>,
        %bitcast3A_400 = vector.bitcast %get3A_399 : vector<32xbf16> to vector<16xi32>
        %shift_left3A_401 = arith.constant 16 : i32
        %shift_left3A_402 = vector.broadcast %shift_left3A_401 : i32 to vector<16xi32>
        %shift_left3A_403 = arith.shli %bitcast3A_400, %shift_left3A_402 : vector<16xi32>
        %bitcast3A_404 = vector.bitcast %shift_left3A_403 : vector<16xi32> to vector<16xf32>
        %mul3A_405 = vector.broadcast %squeeze3A_370 : f32 to vector<16xf32>
        %mul3A_406 = arith.mulf %bitcast3A_404, %mul3A_405 : vector<16xf32>
        %and3A_407 = arith.constant -65536 : i32
        %and3A_408 = vector.broadcast %and3A_407 : i32 to vector<16xi32>
        %and3A_409 = arith.andi %bitcast3A_400, %and3A_408 : vector<16xi32>
        %bitcast3A_410 = vector.bitcast %and3A_409 : vector<16xi32> to vector<16xf32>
        %mul3A_411 = vector.broadcast %squeeze3A_370 : f32 to vector<16xf32>
        %mul3A_412 = arith.mulf %bitcast3A_410, %mul3A_411 : vector<16xf32>
        %swap3A_413 = arith.index_cast %add3A_374 : i32 to index
        %swap3A_414 = arith.constant 32 : index
        %swap3A_415 = tpu.vector_load %arg22[%swap3A_413, %swap3A_414] {strides = array<i32>} : memref<128x64xf32, #tpu.memory_space<vmem>>, vector<16xf32>,
        tpu.vector_store %arg22[%swap3A_413, %swap3A_414], %mul3A_406 {strides = array<i32>} : memref<128x64xf32, #tpu.memory_space<vmem>>, vector<16xf32>,
        %swap3A_416 = arith.index_cast %add3A_374 : i32 to index
        %swap3A_417 = arith.constant 48 : index
        %swap3A_418 = tpu.vector_load %arg22[%swap3A_416, %swap3A_417] {strides = array<i32>} : memref<128x64xf32, #tpu.memory_space<vmem>>, vector<16xf32>,
        tpu.vector_store %arg22[%swap3A_416, %swap3A_417], %mul3A_412 {strides = array<i32>} : memref<128x64xf32, #tpu.memory_space<vmem>>, vector<16xf32>,
        %slice3A_419 = vector.extract_strided_slice %get3A_323 {offsets = [2], sizes = [1], strides = [1]} : vector<16xf32> to vector<1xf32>
        %squeeze3A_420 = vector.extract %slice3A_419[0] : f32 from vector<1xf32>
        %mul3A_421 = arith.constant 16 : i32
        %mul3A_422 = arith.muli %scan3A_319, %mul3A_421 : i32
        %add3A_423 = arith.constant 2 : i32
        %add3A_424 = arith.addi %mul3A_422, %add3A_423 : i32
        %get3A_425 = arith.index_cast %add3A_424 : i32 to index
        %get3A_426 = arith.constant 0 : index
        %get3A_427 = tpu.vector_load %arg21[%get3A_425, %get3A_426] {strides = array<i32>} : memref<128x64xbf16, #tpu.memory_space<vmem>>, vector<32xbf16>,
        %bitcast3A_428 = vector.bitcast %get3A_427 : vector<32xbf16> to vector<16xi32>
        %shift_left3A_429 = arith.constant 16 : i32
        %shift_left3A_430 = vector.broadcast %shift_left3A_429 : i32 to vector<16xi32>
        %shift_left3A_431 = arith.shli %bitcast3A_428, %shift_left3A_430 : vector<16xi32>
        %bitcast3A_432 = vector.bitcast %shift_left3A_431 : vector<16xi32> to vector<16xf32>
        %mul3A_433 = vector.broadcast %squeeze3A_420 : f32 to vector<16xf32>
        %mul3A_434 = arith.mulf %bitcast3A_432, %mul3A_433 : vector<16xf32>
        %and3A_435 = arith.constant -65536 : i32
        %and3A_436 = vector.broadcast %and3A_435 : i32 to vector<16xi32>
        %and3A_437 = arith.andi %bitcast3A_428, %and3A_436 : vector<16xi32>
        %bitcast3A_438 = vector.bitcast %and3A_437 : vector<16xi32> to vector<16xf32>
        %mul3A_439 = vector.broadcast %squeeze3A_420 : f32 to vector<16xf32>
        %mul3A_440 = arith.mulf %bitcast3A_438, %mul3A_439 : vector<16xf32>
        %swap3A_441 = arith.index_cast %add3A_424 : i32 to index
        %swap3A_442 = arith.constant 0 : index
        %swap3A_443 = tpu.vector_load %arg22[%swap3A_441, %swap3A_442] {strides = array<i32>} : memref<128x64xf32, #tpu.memory_space<vmem>>, vector<16xf32>,
        tpu.vector_store %arg22[%swap3A_441, %swap3A_442], %mul3A_434 {strides = array<i32>} : memref<128x64xf32, #tpu.memory_space<vmem>>, vector<16xf32>,
        %swap3A_444 = arith.index_cast %add3A_424 : i32 to index
        %swap3A_445 = arith.constant 16 : index
        %swap3A_446 = tpu.vector_load %arg22[%swap3A_444, %swap3A_445] {strides = array<i32>} : memref<128x64xf32, #tpu.memory_space<vmem>>, vector<16xf32>,
        tpu.vector_store %arg22[%swap3A_444, %swap3A_445], %mul3A_440 {strides = array<i32>} : memref<128x64xf32, #tpu.memory_space<vmem>>, vector<16xf32>,
        %get3A_447 = arith.index_cast %add3A_424 : i32 to index
        %get3A_448 = arith.constant 32 : index
        %get3A_449 = tpu.vector_load %arg21[%get3A_447, %get3A_448] {strides = array<i32>} : memref<128x64xbf16, #tpu.memory_space<vmem>>, vector<32xbf16>,
        %bitcast3A_450 = vector.bitcast %get3A_449 : vector<32xbf16> to vector<16xi32>
        %shift_left3A_451 = arith.constant 16 : i32
        %shift_left3A_452 = vector.broadcast %shift_left3A_451 : i32 to vector<16xi32>
        %shift_left3A_453 = arith.shli %bitcast3A_450, %shift_left3A_452 : vector<16xi32>
        %bitcast3A_454 = vector.bitcast %shift_left3A_453 : vector<16xi32> to vector<16xf32>
        %mul3A_455 = vector.broadcast %squeeze3A_420 : f32 to vector<16xf32>
        %mul3A_456 = arith.mulf %bitcast3A_454, %mul3A_455 : vector<16xf32>
        %and3A_457 = arith.constant -65536 : i32
        %and3A_458 = vector.broadcast %and3A_457 : i32 to vector<16xi32>
        %and3A_459 = arith.andi %bitcast3A_450, %and3A_458 : vector<16xi32>
        %bitcast3A_460 = vector.bitcast %and3A_459 : vector<16xi32> to vector<16xf32>
        %mul3A_461 = vector.broadcast %squeeze3A_420 : f32 to vector<16xf32>
        %mul3A_462 = arith.mulf %bitcast3A_460, %mul3A_461 : vector<16xf32>
        %swap3A_463 = arith.index_cast %add3A_424 : i32 to index
        %swap3A_464 = arith.constant 32 : index
        %swap3A_465 = tpu.vector_load %arg22[%swap3A_463, %swap3A_464] {strides = array<i32>} : memref<128x64xf32, #tpu.memory_space<vmem>>, vector<16xf32>,
        tpu.vector_store %arg22[%swap3A_463, %swap3A_464], %mul3A_456 {strides = array<i32>} : memref<128x64xf32, #tpu.memory_space<vmem>>, vector<16xf32>,
        %swap3A_466 = arith.index_cast %add3A_424 : i32 to index
        %swap3A_467 = arith.constant 48 : index
        %swap3A_468 = tpu.vector_load %arg22[%swap3A_466, %swap3A_467] {strides = array<i32>} : memref<128x64xf32, #tpu.memory_space<vmem>>, vector<16xf32>,
        tpu.vector_store %arg22[%swap3A_466, %swap3A_467], %mul3A_462 {strides = array<i32>} : memref<128x64xf32, #tpu.memory_space<vmem>>, vector<16xf32>,
        %slice3A_469 = vector.extract_strided_slice %get3A_323 {offsets = [3], sizes = [1], strides = [1]} : vector<16xf32> to vector<1xf32>
        %squeeze3A_470 = vector.extract %slice3A_469[0] : f32 from vector<1xf32>
        %mul3A_471 = arith.constant 16 : i32
        %mul3A_472 = arith.muli %scan3A_319, %mul3A_471 : i32
        %add3A_473 = arith.constant 3 : i32
        %add3A_474 = arith.addi %mul3A_472, %add3A_473 : i32
        %get3A_475 = arith.index_cast %add3A_474 : i32 to index
        %get3A_476 = arith.constant 0 : index
        %get3A_477 = tpu.vector_load %arg21[%get3A_475, %get3A_476] {strides = array<i32>} : memref<128x64xbf16, #tpu.memory_space<vmem>>, vector<32xbf16>,
        %bitcast3A_478 = vector.bitcast %get3A_477 : vector<32xbf16> to vector<16xi32>
        %shift_left3A_479 = arith.constant 16 : i32
        %shift_left3A_480 = vector.broadcast %shift_left3A_479 : i32 to vector<16xi32>
        %shift_left3A_481 = arith.shli %bitcast3A_478, %shift_left3A_480 : vector<16xi32>
        %bitcast3A_482 = vector.bitcast %shift_left3A_481 : vector<16xi32> to vector<16xf32>
        %mul3A_483 = vector.broadcast %squeeze3A_470 : f32 to vector<16xf32>
        %mul3A_484 = arith.mulf %bitcast3A_482, %mul3A_483 : vector<16xf32>
        %and3A_485 = arith.constant -65536 : i32
        %and3A_486 = vector.broadcast %and3A_485 : i32 to vector<16xi32>
        %and3A_487 = arith.andi %bitcast3A_478, %and3A_486 : vector<16xi32>
        %bitcast3A_488 = vector.bitcast %and3A_487 : vector<16xi32> to vector<16xf32>
        %mul3A_489 = vector.broadcast %squeeze3A_470 : f32 to vector<16xf32>
        %mul3A_490 = arith.mulf %bitcast3A_488, %mul3A_489 : vector<16xf32>
        %swap3A_491 = arith.index_cast %add3A_474 : i32 to index
        %swap3A_492 = arith.constant 0 : index
        %swap3A_493 = tpu.vector_load %arg22[%swap3A_491, %swap3A_492] {strides = array<i32>} : memref<128x64xf32, #tpu.memory_space<vmem>>, vector<16xf32>,
        tpu.vector_store %arg22[%swap3A_491, %swap3A_492], %mul3A_484 {strides = array<i32>} : memref<128x64xf32, #tpu.memory_space<vmem>>, vector<16xf32>,
        %swap3A_494 = arith.index_cast %add3A_474 : i32 to index
        %swap3A_495 = arith.constant 16 : index
        %swap3A_496 = tpu.vector_load %arg22[%swap3A_494, %swap3A_495] {strides = array<i32>} : memref<128x64xf32, #tpu.memory_space<vmem>>, vector<16xf32>,
        tpu.vector_store %arg22[%swap3A_494, %swap3A_495], %mul3A_490 {strides = array<i32>} : memref<128x64xf32, #tpu.memory_space<vmem>>, vector<16xf32>,
        %get3A_497 = arith.index_cast %add3A_474 : i32 to index
        %get3A_498 = arith.constant 32 : index
        %get3A_499 = tpu.vector_load %arg21[%get3A_497, %get3A_498] {strides = array<i32>} : memref<128x64xbf16, #tpu.memory_space<vmem>>, vector<32xbf16>,
        %bitcast3A_500 = vector.bitcast %get3A_499 : vector<32xbf16> to vector<16xi32>
        %shift_left3A_501 = arith.constant 16 : i32
        %shift_left3A_502 = vector.broadcast %shift_left3A_501 : i32 to vector<16xi32>
        %shift_left3A_503 = arith.shli %bitcast3A_500, %shift_left3A_502 : vector<16xi32>
        %bitcast3A_504 = vector.bitcast %shift_left3A_503 : vector<16xi32> to vector<16xf32>
        %mul3A_505 = vector.broadcast %squeeze3A_470 : f32 to vector<16xf32>
        %mul3A_506 = arith.mulf %bitcast3A_504, %mul3A_505 : vector<16xf32>
        %and3A_507 = arith.constant -65536 : i32
        %and3A_508 = vector.broadcast %and3A_507 : i32 to vector<16xi32>
        %and3A_509 = arith.andi %bitcast3A_500, %and3A_508 : vector<16xi32>
        %bitcast3A_510 = vector.bitcast %and3A_509 : vector<16xi32> to vector<16xf32>
        %mul3A_511 = vector.broadcast %squeeze3A_470 : f32 to vector<16xf32>
        %mul3A_512 = arith.mulf %bitcast3A_510, %mul3A_511 : vector<16xf32>
        %swap3A_513 = arith.index_cast %add3A_474 : i32 to index
        %swap3A_514 = arith.constant 32 : index
        %swap3A_515 = tpu.vector_load %arg22[%swap3A_513, %swap3A_514] {strides = array<i32>} : memref<128x64xf32, #tpu.memory_space<vmem>>, vector<16xf32>,
        tpu.vector_store %arg22[%swap3A_513, %swap3A_514], %mul3A_506 {strides = array<i32>} : memref<128x64xf32, #tpu.memory_space<vmem>>, vector<16xf32>,
        %swap3A_516 = arith.index_cast %add3A_474 : i32 to index
        %swap3A_517 = arith.constant 48 : index
        %swap3A_518 = tpu.vector_load %arg22[%swap3A_516, %swap3A_517] {strides = array<i32>} : memref<128x64xf32, #tpu.memory_space<vmem>>, vector<16xf32>,
        tpu.vector_store %arg22[%swap3A_516, %swap3A_517], %mul3A_512 {strides = array<i32>} : memref<128x64xf32, #tpu.memory_space<vmem>>, vector<16xf32>,
        %slice3A_519 = vector.extract_strided_slice %get3A_323 {offsets = [4], sizes = [1], strides = [1]} : vector<16xf32> to vector<1xf32>
        %squeeze3A_520 = vector.extract %slice3A_519[0] : f32 from vector<1xf32>
        %mul3A_521 = arith.constant 16 : i32
        %mul3A_522 = arith.muli %scan3A_319, %mul3A_521 : i32
        %add3A_523 = arith.constant 4 : i32
        %add3A_524 = arith.addi %mul3A_522, %add3A_523 : i32
        %get3A_525 = arith.index_cast %add3A_524 : i32 to index
        %get3A_526 = arith.constant 0 : index
        %get3A_527 = tpu.vector_load %arg21[%get3A_525, %get3A_526] {strides = array<i32>} : memref<128x64xbf16, #tpu.memory_space<vmem>>, vector<32xbf16>,
        %bitcast3A_528 = vector.bitcast %get3A_527 : vector<32xbf16> to vector<16xi32>
        %shift_left3A_529 = arith.constant 16 : i32
        %shift_left3A_530 = vector.broadcast %shift_left3A_529 : i32 to vector<16xi32>
        %shift_left3A_531 = arith.shli %bitcast3A_528, %shift_left3A_530 : vector<16xi32>
        %bitcast3A_532 = vector.bitcast %shift_left3A_531 : vector<16xi32> to vector<16xf32>
        %mul3A_533 = vector.broadcast %squeeze3A_520 : f32 to vector<16xf32>
        %mul3A_534 = arith.mulf %bitcast3A_532, %mul3A_533 : vector<16xf32>
        %and3A_535 = arith.constant -65536 : i32
        %and3A_536 = vector.broadcast %and3A_535 : i32 to vector<16xi32>
        %and3A_537 = arith.andi %bitcast3A_528, %and3A_536 : vector<16xi32>
        %bitcast3A_538 = vector.bitcast %and3A_537 : vector<16xi32> to vector<16xf32>
        %mul3A_539 = vector.broadcast %squeeze3A_520 : f32 to vector<16xf32>
        %mul3A_540 = arith.mulf %bitcast3A_538, %mul3A_539 : vector<16xf32>
        %swap3A_541 = arith.index_cast %add3A_524 : i32 to index
        %swap3A_542 = arith.constant 0 : index
        %swap3A_543 = tpu.vector_load %arg22[%swap3A_541, %swap3A_542] {strides = array<i32>} : memref<128x64xf32, #tpu.memory_space<vmem>>, vector<16xf32>,
        tpu.vector_store %arg22[%swap3A_541, %swap3A_542], %mul3A_534 {strides = array<i32>} : memref<128x64xf32, #tpu.memory_space<vmem>>, vector<16xf32>,
        %swap3A_544 = arith.index_cast %add3A_524 : i32 to index
        %swap3A_545 = arith.constant 16 : index
        %swap3A_546 = tpu.vector_load %arg22[%swap3A_544, %swap3A_545] {strides = array<i32>} : memref<128x64xf32, #tpu.memory_space<vmem>>, vector<16xf32>,
        tpu.vector_store %arg22[%swap3A_544, %swap3A_545], %mul3A_540 {strides = array<i32>} : memref<128x64xf32, #tpu.memory_space<vmem>>, vector<16xf32>,
        %get3A_547 = arith.index_cast %add3A_524 : i32 to index
        %get3A_548 = arith.constant 32 : index
        %get3A_549 = tpu.vector_load %arg21[%get3A_547, %get3A_548] {strides = array<i32>} : memref<128x64xbf16, #tpu.memory_space<vmem>>, vector<32xbf16>,
        %bitcast3A_550 = vector.bitcast %get3A_549 : vector<32xbf16> to vector<16xi32>
        %shift_left3A_551 = arith.constant 16 : i32
        %shift_left3A_552 = vector.broadcast %shift_left3A_551 : i32 to vector<16xi32>
        %shift_left3A_553 = arith.shli %bitcast3A_550, %shift_left3A_552 : vector<16xi32>
        %bitcast3A_554 = vector.bitcast %shift_left3A_553 : vector<16xi32> to vector<16xf32>
        %mul3A_555 = vector.broadcast %squeeze3A_520 : f32 to vector<16xf32>
        %mul3A_556 = arith.mulf %bitcast3A_554, %mul3A_555 : vector<16xf32>
        %and3A_557 = arith.constant -65536 : i32
        %and3A_558 = vector.broadcast %and3A_557 : i32 to vector<16xi32>
        %and3A_559 = arith.andi %bitcast3A_550, %and3A_558 : vector<16xi32>
        %bitcast3A_560 = vector.bitcast %and3A_559 : vector<16xi32> to vector<16xf32>
        %mul3A_561 = vector.broadcast %squeeze3A_520 : f32 to vector<16xf32>
        %mul3A_562 = arith.mulf %bitcast3A_560, %mul3A_561 : vector<16xf32>
        %swap3A_563 = arith.index_cast %add3A_524 : i32 to index
        %swap3A_564 = arith.constant 32 : index
        %swap3A_565 = tpu.vector_load %arg22[%swap3A_563, %swap3A_564] {strides = array<i32>} : memref<128x64xf32, #tpu.memory_space<vmem>>, vector<16xf32>,
        tpu.vector_store %arg22[%swap3A_563, %swap3A_564], %mul3A_556 {strides = array<i32>} : memref<128x64xf32, #tpu.memory_space<vmem>>, vector<16xf32>,
        %swap3A_566 = arith.index_cast %add3A_524 : i32 to index
        %swap3A_567 = arith.constant 48 : index
        %swap3A_568 = tpu.vector_load %arg22[%swap3A_566, %swap3A_567] {strides = array<i32>} : memref<128x64xf32, #tpu.memory_space<vmem>>, vector<16xf32>,
        tpu.vector_store %arg22[%swap3A_566, %swap3A_567], %mul3A_562 {strides = array<i32>} : memref<128x64xf32, #tpu.memory_space<vmem>>, vector<16xf32>,
        %slice3A_569 = vector.extract_strided_slice %get3A_323 {offsets = [5], sizes = [1], strides = [1]} : vector<16xf32> to vector<1xf32>
        %squeeze3A_570 = vector.extract %slice3A_569[0] : f32 from vector<1xf32>
        %mul3A_571 = arith.constant 16 : i32
        %mul3A_572 = arith.muli %scan3A_319, %mul3A_571 : i32
        %add3A_573 = arith.constant 5 : i32
        %add3A_574 = arith.addi %mul3A_572, %add3A_573 : i32
        %get3A_575 = arith.index_cast %add3A_574 : i32 to index
        %get3A_576 = arith.constant 0 : index
        %get3A_577 = tpu.vector_load %arg21[%get3A_575, %get3A_576] {strides = array<i32>} : memref<128x64xbf16, #tpu.memory_space<vmem>>, vector<32xbf16>,
        %bitcast3A_578 = vector.bitcast %get3A_577 : vector<32xbf16> to vector<16xi32>
        %shift_left3A_579 = arith.constant 16 : i32
        %shift_left3A_580 = vector.broadcast %shift_left3A_579 : i32 to vector<16xi32>
        %shift_left3A_581 = arith.shli %bitcast3A_578, %shift_left3A_580 : vector<16xi32>
        %bitcast3A_582 = vector.bitcast %shift_left3A_581 : vector<16xi32> to vector<16xf32>
        %mul3A_583 = vector.broadcast %squeeze3A_570 : f32 to vector<16xf32>
        %mul3A_584 = arith.mulf %bitcast3A_582, %mul3A_583 : vector<16xf32>
        %and3A_585 = arith.constant -65536 : i32
        %and3A_586 = vector.broadcast %and3A_585 : i32 to vector<16xi32>
        %and3A_587 = arith.andi %bitcast3A_578, %and3A_586 : vector<16xi32>
        %bitcast3A_588 = vector.bitcast %and3A_587 : vector<16xi32> to vector<16xf32>
        %mul3A_589 = vector.broadcast %squeeze3A_570 : f32 to vector<16xf32>
        %mul3A_590 = arith.mulf %bitcast3A_588, %mul3A_589 : vector<16xf32>
        %swap3A_591 = arith.index_cast %add3A_574 : i32 to index
        %swap3A_592 = arith.constant 0 : index
        %swap3A_593 = tpu.vector_load %arg22[%swap3A_591, %swap3A_592] {strides = array<i32>} : memref<128x64xf32, #tpu.memory_space<vmem>>, vector<16xf32>,
        tpu.vector_store %arg22[%swap3A_591, %swap3A_592], %mul3A_584 {strides = array<i32>} : memref<128x64xf32, #tpu.memory_space<vmem>>, vector<16xf32>,
        %swap3A_594 = arith.index_cast %add3A_574 : i32 to index
        %swap3A_595 = arith.constant 16 : index
        %swap3A_596 = tpu.vector_load %arg22[%swap3A_594, %swap3A_595] {strides = array<i32>} : memref<128x64xf32, #tpu.memory_space<vmem>>, vector<16xf32>,
        tpu.vector_store %arg22[%swap3A_594, %swap3A_595], %mul3A_590 {strides = array<i32>} : memref<128x64xf32, #tpu.memory_space<vmem>>, vector<16xf32>,
        %get3A_597 = arith.index_cast %add3A_574 : i32 to index
        %get3A_598 = arith.constant 32 : index
        %get3A_599 = tpu.vector_load %arg21[%get3A_597, %get3A_598] {strides = array<i32>} : memref<128x64xbf16, #tpu.memory_space<vmem>>, vector<32xbf16>,
        %bitcast3A_600 = vector.bitcast %get3A_599 : vector<32xbf16> to vector<16xi32>
        %shift_left3A_601 = arith.constant 16 : i32
        %shift_left3A_602 = vector.broadcast %shift_left3A_601 : i32 to vector<16xi32>
        %shift_left3A_603 = arith.shli %bitcast3A_600, %shift_left3A_602 : vector<16xi32>
        %bitcast3A_604 = vector.bitcast %shift_left3A_603 : vector<16xi32> to vector<16xf32>
        %mul3A_605 = vector.broadcast %squeeze3A_570 : f32 to vector<16xf32>
        %mul3A_606 = arith.mulf %bitcast3A_604, %mul3A_605 : vector<16xf32>
        %and3A_607 = arith.constant -65536 : i32
        %and3A_608 = vector.broadcast %and3A_607 : i32 to vector<16xi32>
        %and3A_609 = arith.andi %bitcast3A_600, %and3A_608 : vector<16xi32>
        %bitcast3A_610 = vector.bitcast %and3A_609 : vector<16xi32> to vector<16xf32>
        %mul3A_611 = vector.broadcast %squeeze3A_570 : f32 to vector<16xf32>
        %mul3A_612 = arith.mulf %bitcast3A_610, %mul3A_611 : vector<16xf32>
        %swap3A_613 = arith.index_cast %add3A_574 : i32 to index
        %swap3A_614 = arith.constant 32 : index
        %swap3A_615 = tpu.vector_load %arg22[%swap3A_613, %swap3A_614] {strides = array<i32>} : memref<128x64xf32, #tpu.memory_space<vmem>>, vector<16xf32>,
        tpu.vector_store %arg22[%swap3A_613, %swap3A_614], %mul3A_606 {strides = array<i32>} : memref<128x64xf32, #tpu.memory_space<vmem>>, vector<16xf32>,
        %swap3A_616 = arith.index_cast %add3A_574 : i32 to index
        %swap3A_617 = arith.constant 48 : index
        %swap3A_618 = tpu.vector_load %arg22[%swap3A_616, %swap3A_617] {strides = array<i32>} : memref<128x64xf32, #tpu.memory_space<vmem>>, vector<16xf32>,
        tpu.vector_store %arg22[%swap3A_616, %swap3A_617], %mul3A_612 {strides = array<i32>} : memref<128x64xf32, #tpu.memory_space<vmem>>, vector<16xf32>,
        %slice3A_619 = vector.extract_strided_slice %get3A_323 {offsets = [6], sizes = [1], strides = [1]} : vector<16xf32> to vector<1xf32>
        %squeeze3A_620 = vector.extract %slice3A_619[0] : f32 from vector<1xf32>
        %mul3A_621 = arith.constant 16 : i32
        %mul3A_622 = arith.muli %scan3A_319, %mul3A_621 : i32
        %add3A_623 = arith.constant 6 : i32
        %add3A_624 = arith.addi %mul3A_622, %add3A_623 : i32
        %get3A_625 = arith.index_cast %add3A_624 : i32 to index
        %get3A_626 = arith.constant 0 : index
        %get3A_627 = tpu.vector_load %arg21[%get3A_625, %get3A_626] {strides = array<i32>} : memref<128x64xbf16, #tpu.memory_space<vmem>>, vector<32xbf16>,
        %bitcast3A_628 = vector.bitcast %get3A_627 : vector<32xbf16> to vector<16xi32>
        %shift_left3A_629 = arith.constant 16 : i32
        %shift_left3A_630 = vector.broadcast %shift_left3A_629 : i32 to vector<16xi32>
        %shift_left3A_631 = arith.shli %bitcast3A_628, %shift_left3A_630 : vector<16xi32>
        %bitcast3A_632 = vector.bitcast %shift_left3A_631 : vector<16xi32> to vector<16xf32>
        %mul3A_633 = vector.broadcast %squeeze3A_620 : f32 to vector<16xf32>
        %mul3A_634 = arith.mulf %bitcast3A_632, %mul3A_633 : vector<16xf32>
        %and3A_635 = arith.constant -65536 : i32
        %and3A_636 = vector.broadcast %and3A_635 : i32 to vector<16xi32>
        %and3A_637 = arith.andi %bitcast3A_628, %and3A_636 : vector<16xi32>
        %bitcast3A_638 = vector.bitcast %and3A_637 : vector<16xi32> to vector<16xf32>
        %mul3A_639 = vector.broadcast %squeeze3A_620 : f32 to vector<16xf32>
        %mul3A_640 = arith.mulf %bitcast3A_638, %mul3A_639 : vector<16xf32>
        %swap3A_641 = arith.index_cast %add3A_624 : i32 to index
        %swap3A_642 = arith.constant 0 : index
        %swap3A_643 = tpu.vector_load %arg22[%swap3A_641, %swap3A_642] {strides = array<i32>} : memref<128x64xf32, #tpu.memory_space<vmem>>, vector<16xf32>,
        tpu.vector_store %arg22[%swap3A_641, %swap3A_642], %mul3A_634 {strides = array<i32>} : memref<128x64xf32, #tpu.memory_space<vmem>>, vector<16xf32>,
        %swap3A_644 = arith.index_cast %add3A_624 : i32 to index
        %swap3A_645 = arith.constant 16 : index
        %swap3A_646 = tpu.vector_load %arg22[%swap3A_644, %swap3A_645] {strides = array<i32>} : memref<128x64xf32, #tpu.memory_space<vmem>>, vector<16xf32>,
        tpu.vector_store %arg22[%swap3A_644, %swap3A_645], %mul3A_640 {strides = array<i32>} : memref<128x64xf32, #tpu.memory_space<vmem>>, vector<16xf32>,
        %get3A_647 = arith.index_cast %add3A_624 : i32 to index
        %get3A_648 = arith.constant 32 : index
        %get3A_649 = tpu.vector_load %arg21[%get3A_647, %get3A_648] {strides = array<i32>} : memref<128x64xbf16, #tpu.memory_space<vmem>>, vector<32xbf16>,
        %bitcast3A_650 = vector.bitcast %get3A_649 : vector<32xbf16> to vector<16xi32>
        %shift_left3A_651 = arith.constant 16 : i32
        %shift_left3A_652 = vector.broadcast %shift_left3A_651 : i32 to vector<16xi32>
        %shift_left3A_653 = arith.shli %bitcast3A_650, %shift_left3A_652 : vector<16xi32>
        %bitcast3A_654 = vector.bitcast %shift_left3A_653 : vector<16xi32> to vector<16xf32>
        %mul3A_655 = vector.broadcast %squeeze3A_620 : f32 to vector<16xf32>
        %mul3A_656 = arith.mulf %bitcast3A_654, %mul3A_655 : vector<16xf32>
        %and3A_657 = arith.constant -65536 : i32
        %and3A_658 = vector.broadcast %and3A_657 : i32 to vector<16xi32>
        %and3A_659 = arith.andi %bitcast3A_650, %and3A_658 : vector<16xi32>
        %bitcast3A_660 = vector.bitcast %and3A_659 : vector<16xi32> to vector<16xf32>
        %mul3A_661 = vector.broadcast %squeeze3A_620 : f32 to vector<16xf32>
        %mul3A_662 = arith.mulf %bitcast3A_660, %mul3A_661 : vector<16xf32>
        %swap3A_663 = arith.index_cast %add3A_624 : i32 to index
        %swap3A_664 = arith.constant 32 : index
        %swap3A_665 = tpu.vector_load %arg22[%swap3A_663, %swap3A_664] {strides = array<i32>} : memref<128x64xf32, #tpu.memory_space<vmem>>, vector<16xf32>,
        tpu.vector_store %arg22[%swap3A_663, %swap3A_664], %mul3A_656 {strides = array<i32>} : memref<128x64xf32, #tpu.memory_space<vmem>>, vector<16xf32>,
        %swap3A_666 = arith.index_cast %add3A_624 : i32 to index
        %swap3A_667 = arith.constant 48 : index
        %swap3A_668 = tpu.vector_load %arg22[%swap3A_666, %swap3A_667] {strides = array<i32>} : memref<128x64xf32, #tpu.memory_space<vmem>>, vector<16xf32>,
        tpu.vector_store %arg22[%swap3A_666, %swap3A_667], %mul3A_662 {strides = array<i32>} : memref<128x64xf32, #tpu.memory_space<vmem>>, vector<16xf32>,
        %slice3A_669 = vector.extract_strided_slice %get3A_323 {offsets = [7], sizes = [1], strides = [1]} : vector<16xf32> to vector<1xf32>
        %squeeze3A_670 = vector.extract %slice3A_669[0] : f32 from vector<1xf32>
        %mul3A_671 = arith.constant 16 : i32
        %mul3A_672 = arith.muli %scan3A_319, %mul3A_671 : i32
        %add3A_673 = arith.constant 7 : i32
        %add3A_674 = arith.addi %mul3A_672, %add3A_673 : i32
        %get3A_675 = arith.index_cast %add3A_674 : i32 to index
        %get3A_676 = arith.constant 0 : index
        %get3A_677 = tpu.vector_load %arg21[%get3A_675, %get3A_676] {strides = array<i32>} : memref<128x64xbf16, #tpu.memory_space<vmem>>, vector<32xbf16>,
        %bitcast3A_678 = vector.bitcast %get3A_677 : vector<32xbf16> to vector<16xi32>
        %shift_left3A_679 = arith.constant 16 : i32
        %shift_left3A_680 = vector.broadcast %shift_left3A_679 : i32 to vector<16xi32>
        %shift_left3A_681 = arith.shli %bitcast3A_678, %shift_left3A_680 : vector<16xi32>
        %bitcast3A_682 = vector.bitcast %shift_left3A_681 : vector<16xi32> to vector<16xf32>
        %mul3A_683 = vector.broadcast %squeeze3A_670 : f32 to vector<16xf32>
        %mul3A_684 = arith.mulf %bitcast3A_682, %mul3A_683 : vector<16xf32>
        %and3A_685 = arith.constant -65536 : i32
        %and3A_686 = vector.broadcast %and3A_685 : i32 to vector<16xi32>
        %and3A_687 = arith.andi %bitcast3A_678, %and3A_686 : vector<16xi32>
        %bitcast3A_688 = vector.bitcast %and3A_687 : vector<16xi32> to vector<16xf32>
        %mul3A_689 = vector.broadcast %squeeze3A_670 : f32 to vector<16xf32>
        %mul3A_690 = arith.mulf %bitcast3A_688, %mul3A_689 : vector<16xf32>
        %swap3A_691 = arith.index_cast %add3A_674 : i32 to index
        %swap3A_692 = arith.constant 0 : index
        %swap3A_693 = tpu.vector_load %arg22[%swap3A_691, %swap3A_692] {strides = array<i32>} : memref<128x64xf32, #tpu.memory_space<vmem>>, vector<16xf32>,
        tpu.vector_store %arg22[%swap3A_691, %swap3A_692], %mul3A_684 {strides = array<i32>} : memref<128x64xf32, #tpu.memory_space<vmem>>, vector<16xf32>,
        %swap3A_694 = arith.index_cast %add3A_674 : i32 to index
        %swap3A_695 = arith.constant 16 : index
        %swap3A_696 = tpu.vector_load %arg22[%swap3A_694, %swap3A_695] {strides = array<i32>} : memref<128x64xf32, #tpu.memory_space<vmem>>, vector<16xf32>,
        tpu.vector_store %arg22[%swap3A_694, %swap3A_695], %mul3A_690 {strides = array<i32>} : memref<128x64xf32, #tpu.memory_space<vmem>>, vector<16xf32>,
        %get3A_697 = arith.index_cast %add3A_674 : i32 to index
        %get3A_698 = arith.constant 32 : index
        %get3A_699 = tpu.vector_load %arg21[%get3A_697, %get3A_698] {strides = array<i32>} : memref<128x64xbf16, #tpu.memory_space<vmem>>, vector<32xbf16>,
        %bitcast3A_700 = vector.bitcast %get3A_699 : vector<32xbf16> to vector<16xi32>
        %shift_left3A_701 = arith.constant 16 : i32
        %shift_left3A_702 = vector.broadcast %shift_left3A_701 : i32 to vector<16xi32>
        %shift_left3A_703 = arith.shli %bitcast3A_700, %shift_left3A_702 : vector<16xi32>
        %bitcast3A_704 = vector.bitcast %shift_left3A_703 : vector<16xi32> to vector<16xf32>
        %mul3A_705 = vector.broadcast %squeeze3A_670 : f32 to vector<16xf32>
        %mul3A_706 = arith.mulf %bitcast3A_704, %mul3A_705 : vector<16xf32>
        %and3A_707 = arith.constant -65536 : i32
        %and3A_708 = vector.broadcast %and3A_707 : i32 to vector<16xi32>
        %and3A_709 = arith.andi %bitcast3A_700, %and3A_708 : vector<16xi32>
        %bitcast3A_710 = vector.bitcast %and3A_709 : vector<16xi32> to vector<16xf32>
        %mul3A_711 = vector.broadcast %squeeze3A_670 : f32 to vector<16xf32>
        %mul3A_712 = arith.mulf %bitcast3A_710, %mul3A_711 : vector<16xf32>
        %swap3A_713 = arith.index_cast %add3A_674 : i32 to index
        %swap3A_714 = arith.constant 32 : index
        %swap3A_715 = tpu.vector_load %arg22[%swap3A_713, %swap3A_714] {strides = array<i32>} : memref<128x64xf32, #tpu.memory_space<vmem>>, vector<16xf32>,
        tpu.vector_store %arg22[%swap3A_713, %swap3A_714], %mul3A_706 {strides = array<i32>} : memref<128x64xf32, #tpu.memory_space<vmem>>, vector<16xf32>,
        %swap3A_716 = arith.index_cast %add3A_674 : i32 to index
        %swap3A_717 = arith.constant 48 : index
        %swap3A_718 = tpu.vector_load %arg22[%swap3A_716, %swap3A_717] {strides = array<i32>} : memref<128x64xf32, #tpu.memory_space<vmem>>, vector<16xf32>,
        tpu.vector_store %arg22[%swap3A_716, %swap3A_717], %mul3A_712 {strides = array<i32>} : memref<128x64xf32, #tpu.memory_space<vmem>>, vector<16xf32>,
        %slice3A_719 = vector.extract_strided_slice %get3A_323 {offsets = [8], sizes = [1], strides = [1]} : vector<16xf32> to vector<1xf32>
        %squeeze3A_720 = vector.extract %slice3A_719[0] : f32 from vector<1xf32>
        %mul3A_721 = arith.constant 16 : i32
        %mul3A_722 = arith.muli %scan3A_319, %mul3A_721 : i32
        %add3A_723 = arith.constant 8 : i32
        %add3A_724 = arith.addi %mul3A_722, %add3A_723 : i32
        %get3A_725 = arith.index_cast %add3A_724 : i32 to index
        %get3A_726 = arith.constant 0 : index
        %get3A_727 = tpu.vector_load %arg21[%get3A_725, %get3A_726] {strides = array<i32>} : memref<128x64xbf16, #tpu.memory_space<vmem>>, vector<32xbf16>,
        %bitcast3A_728 = vector.bitcast %get3A_727 : vector<32xbf16> to vector<16xi32>
        %shift_left3A_729 = arith.constant 16 : i32
        %shift_left3A_730 = vector.broadcast %shift_left3A_729 : i32 to vector<16xi32>
        %shift_left3A_731 = arith.shli %bitcast3A_728, %shift_left3A_730 : vector<16xi32>
        %bitcast3A_732 = vector.bitcast %shift_left3A_731 : vector<16xi32> to vector<16xf32>
        %mul3A_733 = vector.broadcast %squeeze3A_720 : f32 to vector<16xf32>
        %mul3A_734 = arith.mulf %bitcast3A_732, %mul3A_733 : vector<16xf32>
        %and3A_735 = arith.constant -65536 : i32
        %and3A_736 = vector.broadcast %and3A_735 : i32 to vector<16xi32>
        %and3A_737 = arith.andi %bitcast3A_728, %and3A_736 : vector<16xi32>
        %bitcast3A_738 = vector.bitcast %and3A_737 : vector<16xi32> to vector<16xf32>
        %mul3A_739 = vector.broadcast %squeeze3A_720 : f32 to vector<16xf32>
        %mul3A_740 = arith.mulf %bitcast3A_738, %mul3A_739 : vector<16xf32>
        %swap3A_741 = arith.index_cast %add3A_724 : i32 to index
        %swap3A_742 = arith.constant 0 : index
        %swap3A_743 = tpu.vector_load %arg22[%swap3A_741, %swap3A_742] {strides = array<i32>} : memref<128x64xf32, #tpu.memory_space<vmem>>, vector<16xf32>,
        tpu.vector_store %arg22[%swap3A_741, %swap3A_742], %mul3A_734 {strides = array<i32>} : memref<128x64xf32, #tpu.memory_space<vmem>>, vector<16xf32>,
        %swap3A_744 = arith.index_cast %add3A_724 : i32 to index
        %swap3A_745 = arith.constant 16 : index
        %swap3A_746 = tpu.vector_load %arg22[%swap3A_744, %swap3A_745] {strides = array<i32>} : memref<128x64xf32, #tpu.memory_space<vmem>>, vector<16xf32>,
        tpu.vector_store %arg22[%swap3A_744, %swap3A_745], %mul3A_740 {strides = array<i32>} : memref<128x64xf32, #tpu.memory_space<vmem>>, vector<16xf32>,
        %get3A_747 = arith.index_cast %add3A_724 : i32 to index
        %get3A_748 = arith.constant 32 : index
        %get3A_749 = tpu.vector_load %arg21[%get3A_747, %get3A_748] {strides = array<i32>} : memref<128x64xbf16, #tpu.memory_space<vmem>>, vector<32xbf16>,
        %bitcast3A_750 = vector.bitcast %get3A_749 : vector<32xbf16> to vector<16xi32>
        %shift_left3A_751 = arith.constant 16 : i32
        %shift_left3A_752 = vector.broadcast %shift_left3A_751 : i32 to vector<16xi32>
        %shift_left3A_753 = arith.shli %bitcast3A_750, %shift_left3A_752 : vector<16xi32>
        %bitcast3A_754 = vector.bitcast %shift_left3A_753 : vector<16xi32> to vector<16xf32>
        %mul3A_755 = vector.broadcast %squeeze3A_720 : f32 to vector<16xf32>
        %mul3A_756 = arith.mulf %bitcast3A_754, %mul3A_755 : vector<16xf32>
        %and3A_757 = arith.constant -65536 : i32
        %and3A_758 = vector.broadcast %and3A_757 : i32 to vector<16xi32>
        %and3A_759 = arith.andi %bitcast3A_750, %and3A_758 : vector<16xi32>
        %bitcast3A_760 = vector.bitcast %and3A_759 : vector<16xi32> to vector<16xf32>
        %mul3A_761 = vector.broadcast %squeeze3A_720 : f32 to vector<16xf32>
        %mul3A_762 = arith.mulf %bitcast3A_760, %mul3A_761 : vector<16xf32>
        %swap3A_763 = arith.index_cast %add3A_724 : i32 to index
        %swap3A_764 = arith.constant 32 : index
        %swap3A_765 = tpu.vector_load %arg22[%swap3A_763, %swap3A_764] {strides = array<i32>} : memref<128x64xf32, #tpu.memory_space<vmem>>, vector<16xf32>,
        tpu.vector_store %arg22[%swap3A_763, %swap3A_764], %mul3A_756 {strides = array<i32>} : memref<128x64xf32, #tpu.memory_space<vmem>>, vector<16xf32>,
        %swap3A_766 = arith.index_cast %add3A_724 : i32 to index
        %swap3A_767 = arith.constant 48 : index
        %swap3A_768 = tpu.vector_load %arg22[%swap3A_766, %swap3A_767] {strides = array<i32>} : memref<128x64xf32, #tpu.memory_space<vmem>>, vector<16xf32>,
        tpu.vector_store %arg22[%swap3A_766, %swap3A_767], %mul3A_762 {strides = array<i32>} : memref<128x64xf32, #tpu.memory_space<vmem>>, vector<16xf32>,
        %slice3A_769 = vector.extract_strided_slice %get3A_323 {offsets = [9], sizes = [1], strides = [1]} : vector<16xf32> to vector<1xf32>
        %squeeze3A_770 = vector.extract %slice3A_769[0] : f32 from vector<1xf32>
        %mul3A_771 = arith.constant 16 : i32
        %mul3A_772 = arith.muli %scan3A_319, %mul3A_771 : i32
        %add3A_773 = arith.constant 9 : i32
        %add3A_774 = arith.addi %mul3A_772, %add3A_773 : i32
        %get3A_775 = arith.index_cast %add3A_774 : i32 to index
        %get3A_776 = arith.constant 0 : index
        %get3A_777 = tpu.vector_load %arg21[%get3A_775, %get3A_776] {strides = array<i32>} : memref<128x64xbf16, #tpu.memory_space<vmem>>, vector<32xbf16>,
        %bitcast3A_778 = vector.bitcast %get3A_777 : vector<32xbf16> to vector<16xi32>
        %shift_left3A_779 = arith.constant 16 : i32
        %shift_left3A_780 = vector.broadcast %shift_left3A_779 : i32 to vector<16xi32>
        %shift_left3A_781 = arith.shli %bitcast3A_778, %shift_left3A_780 : vector<16xi32>
        %bitcast3A_782 = vector.bitcast %shift_left3A_781 : vector<16xi32> to vector<16xf32>
        %mul3A_783 = vector.broadcast %squeeze3A_770 : f32 to vector<16xf32>
        %mul3A_784 = arith.mulf %bitcast3A_782, %mul3A_783 : vector<16xf32>
        %and3A_785 = arith.constant -65536 : i32
        %and3A_786 = vector.broadcast %and3A_785 : i32 to vector<16xi32>
        %and3A_787 = arith.andi %bitcast3A_778, %and3A_786 : vector<16xi32>
        %bitcast3A_788 = vector.bitcast %and3A_787 : vector<16xi32> to vector<16xf32>
        %mul3A_789 = vector.broadcast %squeeze3A_770 : f32 to vector<16xf32>
        %mul3A_790 = arith.mulf %bitcast3A_788, %mul3A_789 : vector<16xf32>
        %swap3A_791 = arith.index_cast %add3A_774 : i32 to index
        %swap3A_792 = arith.constant 0 : index
        %swap3A_793 = tpu.vector_load %arg22[%swap3A_791, %swap3A_792] {strides = array<i32>} : memref<128x64xf32, #tpu.memory_space<vmem>>, vector<16xf32>,
        tpu.vector_store %arg22[%swap3A_791, %swap3A_792], %mul3A_784 {strides = array<i32>} : memref<128x64xf32, #tpu.memory_space<vmem>>, vector<16xf32>,
        %swap3A_794 = arith.index_cast %add3A_774 : i32 to index
        %swap3A_795 = arith.constant 16 : index
        %swap3A_796 = tpu.vector_load %arg22[%swap3A_794, %swap3A_795] {strides = array<i32>} : memref<128x64xf32, #tpu.memory_space<vmem>>, vector<16xf32>,
        tpu.vector_store %arg22[%swap3A_794, %swap3A_795], %mul3A_790 {strides = array<i32>} : memref<128x64xf32, #tpu.memory_space<vmem>>, vector<16xf32>,
        %get3A_797 = arith.index_cast %add3A_774 : i32 to index
        %get3A_798 = arith.constant 32 : index
        %get3A_799 = tpu.vector_load %arg21[%get3A_797, %get3A_798] {strides = array<i32>} : memref<128x64xbf16, #tpu.memory_space<vmem>>, vector<32xbf16>,
        %bitcast3A_800 = vector.bitcast %get3A_799 : vector<32xbf16> to vector<16xi32>
        %shift_left3A_801 = arith.constant 16 : i32
        %shift_left3A_802 = vector.broadcast %shift_left3A_801 : i32 to vector<16xi32>
        %shift_left3A_803 = arith.shli %bitcast3A_800, %shift_left3A_802 : vector<16xi32>
        %bitcast3A_804 = vector.bitcast %shift_left3A_803 : vector<16xi32> to vector<16xf32>
        %mul3A_805 = vector.broadcast %squeeze3A_770 : f32 to vector<16xf32>
        %mul3A_806 = arith.mulf %bitcast3A_804, %mul3A_805 : vector<16xf32>
        %and3A_807 = arith.constant -65536 : i32
        %and3A_808 = vector.broadcast %and3A_807 : i32 to vector<16xi32>
        %and3A_809 = arith.andi %bitcast3A_800, %and3A_808 : vector<16xi32>
        %bitcast3A_810 = vector.bitcast %and3A_809 : vector<16xi32> to vector<16xf32>
        %mul3A_811 = vector.broadcast %squeeze3A_770 : f32 to vector<16xf32>
        %mul3A_812 = arith.mulf %bitcast3A_810, %mul3A_811 : vector<16xf32>
        %swap3A_813 = arith.index_cast %add3A_774 : i32 to index
        %swap3A_814 = arith.constant 32 : index
        %swap3A_815 = tpu.vector_load %arg22[%swap3A_813, %swap3A_814] {strides = array<i32>} : memref<128x64xf32, #tpu.memory_space<vmem>>, vector<16xf32>,
        tpu.vector_store %arg22[%swap3A_813, %swap3A_814], %mul3A_806 {strides = array<i32>} : memref<128x64xf32, #tpu.memory_space<vmem>>, vector<16xf32>,
        %swap3A_816 = arith.index_cast %add3A_774 : i32 to index
        %swap3A_817 = arith.constant 48 : index
        %swap3A_818 = tpu.vector_load %arg22[%swap3A_816, %swap3A_817] {strides = array<i32>} : memref<128x64xf32, #tpu.memory_space<vmem>>, vector<16xf32>,
        tpu.vector_store %arg22[%swap3A_816, %swap3A_817], %mul3A_812 {strides = array<i32>} : memref<128x64xf32, #tpu.memory_space<vmem>>, vector<16xf32>,
        %slice3A_819 = vector.extract_strided_slice %get3A_323 {offsets = [10], sizes = [1], strides = [1]} : vector<16xf32> to vector<1xf32>
        %squeeze3A_820 = vector.extract %slice3A_819[0] : f32 from vector<1xf32>
        %mul3A_821 = arith.constant 16 : i32
        %mul3A_822 = arith.muli %scan3A_319, %mul3A_821 : i32
        %add3A_823 = arith.constant 10 : i32
        %add3A_824 = arith.addi %mul3A_822, %add3A_823 : i32
        %get3A_825 = arith.index_cast %add3A_824 : i32 to index
        %get3A_826 = arith.constant 0 : index
        %get3A_827 = tpu.vector_load %arg21[%get3A_825, %get3A_826] {strides = array<i32>} : memref<128x64xbf16, #tpu.memory_space<vmem>>, vector<32xbf16>,
        %bitcast3A_828 = vector.bitcast %get3A_827 : vector<32xbf16> to vector<16xi32>
        %shift_left3A_829 = arith.constant 16 : i32
        %shift_left3A_830 = vector.broadcast %shift_left3A_829 : i32 to vector<16xi32>
        %shift_left3A_831 = arith.shli %bitcast3A_828, %shift_left3A_830 : vector<16xi32>
        %bitcast3A_832 = vector.bitcast %shift_left3A_831 : vector<16xi32> to vector<16xf32>
        %mul3A_833 = vector.broadcast %squeeze3A_820 : f32 to vector<16xf32>
        %mul3A_834 = arith.mulf %bitcast3A_832, %mul3A_833 : vector<16xf32>
        %and3A_835 = arith.constant -65536 : i32
        %and3A_836 = vector.broadcast %and3A_835 : i32 to vector<16xi32>
        %and3A_837 = arith.andi %bitcast3A_828, %and3A_836 : vector<16xi32>
        %bitcast3A_838 = vector.bitcast %and3A_837 : vector<16xi32> to vector<16xf32>
        %mul3A_839 = vector.broadcast %squeeze3A_820 : f32 to vector<16xf32>
        %mul3A_840 = arith.mulf %bitcast3A_838, %mul3A_839 : vector<16xf32>
        %swap3A_841 = arith.index_cast %add3A_824 : i32 to index
        %swap3A_842 = arith.constant 0 : index
        %swap3A_843 = tpu.vector_load %arg22[%swap3A_841, %swap3A_842] {strides = array<i32>} : memref<128x64xf32, #tpu.memory_space<vmem>>, vector<16xf32>,
        tpu.vector_store %arg22[%swap3A_841, %swap3A_842], %mul3A_834 {strides = array<i32>} : memref<128x64xf32, #tpu.memory_space<vmem>>, vector<16xf32>,
        %swap3A_844 = arith.index_cast %add3A_824 : i32 to index
        %swap3A_845 = arith.constant 16 : index
        %swap3A_846 = tpu.vector_load %arg22[%swap3A_844, %swap3A_845] {strides = array<i32>} : memref<128x64xf32, #tpu.memory_space<vmem>>, vector<16xf32>,
        tpu.vector_store %arg22[%swap3A_844, %swap3A_845], %mul3A_840 {strides = array<i32>} : memref<128x64xf32, #tpu.memory_space<vmem>>, vector<16xf32>,
        %get3A_847 = arith.index_cast %add3A_824 : i32 to index
        %get3A_848 = arith.constant 32 : index
        %get3A_849 = tpu.vector_load %arg21[%get3A_847, %get3A_848] {strides = array<i32>} : memref<128x64xbf16, #tpu.memory_space<vmem>>, vector<32xbf16>,
        %bitcast3A_850 = vector.bitcast %get3A_849 : vector<32xbf16> to vector<16xi32>
        %shift_left3A_851 = arith.constant 16 : i32
        %shift_left3A_852 = vector.broadcast %shift_left3A_851 : i32 to vector<16xi32>
        %shift_left3A_853 = arith.shli %bitcast3A_850, %shift_left3A_852 : vector<16xi32>
        %bitcast3A_854 = vector.bitcast %shift_left3A_853 : vector<16xi32> to vector<16xf32>
        %mul3A_855 = vector.broadcast %squeeze3A_820 : f32 to vector<16xf32>
        %mul3A_856 = arith.mulf %bitcast3A_854, %mul3A_855 : vector<16xf32>
        %and3A_857 = arith.constant -65536 : i32
        %and3A_858 = vector.broadcast %and3A_857 : i32 to vector<16xi32>
        %and3A_859 = arith.andi %bitcast3A_850, %and3A_858 : vector<16xi32>
        %bitcast3A_860 = vector.bitcast %and3A_859 : vector<16xi32> to vector<16xf32>
        %mul3A_861 = vector.broadcast %squeeze3A_820 : f32 to vector<16xf32>
        %mul3A_862 = arith.mulf %bitcast3A_860, %mul3A_861 : vector<16xf32>
        %swap3A_863 = arith.index_cast %add3A_824 : i32 to index
        %swap3A_864 = arith.constant 32 : index
        %swap3A_865 = tpu.vector_load %arg22[%swap3A_863, %swap3A_864] {strides = array<i32>} : memref<128x64xf32, #tpu.memory_space<vmem>>, vector<16xf32>,
        tpu.vector_store %arg22[%swap3A_863, %swap3A_864], %mul3A_856 {strides = array<i32>} : memref<128x64xf32, #tpu.memory_space<vmem>>, vector<16xf32>,
        %swap3A_866 = arith.index_cast %add3A_824 : i32 to index
        %swap3A_867 = arith.constant 48 : index
        %swap3A_868 = tpu.vector_load %arg22[%swap3A_866, %swap3A_867] {strides = array<i32>} : memref<128x64xf32, #tpu.memory_space<vmem>>, vector<16xf32>,
        tpu.vector_store %arg22[%swap3A_866, %swap3A_867], %mul3A_862 {strides = array<i32>} : memref<128x64xf32, #tpu.memory_space<vmem>>, vector<16xf32>,
        %slice3A_869 = vector.extract_strided_slice %get3A_323 {offsets = [11], sizes = [1], strides = [1]} : vector<16xf32> to vector<1xf32>
        %squeeze3A_870 = vector.extract %slice3A_869[0] : f32 from vector<1xf32>
        %mul3A_871 = arith.constant 16 : i32
        %mul3A_872 = arith.muli %scan3A_319, %mul3A_871 : i32
        %add3A_873 = arith.constant 11 : i32
        %add3A_874 = arith.addi %mul3A_872, %add3A_873 : i32
        %get3A_875 = arith.index_cast %add3A_874 : i32 to index
        %get3A_876 = arith.constant 0 : index
        %get3A_877 = tpu.vector_load %arg21[%get3A_875, %get3A_876] {strides = array<i32>} : memref<128x64xbf16, #tpu.memory_space<vmem>>, vector<32xbf16>,
        %bitcast3A_878 = vector.bitcast %get3A_877 : vector<32xbf16> to vector<16xi32>
        %shift_left3A_879 = arith.constant 16 : i32
        %shift_left3A_880 = vector.broadcast %shift_left3A_879 : i32 to vector<16xi32>
        %shift_left3A_881 = arith.shli %bitcast3A_878, %shift_left3A_880 : vector<16xi32>
        %bitcast3A_882 = vector.bitcast %shift_left3A_881 : vector<16xi32> to vector<16xf32>
        %mul3A_883 = vector.broadcast %squeeze3A_870 : f32 to vector<16xf32>
        %mul3A_884 = arith.mulf %bitcast3A_882, %mul3A_883 : vector<16xf32>
        %and3A_885 = arith.constant -65536 : i32
        %and3A_886 = vector.broadcast %and3A_885 : i32 to vector<16xi32>
        %and3A_887 = arith.andi %bitcast3A_878, %and3A_886 : vector<16xi32>
        %bitcast3A_888 = vector.bitcast %and3A_887 : vector<16xi32> to vector<16xf32>
        %mul3A_889 = vector.broadcast %squeeze3A_870 : f32 to vector<16xf32>
        %mul3A_890 = arith.mulf %bitcast3A_888, %mul3A_889 : vector<16xf32>
        %swap3A_891 = arith.index_cast %add3A_874 : i32 to index
        %swap3A_892 = arith.constant 0 : index
        %swap3A_893 = tpu.vector_load %arg22[%swap3A_891, %swap3A_892] {strides = array<i32>} : memref<128x64xf32, #tpu.memory_space<vmem>>, vector<16xf32>,
        tpu.vector_store %arg22[%swap3A_891, %swap3A_892], %mul3A_884 {strides = array<i32>} : memref<128x64xf32, #tpu.memory_space<vmem>>, vector<16xf32>,
        %swap3A_894 = arith.index_cast %add3A_874 : i32 to index
        %swap3A_895 = arith.constant 16 : index
        %swap3A_896 = tpu.vector_load %arg22[%swap3A_894, %swap3A_895] {strides = array<i32>} : memref<128x64xf32, #tpu.memory_space<vmem>>, vector<16xf32>,
        tpu.vector_store %arg22[%swap3A_894, %swap3A_895], %mul3A_890 {strides = array<i32>} : memref<128x64xf32, #tpu.memory_space<vmem>>, vector<16xf32>,
        %get3A_897 = arith.index_cast %add3A_874 : i32 to index
        %get3A_898 = arith.constant 32 : index
        %get3A_899 = tpu.vector_load %arg21[%get3A_897, %get3A_898] {strides = array<i32>} : memref<128x64xbf16, #tpu.memory_space<vmem>>, vector<32xbf16>,
        %bitcast3A_900 = vector.bitcast %get3A_899 : vector<32xbf16> to vector<16xi32>
        %shift_left3A_901 = arith.constant 16 : i32
        %shift_left3A_902 = vector.broadcast %shift_left3A_901 : i32 to vector<16xi32>
        %shift_left3A_903 = arith.shli %bitcast3A_900, %shift_left3A_902 : vector<16xi32>
        %bitcast3A_904 = vector.bitcast %shift_left3A_903 : vector<16xi32> to vector<16xf32>
        %mul3A_905 = vector.broadcast %squeeze3A_870 : f32 to vector<16xf32>
        %mul3A_906 = arith.mulf %bitcast3A_904, %mul3A_905 : vector<16xf32>
        %and3A_907 = arith.constant -65536 : i32
        %and3A_908 = vector.broadcast %and3A_907 : i32 to vector<16xi32>
        %and3A_909 = arith.andi %bitcast3A_900, %and3A_908 : vector<16xi32>
        %bitcast3A_910 = vector.bitcast %and3A_909 : vector<16xi32> to vector<16xf32>
        %mul3A_911 = vector.broadcast %squeeze3A_870 : f32 to vector<16xf32>
        %mul3A_912 = arith.mulf %bitcast3A_910, %mul3A_911 : vector<16xf32>
        %swap3A_913 = arith.index_cast %add3A_874 : i32 to index
        %swap3A_914 = arith.constant 32 : index
        %swap3A_915 = tpu.vector_load %arg22[%swap3A_913, %swap3A_914] {strides = array<i32>} : memref<128x64xf32, #tpu.memory_space<vmem>>, vector<16xf32>,
        tpu.vector_store %arg22[%swap3A_913, %swap3A_914], %mul3A_906 {strides = array<i32>} : memref<128x64xf32, #tpu.memory_space<vmem>>, vector<16xf32>,
        %swap3A_916 = arith.index_cast %add3A_874 : i32 to index
        %swap3A_917 = arith.constant 48 : index
        %swap3A_918 = tpu.vector_load %arg22[%swap3A_916, %swap3A_917] {strides = array<i32>} : memref<128x64xf32, #tpu.memory_space<vmem>>, vector<16xf32>,
        tpu.vector_store %arg22[%swap3A_916, %swap3A_917], %mul3A_912 {strides = array<i32>} : memref<128x64xf32, #tpu.memory_space<vmem>>, vector<16xf32>,
        %slice3A_919 = vector.extract_strided_slice %get3A_323 {offsets = [12], sizes = [1], strides = [1]} : vector<16xf32> to vector<1xf32>
        %squeeze3A_920 = vector.extract %slice3A_919[0] : f32 from vector<1xf32>
        %mul3A_921 = arith.constant 16 : i32
        %mul3A_922 = arith.muli %scan3A_319, %mul3A_921 : i32
        %add3A_923 = arith.constant 12 : i32
        %add3A_924 = arith.addi %mul3A_922, %add3A_923 : i32
        %get3A_925 = arith.index_cast %add3A_924 : i32 to index
        %get3A_926 = arith.constant 0 : index
        %get3A_927 = tpu.vector_load %arg21[%get3A_925, %get3A_926] {strides = array<i32>} : memref<128x64xbf16, #tpu.memory_space<vmem>>, vector<32xbf16>,
        %bitcast3A_928 = vector.bitcast %get3A_927 : vector<32xbf16> to vector<16xi32>
        %shift_left3A_929 = arith.constant 16 : i32
        %shift_left3A_930 = vector.broadcast %shift_left3A_929 : i32 to vector<16xi32>
        %shift_left3A_931 = arith.shli %bitcast3A_928, %shift_left3A_930 : vector<16xi32>
        %bitcast3A_932 = vector.bitcast %shift_left3A_931 : vector<16xi32> to vector<16xf32>
        %mul3A_933 = vector.broadcast %squeeze3A_920 : f32 to vector<16xf32>
        %mul3A_934 = arith.mulf %bitcast3A_932, %mul3A_933 : vector<16xf32>
        %and3A_935 = arith.constant -65536 : i32
        %and3A_936 = vector.broadcast %and3A_935 : i32 to vector<16xi32>
        %and3A_937 = arith.andi %bitcast3A_928, %and3A_936 : vector<16xi32>
        %bitcast3A_938 = vector.bitcast %and3A_937 : vector<16xi32> to vector<16xf32>
        %mul3A_939 = vector.broadcast %squeeze3A_920 : f32 to vector<16xf32>
        %mul3A_940 = arith.mulf %bitcast3A_938, %mul3A_939 : vector<16xf32>
        %swap3A_941 = arith.index_cast %add3A_924 : i32 to index
        %swap3A_942 = arith.constant 0 : index
        %swap3A_943 = tpu.vector_load %arg22[%swap3A_941, %swap3A_942] {strides = array<i32>} : memref<128x64xf32, #tpu.memory_space<vmem>>, vector<16xf32>,
        tpu.vector_store %arg22[%swap3A_941, %swap3A_942], %mul3A_934 {strides = array<i32>} : memref<128x64xf32, #tpu.memory_space<vmem>>, vector<16xf32>,
        %swap3A_944 = arith.index_cast %add3A_924 : i32 to index
        %swap3A_945 = arith.constant 16 : index
        %swap3A_946 = tpu.vector_load %arg22[%swap3A_944, %swap3A_945] {strides = array<i32>} : memref<128x64xf32, #tpu.memory_space<vmem>>, vector<16xf32>,
        tpu.vector_store %arg22[%swap3A_944, %swap3A_945], %mul3A_940 {strides = array<i32>} : memref<128x64xf32, #tpu.memory_space<vmem>>, vector<16xf32>,
        %get3A_947 = arith.index_cast %add3A_924 : i32 to index
        %get3A_948 = arith.constant 32 : index
        %get3A_949 = tpu.vector_load %arg21[%get3A_947, %get3A_948] {strides = array<i32>} : memref<128x64xbf16, #tpu.memory_space<vmem>>, vector<32xbf16>,
        %bitcast3A_950 = vector.bitcast %get3A_949 : vector<32xbf16> to vector<16xi32>
        %shift_left3A_951 = arith.constant 16 : i32
        %shift_left3A_952 = vector.broadcast %shift_left3A_951 : i32 to vector<16xi32>
        %shift_left3A_953 = arith.shli %bitcast3A_950, %shift_left3A_952 : vector<16xi32>
        %bitcast3A_954 = vector.bitcast %shift_left3A_953 : vector<16xi32> to vector<16xf32>
        %mul3A_955 = vector.broadcast %squeeze3A_920 : f32 to vector<16xf32>
        %mul3A_956 = arith.mulf %bitcast3A_954, %mul3A_955 : vector<16xf32>
        %and3A_957 = arith.constant -65536 : i32
        %and3A_958 = vector.broadcast %and3A_957 : i32 to vector<16xi32>
        %and3A_959 = arith.andi %bitcast3A_950, %and3A_958 : vector<16xi32>
        %bitcast3A_960 = vector.bitcast %and3A_959 : vector<16xi32> to vector<16xf32>
        %mul3A_961 = vector.broadcast %squeeze3A_920 : f32 to vector<16xf32>
        %mul3A_962 = arith.mulf %bitcast3A_960, %mul3A_961 : vector<16xf32>
        %swap3A_963 = arith.index_cast %add3A_924 : i32 to index
        %swap3A_964 = arith.constant 32 : index
        %swap3A_965 = tpu.vector_load %arg22[%swap3A_963, %swap3A_964] {strides = array<i32>} : memref<128x64xf32, #tpu.memory_space<vmem>>, vector<16xf32>,
        tpu.vector_store %arg22[%swap3A_963, %swap3A_964], %mul3A_956 {strides = array<i32>} : memref<128x64xf32, #tpu.memory_space<vmem>>, vector<16xf32>,
        %swap3A_966 = arith.index_cast %add3A_924 : i32 to index
        %swap3A_967 = arith.constant 48 : index
        %swap3A_968 = tpu.vector_load %arg22[%swap3A_966, %swap3A_967] {strides = array<i32>} : memref<128x64xf32, #tpu.memory_space<vmem>>, vector<16xf32>,
        tpu.vector_store %arg22[%swap3A_966, %swap3A_967], %mul3A_962 {strides = array<i32>} : memref<128x64xf32, #tpu.memory_space<vmem>>, vector<16xf32>,
        %slice3A_969 = vector.extract_strided_slice %get3A_323 {offsets = [13], sizes = [1], strides = [1]} : vector<16xf32> to vector<1xf32>
        %squeeze3A_970 = vector.extract %slice3A_969[0] : f32 from vector<1xf32>
        %mul3A_971 = arith.constant 16 : i32
        %mul3A_972 = arith.muli %scan3A_319, %mul3A_971 : i32
        %add3A_973 = arith.constant 13 : i32
        %add3A_974 = arith.addi %mul3A_972, %add3A_973 : i32
        %get3A_975 = arith.index_cast %add3A_974 : i32 to index
        %get3A_976 = arith.constant 0 : index
        %get3A_977 = tpu.vector_load %arg21[%get3A_975, %get3A_976] {strides = array<i32>} : memref<128x64xbf16, #tpu.memory_space<vmem>>, vector<32xbf16>,
        %bitcast3A_978 = vector.bitcast %get3A_977 : vector<32xbf16> to vector<16xi32>
        %shift_left3A_979 = arith.constant 16 : i32
        %shift_left3A_980 = vector.broadcast %shift_left3A_979 : i32 to vector<16xi32>
        %shift_left3A_981 = arith.shli %bitcast3A_978, %shift_left3A_980 : vector<16xi32>
        %bitcast3A_982 = vector.bitcast %shift_left3A_981 : vector<16xi32> to vector<16xf32>
        %mul3A_983 = vector.broadcast %squeeze3A_970 : f32 to vector<16xf32>
        %mul3A_984 = arith.mulf %bitcast3A_982, %mul3A_983 : vector<16xf32>
        %and3A_985 = arith.constant -65536 : i32
        %and3A_986 = vector.broadcast %and3A_985 : i32 to vector<16xi32>
        %and3A_987 = arith.andi %bitcast3A_978, %and3A_986 : vector<16xi32>
        %bitcast3A_988 = vector.bitcast %and3A_987 : vector<16xi32> to vector<16xf32>
        %mul3A_989 = vector.broadcast %squeeze3A_970 : f32 to vector<16xf32>
        %mul3A_990 = arith.mulf %bitcast3A_988, %mul3A_989 : vector<16xf32>
        %swap3A_991 = arith.index_cast %add3A_974 : i32 to index
        %swap3A_992 = arith.constant 0 : index
        %swap3A_993 = tpu.vector_load %arg22[%swap3A_991, %swap3A_992] {strides = array<i32>} : memref<128x64xf32, #tpu.memory_space<vmem>>, vector<16xf32>,
        tpu.vector_store %arg22[%swap3A_991, %swap3A_992], %mul3A_984 {strides = array<i32>} : memref<128x64xf32, #tpu.memory_space<vmem>>, vector<16xf32>,
        %swap3A_994 = arith.index_cast %add3A_974 : i32 to index
        %swap3A_995 = arith.constant 16 : index
        %swap3A_996 = tpu.vector_load %arg22[%swap3A_994, %swap3A_995] {strides = array<i32>} : memref<128x64xf32, #tpu.memory_space<vmem>>, vector<16xf32>,
        tpu.vector_store %arg22[%swap3A_994, %swap3A_995], %mul3A_990 {strides = array<i32>} : memref<128x64xf32, #tpu.memory_space<vmem>>, vector<16xf32>,
        %get3A_997 = arith.index_cast %add3A_974 : i32 to index
        %get3A_998 = arith.constant 32 : index
        %get3A_999 = tpu.vector_load %arg21[%get3A_997, %get3A_998] {strides = array<i32>} : memref<128x64xbf16, #tpu.memory_space<vmem>>, vector<32xbf16>,
        %bitcast3A_1000 = vector.bitcast %get3A_999 : vector<32xbf16> to vector<16xi32>
        %shift_left3A_1001 = arith.constant 16 : i32
        %shift_left3A_1002 = vector.broadcast %shift_left3A_1001 : i32 to vector<16xi32>
        %shift_left3A_1003 = arith.shli %bitcast3A_1000, %shift_left3A_1002 : vector<16xi32>
        %bitcast3A_1004 = vector.bitcast %shift_left3A_1003 : vector<16xi32> to vector<16xf32>
        %mul3A_1005 = vector.broadcast %squeeze3A_970 : f32 to vector<16xf32>
        %mul3A_1006 = arith.mulf %bitcast3A_1004, %mul3A_1005 : vector<16xf32>
        %and3A_1007 = arith.constant -65536 : i32
        %and3A_1008 = vector.broadcast %and3A_1007 : i32 to vector<16xi32>
        %and3A_1009 = arith.andi %bitcast3A_1000, %and3A_1008 : vector<16xi32>
        %bitcast3A_1010 = vector.bitcast %and3A_1009 : vector<16xi32> to vector<16xf32>
        %mul3A_1011 = vector.broadcast %squeeze3A_970 : f32 to vector<16xf32>
        %mul3A_1012 = arith.mulf %bitcast3A_1010, %mul3A_1011 : vector<16xf32>
        %swap3A_1013 = arith.index_cast %add3A_974 : i32 to index
        %swap3A_1014 = arith.constant 32 : index
        %swap3A_1015 = tpu.vector_load %arg22[%swap3A_1013, %swap3A_1014] {strides = array<i32>} : memref<128x64xf32, #tpu.memory_space<vmem>>, vector<16xf32>,
        tpu.vector_store %arg22[%swap3A_1013, %swap3A_1014], %mul3A_1006 {strides = array<i32>} : memref<128x64xf32, #tpu.memory_space<vmem>>, vector<16xf32>,
        %swap3A_1016 = arith.index_cast %add3A_974 : i32 to index
        %swap3A_1017 = arith.constant 48 : index
        %swap3A_1018 = tpu.vector_load %arg22[%swap3A_1016, %swap3A_1017] {strides = array<i32>} : memref<128x64xf32, #tpu.memory_space<vmem>>, vector<16xf32>,
        tpu.vector_store %arg22[%swap3A_1016, %swap3A_1017], %mul3A_1012 {strides = array<i32>} : memref<128x64xf32, #tpu.memory_space<vmem>>, vector<16xf32>,
        %slice3A_1019 = vector.extract_strided_slice %get3A_323 {offsets = [14], sizes = [1], strides = [1]} : vector<16xf32> to vector<1xf32>
        %squeeze3A_1020 = vector.extract %slice3A_1019[0] : f32 from vector<1xf32>
        %mul3A_1021 = arith.constant 16 : i32
        %mul3A_1022 = arith.muli %scan3A_319, %mul3A_1021 : i32
        %add3A_1023 = arith.constant 14 : i32
        %add3A_1024 = arith.addi %mul3A_1022, %add3A_1023 : i32
        %get3A_1025 = arith.index_cast %add3A_1024 : i32 to index
        %get3A_1026 = arith.constant 0 : index
        %get3A_1027 = tpu.vector_load %arg21[%get3A_1025, %get3A_1026] {strides = array<i32>} : memref<128x64xbf16, #tpu.memory_space<vmem>>, vector<32xbf16>,
        %bitcast3A_1028 = vector.bitcast %get3A_1027 : vector<32xbf16> to vector<16xi32>
        %shift_left3A_1029 = arith.constant 16 : i32
        %shift_left3A_1030 = vector.broadcast %shift_left3A_1029 : i32 to vector<16xi32>
        %shift_left3A_1031 = arith.shli %bitcast3A_1028, %shift_left3A_1030 : vector<16xi32>
        %bitcast3A_1032 = vector.bitcast %shift_left3A_1031 : vector<16xi32> to vector<16xf32>
        %mul3A_1033 = vector.broadcast %squeeze3A_1020 : f32 to vector<16xf32>
        %mul3A_1034 = arith.mulf %bitcast3A_1032, %mul3A_1033 : vector<16xf32>
        %and3A_1035 = arith.constant -65536 : i32
        %and3A_1036 = vector.broadcast %and3A_1035 : i32 to vector<16xi32>
        %and3A_1037 = arith.andi %bitcast3A_1028, %and3A_1036 : vector<16xi32>
        %bitcast3A_1038 = vector.bitcast %and3A_1037 : vector<16xi32> to vector<16xf32>
        %mul3A_1039 = vector.broadcast %squeeze3A_1020 : f32 to vector<16xf32>
        %mul3A_1040 = arith.mulf %bitcast3A_1038, %mul3A_1039 : vector<16xf32>
        %swap3A_1041 = arith.index_cast %add3A_1024 : i32 to index
        %swap3A_1042 = arith.constant 0 : index
        %swap3A_1043 = tpu.vector_load %arg22[%swap3A_1041, %swap3A_1042] {strides = array<i32>} : memref<128x64xf32, #tpu.memory_space<vmem>>, vector<16xf32>,
        tpu.vector_store %arg22[%swap3A_1041, %swap3A_1042], %mul3A_1034 {strides = array<i32>} : memref<128x64xf32, #tpu.memory_space<vmem>>, vector<16xf32>,
        %swap3A_1044 = arith.index_cast %add3A_1024 : i32 to index
        %swap3A_1045 = arith.constant 16 : index
        %swap3A_1046 = tpu.vector_load %arg22[%swap3A_1044, %swap3A_1045] {strides = array<i32>} : memref<128x64xf32, #tpu.memory_space<vmem>>, vector<16xf32>,
        tpu.vector_store %arg22[%swap3A_1044, %swap3A_1045], %mul3A_1040 {strides = array<i32>} : memref<128x64xf32, #tpu.memory_space<vmem>>, vector<16xf32>,
        %get3A_1047 = arith.index_cast %add3A_1024 : i32 to index
        %get3A_1048 = arith.constant 32 : index
        %get3A_1049 = tpu.vector_load %arg21[%get3A_1047, %get3A_1048] {strides = array<i32>} : memref<128x64xbf16, #tpu.memory_space<vmem>>, vector<32xbf16>,
        %bitcast3A_1050 = vector.bitcast %get3A_1049 : vector<32xbf16> to vector<16xi32>
        %shift_left3A_1051 = arith.constant 16 : i32
        %shift_left3A_1052 = vector.broadcast %shift_left3A_1051 : i32 to vector<16xi32>
        %shift_left3A_1053 = arith.shli %bitcast3A_1050, %shift_left3A_1052 : vector<16xi32>
        %bitcast3A_1054 = vector.bitcast %shift_left3A_1053 : vector<16xi32> to vector<16xf32>
        %mul3A_1055 = vector.broadcast %squeeze3A_1020 : f32 to vector<16xf32>
        %mul3A_1056 = arith.mulf %bitcast3A_1054, %mul3A_1055 : vector<16xf32>
        %and3A_1057 = arith.constant -65536 : i32
        %and3A_1058 = vector.broadcast %and3A_1057 : i32 to vector<16xi32>
        %and3A_1059 = arith.andi %bitcast3A_1050, %and3A_1058 : vector<16xi32>
        %bitcast3A_1060 = vector.bitcast %and3A_1059 : vector<16xi32> to vector<16xf32>
        %mul3A_1061 = vector.broadcast %squeeze3A_1020 : f32 to vector<16xf32>
        %mul3A_1062 = arith.mulf %bitcast3A_1060, %mul3A_1061 : vector<16xf32>
        %swap3A_1063 = arith.index_cast %add3A_1024 : i32 to index
        %swap3A_1064 = arith.constant 32 : index
        %swap3A_1065 = tpu.vector_load %arg22[%swap3A_1063, %swap3A_1064] {strides = array<i32>} : memref<128x64xf32, #tpu.memory_space<vmem>>, vector<16xf32>,
        tpu.vector_store %arg22[%swap3A_1063, %swap3A_1064], %mul3A_1056 {strides = array<i32>} : memref<128x64xf32, #tpu.memory_space<vmem>>, vector<16xf32>,
        %swap3A_1066 = arith.index_cast %add3A_1024 : i32 to index
        %swap3A_1067 = arith.constant 48 : index
        %swap3A_1068 = tpu.vector_load %arg22[%swap3A_1066, %swap3A_1067] {strides = array<i32>} : memref<128x64xf32, #tpu.memory_space<vmem>>, vector<16xf32>,
        tpu.vector_store %arg22[%swap3A_1066, %swap3A_1067], %mul3A_1062 {strides = array<i32>} : memref<128x64xf32, #tpu.memory_space<vmem>>, vector<16xf32>,
        %slice3A_1069 = vector.extract_strided_slice %get3A_323 {offsets = [15], sizes = [1], strides = [1]} : vector<16xf32> to vector<1xf32>
        %squeeze3A_1070 = vector.extract %slice3A_1069[0] : f32 from vector<1xf32>
        %mul3A_1071 = arith.constant 16 : i32
        %mul3A_1072 = arith.muli %scan3A_319, %mul3A_1071 : i32
        %add3A_1073 = arith.constant 15 : i32
        %add3A_1074 = arith.addi %mul3A_1072, %add3A_1073 : i32
        %get3A_1075 = arith.index_cast %add3A_1074 : i32 to index
        %get3A_1076 = arith.constant 0 : index
        %get3A_1077 = tpu.vector_load %arg21[%get3A_1075, %get3A_1076] {strides = array<i32>} : memref<128x64xbf16, #tpu.memory_space<vmem>>, vector<32xbf16>,
        %bitcast3A_1078 = vector.bitcast %get3A_1077 : vector<32xbf16> to vector<16xi32>
        %shift_left3A_1079 = arith.constant 16 : i32
        %shift_left3A_1080 = vector.broadcast %shift_left3A_1079 : i32 to vector<16xi32>
        %shift_left3A_1081 = arith.shli %bitcast3A_1078, %shift_left3A_1080 : vector<16xi32>
        %bitcast3A_1082 = vector.bitcast %shift_left3A_1081 : vector<16xi32> to vector<16xf32>
        %mul3A_1083 = vector.broadcast %squeeze3A_1070 : f32 to vector<16xf32>
        %mul3A_1084 = arith.mulf %bitcast3A_1082, %mul3A_1083 : vector<16xf32>
        %and3A_1085 = arith.constant -65536 : i32
        %and3A_1086 = vector.broadcast %and3A_1085 : i32 to vector<16xi32>
        %and3A_1087 = arith.andi %bitcast3A_1078, %and3A_1086 : vector<16xi32>
        %bitcast3A_1088 = vector.bitcast %and3A_1087 : vector<16xi32> to vector<16xf32>
        %mul3A_1089 = vector.broadcast %squeeze3A_1070 : f32 to vector<16xf32>
        %mul3A_1090 = arith.mulf %bitcast3A_1088, %mul3A_1089 : vector<16xf32>
        %swap3A_1091 = arith.index_cast %add3A_1074 : i32 to index
        %swap3A_1092 = arith.constant 0 : index
        %swap3A_1093 = tpu.vector_load %arg22[%swap3A_1091, %swap3A_1092] {strides = array<i32>} : memref<128x64xf32, #tpu.memory_space<vmem>>, vector<16xf32>,
        tpu.vector_store %arg22[%swap3A_1091, %swap3A_1092], %mul3A_1084 {strides = array<i32>} : memref<128x64xf32, #tpu.memory_space<vmem>>, vector<16xf32>,
        %swap3A_1094 = arith.index_cast %add3A_1074 : i32 to index
        %swap3A_1095 = arith.constant 16 : index
        %swap3A_1096 = tpu.vector_load %arg22[%swap3A_1094, %swap3A_1095] {strides = array<i32>} : memref<128x64xf32, #tpu.memory_space<vmem>>, vector<16xf32>,
        tpu.vector_store %arg22[%swap3A_1094, %swap3A_1095], %mul3A_1090 {strides = array<i32>} : memref<128x64xf32, #tpu.memory_space<vmem>>, vector<16xf32>,
        %get3A_1097 = arith.index_cast %add3A_1074 : i32 to index
        %get3A_1098 = arith.constant 32 : index
        %get3A_1099 = tpu.vector_load %arg21[%get3A_1097, %get3A_1098] {strides = array<i32>} : memref<128x64xbf16, #tpu.memory_space<vmem>>, vector<32xbf16>,
        %bitcast3A_1100 = vector.bitcast %get3A_1099 : vector<32xbf16> to vector<16xi32>
        %shift_left3A_1101 = arith.constant 16 : i32
        %shift_left3A_1102 = vector.broadcast %shift_left3A_1101 : i32 to vector<16xi32>
        %shift_left3A_1103 = arith.shli %bitcast3A_1100, %shift_left3A_1102 : vector<16xi32>
        %bitcast3A_1104 = vector.bitcast %shift_left3A_1103 : vector<16xi32> to vector<16xf32>
        %mul3A_1105 = vector.broadcast %squeeze3A_1070 : f32 to vector<16xf32>
        %mul3A_1106 = arith.mulf %bitcast3A_1104, %mul3A_1105 : vector<16xf32>
        %and3A_1107 = arith.constant -65536 : i32
        %and3A_1108 = vector.broadcast %and3A_1107 : i32 to vector<16xi32>
        %and3A_1109 = arith.andi %bitcast3A_1100, %and3A_1108 : vector<16xi32>
        %bitcast3A_1110 = vector.bitcast %and3A_1109 : vector<16xi32> to vector<16xf32>
        %mul3A_1111 = vector.broadcast %squeeze3A_1070 : f32 to vector<16xf32>
        %mul3A_1112 = arith.mulf %bitcast3A_1110, %mul3A_1111 : vector<16xf32>
        %swap3A_1113 = arith.index_cast %add3A_1074 : i32 to index
        %swap3A_1114 = arith.constant 32 : index
        %swap3A_1115 = tpu.vector_load %arg22[%swap3A_1113, %swap3A_1114] {strides = array<i32>} : memref<128x64xf32, #tpu.memory_space<vmem>>, vector<16xf32>,
        tpu.vector_store %arg22[%swap3A_1113, %swap3A_1114], %mul3A_1106 {strides = array<i32>} : memref<128x64xf32, #tpu.memory_space<vmem>>, vector<16xf32>,
        %swap3A_1116 = arith.index_cast %add3A_1074 : i32 to index
        %swap3A_1117 = arith.constant 48 : index
        %swap3A_1118 = tpu.vector_load %arg22[%swap3A_1116, %swap3A_1117] {strides = array<i32>} : memref<128x64xf32, #tpu.memory_space<vmem>>, vector<16xf32>,
        tpu.vector_store %arg22[%swap3A_1116, %swap3A_1117], %mul3A_1112 {strides = array<i32>} : memref<128x64xf32, #tpu.memory_space<vmem>>, vector<16xf32>,
      }
      %scan3A_308 = arith.constant 8 : i32
      %dma_start3A_309 = arith.constant 0 : i32
      %dma_start3A_310 = tpu.memref_slice %arg24[%dma_start3A_309] : memref<10240xf32, #tpu.memory_space<vmem_shared>> -> memref<10240xf32, #tpu.memory_space<vmem_shared>>
      tpu.enqueue_indirect_dma source(%arg17 : memref<128xf32, #tpu.memory_space<vmem>>) target(%dma_start3A_310 : memref<10240xf32, #tpu.memory_space<vmem_shared>>) offsets(%arg16 : memref<128xi32, #tpu.memory_space<vmem>>) semaphore(%arg26 : memref<!tpu.dma_semaphore, #tpu.memory_space<semaphore_mem>>) {add = true}
      %dma_start3A_311 = arith.constant 0 : i32
      %dma_start3A_312 = arith.constant 0 : i32
      %dma_start3A_313 = tpu.memref_slice %arg23[%dma_start3A_311, %dma_start3A_312] : memref<10240x64xf32, #tpu.memory_space<vmem_shared>> -> memref<10240x64xf32, #tpu.memory_space<vmem_shared>>
      tpu.enqueue_indirect_dma source(%arg22 : memref<128x64xf32, #tpu.memory_space<vmem>>) target(%dma_start3A_313 : memref<10240x64xf32, #tpu.memory_space<vmem_shared>>) offsets(%arg16 : memref<128xi32, #tpu.memory_space<vmem>>) semaphore(%arg25 : memref<!tpu.dma_semaphore, #tpu.memory_space<semaphore_mem>>) {add = true}
      %dma_wait3A_314 = arith.constant 0 : i32
      %dma_wait3A_315 = tpu.memref_slice %arg24[%dma_wait3A_314] : memref<10240xf32, #tpu.memory_space<vmem_shared>> -> memref<10240xf32, #tpu.memory_space<vmem_shared>>
      tpu.wait_indirect_dma semaphore(%arg26 : memref<!tpu.dma_semaphore, #tpu.memory_space<semaphore_mem>>) src(%arg17 : memref<128xf32, #tpu.memory_space<vmem>>) dst(%dma_wait3A_315 : memref<10240xf32, #tpu.memory_space<vmem_shared>>)
      %dma_wait3A_316 = arith.constant 0 : i32
      %dma_wait3A_317 = arith.constant 0 : i32
      %dma_wait3A_318 = tpu.memref_slice %arg23[%dma_wait3A_316, %dma_wait3A_317] : memref<10240x64xf32, #tpu.memory_space<vmem_shared>> -> memref<10240x64xf32, #tpu.memory_space<vmem_shared>>
      tpu.wait_indirect_dma semaphore(%arg25 : memref<!tpu.dma_semaphore, #tpu.memory_space<semaphore_mem>>) src(%arg22 : memref<128x64xf32, #tpu.memory_space<vmem>>) dst(%dma_wait3A_318 : memref<10240x64xf32, #tpu.memory_space<vmem_shared>>)
    }
    %scan3A_7 = arith.constant 40 : i32
    %barrier3A_8 = arith.constant 0 : index
    tpu.barrier barrier_id(%barrier3A_8)
    "tpu.region"() ({
      %run_scoped3A = tpu.sem_alloc : memref<!tpu.dma_semaphore, #tpu.memory_space<semaphore_mem>>
      %dma_start3A = arith.constant 0 : i32
      %dma_start3A_9 = tpu.memref_slice %arg9[%arg0, %mul3A_2, %dma_start3A] : memref<2x10240x64xf32, #tpu.memory_space<hbm>> -> memref<1x640x64xf32, #tpu.memory_space<hbm>>
      %dma_start3A_10 = tpu.memref_squeeze %dma_start3A_9 : memref<1x640x64xf32, #tpu.memory_space<hbm>> -> memref<640x64xf32, #tpu.memory_space<hbm>>
      %dma_start3A_11 = arith.constant 0 : i32
      %dma_start3A_12 = tpu.memref_slice %arg23[%mul3A_2, %dma_start3A_11] : memref<10240x64xf32, #tpu.memory_space<vmem_shared>> -> memref<640x64xf32, #tpu.memory_space<vmem_shared>>
      tpu.enqueue_dma source(%dma_start3A_12 : memref<640x64xf32, #tpu.memory_space<vmem_shared>>) target(%dma_start3A_10 : memref<640x64xf32, #tpu.memory_space<hbm>>) target_semaphore(%run_scoped3A : memref<!tpu.dma_semaphore, #tpu.memory_space<semaphore_mem>>)
      %dma_wait3A = arith.constant 0 : i32
      %dma_wait3A_13 = tpu.memref_slice %arg9[%arg0, %mul3A_2, %dma_wait3A] : memref<2x10240x64xf32, #tpu.memory_space<hbm>> -> memref<1x640x64xf32, #tpu.memory_space<hbm>>
      %dma_wait3A_14 = tpu.memref_squeeze %dma_wait3A_13 : memref<1x640x64xf32, #tpu.memory_space<hbm>> -> memref<640x64xf32, #tpu.memory_space<hbm>>
      %dma_wait3A_15 = arith.constant 0 : i32
      %dma_wait3A_16 = tpu.memref_slice %arg23[%mul3A_2, %dma_wait3A_15] : memref<10240x64xf32, #tpu.memory_space<vmem_shared>> -> memref<640x64xf32, #tpu.memory_space<vmem_shared>>
      tpu.wait_dma2 semaphore(%run_scoped3A : memref<!tpu.dma_semaphore, #tpu.memory_space<semaphore_mem>>) src(%dma_wait3A_16 : memref<640x64xf32, #tpu.memory_space<vmem_shared>>) dst(%dma_wait3A_14 : memref<640x64xf32, #tpu.memory_space<hbm>>)
      tpu.yield
    }) : () -> ()
    "tpu.region"() ({
      %run_scoped3A = tpu.sem_alloc : memref<!tpu.dma_semaphore, #tpu.memory_space<semaphore_mem>>
      %dma_start3A = tpu.memref_slice %arg10[%arg0, %mul3A_2] : memref<2x10240xf32, #tpu.memory_space<hbm>> -> memref<1x640xf32, #tpu.memory_space<hbm>>
      %dma_start3A_9 = tpu.memref_squeeze %dma_start3A : memref<1x640xf32, #tpu.memory_space<hbm>> -> memref<640xf32, #tpu.memory_space<hbm>>
      %dma_start3A_10 = tpu.memref_slice %arg24[%mul3A_2] : memref<10240xf32, #tpu.memory_space<vmem_shared>> -> memref<640xf32, #tpu.memory_space<vmem_shared>>
      tpu.enqueue_dma source(%dma_start3A_10 : memref<640xf32, #tpu.memory_space<vmem_shared>>) target(%dma_start3A_9 : memref<640xf32, #tpu.memory_space<hbm>>) target_semaphore(%run_scoped3A : memref<!tpu.dma_semaphore, #tpu.memory_space<semaphore_mem>>)
      %dma_wait3A = tpu.memref_slice %arg10[%arg0, %mul3A_2] : memref<2x10240xf32, #tpu.memory_space<hbm>> -> memref<1x640xf32, #tpu.memory_space<hbm>>
      %dma_wait3A_11 = tpu.memref_squeeze %dma_wait3A : memref<1x640xf32, #tpu.memory_space<hbm>> -> memref<640xf32, #tpu.memory_space<hbm>>
      %dma_wait3A_12 = tpu.memref_slice %arg24[%mul3A_2] : memref<10240xf32, #tpu.memory_space<vmem_shared>> -> memref<640xf32, #tpu.memory_space<vmem_shared>>
      tpu.wait_dma2 semaphore(%run_scoped3A : memref<!tpu.dma_semaphore, #tpu.memory_space<semaphore_mem>>) src(%dma_wait3A_12 : memref<640xf32, #tpu.memory_space<vmem_shared>>) dst(%dma_wait3A_11 : memref<640xf32, #tpu.memory_space<hbm>>)
      tpu.yield
    }) : () -> ()
    return
  }
}

module attributes {stable_mosaic.version = 14 : i64} {
  func.func @_dense_body(%arg0: i32, %arg1: memref<1000x128xf32, #tpu.memory_space<vmem>>, %arg2: memref<1000x128xf32, #tpu.memory_space<vmem>>, %arg3: memref<1000x128xf32, #tpu.memory_space<vmem>>, %arg4: memref<128x64xf32, #tpu.memory_space<vmem>>, %arg5: memref<128x64xf32, #tpu.memory_space<vmem>>, %arg6: memref<128x64xf32, #tpu.memory_space<vmem>>, %arg7: memref<64x1xf32, #tpu.memory_space<vmem>>, %arg8: memref<64x1xf32, #tpu.memory_space<vmem>>, %arg9: memref<64x1xf32, #tpu.memory_space<vmem>>, %arg10: memref<128x64xf32, #tpu.memory_space<vmem>>, %arg11: memref<128x64xf32, #tpu.memory_space<vmem>>, %arg12: memref<128x64xf32, #tpu.memory_space<vmem>>, %arg13: memref<64x1xf32, #tpu.memory_space<vmem>>, %arg14: memref<64x1xf32, #tpu.memory_space<vmem>>, %arg15: memref<64x1xf32, #tpu.memory_space<vmem>>, %arg16: memref<1000x64xf32, #tpu.memory_space<vmem>>, %arg17: memref<1000x64xf32, #tpu.memory_space<vmem>>, %arg18: memref<1000x64xf32, #tpu.memory_space<vmem>>, %arg19: memref<1000x1xf32, #tpu.memory_space<vmem>>, %arg20: memref<1000x1xf32, #tpu.memory_space<vmem>>, %arg21: memref<1000x1xf32, #tpu.memory_space<vmem>>, %arg22: memref<1000x1xf32, #tpu.memory_space<vmem>>, %arg23: memref<1000x1xf32, #tpu.memory_space<vmem>>, %arg24: memref<1000x1xf32, #tpu.memory_space<vmem>>) attributes {dimension_semantics = [#tpu.dimension_semantics<arbitrary>], iteration_bounds = array<i64: 10>, scalar_prefetch = 0 : i64, scratch_operands = 0 : i64, tpu.core_type = #tpu.core_type<tc>, window_params = [{transform_indices = @transform_0, window_bounds = array<i64: 1000, 128>}, {transform_indices = @transform_1, window_bounds = array<i64: 1000, 128>}, {transform_indices = @transform_2, window_bounds = array<i64: 1000, 128>}, {pipeline_mode = #tpu.pipeline_mode<synchronous>, transform_indices = @transform_3, window_bounds = array<i64: 128, 64>}, {pipeline_mode = #tpu.pipeline_mode<synchronous>, transform_indices = @transform_4, window_bounds = array<i64: 128, 64>}, {pipeline_mode = #tpu.pipeline_mode<synchronous>, transform_indices = @transform_5, window_bounds = array<i64: 128, 64>}, {pipeline_mode = #tpu.pipeline_mode<synchronous>, transform_indices = @transform_6, window_bounds = array<i64: 64, 1>}, {pipeline_mode = #tpu.pipeline_mode<synchronous>, transform_indices = @transform_7, window_bounds = array<i64: 64, 1>}, {pipeline_mode = #tpu.pipeline_mode<synchronous>, transform_indices = @transform_8, window_bounds = array<i64: 64, 1>}, {pipeline_mode = #tpu.pipeline_mode<synchronous>, transform_indices = @transform_9, window_bounds = array<i64: 128, 64>}, {pipeline_mode = #tpu.pipeline_mode<synchronous>, transform_indices = @transform_10, window_bounds = array<i64: 128, 64>}, {pipeline_mode = #tpu.pipeline_mode<synchronous>, transform_indices = @transform_11, window_bounds = array<i64: 128, 64>}, {pipeline_mode = #tpu.pipeline_mode<synchronous>, transform_indices = @transform_12, window_bounds = array<i64: 64, 1>}, {pipeline_mode = #tpu.pipeline_mode<synchronous>, transform_indices = @transform_13, window_bounds = array<i64: 64, 1>}, {pipeline_mode = #tpu.pipeline_mode<synchronous>, transform_indices = @transform_14, window_bounds = array<i64: 64, 1>}, {transform_indices = @transform_15, window_bounds = array<i64: 1000, 64>}, {transform_indices = @transform_16, window_bounds = array<i64: 1000, 64>}, {transform_indices = @transform_17, window_bounds = array<i64: 1000, 64>}, {transform_indices = @transform_18, window_bounds = array<i64: 1000, 1>}, {transform_indices = @transform_19, window_bounds = array<i64: 1000, 1>}, {transform_indices = @transform_20, window_bounds = array<i64: 1000, 1>}, {transform_indices = @transform_21, window_bounds = array<i64: 1000, 1>}, {transform_indices = @transform_22, window_bounds = array<i64: 1000, 1>}, {transform_indices = @transform_23, window_bounds = array<i64: 1000, 1>}]} {
    %get3A = arith.constant 0 : index
    %get3A_0 = arith.constant 0 : index
    %get3A_1 = vector.load %arg1[%get3A, %get3A_0] : memref<1000x128xf32, #tpu.memory_space<vmem>>, vector<1000x128xf32>
    %get3A_2 = arith.constant 0 : index
    %get3A_3 = arith.constant 0 : index
    %get3A_4 = vector.load %arg4[%get3A_2, %get3A_3] : memref<128x64xf32, #tpu.memory_space<vmem>>, vector<128x64xf32>
    %dot_general3A = arith.constant dense<0.000000e+00> : vector<1000x64xf32>
    %dot_general3A_5 = tpu.matmul %get3A_1, %get3A_4, %dot_general3A {dimension_numbers = #tpu.dot_dimension_numbers<[1], [0], [0], [1], [0, 0, 1, 1], [], []>, transpose_lhs_hint = false} : vector<1000x128xf32>, vector<128x64xf32>, vector<1000x64xf32> -> vector<1000x64xf32>
    %get3A_6 = arith.constant 0 : index
    %get3A_7 = arith.constant 0 : index
    %get3A_8 = vector.load %arg2[%get3A_6, %get3A_7] : memref<1000x128xf32, #tpu.memory_space<vmem>>, vector<1000x128xf32>
    %get3A_9 = arith.constant 0 : index
    %get3A_10 = arith.constant 0 : index
    %get3A_11 = vector.load %arg5[%get3A_9, %get3A_10] : memref<128x64xf32, #tpu.memory_space<vmem>>, vector<128x64xf32>
    %dot_general3A_12 = arith.constant dense<0.000000e+00> : vector<1000x64xf32>
    %dot_general3A_13 = tpu.matmul %get3A_8, %get3A_11, %dot_general3A_12 {dimension_numbers = #tpu.dot_dimension_numbers<[1], [0], [0], [1], [0, 0, 1, 1], [], []>, transpose_lhs_hint = false} : vector<1000x128xf32>, vector<128x64xf32>, vector<1000x64xf32> -> vector<1000x64xf32>
    %get3A_14 = arith.constant 0 : index
    %get3A_15 = arith.constant 0 : index
    %get3A_16 = vector.load %arg3[%get3A_14, %get3A_15] : memref<1000x128xf32, #tpu.memory_space<vmem>>, vector<1000x128xf32>
    %get3A_17 = arith.constant 0 : index
    %get3A_18 = arith.constant 0 : index
    %get3A_19 = vector.load %arg6[%get3A_17, %get3A_18] : memref<128x64xf32, #tpu.memory_space<vmem>>, vector<128x64xf32>
    %dot_general3A_20 = arith.constant dense<0.000000e+00> : vector<1000x64xf32>
    %dot_general3A_21 = tpu.matmul %get3A_16, %get3A_19, %dot_general3A_20 {dimension_numbers = #tpu.dot_dimension_numbers<[1], [0], [0], [1], [0, 0, 1, 1], [], []>, transpose_lhs_hint = false} : vector<1000x128xf32>, vector<128x64xf32>, vector<1000x64xf32> -> vector<1000x64xf32>
    %swap3A = arith.constant 0 : index
    %swap3A_22 = arith.constant 0 : index
    %swap3A_23 = vector.load %arg16[%swap3A, %swap3A_22] : memref<1000x64xf32, #tpu.memory_space<vmem>>, vector<1000x64xf32>
    tpu.vector_store %arg16[%swap3A, %swap3A_22], %dot_general3A_5 {strides = array<i32>} : memref<1000x64xf32, #tpu.memory_space<vmem>>, vector<1000x64xf32>,
    %swap3A_24 = arith.constant 0 : index
    %swap3A_25 = arith.constant 0 : index
    %swap3A_26 = vector.load %arg17[%swap3A_24, %swap3A_25] : memref<1000x64xf32, #tpu.memory_space<vmem>>, vector<1000x64xf32>
    tpu.vector_store %arg17[%swap3A_24, %swap3A_25], %dot_general3A_13 {strides = array<i32>} : memref<1000x64xf32, #tpu.memory_space<vmem>>, vector<1000x64xf32>,
    %swap3A_27 = arith.constant 0 : index
    %swap3A_28 = arith.constant 0 : index
    %swap3A_29 = vector.load %arg18[%swap3A_27, %swap3A_28] : memref<1000x64xf32, #tpu.memory_space<vmem>>, vector<1000x64xf32>
    tpu.vector_store %arg18[%swap3A_27, %swap3A_28], %dot_general3A_21 {strides = array<i32>} : memref<1000x64xf32, #tpu.memory_space<vmem>>, vector<1000x64xf32>,
    %get3A_30 = arith.constant 0 : index
    %get3A_31 = arith.constant 0 : index
    %get3A_32 = vector.load %arg7[%get3A_30, %get3A_31] : memref<64x1xf32, #tpu.memory_space<vmem>>, vector<64x1xf32>
    %dot_general3A_33 = arith.constant dense<0.000000e+00> : vector<1000x1xf32>
    %dot_general3A_34 = tpu.matmul %dot_general3A_5, %get3A_32, %dot_general3A_33 {dimension_numbers = #tpu.dot_dimension_numbers<[1], [0], [0], [1], [0, 0, 1, 1], [], []>, transpose_lhs_hint = false} : vector<1000x64xf32>, vector<64x1xf32>, vector<1000x1xf32> -> vector<1000x1xf32>
    %swap3A_35 = arith.constant 0 : index
    %swap3A_36 = arith.constant 0 : index
    %swap3A_37 = vector.load %arg19[%swap3A_35, %swap3A_36] : memref<1000x1xf32, #tpu.memory_space<vmem>>, vector<1000x1xf32>
    tpu.vector_store %arg19[%swap3A_35, %swap3A_36], %dot_general3A_34 {strides = array<i32>} : memref<1000x1xf32, #tpu.memory_space<vmem>>, vector<1000x1xf32>,
    %get3A_38 = arith.constant 0 : index
    %get3A_39 = arith.constant 0 : index
    %get3A_40 = vector.load %arg8[%get3A_38, %get3A_39] : memref<64x1xf32, #tpu.memory_space<vmem>>, vector<64x1xf32>
    %dot_general3A_41 = arith.constant dense<0.000000e+00> : vector<1000x1xf32>
    %dot_general3A_42 = tpu.matmul %dot_general3A_13, %get3A_40, %dot_general3A_41 {dimension_numbers = #tpu.dot_dimension_numbers<[1], [0], [0], [1], [0, 0, 1, 1], [], []>, transpose_lhs_hint = false} : vector<1000x64xf32>, vector<64x1xf32>, vector<1000x1xf32> -> vector<1000x1xf32>
    %swap3A_43 = arith.constant 0 : index
    %swap3A_44 = arith.constant 0 : index
    %swap3A_45 = vector.load %arg20[%swap3A_43, %swap3A_44] : memref<1000x1xf32, #tpu.memory_space<vmem>>, vector<1000x1xf32>
    tpu.vector_store %arg20[%swap3A_43, %swap3A_44], %dot_general3A_42 {strides = array<i32>} : memref<1000x1xf32, #tpu.memory_space<vmem>>, vector<1000x1xf32>,
    %get3A_46 = arith.constant 0 : index
    %get3A_47 = arith.constant 0 : index
    %get3A_48 = vector.load %arg9[%get3A_46, %get3A_47] : memref<64x1xf32, #tpu.memory_space<vmem>>, vector<64x1xf32>
    %dot_general3A_49 = arith.constant dense<0.000000e+00> : vector<1000x1xf32>
    %dot_general3A_50 = tpu.matmul %dot_general3A_21, %get3A_48, %dot_general3A_49 {dimension_numbers = #tpu.dot_dimension_numbers<[1], [0], [0], [1], [0, 0, 1, 1], [], []>, transpose_lhs_hint = false} : vector<1000x64xf32>, vector<64x1xf32>, vector<1000x1xf32> -> vector<1000x1xf32>
    %swap3A_51 = arith.constant 0 : index
    %swap3A_52 = arith.constant 0 : index
    %swap3A_53 = vector.load %arg21[%swap3A_51, %swap3A_52] : memref<1000x1xf32, #tpu.memory_space<vmem>>, vector<1000x1xf32>
    tpu.vector_store %arg21[%swap3A_51, %swap3A_52], %dot_general3A_50 {strides = array<i32>} : memref<1000x1xf32, #tpu.memory_space<vmem>>, vector<1000x1xf32>,
    %get3A_54 = arith.constant 0 : index
    %get3A_55 = arith.constant 0 : index
    %get3A_56 = vector.load %arg3[%get3A_54, %get3A_55] : memref<1000x128xf32, #tpu.memory_space<vmem>>, vector<1000x128xf32>
    %get3A_57 = arith.constant 0 : index
    %get3A_58 = arith.constant 0 : index
    %get3A_59 = vector.load %arg10[%get3A_57, %get3A_58] : memref<128x64xf32, #tpu.memory_space<vmem>>, vector<128x64xf32>
    %get3A_60 = arith.constant 0 : index
    %get3A_61 = arith.constant 0 : index
    %get3A_62 = vector.load %arg13[%get3A_60, %get3A_61] : memref<64x1xf32, #tpu.memory_space<vmem>>, vector<64x1xf32>
    %dot_general3A_63 = arith.constant dense<0.000000e+00> : vector<128x1xf32>
    %dot_general3A_64 = tpu.matmul %get3A_59, %get3A_62, %dot_general3A_63 {dimension_numbers = #tpu.dot_dimension_numbers<[1], [0], [0], [1], [0, 0, 1, 1], [], []>, transpose_lhs_hint = false} : vector<128x64xf32>, vector<64x1xf32>, vector<128x1xf32> -> vector<128x1xf32>
    %dot_general3A_65 = arith.constant dense<0.000000e+00> : vector<1000x1xf32>
    %dot_general3A_66 = tpu.matmul %get3A_56, %dot_general3A_64, %dot_general3A_65 {dimension_numbers = #tpu.dot_dimension_numbers<[1], [0], [0], [1], [0, 0, 1, 1], [], []>, transpose_lhs_hint = false} : vector<1000x128xf32>, vector<128x1xf32>, vector<1000x1xf32> -> vector<1000x1xf32>
    %swap3A_67 = arith.constant 0 : index
    %swap3A_68 = arith.constant 0 : index
    %swap3A_69 = vector.load %arg22[%swap3A_67, %swap3A_68] : memref<1000x1xf32, #tpu.memory_space<vmem>>, vector<1000x1xf32>
    tpu.vector_store %arg22[%swap3A_67, %swap3A_68], %dot_general3A_66 {strides = array<i32>} : memref<1000x1xf32, #tpu.memory_space<vmem>>, vector<1000x1xf32>,
    %get3A_70 = arith.constant 0 : index
    %get3A_71 = arith.constant 0 : index
    %get3A_72 = vector.load %arg11[%get3A_70, %get3A_71] : memref<128x64xf32, #tpu.memory_space<vmem>>, vector<128x64xf32>
    %get3A_73 = arith.constant 0 : index
    %get3A_74 = arith.constant 0 : index
    %get3A_75 = vector.load %arg14[%get3A_73, %get3A_74] : memref<64x1xf32, #tpu.memory_space<vmem>>, vector<64x1xf32>
    %dot_general3A_76 = arith.constant dense<0.000000e+00> : vector<128x1xf32>
    %dot_general3A_77 = tpu.matmul %get3A_72, %get3A_75, %dot_general3A_76 {dimension_numbers = #tpu.dot_dimension_numbers<[1], [0], [0], [1], [0, 0, 1, 1], [], []>, transpose_lhs_hint = false} : vector<128x64xf32>, vector<64x1xf32>, vector<128x1xf32> -> vector<128x1xf32>
    %dot_general3A_78 = arith.constant dense<0.000000e+00> : vector<1000x1xf32>
    %dot_general3A_79 = tpu.matmul %get3A_56, %dot_general3A_77, %dot_general3A_78 {dimension_numbers = #tpu.dot_dimension_numbers<[1], [0], [0], [1], [0, 0, 1, 1], [], []>, transpose_lhs_hint = false} : vector<1000x128xf32>, vector<128x1xf32>, vector<1000x1xf32> -> vector<1000x1xf32>
    %swap3A_80 = arith.constant 0 : index
    %swap3A_81 = arith.constant 0 : index
    %swap3A_82 = vector.load %arg23[%swap3A_80, %swap3A_81] : memref<1000x1xf32, #tpu.memory_space<vmem>>, vector<1000x1xf32>
    tpu.vector_store %arg23[%swap3A_80, %swap3A_81], %dot_general3A_79 {strides = array<i32>} : memref<1000x1xf32, #tpu.memory_space<vmem>>, vector<1000x1xf32>,
    %get3A_83 = arith.constant 0 : index
    %get3A_84 = arith.constant 0 : index
    %get3A_85 = vector.load %arg12[%get3A_83, %get3A_84] : memref<128x64xf32, #tpu.memory_space<vmem>>, vector<128x64xf32>
    %get3A_86 = arith.constant 0 : index
    %get3A_87 = arith.constant 0 : index
    %get3A_88 = vector.load %arg15[%get3A_86, %get3A_87] : memref<64x1xf32, #tpu.memory_space<vmem>>, vector<64x1xf32>
    %dot_general3A_89 = arith.constant dense<0.000000e+00> : vector<128x1xf32>
    %dot_general3A_90 = tpu.matmul %get3A_85, %get3A_88, %dot_general3A_89 {dimension_numbers = #tpu.dot_dimension_numbers<[1], [0], [0], [1], [0, 0, 1, 1], [], []>, transpose_lhs_hint = false} : vector<128x64xf32>, vector<64x1xf32>, vector<128x1xf32> -> vector<128x1xf32>
    %dot_general3A_91 = arith.constant dense<0.000000e+00> : vector<1000x1xf32>
    %dot_general3A_92 = tpu.matmul %get3A_56, %dot_general3A_90, %dot_general3A_91 {dimension_numbers = #tpu.dot_dimension_numbers<[1], [0], [0], [1], [0, 0, 1, 1], [], []>, transpose_lhs_hint = false} : vector<1000x128xf32>, vector<128x1xf32>, vector<1000x1xf32> -> vector<1000x1xf32>
    %swap3A_93 = arith.constant 0 : index
    %swap3A_94 = arith.constant 0 : index
    %swap3A_95 = vector.load %arg24[%swap3A_93, %swap3A_94] : memref<1000x1xf32, #tpu.memory_space<vmem>>, vector<1000x1xf32>
    tpu.vector_store %arg24[%swap3A_93, %swap3A_94], %dot_general3A_92 {strides = array<i32>} : memref<1000x1xf32, #tpu.memory_space<vmem>>, vector<1000x1xf32>,
    return
  }
  func.func @transform_0(%arg0: i32) -> (i32, i32) {
    %c0_i32 = arith.constant 0 : i32
    %c0_i32_0 = arith.constant 0 : i32
    return %arg0, %c0_i32 : i32, i32
  }
  func.func @transform_1(%arg0: i32) -> (i32, i32) {
    %c0_i32 = arith.constant 0 : i32
    %c0_i32_0 = arith.constant 0 : i32
    return %arg0, %c0_i32 : i32, i32
  }
  func.func @transform_2(%arg0: i32) -> (i32, i32) {
    %c0_i32 = arith.constant 0 : i32
    %c0_i32_0 = arith.constant 0 : i32
    return %arg0, %c0_i32 : i32, i32
  }
  func.func @transform_3(%arg0: i32) -> (i32, i32) {
    %c0_i32 = arith.constant 0 : i32
    %c0_i32_0 = arith.constant 0 : i32
    %c0_i32_1 = arith.constant 0 : i32
    return %c0_i32, %c0_i32_0 : i32, i32
  }
  func.func @transform_4(%arg0: i32) -> (i32, i32) {
    %c0_i32 = arith.constant 0 : i32
    %c0_i32_0 = arith.constant 0 : i32
    %c0_i32_1 = arith.constant 0 : i32
    return %c0_i32, %c0_i32_0 : i32, i32
  }
  func.func @transform_5(%arg0: i32) -> (i32, i32) {
    %c0_i32 = arith.constant 0 : i32
    %c0_i32_0 = arith.constant 0 : i32
    %c0_i32_1 = arith.constant 0 : i32
    return %c0_i32, %c0_i32_0 : i32, i32
  }
  func.func @transform_6(%arg0: i32) -> (i32, i32) {
    %c0_i32 = arith.constant 0 : i32
    %c0_i32_0 = arith.constant 0 : i32
    %c0_i32_1 = arith.constant 0 : i32
    return %c0_i32, %c0_i32_0 : i32, i32
  }
  func.func @transform_7(%arg0: i32) -> (i32, i32) {
    %c0_i32 = arith.constant 0 : i32
    %c0_i32_0 = arith.constant 0 : i32
    %c0_i32_1 = arith.constant 0 : i32
    return %c0_i32, %c0_i32_0 : i32, i32
  }
  func.func @transform_8(%arg0: i32) -> (i32, i32) {
    %c0_i32 = arith.constant 0 : i32
    %c0_i32_0 = arith.constant 0 : i32
    %c0_i32_1 = arith.constant 0 : i32
    return %c0_i32, %c0_i32_0 : i32, i32
  }
  func.func @transform_9(%arg0: i32) -> (i32, i32) {
    %c0_i32 = arith.constant 0 : i32
    %c0_i32_0 = arith.constant 0 : i32
    %c0_i32_1 = arith.constant 0 : i32
    return %c0_i32, %c0_i32_0 : i32, i32
  }
  func.func @transform_10(%arg0: i32) -> (i32, i32) {
    %c0_i32 = arith.constant 0 : i32
    %c0_i32_0 = arith.constant 0 : i32
    %c0_i32_1 = arith.constant 0 : i32
    return %c0_i32, %c0_i32_0 : i32, i32
  }
  func.func @transform_11(%arg0: i32) -> (i32, i32) {
    %c0_i32 = arith.constant 0 : i32
    %c0_i32_0 = arith.constant 0 : i32
    %c0_i32_1 = arith.constant 0 : i32
    return %c0_i32, %c0_i32_0 : i32, i32
  }
  func.func @transform_12(%arg0: i32) -> (i32, i32) {
    %c0_i32 = arith.constant 0 : i32
    %c0_i32_0 = arith.constant 0 : i32
    %c0_i32_1 = arith.constant 0 : i32
    return %c0_i32, %c0_i32_0 : i32, i32
  }
  func.func @transform_13(%arg0: i32) -> (i32, i32) {
    %c0_i32 = arith.constant 0 : i32
    %c0_i32_0 = arith.constant 0 : i32
    %c0_i32_1 = arith.constant 0 : i32
    return %c0_i32, %c0_i32_0 : i32, i32
  }
  func.func @transform_14(%arg0: i32) -> (i32, i32) {
    %c0_i32 = arith.constant 0 : i32
    %c0_i32_0 = arith.constant 0 : i32
    %c0_i32_1 = arith.constant 0 : i32
    return %c0_i32, %c0_i32_0 : i32, i32
  }
  func.func @transform_15(%arg0: i32) -> (i32, i32) {
    %c0_i32 = arith.constant 0 : i32
    %c0_i32_0 = arith.constant 0 : i32
    return %arg0, %c0_i32 : i32, i32
  }
  func.func @transform_16(%arg0: i32) -> (i32, i32) {
    %c0_i32 = arith.constant 0 : i32
    %c0_i32_0 = arith.constant 0 : i32
    return %arg0, %c0_i32 : i32, i32
  }
  func.func @transform_17(%arg0: i32) -> (i32, i32) {
    %c0_i32 = arith.constant 0 : i32
    %c0_i32_0 = arith.constant 0 : i32
    return %arg0, %c0_i32 : i32, i32
  }
  func.func @transform_18(%arg0: i32) -> (i32, i32) {
    %c0_i32 = arith.constant 0 : i32
    %c0_i32_0 = arith.constant 0 : i32
    return %arg0, %c0_i32 : i32, i32
  }
  func.func @transform_19(%arg0: i32) -> (i32, i32) {
    %c0_i32 = arith.constant 0 : i32
    %c0_i32_0 = arith.constant 0 : i32
    return %arg0, %c0_i32 : i32, i32
  }
  func.func @transform_20(%arg0: i32) -> (i32, i32) {
    %c0_i32 = arith.constant 0 : i32
    %c0_i32_0 = arith.constant 0 : i32
    return %arg0, %c0_i32 : i32, i32
  }
  func.func @transform_21(%arg0: i32) -> (i32, i32) {
    %c0_i32 = arith.constant 0 : i32
    %c0_i32_0 = arith.constant 0 : i32
    return %arg0, %c0_i32 : i32, i32
  }
  func.func @transform_22(%arg0: i32) -> (i32, i32) {
    %c0_i32 = arith.constant 0 : i32
    %c0_i32_0 = arith.constant 0 : i32
    return %arg0, %c0_i32 : i32, i32
  }
  func.func @transform_23(%arg0: i32) -> (i32, i32) {
    %c0_i32 = arith.constant 0 : i32
    %c0_i32_0 = arith.constant 0 : i32
    return %arg0, %c0_i32 : i32, i32
  }
}

module attributes {stable_mosaic.version = 14 : i64} {
  func.func @_combine_body(%arg0: i32, %arg1: memref<2x1000x64xf32, #tpu.memory_space<vmem>>, %arg2: memref<2x1000x1xf32, #tpu.memory_space<vmem>>, %arg3: memref<2x1000x64xf32, #tpu.memory_space<vmem>>, %arg4: memref<2x1000x1xf32, #tpu.memory_space<vmem>>, %arg5: memref<2x1000x64xf32, #tpu.memory_space<vmem>>, %arg6: memref<2x1000x1xf32, #tpu.memory_space<vmem>>, %arg7: memref<1000x64xf32, #tpu.memory_space<vmem>>, %arg8: memref<1000x64xf32, #tpu.memory_space<vmem>>, %arg9: memref<1000x64xf32, #tpu.memory_space<vmem>>, %arg10: memref<1000x1xf32, #tpu.memory_space<vmem>>, %arg11: memref<1000x1xf32, #tpu.memory_space<vmem>>, %arg12: memref<1000x1xf32, #tpu.memory_space<vmem>>, %arg13: memref<1000x1xf32, #tpu.memory_space<vmem>>, %arg14: memref<1000x1xf32, #tpu.memory_space<vmem>>, %arg15: memref<1000x1xf32, #tpu.memory_space<vmem>>, %arg16: memref<1x64xf32, #tpu.memory_space<vmem>>, %arg17: memref<1x64xf32, #tpu.memory_space<vmem>>, %arg18: memref<1x64xf32, #tpu.memory_space<vmem>>, %arg19: memref<64x32xf32, #tpu.memory_space<vmem>>, %arg20: memref<1x32xf32, #tpu.memory_space<vmem>>, %arg21: memref<1000x32xf32, #tpu.memory_space<vmem>>) attributes {dimension_semantics = [#tpu.dimension_semantics<arbitrary>], iteration_bounds = array<i64: 10>, scalar_prefetch = 0 : i64, scratch_operands = 0 : i64, tpu.core_type = #tpu.core_type<tc>, window_params = [{transform_indices = @transform_0, window_bounds = array<i64: 2, 1000, 64>}, {transform_indices = @transform_1, window_bounds = array<i64: 2, 1000, 1>}, {transform_indices = @transform_2, window_bounds = array<i64: 2, 1000, 64>}, {transform_indices = @transform_3, window_bounds = array<i64: 2, 1000, 1>}, {transform_indices = @transform_4, window_bounds = array<i64: 2, 1000, 64>}, {transform_indices = @transform_5, window_bounds = array<i64: 2, 1000, 1>}, {transform_indices = @transform_6, window_bounds = array<i64: 1000, 64>}, {transform_indices = @transform_7, window_bounds = array<i64: 1000, 64>}, {transform_indices = @transform_8, window_bounds = array<i64: 1000, 64>}, {transform_indices = @transform_9, window_bounds = array<i64: 1000, 1>}, {transform_indices = @transform_10, window_bounds = array<i64: 1000, 1>}, {transform_indices = @transform_11, window_bounds = array<i64: 1000, 1>}, {transform_indices = @transform_12, window_bounds = array<i64: 1000, 1>}, {transform_indices = @transform_13, window_bounds = array<i64: 1000, 1>}, {transform_indices = @transform_14, window_bounds = array<i64: 1000, 1>}, {pipeline_mode = #tpu.pipeline_mode<synchronous>, transform_indices = @transform_15, window_bounds = array<i64: 1, 64>}, {pipeline_mode = #tpu.pipeline_mode<synchronous>, transform_indices = @transform_16, window_bounds = array<i64: 1, 64>}, {pipeline_mode = #tpu.pipeline_mode<synchronous>, transform_indices = @transform_17, window_bounds = array<i64: 1, 64>}, {pipeline_mode = #tpu.pipeline_mode<synchronous>, transform_indices = @transform_18, window_bounds = array<i64: 64, 32>}, {pipeline_mode = #tpu.pipeline_mode<synchronous>, transform_indices = @transform_19, window_bounds = array<i64: 1, 32>}, {transform_indices = @transform_20, window_bounds = array<i64: 1000, 32>}]} {
    %broadcast_in_dim3A = arith.constant 0.000000e+00 : f32
    %broadcast_in_dim3A_0 = vector.broadcast %broadcast_in_dim3A : f32 to vector<1000x64xf32>
    %get3A = arith.constant 0 : index
    %get3A_1 = arith.constant 0 : index
    %get3A_2 = vector.load %arg10[%get3A, %get3A_1] : memref<1000x1xf32, #tpu.memory_space<vmem>>, vector<1000x1xf32>
    %get3A_3 = arith.constant 0 : index
    %get3A_4 = arith.constant 0 : index
    %get3A_5 = vector.load %arg11[%get3A_3, %get3A_4] : memref<1000x1xf32, #tpu.memory_space<vmem>>, vector<1000x1xf32>
    %add3A = arith.addf %get3A_2, %get3A_5 : vector<1000x1xf32>
    %gt3A = arith.constant 0.000000e+00 : f32
    %gt3A_6 = vector.broadcast %gt3A : f32 to vector<1000x1xf32>
    %gt3A_7 = arith.cmpf ogt, %add3A, %gt3A_6 : vector<1000x1xf32>
    %mul3A = arith.constant 2.000000e-01 : f32
    %mul3A_8 = vector.broadcast %mul3A : f32 to vector<1000x1xf32>
    %mul3A_9 = arith.mulf %mul3A_8, %add3A : vector<1000x1xf32>
    %select_n3A = arith.select %gt3A_7, %add3A, %mul3A_9 : vector<1000x1xi1>, vector<1000x1xf32>
    %exp3A = math.exp %select_n3A : vector<1000x1xf32>
    %get3A_10 = arith.constant 0 : index
    %get3A_11 = arith.constant 0 : index
    %get3A_12 = arith.constant 0 : index
    %get3A_13 = vector.load %arg1[%get3A_10, %get3A_11, %get3A_12] : memref<2x1000x64xf32, #tpu.memory_space<vmem>>, vector<2x1000x64xf32>
    %slice3A = vector.extract_strided_slice %get3A_13 {offsets = [0, 0, 0], sizes = [1, 1000, 64], strides = [1, 1, 1]} : vector<2x1000x64xf32> to vector<1x1000x64xf32>
    %squeeze3A = vector.shape_cast %slice3A : vector<1x1000x64xf32> to vector<1000x64xf32>
    %slice3A_14 = vector.extract_strided_slice %get3A_13 {offsets = [1, 0, 0], sizes = [1, 1000, 64], strides = [1, 1, 1]} : vector<2x1000x64xf32> to vector<1x1000x64xf32>
    %squeeze3A_15 = vector.shape_cast %slice3A_14 : vector<1x1000x64xf32> to vector<1000x64xf32>
    %add3A_16 = arith.addf %squeeze3A, %squeeze3A_15 : vector<1000x64xf32>
    %get3A_17 = arith.constant 0 : index
    %get3A_18 = arith.constant 0 : index
    %get3A_19 = vector.load %arg7[%get3A_17, %get3A_18] : memref<1000x64xf32, #tpu.memory_space<vmem>>, vector<1000x64xf32>
    %mul3A_20 = vector.broadcast %exp3A : vector<1000x1xf32> to vector<1000x64xf32>
    %mul3A_21 = arith.mulf %mul3A_20, %get3A_19 : vector<1000x64xf32>
    %add3A_22 = arith.addf %add3A_16, %mul3A_21 : vector<1000x64xf32>
    %get3A_23 = arith.constant 0 : index
    %get3A_24 = arith.constant 0 : index
    %get3A_25 = arith.constant 0 : index
    %get3A_26 = vector.load %arg2[%get3A_23, %get3A_24, %get3A_25] : memref<2x1000x1xf32, #tpu.memory_space<vmem>>, vector<2x1000x1xf32>
    %slice3A_27 = vector.extract_strided_slice %get3A_26 {offsets = [0, 0, 0], sizes = [1, 1000, 1], strides = [1, 1, 1]} : vector<2x1000x1xf32> to vector<1x1000x1xf32>
    %squeeze3A_28 = vector.shape_cast %slice3A_27 : vector<1x1000x1xf32> to vector<1000x1xf32>
    %slice3A_29 = vector.extract_strided_slice %get3A_26 {offsets = [1, 0, 0], sizes = [1, 1000, 1], strides = [1, 1, 1]} : vector<2x1000x1xf32> to vector<1x1000x1xf32>
    %squeeze3A_30 = vector.shape_cast %slice3A_29 : vector<1x1000x1xf32> to vector<1000x1xf32>
    %add3A_31 = arith.addf %squeeze3A_28, %squeeze3A_30 : vector<1000x1xf32>
    %add3A_32 = arith.addf %add3A_31, %exp3A : vector<1000x1xf32>
    %div3A = vector.broadcast %add3A_32 : vector<1000x1xf32> to vector<1000x64xf32>
    %div3A_33 = arith.divf %add3A_22, %div3A : vector<1000x64xf32>
    %add3A_34 = arith.addf %broadcast_in_dim3A_0, %div3A_33 : vector<1000x64xf32>
    %get3A_35 = arith.constant 0 : index
    %get3A_36 = arith.constant 0 : index
    %get3A_37 = vector.load %arg16[%get3A_35, %get3A_36] : memref<1x64xf32, #tpu.memory_space<vmem>>, vector<1x64xf32>
    %add3A_38 = vector.broadcast %get3A_37 : vector<1x64xf32> to vector<1000x64xf32>
    %add3A_39 = arith.addf %add3A_34, %add3A_38 : vector<1000x64xf32>
    %get3A_40 = arith.constant 0 : index
    %get3A_41 = arith.constant 0 : index
    %get3A_42 = vector.load %arg12[%get3A_40, %get3A_41] : memref<1000x1xf32, #tpu.memory_space<vmem>>, vector<1000x1xf32>
    %get3A_43 = arith.constant 0 : index
    %get3A_44 = arith.constant 0 : index
    %get3A_45 = vector.load %arg13[%get3A_43, %get3A_44] : memref<1000x1xf32, #tpu.memory_space<vmem>>, vector<1000x1xf32>
    %add3A_46 = arith.addf %get3A_42, %get3A_45 : vector<1000x1xf32>
    %gt3A_47 = arith.constant 0.000000e+00 : f32
    %gt3A_48 = vector.broadcast %gt3A_47 : f32 to vector<1000x1xf32>
    %gt3A_49 = arith.cmpf ogt, %add3A_46, %gt3A_48 : vector<1000x1xf32>
    %mul3A_50 = arith.constant 2.000000e-01 : f32
    %mul3A_51 = vector.broadcast %mul3A_50 : f32 to vector<1000x1xf32>
    %mul3A_52 = arith.mulf %mul3A_51, %add3A_46 : vector<1000x1xf32>
    %select_n3A_53 = arith.select %gt3A_49, %add3A_46, %mul3A_52 : vector<1000x1xi1>, vector<1000x1xf32>
    %exp3A_54 = math.exp %select_n3A_53 : vector<1000x1xf32>
    %get3A_55 = arith.constant 0 : index
    %get3A_56 = arith.constant 0 : index
    %get3A_57 = arith.constant 0 : index
    %get3A_58 = vector.load %arg3[%get3A_55, %get3A_56, %get3A_57] : memref<2x1000x64xf32, #tpu.memory_space<vmem>>, vector<2x1000x64xf32>
    %slice3A_59 = vector.extract_strided_slice %get3A_58 {offsets = [0, 0, 0], sizes = [1, 1000, 64], strides = [1, 1, 1]} : vector<2x1000x64xf32> to vector<1x1000x64xf32>
    %squeeze3A_60 = vector.shape_cast %slice3A_59 : vector<1x1000x64xf32> to vector<1000x64xf32>
    %slice3A_61 = vector.extract_strided_slice %get3A_58 {offsets = [1, 0, 0], sizes = [1, 1000, 64], strides = [1, 1, 1]} : vector<2x1000x64xf32> to vector<1x1000x64xf32>
    %squeeze3A_62 = vector.shape_cast %slice3A_61 : vector<1x1000x64xf32> to vector<1000x64xf32>
    %add3A_63 = arith.addf %squeeze3A_60, %squeeze3A_62 : vector<1000x64xf32>
    %get3A_64 = arith.constant 0 : index
    %get3A_65 = arith.constant 0 : index
    %get3A_66 = vector.load %arg8[%get3A_64, %get3A_65] : memref<1000x64xf32, #tpu.memory_space<vmem>>, vector<1000x64xf32>
    %mul3A_67 = vector.broadcast %exp3A_54 : vector<1000x1xf32> to vector<1000x64xf32>
    %mul3A_68 = arith.mulf %mul3A_67, %get3A_66 : vector<1000x64xf32>
    %add3A_69 = arith.addf %add3A_63, %mul3A_68 : vector<1000x64xf32>
    %get3A_70 = arith.constant 0 : index
    %get3A_71 = arith.constant 0 : index
    %get3A_72 = arith.constant 0 : index
    %get3A_73 = vector.load %arg4[%get3A_70, %get3A_71, %get3A_72] : memref<2x1000x1xf32, #tpu.memory_space<vmem>>, vector<2x1000x1xf32>
    %slice3A_74 = vector.extract_strided_slice %get3A_73 {offsets = [0, 0, 0], sizes = [1, 1000, 1], strides = [1, 1, 1]} : vector<2x1000x1xf32> to vector<1x1000x1xf32>
    %squeeze3A_75 = vector.shape_cast %slice3A_74 : vector<1x1000x1xf32> to vector<1000x1xf32>
    %slice3A_76 = vector.extract_strided_slice %get3A_73 {offsets = [1, 0, 0], sizes = [1, 1000, 1], strides = [1, 1, 1]} : vector<2x1000x1xf32> to vector<1x1000x1xf32>
    %squeeze3A_77 = vector.shape_cast %slice3A_76 : vector<1x1000x1xf32> to vector<1000x1xf32>
    %add3A_78 = arith.addf %squeeze3A_75, %squeeze3A_77 : vector<1000x1xf32>
    %add3A_79 = arith.addf %add3A_78, %exp3A_54 : vector<1000x1xf32>
    %div3A_80 = vector.broadcast %add3A_79 : vector<1000x1xf32> to vector<1000x64xf32>
    %div3A_81 = arith.divf %add3A_69, %div3A_80 : vector<1000x64xf32>
    %add3A_82 = arith.addf %add3A_39, %div3A_81 : vector<1000x64xf32>
    %get3A_83 = arith.constant 0 : index
    %get3A_84 = arith.constant 0 : index
    %get3A_85 = vector.load %arg17[%get3A_83, %get3A_84] : memref<1x64xf32, #tpu.memory_space<vmem>>, vector<1x64xf32>
    %add3A_86 = vector.broadcast %get3A_85 : vector<1x64xf32> to vector<1000x64xf32>
    %add3A_87 = arith.addf %add3A_82, %add3A_86 : vector<1000x64xf32>
    %get3A_88 = arith.constant 0 : index
    %get3A_89 = arith.constant 0 : index
    %get3A_90 = vector.load %arg14[%get3A_88, %get3A_89] : memref<1000x1xf32, #tpu.memory_space<vmem>>, vector<1000x1xf32>
    %get3A_91 = arith.constant 0 : index
    %get3A_92 = arith.constant 0 : index
    %get3A_93 = vector.load %arg15[%get3A_91, %get3A_92] : memref<1000x1xf32, #tpu.memory_space<vmem>>, vector<1000x1xf32>
    %add3A_94 = arith.addf %get3A_90, %get3A_93 : vector<1000x1xf32>
    %gt3A_95 = arith.constant 0.000000e+00 : f32
    %gt3A_96 = vector.broadcast %gt3A_95 : f32 to vector<1000x1xf32>
    %gt3A_97 = arith.cmpf ogt, %add3A_94, %gt3A_96 : vector<1000x1xf32>
    %mul3A_98 = arith.constant 2.000000e-01 : f32
    %mul3A_99 = vector.broadcast %mul3A_98 : f32 to vector<1000x1xf32>
    %mul3A_100 = arith.mulf %mul3A_99, %add3A_94 : vector<1000x1xf32>
    %select_n3A_101 = arith.select %gt3A_97, %add3A_94, %mul3A_100 : vector<1000x1xi1>, vector<1000x1xf32>
    %exp3A_102 = math.exp %select_n3A_101 : vector<1000x1xf32>
    %get3A_103 = arith.constant 0 : index
    %get3A_104 = arith.constant 0 : index
    %get3A_105 = arith.constant 0 : index
    %get3A_106 = vector.load %arg5[%get3A_103, %get3A_104, %get3A_105] : memref<2x1000x64xf32, #tpu.memory_space<vmem>>, vector<2x1000x64xf32>
    %slice3A_107 = vector.extract_strided_slice %get3A_106 {offsets = [0, 0, 0], sizes = [1, 1000, 64], strides = [1, 1, 1]} : vector<2x1000x64xf32> to vector<1x1000x64xf32>
    %squeeze3A_108 = vector.shape_cast %slice3A_107 : vector<1x1000x64xf32> to vector<1000x64xf32>
    %slice3A_109 = vector.extract_strided_slice %get3A_106 {offsets = [1, 0, 0], sizes = [1, 1000, 64], strides = [1, 1, 1]} : vector<2x1000x64xf32> to vector<1x1000x64xf32>
    %squeeze3A_110 = vector.shape_cast %slice3A_109 : vector<1x1000x64xf32> to vector<1000x64xf32>
    %add3A_111 = arith.addf %squeeze3A_108, %squeeze3A_110 : vector<1000x64xf32>
    %get3A_112 = arith.constant 0 : index
    %get3A_113 = arith.constant 0 : index
    %get3A_114 = vector.load %arg9[%get3A_112, %get3A_113] : memref<1000x64xf32, #tpu.memory_space<vmem>>, vector<1000x64xf32>
    %mul3A_115 = vector.broadcast %exp3A_102 : vector<1000x1xf32> to vector<1000x64xf32>
    %mul3A_116 = arith.mulf %mul3A_115, %get3A_114 : vector<1000x64xf32>
    %add3A_117 = arith.addf %add3A_111, %mul3A_116 : vector<1000x64xf32>
    %get3A_118 = arith.constant 0 : index
    %get3A_119 = arith.constant 0 : index
    %get3A_120 = arith.constant 0 : index
    %get3A_121 = vector.load %arg6[%get3A_118, %get3A_119, %get3A_120] : memref<2x1000x1xf32, #tpu.memory_space<vmem>>, vector<2x1000x1xf32>
    %slice3A_122 = vector.extract_strided_slice %get3A_121 {offsets = [0, 0, 0], sizes = [1, 1000, 1], strides = [1, 1, 1]} : vector<2x1000x1xf32> to vector<1x1000x1xf32>
    %squeeze3A_123 = vector.shape_cast %slice3A_122 : vector<1x1000x1xf32> to vector<1000x1xf32>
    %slice3A_124 = vector.extract_strided_slice %get3A_121 {offsets = [1, 0, 0], sizes = [1, 1000, 1], strides = [1, 1, 1]} : vector<2x1000x1xf32> to vector<1x1000x1xf32>
    %squeeze3A_125 = vector.shape_cast %slice3A_124 : vector<1x1000x1xf32> to vector<1000x1xf32>
    %add3A_126 = arith.addf %squeeze3A_123, %squeeze3A_125 : vector<1000x1xf32>
    %add3A_127 = arith.addf %add3A_126, %exp3A_102 : vector<1000x1xf32>
    %div3A_128 = vector.broadcast %add3A_127 : vector<1000x1xf32> to vector<1000x64xf32>
    %div3A_129 = arith.divf %add3A_117, %div3A_128 : vector<1000x64xf32>
    %add3A_130 = arith.addf %add3A_87, %div3A_129 : vector<1000x64xf32>
    %get3A_131 = arith.constant 0 : index
    %get3A_132 = arith.constant 0 : index
    %get3A_133 = vector.load %arg18[%get3A_131, %get3A_132] : memref<1x64xf32, #tpu.memory_space<vmem>>, vector<1x64xf32>
    %add3A_134 = vector.broadcast %get3A_133 : vector<1x64xf32> to vector<1000x64xf32>
    %add3A_135 = arith.addf %add3A_130, %add3A_134 : vector<1000x64xf32>
    %gt3A_136 = arith.constant 0.000000e+00 : f32
    %gt3A_137 = vector.broadcast %gt3A_136 : f32 to vector<1000x64xf32>
    %gt3A_138 = arith.cmpf ogt, %add3A_135, %gt3A_137 : vector<1000x64xf32>
    %min3A = arith.constant 0.000000e+00 : f32
    %min3A_139 = vector.broadcast %min3A : f32 to vector<1000x64xf32>
    %min3A_140 = arith.minimumf %add3A_135, %min3A_139 : vector<1000x64xf32>
    %exp3A_141 = math.exp %min3A_140 : vector<1000x64xf32>
    %sub3A = arith.constant 1.000000e+00 : f32
    %sub3A_142 = vector.broadcast %sub3A : f32 to vector<1000x64xf32>
    %sub3A_143 = arith.subf %exp3A_141, %sub3A_142 : vector<1000x64xf32>
    %select_n3A_144 = arith.select %gt3A_138, %add3A_135, %sub3A_143 : vector<1000x64xi1>, vector<1000x64xf32>
    %get3A_145 = arith.constant 0 : index
    %get3A_146 = arith.constant 0 : index
    %get3A_147 = vector.load %arg19[%get3A_145, %get3A_146] : memref<64x32xf32, #tpu.memory_space<vmem>>, vector<64x32xf32>
    %dot_general3A = arith.constant dense<0.000000e+00> : vector<1000x32xf32>
    %dot_general3A_148 = tpu.matmul %select_n3A_144, %get3A_147, %dot_general3A {dimension_numbers = #tpu.dot_dimension_numbers<[1], [0], [0], [1], [0, 0, 1, 1], [], []>, transpose_lhs_hint = false} : vector<1000x64xf32>, vector<64x32xf32>, vector<1000x32xf32> -> vector<1000x32xf32>
    %get3A_149 = arith.constant 0 : index
    %get3A_150 = arith.constant 0 : index
    %get3A_151 = vector.load %arg20[%get3A_149, %get3A_150] : memref<1x32xf32, #tpu.memory_space<vmem>>, vector<1x32xf32>
    %add3A_152 = vector.broadcast %get3A_151 : vector<1x32xf32> to vector<1000x32xf32>
    %add3A_153 = arith.addf %dot_general3A_148, %add3A_152 : vector<1000x32xf32>
    %swap3A = arith.constant 0 : index
    %swap3A_154 = arith.constant 0 : index
    %swap3A_155 = vector.load %arg21[%swap3A, %swap3A_154] : memref<1000x32xf32, #tpu.memory_space<vmem>>, vector<1000x32xf32>
    tpu.vector_store %arg21[%swap3A, %swap3A_154], %add3A_153 {strides = array<i32>} : memref<1000x32xf32, #tpu.memory_space<vmem>>, vector<1000x32xf32>,
    return
  }
  func.func @transform_0(%arg0: i32) -> (i32, i32, i32) {
    %c0_i32 = arith.constant 0 : i32
    %c0_i32_0 = arith.constant 0 : i32
    %c0_i32_1 = arith.constant 0 : i32
    return %c0_i32, %arg0, %c0_i32_0 : i32, i32, i32
  }
  func.func @transform_1(%arg0: i32) -> (i32, i32, i32) {
    %c0_i32 = arith.constant 0 : i32
    %c0_i32_0 = arith.constant 0 : i32
    %c0_i32_1 = arith.constant 0 : i32
    return %c0_i32, %arg0, %c0_i32_0 : i32, i32, i32
  }
  func.func @transform_2(%arg0: i32) -> (i32, i32, i32) {
    %c0_i32 = arith.constant 0 : i32
    %c0_i32_0 = arith.constant 0 : i32
    %c0_i32_1 = arith.constant 0 : i32
    return %c0_i32, %arg0, %c0_i32_0 : i32, i32, i32
  }
  func.func @transform_3(%arg0: i32) -> (i32, i32, i32) {
    %c0_i32 = arith.constant 0 : i32
    %c0_i32_0 = arith.constant 0 : i32
    %c0_i32_1 = arith.constant 0 : i32
    return %c0_i32, %arg0, %c0_i32_0 : i32, i32, i32
  }
  func.func @transform_4(%arg0: i32) -> (i32, i32, i32) {
    %c0_i32 = arith.constant 0 : i32
    %c0_i32_0 = arith.constant 0 : i32
    %c0_i32_1 = arith.constant 0 : i32
    return %c0_i32, %arg0, %c0_i32_0 : i32, i32, i32
  }
  func.func @transform_5(%arg0: i32) -> (i32, i32, i32) {
    %c0_i32 = arith.constant 0 : i32
    %c0_i32_0 = arith.constant 0 : i32
    %c0_i32_1 = arith.constant 0 : i32
    return %c0_i32, %arg0, %c0_i32_0 : i32, i32, i32
  }
  func.func @transform_6(%arg0: i32) -> (i32, i32) {
    %c0_i32 = arith.constant 0 : i32
    %c0_i32_0 = arith.constant 0 : i32
    return %arg0, %c0_i32 : i32, i32
  }
  func.func @transform_7(%arg0: i32) -> (i32, i32) {
    %c0_i32 = arith.constant 0 : i32
    %c0_i32_0 = arith.constant 0 : i32
    return %arg0, %c0_i32 : i32, i32
  }
  func.func @transform_8(%arg0: i32) -> (i32, i32) {
    %c0_i32 = arith.constant 0 : i32
    %c0_i32_0 = arith.constant 0 : i32
    return %arg0, %c0_i32 : i32, i32
  }
  func.func @transform_9(%arg0: i32) -> (i32, i32) {
    %c0_i32 = arith.constant 0 : i32
    %c0_i32_0 = arith.constant 0 : i32
    return %arg0, %c0_i32 : i32, i32
  }
  func.func @transform_10(%arg0: i32) -> (i32, i32) {
    %c0_i32 = arith.constant 0 : i32
    %c0_i32_0 = arith.constant 0 : i32
    return %arg0, %c0_i32 : i32, i32
  }
  func.func @transform_11(%arg0: i32) -> (i32, i32) {
    %c0_i32 = arith.constant 0 : i32
    %c0_i32_0 = arith.constant 0 : i32
    return %arg0, %c0_i32 : i32, i32
  }
  func.func @transform_12(%arg0: i32) -> (i32, i32) {
    %c0_i32 = arith.constant 0 : i32
    %c0_i32_0 = arith.constant 0 : i32
    return %arg0, %c0_i32 : i32, i32
  }
  func.func @transform_13(%arg0: i32) -> (i32, i32) {
    %c0_i32 = arith.constant 0 : i32
    %c0_i32_0 = arith.constant 0 : i32
    return %arg0, %c0_i32 : i32, i32
  }
  func.func @transform_14(%arg0: i32) -> (i32, i32) {
    %c0_i32 = arith.constant 0 : i32
    %c0_i32_0 = arith.constant 0 : i32
    return %arg0, %c0_i32 : i32, i32
  }
  func.func @transform_15(%arg0: i32) -> (i32, i32) {
    %c0_i32 = arith.constant 0 : i32
    %c0_i32_0 = arith.constant 0 : i32
    %c0_i32_1 = arith.constant 0 : i32
    return %c0_i32, %c0_i32_0 : i32, i32
  }
  func.func @transform_16(%arg0: i32) -> (i32, i32) {
    %c0_i32 = arith.constant 0 : i32
    %c0_i32_0 = arith.constant 0 : i32
    %c0_i32_1 = arith.constant 0 : i32
    return %c0_i32, %c0_i32_0 : i32, i32
  }
  func.func @transform_17(%arg0: i32) -> (i32, i32) {
    %c0_i32 = arith.constant 0 : i32
    %c0_i32_0 = arith.constant 0 : i32
    %c0_i32_1 = arith.constant 0 : i32
    return %c0_i32, %c0_i32_0 : i32, i32
  }
  func.func @transform_18(%arg0: i32) -> (i32, i32) {
    %c0_i32 = arith.constant 0 : i32
    %c0_i32_0 = arith.constant 0 : i32
    %c0_i32_1 = arith.constant 0 : i32
    return %c0_i32, %c0_i32_0 : i32, i32
  }
  func.func @transform_19(%arg0: i32) -> (i32, i32) {
    %c0_i32 = arith.constant 0 : i32
    %c0_i32_0 = arith.constant 0 : i32
    %c0_i32_1 = arith.constant 0 : i32
    return %c0_i32, %c0_i32_0 : i32, i32
  }
  func.func @transform_20(%arg0: i32) -> (i32, i32) {
    %c0_i32 = arith.constant 0 : i32
    %c0_i32_0 = arith.constant 0 : i32
    return %arg0, %c0_i32 : i32, i32
  }
}

</mosaic_0001>

<sc_bundles>
// kernel: kernel.10.cloned.1.call-start
scs
__scs_entry_jumppad:
0x0: {  	(pc) =	sbr.rel $0x88, $3  }
0x1: {  	(tag) =	ssettag $0x0;
	lr =	simm.s32 $0x1  }
0x2: {  	[smem:$0x3F8A] =	sst lr;
	_ =	strace $0xD0000000  }
0x3: {  	_ = 	snop  }
0x4: {  	_ = 	snop  }
0x5: {  	_ = 	snop  }
0x6: {  	_ = 	snop  }
0x7: {  	_ = 	snop  }
__scs_overlays_trampoline_lowered:
0x8: {  	[smem:$0x3F99] =	sst s0  }
0x9: {  	[smem:$0x3F9A] =	sst s1  }
0xa: {  	[smem:$0x3F9B] =	sst s2  }
0xb: {  	[smem:$0x3F9C] =	sst s3  }
0xc: {  	[smem:$0x3F9D] =	sst s4  }
0xd: {  	[smem:$0x3F9E] =	sst s5  }
0xe: {  	[smem:$0x3F9F] =	sst s6  }
0xf: {  	[smem:$0x3FA0] =	sst s7  }
0x10: {  	[smem:$0x3FA1] =	sst s8  }
0x11: {  	[smem:$0x3FA2] =	sst s9;
	s0 =	simm.s32 @!p0 $0x0  }
0x12: {  	s1 =	sld [smem:$0x3F88];
	s0 =	simm.s32 @p0 $0x1  }
0x13: {  	[smem:$0x3FA3] =	sst s0;
	s0 =	simm.s32 @!p1 $0x0  }
0x14: {  	s2 =	sld [smem:$0x3F87];
	s0 =	simm.s32 @p1 $0x1  }
0x15: {  	[smem:$0x3FA4] =	sst s0;
	s0 =	simm.s32 @!p2 $0x0  }
0x16: {  	s3 =	sld [smem:$0x3FDB];
	s0 =	simm.s32 @p2 $0x1  }
0x17: {  	s4 =	simm.s32 $0x1BF5;
	[smem:$0x3FA6] =	sst s0  }
0x18: {  	s0 =	sld [smem:$0x3F89];
	_ =	swait.ge [sflag:s4], $0x0  }
0x19: {  	s7 =	sld [smem:$0x3F8A]  }
0x1a: {  	s8 =	sadd.s32 $0xFFFFE003, lr  }
0x1b: {  	s9 =	sadd.s32 $0xFFFFFEF7, lr;
	s5 =	simm.s32 $0xFFFFFFFF;
	p2 =	slt.u32 s8, $0xFFFFF086  }
0x1c: {  	p1 =	slt.u32 s9, $0xF7A;
	s5 =	simm.s32 @!p2 $0x0  }
0x1d: {  	s5 =	simm.s32 @p1 $0x1;
	p0 =	seq.s32 s7, s2  }
0x1e: {  	s7 =	smul.u32 @!p0 $0xF7A, s2;
	p2 =	seq.s32 @!p0 s5, $0x0  }
0x1f: {  	s9 =	smul.u32 $0xF7A, s1;
	s8 =	simm.s32 @!p0 $0x1BF5;
	p2 =	por !p2, p0  }
0x20: {  	[sflag:s8] =	ssyncset.s32 @!p0 $0xFFFFF086;
	s6 =	sadd.s32 @!p0 s3, s7;
	s7 =	simm.s32 @!p0 $0x108  }
0x21: {  	s3 =	sadd.s32 s3, s9;
	s6 =	sadd.s32 @!p0 $0x88, s6;
	s7 =	simm.s32 @p2 $0x1082  }
0x22: {  	[simem:s7], [sflag:s8] =	dma.local @!p0 [hbm:s6], $0xF7A  }
0x23: {  	s9 =	sor.u32 $0xD0000000, s2;
	s6 =	simm.s32 $0x108;
	_ =	swait.ge @!p0 [sflag:s8], $0x0  }
0x24: {  	s3 =	sadd.s32 $0x88, s3;
	s6 =	simm.s32 @!p1 $0x1082;
	[sflag:s4] =	ssyncset.s32 $0xFFFFF086  }
0x25: {  	[simem:s6], [sflag:s4] =	dma.local [hbm:s3], $0xF7A  }
0x26: {  	[smem:$0x3F8A] =	sst s1;
	(tag) =	ssettag s2;
	_ =	strace s9  }
0x27: {  	s1 =	sld [smem:$0x3F9A]  }
0x28: {  	s2 =	sld [smem:$0x3F9B]  }
0x29: {  	s4 =	sld [smem:$0x3F9D]  }
0x2a: {  	p0 =	seq.s32 s5, $0x0;
	s5 =	sld [smem:$0x3F9E]  }
0x2b: {  	s6 =	sld [smem:$0x3F9F]  }
0x2c: {  	s7 =	sld [smem:$0x3FA0]  }
0x2d: {  	s3 =	simm.s32 $0x108;
	s8 =	sld [smem:$0x3FA1]  }
0x2e: {  	s3 =	simm.s32 @!p0 $0x1082;
	s9 =	sld [smem:$0x3FA2]  }
0x2f: {  	lr =	sadd.s32 s0, s3;
	s0 =	sld [smem:$0x3F99]  }
0x30: {  	s3 =	sld [smem:$0x3F9C]  }
0x31: {  	[smem:$0x3FA5] =	sst s10  }
0x32: {  	s10 =	sld [smem:$0x3FA3];
	_ =	sdelay $0x3  }
0x33: {  	p0 =	seq.s32 s10, $0x1;
	s10 =	sld [smem:$0x3FA5];
	_ =	sdelay $0x3  }
0x34: {  	[smem:$0x3FA5] =	sst s10  }
0x35: {  	s10 =	sld [smem:$0x3FA4];
	_ =	sdelay $0x3  }
0x36: {  	p1 =	seq.s32 s10, $0x1;
	s10 =	sld [smem:$0x3FA5];
	_ =	sdelay $0x3  }
0x37: {  	[smem:$0x3FA5] =	sst s10  }
0x38: {  	s10 =	sld [smem:$0x3FA6]  }
0x39: {  	_ = 	snop;
	(pc) =	sbr.ind lr, $3  }
0x3a: {  	_ = 	snop  }
0x3b: {  	_ = 	snop  }
0x3c: {  	p2 =	seq.s32 s10, $0x1;
	s10 =	sld [smem:$0x3FA5]  }
0x3d: {  	_ =	shalt  }
0x3e: {  	_ =	shalt  }
0x3f: {  	_ =	shalt  }
0x40: {  	_ =	shalt  }
0x41: {  	_ =	shalt  }
0x42: {  	_ =	shalt  }
0x43: {  	_ =	shalt  }
0x44: {  	_ =	shalt  }
0x45: {  	_ =	shalt  }
0x46: {  	_ =	shalt  }
0x47: {  	_ =	shalt  }
0x48: {  	_ =	shalt  }
0x49: {  	_ =	shalt  }
0x4a: {  	_ =	shalt  }
0x4b: {  	_ =	shalt  }
0x4c: {  	_ =	shalt  }
0x4d: {  	_ =	shalt  }
0x4e: {  	_ =	shalt  }
0x4f: {  	_ =	shalt  }
0x50: {  	_ =	shalt  }
0x51: {  	_ =	shalt  }
0x52: {  	_ =	shalt  }
0x53: {  	_ =	shalt  }
0x54: {  	_ =	shalt  }
0x55: {  	_ =	shalt  }
0x56: {  	_ =	shalt  }
0x57: {  	_ =	shalt  }
0x58: {  	_ =	shalt  }
0x59: {  	_ =	shalt  }
0x5a: {  	_ =	shalt  }
0x5b: {  	_ =	shalt  }
0x5c: {  	_ =	shalt  }
0x5d: {  	_ =	shalt  }
0x5e: {  	_ =	shalt  }
0x5f: {  	_ =	shalt  }
0x60: {  	_ =	shalt  }
0x61: {  	_ =	shalt  }
0x62: {  	_ =	shalt  }
0x63: {  	_ =	shalt  }
0x64: {  	_ =	shalt  }
0x65: {  	_ =	shalt  }
0x66: {  	_ =	shalt  }
0x67: {  	_ =	shalt  }
0x68: {  	_ =	shalt  }
0x69: {  	_ =	shalt  }
0x6a: {  	_ =	shalt  }
0x6b: {  	_ =	shalt  }
0x6c: {  	_ =	shalt  }
0x6d: {  	_ =	shalt  }
0x6e: {  	_ =	shalt  }
0x6f: {  	_ =	shalt  }
0x70: {  	_ =	shalt  }
0x71: {  	_ =	shalt  }
0x72: {  	_ =	shalt  }
0x73: {  	_ =	shalt  }
0x74: {  	_ =	shalt  }
0x75: {  	_ =	shalt  }
0x76: {  	_ =	shalt  }
0x77: {  	_ =	shalt  }
0x78: {  	_ =	shalt  }
0x79: {  	_ =	shalt  }
0x7a: {  	_ =	shalt  }
0x7b: {  	_ =	shalt  }
0x7c: {  	_ =	shalt  }
0x7d: {  	_ =	shalt  }
0x7e: {  	_ =	shalt  }
0x7f: {  	_ =	shalt  }
0x80: {  	_ =	shalt  }
0x81: {  	_ =	shalt  }
0x82: {  	_ =	shalt  }
0x83: {  	_ =	shalt  }
0x84: {  	_ =	shalt  }
0x85: {  	_ =	shalt  }
0x86: {  	_ =	shalt  }
0x87: {  	_ =	shalt  }
.Lfunc_end0:
.L_simem_size_0:
called_computation.1_lowered:
.L_overlay_start_0:
0x88: {  	s2 =	sld [smem:$0x3FD9]  }
0x89: {  	s3 =	sld [smem:$0x3FFE];
	_ =	sdelay $0x1  }
0x8a: {  	s1 =	srdreg.scid  }
0x8b: {  	s0 =	sand.u32 $0x1, s1  }
0x8c: {  	s17 =	sshll.u32 s0, $0xA;
	s2 =	sadd.s32 s3, s2  }
0x8d: {  	s2 =	sadd.s32 s2, s17  }
0x8e: {  	[smem:$0x3FB1] =	sst s2  }
0x8f: {  	_ = 	snop  }
0x90: {  	(tm) =	ssettm $0x1  }
0x91: {  	s18 =	sld [smem:$0x3FFB];
	_ =	sdelay $0x3  }
0x92: {  	_ =	strace s18  }
0x93: {  	s2 =	sld [smem:$0x3FFC];
	_ =	sdelay $0x3  }
0x94: {  	_ =	strace s2  }
0x95: {  	s2 =	sld [smem:$0x3FFD];
	_ =	sdelay $0x3  }
0x96: {  	_ =	strace s2  }
0x97: {  	_ =	strace $0x8FFFFFFF  }
0x98: {  	s19 =	sld [smem:$0x3FDB];
	_ =	sdelay $0x1  }
0x99: {  	s20 =	simm.s32 $_scs_section_size  }
0x9a: {  	s4 =	simm.s32 $_size__tile_overlayer_lowered;
	s5 =	simm.s32 $_tile_overlayer_lowered  }
0x9b: {  	s6 =	simm.s32 $0x1BFF;
	s21 =	sshll.u32 s5, $0x1;
	s3 =	sadd.s32 s20, s19  }
0x9c: {  	s22 =	simm.s32 $0x0;
	s4 =	sshll.u32 s4, $0x1;
	s5 =	sadd.s32 s21, s3  }
0x9d: {  	[timem:s22], [sflag:s6] =	dma.local [hbm:s5], s4  }
0x9e: {  	_ =	swait.ge [sflag:s6], s4  }
0x9f: {  	s4 =	ssub.s32 $0x0, s4;
	[sflag:s6] =	ssyncset.done $0x0  }
0xa0: {  	[sflag:s6] =	ssyncadd.s32 s4;
	_ =	sdelay $0x1  }
0xa1: {  	s23 =	simm.s32 $0x1B8B  }
0xa2: {  	_ =	swait.ge [sflag:s23], $0x1  }
0xa3: {  	[sflag:s23] =	ssyncset.done $0x0  }
0xa4: {  	[sflag:s23] =	ssyncadd.s32 $0xFFFFFFFF  }
0xa5: {  	s4 =	sld [smem:$0x0]  }
0xa6: {  	s5 =	sand.u32 $0xFFFFFFFE, s1  }
0xa7: {  	p0 =	sne.s32 s1, s5  }
0xa8: {  	s5 =	sshll.u32 @p0 s5, $0xE  }
0xa9: {  	s5 =	sadd.s32 @p0 $0x11B8D, s5;
	s6 =	sshll.u32 @p0 s4, $0x11  }
0xaa: {  	s5 =	sor.u32 @p0 s6, s5  }
0xab: {  	[sflag:s5] =	ssyncadd.remote.s32 @p0 $0x1;
	_ =	sdelay $0x1  }
0xac: {  	s5 =	simm.s32 @p0 $0x1B8D  }
0xad: {  	_ =	swait.eq @p0 [sflag:s5], $0x1  }
0xae: {  	[sflag:s5] =	ssyncadd.s32 @p0 $0xFFFFFFFF  }
0xaf: {  	s6 =	sshll.u32 @!p0 s1, $0xE  }
0xb0: {  	s6 =	sor.u32 @!p0 $0x4000, s6;
	s5 =	simm.s32 @!p0 $0x1B8D  }
0xb1: {  	s4 =	sshll.u32 @!p0 s4, $0x11;
	s6 =	sadd.s32 @!p0 $0x11B8D, s6;
	_ =	swait.eq @!p0 [sflag:s5], $0x1  }
0xb2: {  	s4 =	sor.u32 @!p0 s4, s6;
	[sflag:s5] =	ssyncadd.s32 @!p0 $0xFFFFFFFF  }
0xb3: {  	s25 =	simm.s32 $0x1B8E;
	s24 =	sld [smem:$0x3FFE];
	[sflag:s4] =	ssyncadd.remote.s32 @!p0 $0x1  }
0xb4: {  	s26 =	simm.s32 $execute0_lowered;
	[smem:$0x3FD2] =	sst s25  }
0xb5: {  	s5 =	sshll.u32 s26, $0x1;
	_ =	strace $0x80000049;
	[dreg:$0x1] =	wrdreg $0xFFFFFFFF  }
0xb6: {  	s28 =	simm.s32 $_size_execute0_lowered;
	s3 =	sadd.s32 s3, s5;
	[dreg:$0x0] =	wrdreg $0x0  }
0xb7: {  	s5 =	sshll.u32 s28, $0x1;
	[dreg:$0x2] =	wrdreg s3  }
0xb8: {  	[dreg:$0x3] =	wrdreg s5  }
0xb9: {  	[dreg:$0x4] =	wrdreg $0xC0  }
0xba: {  	_ =	task [dreg:s22], $0x5FFFF  }
0xbb: {  	[dreg:$0x1] =	wrdreg $0xFFFFFFFF  }
0xbc: {  	[dreg:$0x0] =	wrdreg $0x60  }
0xbd: {  	[dreg:$0x2] =	wrdreg s24  }
0xbe: {  	[dreg:$0x3] =	wrdreg $0xAB800  }
0xbf: {  	[dreg:$0x4] =	wrdreg $0x14B800  }
0xc0: {  	[dreg:$0x5] =	wrdreg $0xA  }
0xc1: {  	_ =	task.clear_ibuf [dreg:s22], $0x6FFFF;
	_ =	strace $0x90000049  }
0xc2: {  	s29 =	simm.s32 $0xA;
	_ =	strace $0x8000004B  }
0xc3: {  	_ =	swait.ge [sflag:s29], $0x1  }
0xc4: {  	[sflag:s29] =	ssyncadd.s32 $0xFFFFFFFF  }
0xc5: {  	_ =	strace $0x9000004B  }
0xc6: {  	_ =	sfence  }
0xc7: {  	s30 =	sld [smem:$0x0];
	_ =	sdelay $0x2  }
0xc8: {  	s31 =	sshll.u32 s1, $0xD;
	s1 =	sshrl.u32 s1, $0x2  }
0xc9: {  	s4 =	sand.u32 $0x4000, s31;
	s1 =	sadd.s32 s1, s30  }
0xca: {  	s0 =	sor.u32 s4, s0;
	s1 =	sshll.u32 s1, $0x11  }
0xcb: {  	s0 =	sor.u32 s1, s0  }
0xcc: {  	s0 =	sadd.s32 $0x8F2B, s0  }
0xcd: {  	[sflag:s0] =	ssyncadd.remote.s32 $0x1  }
0xce: {  	_ =	sfence.sel $0xFFFF  }
0xcf: {  	[dreg:$0x0] =	wrdreg $0xFFFFFFFF;
	(pc) =	sbr.abs _section_cstart, $3  }
0xd0: {  	[dreg:$0x1] =	wrdreg $0xFFFFFFFF  }
0xd1: {  	_ =	task.clear_ibuf [dreg:s22], $0x2FFFF;
	_ =	strace $0x9FFFFFFF  }
0xd2: {  	(tm) =	ssettm $0x7FFFFFFF  }
0xd3: {  	_ =	shalt  }
tec
execute0_lowered:
.L_overlay_start_1:
0x0: {  	(tag) =	ssettag $0x1  }
0x1: {  	s1 =	rddreg [dreg:$0x0]  }
0x2: {  	s0 =	srdreg.scid;
	s2 =	rddreg [dreg:$0x1]  }
0x3: {  	s6 =	stileid.u32;
	s3 =	rddreg [dreg:$0x2];
	s17 =	simm.s32 $0x3  }
0x4: {  	s19 =	simm.s32 $0x2A00;
	s20 =	simm.s32 $0x5200;
	s22 =	simm.s32 $0x80  }
0x5: {  	s23 =	simm.s32 $0x7A00;
	s28 =	simm.s32 $0x7B00;
	s29 =	simm.s32 $0x8B80  }
0x6: {  	s30 =	simm.s32 $0x2;
	s31 =	simm.s32 $0x0;
	s9 =	smul.u32 $0xA000, s6  }
0x7: {  	s0 =	sand.u32 $0x1, s0;
	s11 =	smul.u32 $0x280, s6;
	s7 =	sadd.s32 $0x148000, s1  }
0x8: {  	s24 =	sadd.s32 $0x148600, s1;
	s26 =	sshll.u32 s6, $0x6;
	s8 =	smul.u32 $0xA0000, s0  }
0x9: {  	s4 =	sshll.u32 s0, $0x4;
	s12 =	smul.u32 $0x2800, s0;
	s0 =	ssub.s32 $0x2, s0  }
0xa: {  	s5 =	sor.u32 s6, s4;
	s4 =	simm.s32 $0x0;
	s10 =	sshrl.u32 s9, $0x3  }
0xb: {  	s13 =	sshrl.u32 s11, $0x3;
	s25 =	sshrl.u32 s0, $0x1;
	s16 =	sadd.s32 s9, s2  }
0xc: {  	s18 =	sadd.s32 s11, s3;
	s5 =	smul.u32 $0x2A0, s5;
	[smem:$0x7FF] =	sst s4  }
0xd: {  	s10 =	sadd.s32 s10, s1;
	s13 =	sadd.s32 s13, s1;
	s8 =	sadd.s32 s9, s8  }
0xe: {  	s12 =	sadd.s32 s11, s12;
	s0 =	ssub.s32 s0, s25;
	s9 =	sor.u32 $0x1C03, s26  }
0xf: {  	s16 =	sshrl.u32 s16, $0x3;
	s18 =	sshrl.u32 s18, $0x3;
	s25 =	simm.s32 $0x1  }
0x10: {  	s26 =	simm.s32 $0x7A80;
	_ =	strace $0x8000004A;
	[dreg:$0x4] =	wrdreg s7  }
0x11: {  	[dreg:$0x5] =	wrdreg s24;
	s7 =	sadd.s32 $0x148C00, s1;
	s8 =	sshrl.u32 s8, $0x3  }
0x12: {  	s12 =	sshrl.u32 s12, $0x3;
	s24 =	simm.s32 $0x7B80;
	s5 =	sadd.s32 s5, s1  }
0x13: {  	s14 =	sadd.s32 s8, s1;
	s8 =	sadd.s32 $0x100E00, s10;
	s10 =	sadd.s32 $0x100800, s13  }
0x14: {  	s1 =	sadd.s32 s12, s1;
	s11 =	sadd.s32 $0x142C00, s5;
	s12 =	sadd.s32 $0x13D800, s5  }
0x15: {  	s15 =	smax.u32 s0, $0x1;
	s13 =	sadd.s32 $0x152A00, s14;
	s14 =	sadd.s32 $0x17AA00, s1  }
.LBB2_1:
0x16: {  	[spmem:s16], [sflag:s9] =	dma.local [hbm:s8], $0x1400  }
0x17: {  	_ =	swait.ge [sflag:s17], $0x1400  }
0x18: {  	[sflag:s17] =	ssyncset.done $0x0  }
0x19: {  	[sflag:s17] =	ssyncadd.s32 $0xFFFFEC00  }
0x1a: {  	[spmem:s18], [sflag:s9] =	dma.local [hbm:s10], $0x50  }
0x1b: {  	_ =	swait.ge [sflag:s17], $0x50  }
0x1c: {  	[sflag:s17] =	ssyncset.done $0x0  }
0x1d: {  	s0 =	rddreg [dreg:$0x4];
	[sflag:s17] =	ssyncadd.s32 $0xFFFFFFB0  }
0x1e: {  	[tilespmem:s19], [sflag:$0x3] =	stream.linear.gather [hbm4b:s0+s4], $0x2800, $0x38;
	[tilespmem:$0x14E00] =	vst v63  }
0x1f: {  	_ =	swait.ge [sflag:s17], $0x2800  }
0x20: {  	[sflag:s17] =	ssyncset.done $0x0  }
0x21: {  	s6 =	rddreg [dreg:$0x5];
	[sflag:s17] =	ssyncadd.s32 $0xFFFFD800  }
0x22: {  	[tilespmem:s20], [sflag:$0x3] =	stream.linear.gather [hbm4b:s6+s4], $0x2800, $0x38;
	[tilespmem:$0x14E00] =	vst v63  }
0x23: {  	_ =	swait.ge [sflag:s17], $0x2800  }
0x24: {  	[sflag:s17] =	ssyncset.done $0x0  }
0x25: {  	[sflag:s17] =	ssyncadd.s32 $0xFFFFD800  }
0x26: {  	[tilespmem:s4], [sflag:$0x3] =	stream.linear.gather [hbm4b:s11+s4], $0x1500, $0x38;
	[tilespmem:$0x14E00] =	vst v63  }
0x27: {  	_ =	swait.ge [sflag:s17], $0x1500  }
0x28: {  	[sflag:s17] =	ssyncset.done $0x0  }
0x29: {  	s21 =	simm.s32 $0x1500;
	[sflag:s17] =	ssyncadd.s32 $0xFFFFEB00  }
0x2a: {  	[tilespmem:s21], [sflag:$0x3] =	stream.linear.gather [hbm4b:s12+s4], $0x1500, $0x38;
	[tilespmem:$0x14E00] =	vst v63  }
0x2b: {  	_ =	swait.ge [sflag:s17], $0x1500  }
0x2c: {  	[sflag:s17] =	ssyncset.done $0x0  }
0x2d: {  	[sflag:s17] =	ssyncadd.s32 $0xFFFFEB00  }
0x2e: {  	s1 =	simm.s32 $0x0;
	[bflag:$0x0] =	sbarrier.arrive $0xFFFF  }
.LBB2_2:
0x2f: {  	s0 =	sshll.u32 s1, $0x7  }
0x30: {  	v0 =	vld [tilespmem:s0+$0x0]  }
0x31: {  	v1 =	vld [tilespmem:s0+$0x1500];
	_ =	sdelay $0x6  }
0x32: {  	v2 =	vld.idx.msk [tilespmem:v0+s19+$0x0], $0xffff  }
0x33: {  	v3 =	vld.idx.msk [tilespmem:v1+s20+$0x0], $0xffff;
	_ =	sdelay $0x4  }
0x34: {  	v2 =	vadd.f32 v3, v2;
	_ =	sdelay $0x1  }
0x35: {  	v3 =	vmul.f32 $2.000000030e-01, v2  }
0x36: {  	vm0 =	vgt.f32 v2, $0.0e+00  }
0x37: {  	v2 =	vsel vm0, v2, v3  }
0x38: {  	v2 =	vmul.f32 $1.442695020e+00, v2;
	_ =	sdelay $0x1  }
0x39: {  	(erf) = vpow2.f32 v2;
	_ =	sdelay $0x6  }
0x3a: {  	vm13 =	veq.s32 v0, v1  }
0x3b: {  	v27 =	vsel vm13, $0x2710, v1;
	[tilespmem:$0x7A00] =	vst v0  }
0x3c: {  	[tilespmem:$0x7A80] =	vst v27;
	v28 =	vpop (erf)  }
0x3d: {  	[tilespmem:$0x7B00] =	vst v28  }
0x3e: {  	v0 =	vld [tilespmem:s0+$0x10]  }
0x3f: {  	v29 =	vld [tilespmem:s0+$0x1510];
	_ =	sdelay $0x6  }
0x40: {  	v30 =	vld.idx.msk [tilespmem:v0+s19+$0x0], $0xffff  }
0x41: {  	v31 =	vld.idx.msk [tilespmem:v29+s20+$0x0], $0xffff;
	_ =	sdelay $0x4  }
0x42: {  	v2 =	vadd.f32 v31, v30;
	_ =	sdelay $0x1  }
0x43: {  	v3 =	vmul.f32 $2.000000030e-01, v2  }
0x44: {  	vm14 =	vgt.f32 v2, $0.0e+00  }
0x45: {  	v2 =	vsel vm14, v2, v3  }
0x46: {  	v2 =	vmul.f32 $1.442695020e+00, v2;
	_ =	sdelay $0x1  }
0x47: {  	(erf) = vpow2.f32 v2;
	_ =	sdelay $0x6  }
0x48: {  	vm15 =	veq.s32 v0, v29  }
0x49: {  	v32 =	vsel vm15, $0x2710, v29;
	[tilespmem:$0x7A10] =	vst v0  }
0x4a: {  	[tilespmem:$0x7A90] =	vst v32;
	v33 =	vpop (erf)  }
0x4b: {  	[tilespmem:$0x7B10] =	vst v33  }
0x4c: {  	v0 =	vld [tilespmem:s0+$0x20]  }
0x4d: {  	v34 =	vld [tilespmem:s0+$0x1520];
	_ =	sdelay $0x6  }
0x4e: {  	v35 =	vld.idx.msk [tilespmem:v0+s19+$0x0], $0xffff  }
0x4f: {  	v36 =	vld.idx.msk [tilespmem:v34+s20+$0x0], $0xffff;
	_ =	sdelay $0x4  }
0x50: {  	v2 =	vadd.f32 v36, v35;
	_ =	sdelay $0x1  }
0x51: {  	v3 =	vmul.f32 $2.000000030e-01, v2  }
0x52: {  	vm4 =	vgt.f32 v2, $0.0e+00  }
0x53: {  	v2 =	vsel vm4, v2, v3  }
0x54: {  	v2 =	vmul.f32 $1.442695020e+00, v2;
	_ =	sdelay $0x1  }
0x55: {  	(erf) = vpow2.f32 v2;
	_ =	sdelay $0x6  }
0x56: {  	vm5 =	veq.s32 v0, v34  }
0x57: {  	v37 =	vsel vm5, $0x2710, v34;
	[tilespmem:$0x7A20] =	vst v0  }
0x58: {  	[tilespmem:$0x7AA0] =	vst v37;
	v38 =	vpop (erf)  }
0x59: {  	[tilespmem:$0x7B20] =	vst v38  }
0x5a: {  	v0 =	vld [tilespmem:s0+$0x30]  }
0x5b: {  	v39 =	vld [tilespmem:s0+$0x1530];
	_ =	sdelay $0x6  }
0x5c: {  	v40 =	vld.idx.msk [tilespmem:v0+s19+$0x0], $0xffff  }
0x5d: {  	v41 =	vld.idx.msk [tilespmem:v39+s20+$0x0], $0xffff;
	_ =	sdelay $0x4  }
0x5e: {  	v2 =	vadd.f32 v41, v40;
	_ =	sdelay $0x1  }
0x5f: {  	v3 =	vmul.f32 $2.000000030e-01, v2  }
0x60: {  	vm6 =	vgt.f32 v2, $0.0e+00  }
0x61: {  	v2 =	vsel vm6, v2, v3  }
0x62: {  	v2 =	vmul.f32 $1.442695020e+00, v2;
	_ =	sdelay $0x1  }
0x63: {  	(erf) = vpow2.f32 v2;
	_ =	sdelay $0x6  }
0x64: {  	vm7 =	veq.s32 v0, v39  }
0x65: {  	v42 =	vsel vm7, $0x2710, v39;
	[tilespmem:$0x7A30] =	vst v0  }
0x66: {  	[tilespmem:$0x7AB0] =	vst v42;
	v43 =	vpop (erf)  }
0x67: {  	[tilespmem:$0x7B30] =	vst v43  }
0x68: {  	v0 =	vld [tilespmem:s0+$0x40]  }
0x69: {  	v44 =	vld [tilespmem:s0+$0x1540];
	_ =	sdelay $0x6  }
0x6a: {  	v45 =	vld.idx.msk [tilespmem:v0+s19+$0x0], $0xffff  }
0x6b: {  	v46 =	vld.idx.msk [tilespmem:v44+s20+$0x0], $0xffff;
	_ =	sdelay $0x4  }
0x6c: {  	v2 =	vadd.f32 v46, v45;
	_ =	sdelay $0x1  }
0x6d: {  	v3 =	vmul.f32 $2.000000030e-01, v2  }
0x6e: {  	vm8 =	vgt.f32 v2, $0.0e+00  }
0x6f: {  	v2 =	vsel vm8, v2, v3  }
0x70: {  	v2 =	vmul.f32 $1.442695020e+00, v2;
	_ =	sdelay $0x1  }
0x71: {  	(erf) = vpow2.f32 v2;
	_ =	sdelay $0x6  }
0x72: {  	vm9 =	veq.s32 v0, v44  }
0x73: {  	v47 =	vsel vm9, $0x2710, v44;
	[tilespmem:$0x7A40] =	vst v0  }
0x74: {  	[tilespmem:$0x7AC0] =	vst v47;
	v48 =	vpop (erf)  }
0x75: {  	[tilespmem:$0x7B40] =	vst v48  }
0x76: {  	v0 =	vld [tilespmem:s0+$0x50]  }
0x77: {  	v49 =	vld [tilespmem:s0+$0x1550];
	_ =	sdelay $0x6  }
0x78: {  	v50 =	vld.idx.msk [tilespmem:v0+s19+$0x0], $0xffff  }
0x79: {  	v51 =	vld.idx.msk [tilespmem:v49+s20+$0x0], $0xffff;
	_ =	sdelay $0x4  }
0x7a: {  	v2 =	vadd.f32 v51, v50;
	_ =	sdelay $0x1  }
0x7b: {  	v3 =	vmul.f32 $2.000000030e-01, v2  }
0x7c: {  	vm10 =	vgt.f32 v2, $0.0e+00  }
0x7d: {  	v2 =	vsel vm10, v2, v3  }
0x7e: {  	v2 =	vmul.f32 $1.442695020e+00, v2;
	_ =	sdelay $0x1  }
0x7f: {  	(erf) = vpow2.f32 v2;
	_ =	sdelay $0x6  }
0x80: {  	vm11 =	veq.s32 v0, v49  }
0x81: {  	v52 =	vsel vm11, $0x2710, v49;
	[tilespmem:$0x7A50] =	vst v0  }
0x82: {  	[tilespmem:$0x7AD0] =	vst v52;
	v53 =	vpop (erf)  }
0x83: {  	[tilespmem:$0x7B50] =	vst v53  }
0x84: {  	v0 =	vld [tilespmem:s0+$0x60]  }
0x85: {  	v54 =	vld [tilespmem:s0+$0x1560];
	_ =	sdelay $0x6  }
0x86: {  	v55 =	vld.idx.msk [tilespmem:v0+s19+$0x0], $0xffff  }
0x87: {  	v56 =	vld.idx.msk [tilespmem:v54+s20+$0x0], $0xffff;
	_ =	sdelay $0x4  }
0x88: {  	v2 =	vadd.f32 v56, v55;
	_ =	sdelay $0x1  }
0x89: {  	v3 =	vmul.f32 $2.000000030e-01, v2  }
0x8a: {  	vm12 =	vgt.f32 v2, $0.0e+00  }
0x8b: {  	v2 =	vsel vm12, v2, v3  }
0x8c: {  	v2 =	vmul.f32 $1.442695020e+00, v2;
	_ =	sdelay $0x1  }
0x8d: {  	(erf) = vpow2.f32 v2;
	_ =	sdelay $0x6  }
0x8e: {  	vm13 =	veq.s32 v0, v54  }
0x8f: {  	v57 =	vsel vm13, $0x2710, v54;
	[tilespmem:$0x7A60] =	vst v0  }
0x90: {  	[tilespmem:$0x7AE0] =	vst v57;
	v58 =	vpop (erf)  }
0x91: {  	[tilespmem:$0x7B60] =	vst v58  }
0x92: {  	v0 =	vld [tilespmem:s0+$0x70]  }
0x93: {  	v59 =	vld [tilespmem:s0+$0x1570];
	_ =	sdelay $0x6  }
0x94: {  	v60 =	vld.idx.msk [tilespmem:v0+s19+$0x0], $0xffff  }
0x95: {  	v61 =	vld.idx.msk [tilespmem:v59+s20+$0x0], $0xffff;
	_ =	sdelay $0x4  }
0x96: {  	v2 =	vadd.f32 v61, v60;
	_ =	sdelay $0x1  }
0x97: {  	v3 =	vmul.f32 $2.000000030e-01, v2  }
0x98: {  	vm14 =	vgt.f32 v2, $0.0e+00  }
0x99: {  	v2 =	vsel vm14, v2, v3  }
0x9a: {  	v2 =	vmul.f32 $1.442695020e+00, v2;
	_ =	sdelay $0x1  }
0x9b: {  	(erf) = vpow2.f32 v2;
	_ =	sdelay $0x6  }
0x9c: {  	vm15 =	veq.s32 v0, v59  }
0x9d: {  	v62 =	vsel vm15, $0x2710, v59;
	[tilespmem:$0x7A70] =	vst v0  }
0x9e: {  	[tilespmem:$0x7AF0] =	vst v62;
	v63 =	vpop (erf)  }
0x9f: {  	[tilespmem:$0x7B70] =	vst v63  }
0xa0: {  	[tilespmem:s24], [sflag:$0x1] =	stream.indirect.gather [hbm4b:s7+s22], $0x20, s23, s22, $0xb8;
	[tilespmem:$0x14E00] =	vst v63  }
0xa1: {  	_ =	swait.ge [sflag:s25], $0x1000  }
0xa2: {  	s21 =	simm.s32 $0x8D80;
	[sflag:s25] =	ssyncset.done $0x0  }
0xa3: {  	s5 =	simm.s32 $0x7C80;
	s0 =	simm.s32 $0x0;
	[sflag:s25] =	ssyncadd.s32 $0xFFFFF000  }
.LBB2_3:
0xa4: {  	s6 =	sshra.s32 s0, $0x2  }
0xa5: {  	v0 =	vld [tilespmem:s6+$0x7B00]  }
0xa6: {  	v1 =	vld [tilespmem:s5+$0xFFFFFF00];
	_ =	sdelay $0x3  }
0xa7: {  	v2 =	vbroadcast v0, $0x0  }
0xa8: {  	v3 =	vshll.u32 v1, $0x10  }
0xa9: {  	v1 =	vand.u32 $0xFFFF0000, v1;
	v3 =	vmul.f32 v3, v2  }
0xaa: {  	v1 =	vmul.f32 v1, v2  }
0xab: {  	[tilespmem:s21+$0xFFFFFE00] =	vst v3  }
0xac: {  	[tilespmem:s21+$0xFFFFFE10] =	vst v1  }
0xad: {  	v1 =	vld [tilespmem:s5+$0xFFFFFF10];
	_ =	sdelay $0x4  }
0xae: {  	v19 =	vshll.u32 v1, $0x10  }
0xaf: {  	v1 =	vand.u32 $0xFFFF0000, v1;
	v3 =	vmul.f32 v19, v2  }
0xb0: {  	v1 =	vmul.f32 v1, v2  }
0xb1: {  	[tilespmem:s21+$0xFFFFFE20] =	vst v3  }
0xb2: {  	[tilespmem:s21+$0xFFFFFE30] =	vst v1  }
0xb3: {  	v1 =	vld [tilespmem:s5+$0xFFFFFF20];
	_ =	sdelay $0x3  }
0xb4: {  	v20 =	vbroadcast v0, $0x1  }
0xb5: {  	v21 =	vshll.u32 v1, $0x10  }
0xb6: {  	v1 =	vand.u32 $0xFFFF0000, v1;
	v3 =	vmul.f32 v21, v20  }
0xb7: {  	v1 =	vmul.f32 v1, v20  }
0xb8: {  	[tilespmem:s21+$0xFFFFFE40] =	vst v3  }
0xb9: {  	[tilespmem:s21+$0xFFFFFE50] =	vst v1  }
0xba: {  	v1 =	vld [tilespmem:s5+$0xFFFFFF30];
	_ =	sdelay $0x4  }
0xbb: {  	v22 =	vshll.u32 v1, $0x10  }
0xbc: {  	v1 =	vand.u32 $0xFFFF0000, v1;
	v3 =	vmul.f32 v22, v20  }
0xbd: {  	v1 =	vmul.f32 v1, v20  }
0xbe: {  	[tilespmem:s21+$0xFFFFFE60] =	vst v3  }
0xbf: {  	[tilespmem:s21+$0xFFFFFE70] =	vst v1  }
0xc0: {  	v1 =	vld [tilespmem:s5+$0xFFFFFF40];
	_ =	sdelay $0x3  }
0xc1: {  	v23 =	vbroadcast v0, $0x2  }
0xc2: {  	v24 =	vshll.u32 v1, $0x10  }
0xc3: {  	v1 =	vand.u32 $0xFFFF0000, v1;
	v3 =	vmul.f32 v24, v23  }
0xc4: {  	v1 =	vmul.f32 v1, v23  }
0xc5: {  	[tilespmem:s21+$0xFFFFFE80] =	vst v3  }
0xc6: {  	[tilespmem:s21+$0xFFFFFE90] =	vst v1  }
0xc7: {  	v1 =	vld [tilespmem:s5+$0xFFFFFF50];
	_ =	sdelay $0x4  }
0xc8: {  	v25 =	vshll.u32 v1, $0x10  }
0xc9: {  	v1 =	vand.u32 $0xFFFF0000, v1;
	v3 =	vmul.f32 v25, v23  }
0xca: {  	v1 =	vmul.f32 v1, v23  }
0xcb: {  	[tilespmem:s21+$0xFFFFFEA0] =	vst v3  }
0xcc: {  	[tilespmem:s21+$0xFFFFFEB0] =	vst v1  }
0xcd: {  	v1 =	vld [tilespmem:s5+$0xFFFFFF60];
	_ =	sdelay $0x3  }
0xce: {  	v26 =	vbroadcast v0, $0x3  }
0xcf: {  	v27 =	vshll.u32 v1, $0x10  }
0xd0: {  	v1 =	vand.u32 $0xFFFF0000, v1;
	v3 =	vmul.f32 v27, v26  }
0xd1: {  	v1 =	vmul.f32 v1, v26  }
0xd2: {  	[tilespmem:s21+$0xFFFFFEC0] =	vst v3  }
0xd3: {  	[tilespmem:s21+$0xFFFFFED0] =	vst v1  }
0xd4: {  	v1 =	vld [tilespmem:s5+$0xFFFFFF70];
	_ =	sdelay $0x4  }
0xd5: {  	v28 =	vshll.u32 v1, $0x10  }
0xd6: {  	v1 =	vand.u32 $0xFFFF0000, v1;
	v3 =	vmul.f32 v28, v26  }
0xd7: {  	v1 =	vmul.f32 v1, v26  }
0xd8: {  	[tilespmem:s21+$0xFFFFFEE0] =	vst v3  }
0xd9: {  	[tilespmem:s21+$0xFFFFFEF0] =	vst v1  }
0xda: {  	v1 =	vld [tilespmem:s5+$0xFFFFFF80];
	_ =	sdelay $0x3  }
0xdb: {  	v29 =	vbroadcast v0, $0x4  }
0xdc: {  	v30 =	vshll.u32 v1, $0x10  }
0xdd: {  	v1 =	vand.u32 $0xFFFF0000, v1;
	v3 =	vmul.f32 v30, v29  }
0xde: {  	v1 =	vmul.f32 v1, v29  }
0xdf: {  	[tilespmem:s21+$0xFFFFFF00] =	vst v3  }
0xe0: {  	[tilespmem:s21+$0xFFFFFF10] =	vst v1  }
0xe1: {  	v1 =	vld [tilespmem:s5+$0xFFFFFF90];
	_ =	sdelay $0x4  }
0xe2: {  	v31 =	vshll.u32 v1, $0x10  }
0xe3: {  	v1 =	vand.u32 $0xFFFF0000, v1;
	v3 =	vmul.f32 v31, v29  }
0xe4: {  	v1 =	vmul.f32 v1, v29  }
0xe5: {  	[tilespmem:s21+$0xFFFFFF20] =	vst v3  }
0xe6: {  	[tilespmem:s21+$0xFFFFFF30] =	vst v1  }
0xe7: {  	v1 =	vld [tilespmem:s5+$0xFFFFFFA0];
	_ =	sdelay $0x3  }
0xe8: {  	v32 =	vbroadcast v0, $0x5  }
0xe9: {  	v33 =	vshll.u32 v1, $0x10  }
0xea: {  	v1 =	vand.u32 $0xFFFF0000, v1;
	v3 =	vmul.f32 v33, v32  }
0xeb: {  	v1 =	vmul.f32 v1, v32  }
0xec: {  	[tilespmem:s21+$0xFFFFFF40] =	vst v3  }
0xed: {  	[tilespmem:s21+$0xFFFFFF50] =	vst v1  }
0xee: {  	v1 =	vld [tilespmem:s5+$0xFFFFFFB0];
	_ =	sdelay $0x4  }
0xef: {  	v34 =	vshll.u32 v1, $0x10  }
0xf0: {  	v1 =	vand.u32 $0xFFFF0000, v1;
	v3 =	vmul.f32 v34, v32  }
0xf1: {  	v1 =	vmul.f32 v1, v32  }
0xf2: {  	[tilespmem:s21+$0xFFFFFF60] =	vst v3  }
0xf3: {  	[tilespmem:s21+$0xFFFFFF70] =	vst v1  }
0xf4: {  	v1 =	vld [tilespmem:s5+$0xFFFFFFC0];
	_ =	sdelay $0x3  }
0xf5: {  	v35 =	vbroadcast v0, $0x6  }
0xf6: {  	v36 =	vshll.u32 v1, $0x10  }
0xf7: {  	v1 =	vand.u32 $0xFFFF0000, v1;
	v3 =	vmul.f32 v36, v35  }
0xf8: {  	v1 =	vmul.f32 v1, v35  }
0xf9: {  	[tilespmem:s21+$0xFFFFFF80] =	vst v3  }
0xfa: {  	[tilespmem:s21+$0xFFFFFF90] =	vst v1  }
0xfb: {  	v1 =	vld [tilespmem:s5+$0xFFFFFFD0];
	_ =	sdelay $0x4  }
0xfc: {  	v37 =	vshll.u32 v1, $0x10  }
0xfd: {  	v1 =	vand.u32 $0xFFFF0000, v1;
	v3 =	vmul.f32 v37, v35  }
0xfe: {  	v1 =	vmul.f32 v1, v35  }
0xff: {  	[tilespmem:s21+$0xFFFFFFA0] =	vst v3  }
0x100: {  	[tilespmem:s21+$0xFFFFFFB0] =	vst v1  }
0x101: {  	v1 =	vld [tilespmem:s5+$0xFFFFFFE0];
	_ =	sdelay $0x3  }
0x102: {  	v38 =	vbroadcast v0, $0x7  }
0x103: {  	v39 =	vshll.u32 v1, $0x10  }
0x104: {  	v1 =	vand.u32 $0xFFFF0000, v1;
	v3 =	vmul.f32 v39, v38  }
0x105: {  	v1 =	vmul.f32 v1, v38  }
0x106: {  	[tilespmem:s21+$0xFFFFFFC0] =	vst v3  }
0x107: {  	[tilespmem:s21+$0xFFFFFFD0] =	vst v1  }
0x108: {  	v1 =	vld [tilespmem:s5+$0xFFFFFFF0];
	_ =	sdelay $0x4  }
0x109: {  	v40 =	vshll.u32 v1, $0x10  }
0x10a: {  	v1 =	vand.u32 $0xFFFF0000, v1;
	v3 =	vmul.f32 v40, v38  }
0x10b: {  	v1 =	vmul.f32 v1, v38  }
0x10c: {  	[tilespmem:s21+$0xFFFFFFE0] =	vst v3  }
0x10d: {  	[tilespmem:s21+$0xFFFFFFF0] =	vst v1  }
0x10e: {  	v1 =	vld [tilespmem:s5+$0x0];
	_ =	sdelay $0x3  }
0x10f: {  	v41 =	vbroadcast v0, $0x8  }
0x110: {  	v42 =	vshll.u32 v1, $0x10  }
0x111: {  	v1 =	vand.u32 $0xFFFF0000, v1;
	v3 =	vmul.f32 v42, v41  }
0x112: {  	v1 =	vmul.f32 v1, v41  }
0x113: {  	[tilespmem:s21+$0x0] =	vst v3  }
0x114: {  	[tilespmem:s21+$0x10] =	vst v1  }
0x115: {  	v1 =	vld [tilespmem:s5+$0x10];
	_ =	sdelay $0x4  }
0x116: {  	v43 =	vshll.u32 v1, $0x10  }
0x117: {  	v1 =	vand.u32 $0xFFFF0000, v1;
	v3 =	vmul.f32 v43, v41  }
0x118: {  	v1 =	vmul.f32 v1, v41  }
0x119: {  	[tilespmem:s21+$0x20] =	vst v3  }
0x11a: {  	[tilespmem:s21+$0x30] =	vst v1  }
0x11b: {  	v1 =	vld [tilespmem:s5+$0x20];
	_ =	sdelay $0x3  }
0x11c: {  	v44 =	vbroadcast v0, $0x9  }
0x11d: {  	v45 =	vshll.u32 v1, $0x10  }
0x11e: {  	v1 =	vand.u32 $0xFFFF0000, v1;
	v3 =	vmul.f32 v45, v44  }
0x11f: {  	v1 =	vmul.f32 v1, v44  }
0x120: {  	[tilespmem:s21+$0x40] =	vst v3  }
0x121: {  	[tilespmem:s21+$0x50] =	vst v1  }
0x122: {  	v1 =	vld [tilespmem:s5+$0x30];
	_ =	sdelay $0x4  }
0x123: {  	v46 =	vshll.u32 v1, $0x10  }
0x124: {  	v1 =	vand.u32 $0xFFFF0000, v1;
	v3 =	vmul.f32 v46, v44  }
0x125: {  	v1 =	vmul.f32 v1, v44  }
0x126: {  	[tilespmem:s21+$0x60] =	vst v3  }
0x127: {  	[tilespmem:s21+$0x70] =	vst v1  }
0x128: {  	v1 =	vld [tilespmem:s5+$0x40];
	_ =	sdelay $0x3  }
0x129: {  	v47 =	vbroadcast v0, $0xA  }
0x12a: {  	v48 =	vshll.u32 v1, $0x10  }
0x12b: {  	v1 =	vand.u32 $0xFFFF0000, v1;
	v3 =	vmul.f32 v48, v47  }
0x12c: {  	v1 =	vmul.f32 v1, v47  }
0x12d: {  	[tilespmem:s21+$0x80] =	vst v3  }
0x12e: {  	[tilespmem:s21+$0x90] =	vst v1  }
0x12f: {  	v1 =	vld [tilespmem:s5+$0x50];
	_ =	sdelay $0x4  }
0x130: {  	v49 =	vshll.u32 v1, $0x10  }
0x131: {  	v1 =	vand.u32 $0xFFFF0000, v1;
	v3 =	vmul.f32 v49, v47  }
0x132: {  	v1 =	vmul.f32 v1, v47  }
0x133: {  	[tilespmem:s21+$0xA0] =	vst v3  }
0x134: {  	[tilespmem:s21+$0xB0] =	vst v1  }
0x135: {  	v1 =	vld [tilespmem:s5+$0x60];
	_ =	sdelay $0x3  }
0x136: {  	v50 =	vbroadcast v0, $0xB  }
0x137: {  	v51 =	vshll.u32 v1, $0x10  }
0x138: {  	v1 =	vand.u32 $0xFFFF0000, v1;
	v3 =	vmul.f32 v51, v50  }
0x139: {  	v1 =	vmul.f32 v1, v50  }
0x13a: {  	[tilespmem:s21+$0xC0] =	vst v3  }
0x13b: {  	[tilespmem:s21+$0xD0] =	vst v1  }
0x13c: {  	v1 =	vld [tilespmem:s5+$0x70];
	_ =	sdelay $0x4  }
0x13d: {  	v52 =	vshll.u32 v1, $0x10  }
0x13e: {  	v1 =	vand.u32 $0xFFFF0000, v1;
	v3 =	vmul.f32 v52, v50  }
0x13f: {  	v1 =	vmul.f32 v1, v50  }
0x140: {  	[tilespmem:s21+$0xE0] =	vst v3  }
0x141: {  	[tilespmem:s21+$0xF0] =	vst v1  }
0x142: {  	v1 =	vld [tilespmem:s5+$0x80];
	_ =	sdelay $0x3  }
0x143: {  	v53 =	vbroadcast v0, $0xC  }
0x144: {  	v54 =	vshll.u32 v1, $0x10  }
0x145: {  	v1 =	vand.u32 $0xFFFF0000, v1;
	v3 =	vmul.f32 v54, v53  }
0x146: {  	v1 =	vmul.f32 v1, v53  }
0x147: {  	[tilespmem:s21+$0x100] =	vst v3  }
0x148: {  	[tilespmem:s21+$0x110] =	vst v1  }
0x149: {  	v1 =	vld [tilespmem:s5+$0x90];
	_ =	sdelay $0x4  }
0x14a: {  	v55 =	vshll.u32 v1, $0x10  }
0x14b: {  	v1 =	vand.u32 $0xFFFF0000, v1;
	v3 =	vmul.f32 v55, v53  }
0x14c: {  	v1 =	vmul.f32 v1, v53  }
0x14d: {  	[tilespmem:s21+$0x120] =	vst v3  }
0x14e: {  	[tilespmem:s21+$0x130] =	vst v1  }
0x14f: {  	v1 =	vld [tilespmem:s5+$0xA0];
	_ =	sdelay $0x3  }
0x150: {  	v56 =	vbroadcast v0, $0xD  }
0x151: {  	v57 =	vshll.u32 v1, $0x10  }
0x152: {  	v1 =	vand.u32 $0xFFFF0000, v1;
	v3 =	vmul.f32 v57, v56  }
0x153: {  	v1 =	vmul.f32 v1, v56  }
0x154: {  	[tilespmem:s21+$0x140] =	vst v3  }
0x155: {  	[tilespmem:s21+$0x150] =	vst v1  }
0x156: {  	v1 =	vld [tilespmem:s5+$0xB0];
	_ =	sdelay $0x4  }
0x157: {  	v58 =	vshll.u32 v1, $0x10  }
0x158: {  	v1 =	vand.u32 $0xFFFF0000, v1;
	v3 =	vmul.f32 v58, v56  }
0x159: {  	v1 =	vmul.f32 v1, v56  }
0x15a: {  	[tilespmem:s21+$0x160] =	vst v3  }
0x15b: {  	[tilespmem:s21+$0x170] =	vst v1  }
0x15c: {  	v1 =	vld [tilespmem:s5+$0xC0];
	_ =	sdelay $0x3  }
0x15d: {  	v59 =	vbroadcast v0, $0xE  }
0x15e: {  	v60 =	vshll.u32 v1, $0x10  }
0x15f: {  	v1 =	vand.u32 $0xFFFF0000, v1;
	v3 =	vmul.f32 v60, v59  }
0x160: {  	v1 =	vmul.f32 v1, v59  }
0x161: {  	[tilespmem:s21+$0x180] =	vst v3  }
0x162: {  	[tilespmem:s21+$0x190] =	vst v1  }
0x163: {  	v1 =	vld [tilespmem:s5+$0xD0];
	_ =	sdelay $0x4  }
0x164: {  	v61 =	vshll.u32 v1, $0x10  }
0x165: {  	v1 =	vand.u32 $0xFFFF0000, v1;
	v3 =	vmul.f32 v61, v59  }
0x166: {  	v1 =	vmul.f32 v1, v59  }
0x167: {  	[tilespmem:s21+$0x1A0] =	vst v3  }
0x168: {  	[tilespmem:s21+$0x1B0] =	vst v1  }
0x169: {  	v1 =	vld [tilespmem:s5+$0xE0];
	_ =	sdelay $0x3  }
0x16a: {  	v0 =	vbroadcast v0, $0xF  }
0x16b: {  	v62 =	vshll.u32 v1, $0x10  }
0x16c: {  	v1 =	vand.u32 $0xFFFF0000, v1;
	v2 =	vmul.f32 v62, v0  }
0x16d: {  	v1 =	vmul.f32 v1, v0  }
0x16e: {  	[tilespmem:s21+$0x1C0] =	vst v2  }
0x16f: {  	[tilespmem:s21+$0x1D0] =	vst v1  }
0x170: {  	v1 =	vld [tilespmem:s5+$0xF0];
	_ =	sdelay $0x3  }
0x171: {  	p0 =	sne.s32 s0, $0x1C0  }
.Ltmp0:
0x172: {  	v63 =	vshll.u32 v1, $0x10;
	(pc) =	sbr.rel @p0 .LBB2_3-.Ltmp0, $4  }
0x173: {  	v1 =	vand.u32 $0xFFFF0000, v1;
	v2 =	vmul.f32 v63, v0  }
0x174: {  	v0 =	vmul.f32 v1, v0  }
0x175: {  	[tilespmem:s21+$0x1E0] =	vst v2  }
0x176: {  	s0 =	sadd.s32 $0x40, s0;
	s5 =	sadd.s32 $0x200, s5;
	[tilespmem:s21+$0x1F0] =	vst v0;
	s21 =	sadd.s32 $0x400, s21  }
0x177: {  	[spmem:s3] =	stream.indirect.scatter.add.f32 [tilespmem:s28], [sflag:$0x2], $0x1, s26, s22, $0xb8;
	[tilespmem:$0x14E00] =	vst v63  }
0x178: {  	s1 =	sadd.s32 $0x1, s1  }
0x179: {  	[spmem:s2] =	stream.indirect.scatter.add.f32 [tilespmem:s29], [sflag:$0x1], $0x40, s26, s22, $0xb8;
	[tilespmem:$0x14E00] =	vst v63  }
0x17a: {  	p0 =	sne.s32 s1, $0x28;
	_ =	swait.ge [sflag:s30], $0x80  }
.Ltmp1:
0x17b: {  	[sflag:s30] =	ssyncset.done $0x0;
	(pc) =	sbr.rel @p0 .LBB2_2-.Ltmp1, $4  }
0x17c: {  	[sflag:s30] =	ssyncadd.s32 $0xFFFFFF80  }
0x17d: {  	_ =	swait.ge [sflag:s25], $0x2000  }
0x17e: {  	[sflag:s25] =	ssyncset.done $0x0  }
0x17f: {  	[sflag:s25] =	ssyncadd.s32 $0xFFFFE000  }
0x180: {  	[bflag:$0x0] =	sbarrier.arrive $0xFFFF  }
0x181: {  	[hbm:s13], [sflag:s9] =	dma.local [spmem:s16], $0x1400  }
0x182: {  	s31 =	sadd.s32 $0x1, s31;
	_ =	swait.ge [sflag:s17], $0x1400  }
0x183: {  	p0 =	sne.s32 s31, s15;
	[sflag:s17] =	ssyncset.done $0x0  }
.Ltmp2:
0x184: {  	[sflag:s17] =	ssyncadd.s32 $0xFFFFEC00;
	(pc) =	sbr.rel @p0 .LBB2_1-.Ltmp2, $4  }
0x185: {  	[hbm:s14], [sflag:s9] =	dma.local [spmem:s18], $0x50  }
0x186: {  	_ =	swait.ge [sflag:s17], $0x50  }
0x187: {  	[sflag:s17] =	ssyncset.done $0x0  }
0x188: {  	[sflag:s17] =	ssyncadd.s32 $0xFFFFFFB0  }
0x189: {  	_ =	sfence.sel $0x180000  }
0x18a: {  	[bflag:$0x0] =	sbarrier.arrive $0xFFFF  }
0x18b: {  	_ =	strace $0x9000004A  }
0x18c: {  	s0 =	stileid.u32;
	[bflag:$0x2] =	sbarrier.arrive $0xFFFF  }
0x18d: {  	p0 =	sne.s32 s0, $0x0;
	s0 =	rddreg [dreg:$0x3]  }
0x18e: {  	s0 =	sadd.s32 @!p0 $0x100000, s0  }
0x18f: {  	[sflag:s0] =	ssyncadd.tile.s32 @!p0 $0x1;
	_ =	shalt  }
.Lfunc_end2:
_tile_overlayer_lowered:
.L_overlay_start_2:
0x190: {  	(tag) =	ssettag $0x2  }
0x191: {  	s0 =	rddreg [dreg:$0x0];
	s2 =	stileid.u32  }
0x192: {  	s1 =	rddreg [dreg:$0x1];
	p0 =	sne.s32 s2, $0x0  }
0x193: {  	s3 =	rddreg [dreg:$0x2];
	[bflag:$0x3] =	sbarrier.arrive $0xFFFF;
	s2 =	simm.s32 @!p0 $0x1C03  }
0x194: {  	[timem:s3], [sflag:s2] =	dma.local @!p0 [hbm:s0], s1  }
0x195: {  	s0 =	simm.s32 @!p0 $0x3  }
0x196: {  	_ =	swait.ge @!p0 [sflag:s0], s1  }
0x197: {  	s1 =	ssub.s32 @!p0 $0x0, s1;
	[sflag:s0] =	ssyncset.done @!p0 $0x0  }
0x198: {  	[sflag:s0] =	ssyncadd.s32 @!p0 s1  }
0x199: {  	[bflag:$0x3] =	sbarrier.arrive $0xFFFF  }
0x19a: {  	_ =	shalt  }

// kernel: kernel.13.cloned.1.call-start
scs
__scs_entry_jumppad:
0x0: {  	(pc) =	sbr.rel $0x88, $3  }
0x1: {  	(tag) =	ssettag $0x0;
	lr =	simm.s32 $0x1  }
0x2: {  	[smem:$0x3F8A] =	sst lr;
	_ =	strace $0xD0000000  }
0x3: {  	_ = 	snop  }
0x4: {  	_ = 	snop  }
0x5: {  	_ = 	snop  }
0x6: {  	_ = 	snop  }
0x7: {  	_ = 	snop  }
__scs_overlays_trampoline_lowered:
0x8: {  	[smem:$0x3F99] =	sst s0  }
0x9: {  	[smem:$0x3F9A] =	sst s1  }
0xa: {  	[smem:$0x3F9B] =	sst s2  }
0xb: {  	[smem:$0x3F9C] =	sst s3  }
0xc: {  	[smem:$0x3F9D] =	sst s4  }
0xd: {  	[smem:$0x3F9E] =	sst s5  }
0xe: {  	[smem:$0x3F9F] =	sst s6  }
0xf: {  	[smem:$0x3FA0] =	sst s7  }
0x10: {  	[smem:$0x3FA1] =	sst s8  }
0x11: {  	[smem:$0x3FA2] =	sst s9;
	s0 =	simm.s32 @!p0 $0x0  }
0x12: {  	s1 =	sld [smem:$0x3F88];
	s0 =	simm.s32 @p0 $0x1  }
0x13: {  	[smem:$0x3FA3] =	sst s0;
	s0 =	simm.s32 @!p1 $0x0  }
0x14: {  	s2 =	sld [smem:$0x3F87];
	s0 =	simm.s32 @p1 $0x1  }
0x15: {  	[smem:$0x3FA4] =	sst s0;
	s0 =	simm.s32 @!p2 $0x0  }
0x16: {  	s3 =	sld [smem:$0x3FDB];
	s0 =	simm.s32 @p2 $0x1  }
0x17: {  	s4 =	simm.s32 $0x1BF5;
	[smem:$0x3FA6] =	sst s0  }
0x18: {  	s0 =	sld [smem:$0x3F89];
	_ =	swait.ge [sflag:s4], $0x0  }
0x19: {  	s7 =	sld [smem:$0x3F8A]  }
0x1a: {  	s8 =	sadd.s32 $0xFFFFE003, lr  }
0x1b: {  	s9 =	sadd.s32 $0xFFFFFEF7, lr;
	s5 =	simm.s32 $0xFFFFFFFF;
	p2 =	slt.u32 s8, $0xFFFFF086  }
0x1c: {  	p1 =	slt.u32 s9, $0xF7A;
	s5 =	simm.s32 @!p2 $0x0  }
0x1d: {  	s5 =	simm.s32 @p1 $0x1;
	p0 =	seq.s32 s7, s2  }
0x1e: {  	s7 =	smul.u32 @!p0 $0xF7A, s2;
	p2 =	seq.s32 @!p0 s5, $0x0  }
0x1f: {  	s9 =	smul.u32 $0xF7A, s1;
	s8 =	simm.s32 @!p0 $0x1BF5;
	p2 =	por !p2, p0  }
0x20: {  	[sflag:s8] =	ssyncset.s32 @!p0 $0xFFFFF086;
	s6 =	sadd.s32 @!p0 s3, s7;
	s7 =	simm.s32 @!p0 $0x108  }
0x21: {  	s3 =	sadd.s32 s3, s9;
	s6 =	sadd.s32 @!p0 $0x88, s6;
	s7 =	simm.s32 @p2 $0x1082  }
0x22: {  	[simem:s7], [sflag:s8] =	dma.local @!p0 [hbm:s6], $0xF7A  }
0x23: {  	s9 =	sor.u32 $0xD0000000, s2;
	s6 =	simm.s32 $0x108;
	_ =	swait.ge @!p0 [sflag:s8], $0x0  }
0x24: {  	s3 =	sadd.s32 $0x88, s3;
	s6 =	simm.s32 @!p1 $0x1082;
	[sflag:s4] =	ssyncset.s32 $0xFFFFF086  }
0x25: {  	[simem:s6], [sflag:s4] =	dma.local [hbm:s3], $0xF7A  }
0x26: {  	[smem:$0x3F8A] =	sst s1;
	(tag) =	ssettag s2;
	_ =	strace s9  }
0x27: {  	s1 =	sld [smem:$0x3F9A]  }
0x28: {  	s2 =	sld [smem:$0x3F9B]  }
0x29: {  	s4 =	sld [smem:$0x3F9D]  }
0x2a: {  	p0 =	seq.s32 s5, $0x0;
	s5 =	sld [smem:$0x3F9E]  }
0x2b: {  	s6 =	sld [smem:$0x3F9F]  }
0x2c: {  	s7 =	sld [smem:$0x3FA0]  }
0x2d: {  	s3 =	simm.s32 $0x108;
	s8 =	sld [smem:$0x3FA1]  }
0x2e: {  	s3 =	simm.s32 @!p0 $0x1082;
	s9 =	sld [smem:$0x3FA2]  }
0x2f: {  	lr =	sadd.s32 s0, s3;
	s0 =	sld [smem:$0x3F99]  }
0x30: {  	s3 =	sld [smem:$0x3F9C]  }
0x31: {  	[smem:$0x3FA5] =	sst s10  }
0x32: {  	s10 =	sld [smem:$0x3FA3];
	_ =	sdelay $0x3  }
0x33: {  	p0 =	seq.s32 s10, $0x1;
	s10 =	sld [smem:$0x3FA5];
	_ =	sdelay $0x3  }
0x34: {  	[smem:$0x3FA5] =	sst s10  }
0x35: {  	s10 =	sld [smem:$0x3FA4];
	_ =	sdelay $0x3  }
0x36: {  	p1 =	seq.s32 s10, $0x1;
	s10 =	sld [smem:$0x3FA5];
	_ =	sdelay $0x3  }
0x37: {  	[smem:$0x3FA5] =	sst s10  }
0x38: {  	s10 =	sld [smem:$0x3FA6]  }
0x39: {  	_ = 	snop;
	(pc) =	sbr.ind lr, $3  }
0x3a: {  	_ = 	snop  }
0x3b: {  	_ = 	snop  }
0x3c: {  	p2 =	seq.s32 s10, $0x1;
	s10 =	sld [smem:$0x3FA5]  }
0x3d: {  	_ =	shalt  }
0x3e: {  	_ =	shalt  }
0x3f: {  	_ =	shalt  }
0x40: {  	_ =	shalt  }
0x41: {  	_ =	shalt  }
0x42: {  	_ =	shalt  }
0x43: {  	_ =	shalt  }
0x44: {  	_ =	shalt  }
0x45: {  	_ =	shalt  }
0x46: {  	_ =	shalt  }
0x47: {  	_ =	shalt  }
0x48: {  	_ =	shalt  }
0x49: {  	_ =	shalt  }
0x4a: {  	_ =	shalt  }
0x4b: {  	_ =	shalt  }
0x4c: {  	_ =	shalt  }
0x4d: {  	_ =	shalt  }
0x4e: {  	_ =	shalt  }
0x4f: {  	_ =	shalt  }
0x50: {  	_ =	shalt  }
0x51: {  	_ =	shalt  }
0x52: {  	_ =	shalt  }
0x53: {  	_ =	shalt  }
0x54: {  	_ =	shalt  }
0x55: {  	_ =	shalt  }
0x56: {  	_ =	shalt  }
0x57: {  	_ =	shalt  }
0x58: {  	_ =	shalt  }
0x59: {  	_ =	shalt  }
0x5a: {  	_ =	shalt  }
0x5b: {  	_ =	shalt  }
0x5c: {  	_ =	shalt  }
0x5d: {  	_ =	shalt  }
0x5e: {  	_ =	shalt  }
0x5f: {  	_ =	shalt  }
0x60: {  	_ =	shalt  }
0x61: {  	_ =	shalt  }
0x62: {  	_ =	shalt  }
0x63: {  	_ =	shalt  }
0x64: {  	_ =	shalt  }
0x65: {  	_ =	shalt  }
0x66: {  	_ =	shalt  }
0x67: {  	_ =	shalt  }
0x68: {  	_ =	shalt  }
0x69: {  	_ =	shalt  }
0x6a: {  	_ =	shalt  }
0x6b: {  	_ =	shalt  }
0x6c: {  	_ =	shalt  }
0x6d: {  	_ =	shalt  }
0x6e: {  	_ =	shalt  }
0x6f: {  	_ =	shalt  }
0x70: {  	_ =	shalt  }
0x71: {  	_ =	shalt  }
0x72: {  	_ =	shalt  }
0x73: {  	_ =	shalt  }
0x74: {  	_ =	shalt  }
0x75: {  	_ =	shalt  }
0x76: {  	_ =	shalt  }
0x77: {  	_ =	shalt  }
0x78: {  	_ =	shalt  }
0x79: {  	_ =	shalt  }
0x7a: {  	_ =	shalt  }
0x7b: {  	_ =	shalt  }
0x7c: {  	_ =	shalt  }
0x7d: {  	_ =	shalt  }
0x7e: {  	_ =	shalt  }
0x7f: {  	_ =	shalt  }
0x80: {  	_ =	shalt  }
0x81: {  	_ =	shalt  }
0x82: {  	_ =	shalt  }
0x83: {  	_ =	shalt  }
0x84: {  	_ =	shalt  }
0x85: {  	_ =	shalt  }
0x86: {  	_ =	shalt  }
0x87: {  	_ =	shalt  }
.Lfunc_end0:
.L_simem_size_0:
called_computation.2_lowered:
.L_overlay_start_0:
0x88: {  	s2 =	sld [smem:$0x3FD9]  }
0x89: {  	s3 =	sld [smem:$0x3FFE];
	_ =	sdelay $0x1  }
0x8a: {  	s1 =	srdreg.scid  }
0x8b: {  	s0 =	sand.u32 $0x1, s1  }
0x8c: {  	s16 =	sshll.u32 s0, $0xA;
	s2 =	sadd.s32 s3, s2  }
0x8d: {  	s2 =	sadd.s32 s2, s16  }
0x8e: {  	[smem:$0x3FB1] =	sst s2  }
0x8f: {  	_ = 	snop  }
0x90: {  	(tm) =	ssettm $0x1  }
0x91: {  	s17 =	sld [smem:$0x3FFB];
	_ =	sdelay $0x3  }
0x92: {  	_ =	strace s17  }
0x93: {  	s2 =	sld [smem:$0x3FFC];
	_ =	sdelay $0x3  }
0x94: {  	_ =	strace s2  }
0x95: {  	s2 =	sld [smem:$0x3FFD];
	_ =	sdelay $0x3  }
0x96: {  	_ =	strace s2  }
0x97: {  	_ =	strace $0x8FFFFFFF  }
0x98: {  	s18 =	sld [smem:$0x3FDB];
	_ =	sdelay $0x1  }
0x99: {  	s19 =	simm.s32 $_scs_section_size  }
0x9a: {  	s4 =	simm.s32 $_size__tile_overlayer_lowered;
	s5 =	simm.s32 $_tile_overlayer_lowered  }
0x9b: {  	s22 =	simm.s32 $0x1BFF;
	s21 =	sshll.u32 s5, $0x1;
	s2 =	sadd.s32 s19, s18  }
0x9c: {  	s6 =	simm.s32 $0x0;
	s20 =	sshll.u32 s4, $0x1;
	s4 =	sadd.s32 s21, s2  }
0x9d: {  	[timem:s6], [sflag:s22] =	dma.local [hbm:s4], s20  }
0x9e: {  	_ =	swait.ge [sflag:s22], s20  }
0x9f: {  	s3 =	ssub.s32 $0x0, s20;
	[sflag:s22] =	ssyncset.done $0x0  }
0xa0: {  	[sflag:s22] =	ssyncadd.s32 s3;
	_ =	sdelay $0x1  }
0xa1: {  	s23 =	simm.s32 $0x1B8B  }
0xa2: {  	_ =	swait.ge [sflag:s23], $0x1  }
0xa3: {  	[sflag:s23] =	ssyncset.done $0x0  }
0xa4: {  	s25 =	simm.s32 $0x1B8E;
	s24 =	sld [smem:$0x3FFE];
	[sflag:s23] =	ssyncadd.s32 $0xFFFFFFFF  }
0xa5: {  	s26 =	simm.s32 $execute0_lowered;
	[smem:$0x3FD2] =	sst s25  }
0xa6: {  	s4 =	sshll.u32 s26, $0x1;
	_ =	strace $0x80000046;
	[dreg:$0x1] =	wrdreg $0xFFFFFFFF  }
0xa7: {  	s28 =	simm.s32 $_size_execute0_lowered;
	s2 =	sadd.s32 s2, s4;
	[dreg:$0x0] =	wrdreg $0x0  }
0xa8: {  	s4 =	sshll.u32 s28, $0x1;
	[dreg:$0x2] =	wrdreg s2  }
0xa9: {  	[dreg:$0x3] =	wrdreg s4  }
0xaa: {  	[dreg:$0x4] =	wrdreg $0xC0  }
0xab: {  	_ =	task [dreg:s6], $0x5FFFF  }
0xac: {  	[dreg:$0x1] =	wrdreg $0xFFFFFFFF  }
0xad: {  	[dreg:$0x0] =	wrdreg $0x60  }
0xae: {  	[dreg:$0x2] =	wrdreg s24  }
0xaf: {  	[dreg:$0x3] =	wrdreg $0xAB800  }
0xb0: {  	[dreg:$0x4] =	wrdreg $0x14B800  }
0xb1: {  	[dreg:$0x5] =	wrdreg $0xB  }
0xb2: {  	_ =	task.clear_ibuf [dreg:s6], $0x6FFFF;
	_ =	strace $0x90000046  }
0xb3: {  	s29 =	simm.s32 $0xB;
	_ =	strace $0x80000048  }
0xb4: {  	_ =	swait.ge [sflag:s29], $0x1  }
0xb5: {  	[sflag:s29] =	ssyncadd.s32 $0xFFFFFFFF  }
0xb6: {  	_ =	strace $0x90000048  }
0xb7: {  	_ =	sfence  }
0xb8: {  	s30 =	sld [smem:$0x0];
	_ =	sdelay $0x2  }
0xb9: {  	s31 =	sshll.u32 s1, $0xD;
	s1 =	sshrl.u32 s1, $0x2  }
0xba: {  	s3 =	sand.u32 $0x4000, s31;
	s1 =	sadd.s32 s1, s30  }
0xbb: {  	s0 =	sor.u32 s3, s0;
	s1 =	sshll.u32 s1, $0x11  }
0xbc: {  	s0 =	sor.u32 s1, s0  }
0xbd: {  	s0 =	sadd.s32 $0x8F2B, s0  }
0xbe: {  	[sflag:s0] =	ssyncadd.remote.s32 $0x1  }
0xbf: {  	_ =	sfence.sel $0xFFFF  }
0xc0: {  	[dreg:$0x0] =	wrdreg $0xFFFFFFFF;
	(pc) =	sbr.abs _section_cstart, $3  }
0xc1: {  	[dreg:$0x1] =	wrdreg $0xFFFFFFFF  }
0xc2: {  	_ =	task.clear_ibuf [dreg:s6], $0x2FFFF;
	_ =	strace $0x9FFFFFFF  }
0xc3: {  	(tm) =	ssettm $0x7FFFFFFF  }
tec
execute0_lowered:
.L_overlay_start_1:
0x0: {  	(tag) =	ssettag $0x1  }
0x1: {  	s1 =	rddreg [dreg:$0x0]  }
0x2: {  	s0 =	srdreg.scid;
	s2 =	rddreg [dreg:$0x1]  }
0x3: {  	s6 =	stileid.u32;
	s3 =	rddreg [dreg:$0x2];
	s17 =	simm.s32 $0x3  }
0x4: {  	s19 =	simm.s32 $0x2A00;
	s20 =	simm.s32 $0x5200;
	s22 =	simm.s32 $0x80  }
0x5: {  	s23 =	simm.s32 $0x7A00;
	s28 =	simm.s32 $0x7B00;
	s29 =	simm.s32 $0x8B80  }
0x6: {  	s30 =	simm.s32 $0x2;
	s31 =	simm.s32 $0x0;
	s8 =	smul.u32 $0xA000, s6  }
0x7: {  	s0 =	sand.u32 $0x1, s0;
	s10 =	smul.u32 $0x280, s6;
	s7 =	sadd.s32 $0xF5E00, s1  }
0x8: {  	s24 =	sadd.s32 $0xF6400, s1;
	s26 =	sshll.u32 s6, $0x6;
	s9 =	smul.u32 $0xA0000, s0  }
0x9: {  	s4 =	sshll.u32 s0, $0x4;
	s12 =	smul.u32 $0x2800, s0;
	s0 =	ssub.s32 $0x2, s0  }
0xa: {  	s5 =	sor.u32 s6, s4;
	s4 =	simm.s32 $0x0;
	s11 =	sshrl.u32 s8, $0x3  }
0xb: {  	s13 =	sshrl.u32 s10, $0x3;
	s25 =	sshrl.u32 s0, $0x1;
	s16 =	sadd.s32 s8, s2  }
0xc: {  	s18 =	sadd.s32 s10, s3;
	s5 =	smul.u32 $0x2A0, s5;
	[smem:$0x7FF] =	sst s4  }
0xd: {  	s11 =	sadd.s32 s11, s1;
	s13 =	sadd.s32 s13, s1;
	s9 =	sadd.s32 s8, s9  }
0xe: {  	s12 =	sadd.s32 s10, s12;
	s0 =	ssub.s32 s0, s25;
	s16 =	sshrl.u32 s16, $0x3  }
0xf: {  	s18 =	sshrl.u32 s18, $0x3;
	_ =	strace $0x80000047;
	[dreg:$0x4] =	wrdreg s7  }
0x10: {  	s25 =	simm.s32 $0x1;
	[dreg:$0x5] =	wrdreg s24;
	s7 =	sadd.s32 $0xF6A00, s1  }
0x11: {  	s9 =	sshrl.u32 s9, $0x3;
	s12 =	sshrl.u32 s12, $0x3;
	s8 =	sadd.s32 $0x100E00, s11  }
0x12: {  	s10 =	sadd.s32 $0x100800, s13;
	s24 =	simm.s32 $0x7B80;
	s5 =	sadd.s32 s5, s1  }
0x13: {  	s14 =	sadd.s32 s9, s1;
	s1 =	sadd.s32 s12, s1;
	s9 =	sor.u32 $0x1C03, s26  }
0x14: {  	s26 =	simm.s32 $0x7A80;
	s11 =	sadd.s32 $0x5E00, s5;
	s12 =	sadd.s32 $0xA00, s5  }
0x15: {  	s15 =	smax.u32 s0, $0x1;
	s13 =	sadd.s32 $0x114E00, s14;
	s14 =	sadd.s32 $0x13CE00, s1  }
.LBB2_1:
0x16: {  	[spmem:s16], [sflag:s9] =	dma.local [hbm:s8], $0x1400  }
0x17: {  	_ =	swait.ge [sflag:s17], $0x1400  }
0x18: {  	[sflag:s17] =	ssyncset.done $0x0  }
0x19: {  	[sflag:s17] =	ssyncadd.s32 $0xFFFFEC00  }
0x1a: {  	[spmem:s18], [sflag:s9] =	dma.local [hbm:s10], $0x50  }
0x1b: {  	_ =	swait.ge [sflag:s17], $0x50  }
0x1c: {  	[sflag:s17] =	ssyncset.done $0x0  }
0x1d: {  	s0 =	rddreg [dreg:$0x4];
	[sflag:s17] =	ssyncadd.s32 $0xFFFFFFB0  }
0x1e: {  	[tilespmem:s19], [sflag:$0x3] =	stream.linear.gather [hbm4b:s0+s4], $0x2800, $0x38;
	[tilespmem:$0x14E00] =	vst v63  }
0x1f: {  	_ =	swait.ge [sflag:s17], $0x2800  }
0x20: {  	[sflag:s17] =	ssyncset.done $0x0  }
0x21: {  	s6 =	rddreg [dreg:$0x5];
	[sflag:s17] =	ssyncadd.s32 $0xFFFFD800  }
0x22: {  	[tilespmem:s20], [sflag:$0x3] =	stream.linear.gather [hbm4b:s6+s4], $0x2800, $0x38;
	[tilespmem:$0x14E00] =	vst v63  }
0x23: {  	_ =	swait.ge [sflag:s17], $0x2800  }
0x24: {  	[sflag:s17] =	ssyncset.done $0x0  }
0x25: {  	[sflag:s17] =	ssyncadd.s32 $0xFFFFD800  }
0x26: {  	[tilespmem:s4], [sflag:$0x3] =	stream.linear.gather [hbm4b:s11+s4], $0x1500, $0x38;
	[tilespmem:$0x14E00] =	vst v63  }
0x27: {  	_ =	swait.ge [sflag:s17], $0x1500  }
0x28: {  	[sflag:s17] =	ssyncset.done $0x0  }
0x29: {  	s21 =	simm.s32 $0x1500;
	[sflag:s17] =	ssyncadd.s32 $0xFFFFEB00  }
0x2a: {  	[tilespmem:s21], [sflag:$0x3] =	stream.linear.gather [hbm4b:s12+s4], $0x1500, $0x38;
	[tilespmem:$0x14E00] =	vst v63  }
0x2b: {  	_ =	swait.ge [sflag:s17], $0x1500  }
0x2c: {  	[sflag:s17] =	ssyncset.done $0x0  }
0x2d: {  	[sflag:s17] =	ssyncadd.s32 $0xFFFFEB00  }
0x2e: {  	s1 =	simm.s32 $0x0;
	[bflag:$0x0] =	sbarrier.arrive $0xFFFF  }
.LBB2_2:
0x2f: {  	s0 =	sshll.u32 s1, $0x7  }
0x30: {  	v0 =	vld [tilespmem:s0+$0x0]  }
0x31: {  	v1 =	vld [tilespmem:s0+$0x1500];
	_ =	sdelay $0x6  }
0x32: {  	v2 =	vld.idx.msk [tilespmem:v0+s19+$0x0], $0xffff  }
0x33: {  	v3 =	vld.idx.msk [tilespmem:v1+s20+$0x0], $0xffff;
	_ =	sdelay $0x4  }
0x34: {  	v2 =	vadd.f32 v3, v2;
	_ =	sdelay $0x1  }
0x35: {  	v3 =	vmul.f32 $2.000000030e-01, v2  }
0x36: {  	vm0 =	vgt.f32 v2, $0.0e+00  }
0x37: {  	v2 =	vsel vm0, v2, v3  }
0x38: {  	v2 =	vmul.f32 $1.442695020e+00, v2;
	_ =	sdelay $0x1  }
0x39: {  	(erf) = vpow2.f32 v2;
	_ =	sdelay $0x6  }
0x3a: {  	vm13 =	veq.s32 v0, v1  }
0x3b: {  	v27 =	vsel vm13, $0x2710, v1;
	[tilespmem:$0x7A00] =	vst v0  }
0x3c: {  	[tilespmem:$0x7A80] =	vst v27;
	v28 =	vpop (erf)  }
0x3d: {  	[tilespmem:$0x7B00] =	vst v28  }
0x3e: {  	v0 =	vld [tilespmem:s0+$0x10]  }
0x3f: {  	v29 =	vld [tilespmem:s0+$0x1510];
	_ =	sdelay $0x6  }
0x40: {  	v30 =	vld.idx.msk [tilespmem:v0+s19+$0x0], $0xffff  }
0x41: {  	v31 =	vld.idx.msk [tilespmem:v29+s20+$0x0], $0xffff;
	_ =	sdelay $0x4  }
0x42: {  	v2 =	vadd.f32 v31, v30;
	_ =	sdelay $0x1  }
0x43: {  	v3 =	vmul.f32 $2.000000030e-01, v2  }
0x44: {  	vm14 =	vgt.f32 v2, $0.0e+00  }
0x45: {  	v2 =	vsel vm14, v2, v3  }
0x46: {  	v2 =	vmul.f32 $1.442695020e+00, v2;
	_ =	sdelay $0x1  }
0x47: {  	(erf) = vpow2.f32 v2;
	_ =	sdelay $0x6  }
0x48: {  	vm15 =	veq.s32 v0, v29  }
0x49: {  	v32 =	vsel vm15, $0x2710, v29;
	[tilespmem:$0x7A10] =	vst v0  }
0x4a: {  	[tilespmem:$0x7A90] =	vst v32;
	v33 =	vpop (erf)  }
0x4b: {  	[tilespmem:$0x7B10] =	vst v33  }
0x4c: {  	v0 =	vld [tilespmem:s0+$0x20]  }
0x4d: {  	v34 =	vld [tilespmem:s0+$0x1520];
	_ =	sdelay $0x6  }
0x4e: {  	v35 =	vld.idx.msk [tilespmem:v0+s19+$0x0], $0xffff  }
0x4f: {  	v36 =	vld.idx.msk [tilespmem:v34+s20+$0x0], $0xffff;
	_ =	sdelay $0x4  }
0x50: {  	v2 =	vadd.f32 v36, v35;
	_ =	sdelay $0x1  }
0x51: {  	v3 =	vmul.f32 $2.000000030e-01, v2  }
0x52: {  	vm4 =	vgt.f32 v2, $0.0e+00  }
0x53: {  	v2 =	vsel vm4, v2, v3  }
0x54: {  	v2 =	vmul.f32 $1.442695020e+00, v2;
	_ =	sdelay $0x1  }
0x55: {  	(erf) = vpow2.f32 v2;
	_ =	sdelay $0x6  }
0x56: {  	vm5 =	veq.s32 v0, v34  }
0x57: {  	v37 =	vsel vm5, $0x2710, v34;
	[tilespmem:$0x7A20] =	vst v0  }
0x58: {  	[tilespmem:$0x7AA0] =	vst v37;
	v38 =	vpop (erf)  }
0x59: {  	[tilespmem:$0x7B20] =	vst v38  }
0x5a: {  	v0 =	vld [tilespmem:s0+$0x30]  }
0x5b: {  	v39 =	vld [tilespmem:s0+$0x1530];
	_ =	sdelay $0x6  }
0x5c: {  	v40 =	vld.idx.msk [tilespmem:v0+s19+$0x0], $0xffff  }
0x5d: {  	v41 =	vld.idx.msk [tilespmem:v39+s20+$0x0], $0xffff;
	_ =	sdelay $0x4  }
0x5e: {  	v2 =	vadd.f32 v41, v40;
	_ =	sdelay $0x1  }
0x5f: {  	v3 =	vmul.f32 $2.000000030e-01, v2  }
0x60: {  	vm6 =	vgt.f32 v2, $0.0e+00  }
0x61: {  	v2 =	vsel vm6, v2, v3  }
0x62: {  	v2 =	vmul.f32 $1.442695020e+00, v2;
	_ =	sdelay $0x1  }
0x63: {  	(erf) = vpow2.f32 v2;
	_ =	sdelay $0x6  }
0x64: {  	vm7 =	veq.s32 v0, v39  }
0x65: {  	v42 =	vsel vm7, $0x2710, v39;
	[tilespmem:$0x7A30] =	vst v0  }
0x66: {  	[tilespmem:$0x7AB0] =	vst v42;
	v43 =	vpop (erf)  }
0x67: {  	[tilespmem:$0x7B30] =	vst v43  }
0x68: {  	v0 =	vld [tilespmem:s0+$0x40]  }
0x69: {  	v44 =	vld [tilespmem:s0+$0x1540];
	_ =	sdelay $0x6  }
0x6a: {  	v45 =	vld.idx.msk [tilespmem:v0+s19+$0x0], $0xffff  }
0x6b: {  	v46 =	vld.idx.msk [tilespmem:v44+s20+$0x0], $0xffff;
	_ =	sdelay $0x4  }
0x6c: {  	v2 =	vadd.f32 v46, v45;
	_ =	sdelay $0x1  }
0x6d: {  	v3 =	vmul.f32 $2.000000030e-01, v2  }
0x6e: {  	vm8 =	vgt.f32 v2, $0.0e+00  }
0x6f: {  	v2 =	vsel vm8, v2, v3  }
0x70: {  	v2 =	vmul.f32 $1.442695020e+00, v2;
	_ =	sdelay $0x1  }
0x71: {  	(erf) = vpow2.f32 v2;
	_ =	sdelay $0x6  }
0x72: {  	vm9 =	veq.s32 v0, v44  }
0x73: {  	v47 =	vsel vm9, $0x2710, v44;
	[tilespmem:$0x7A40] =	vst v0  }
0x74: {  	[tilespmem:$0x7AC0] =	vst v47;
	v48 =	vpop (erf)  }
0x75: {  	[tilespmem:$0x7B40] =	vst v48  }
0x76: {  	v0 =	vld [tilespmem:s0+$0x50]  }
0x77: {  	v49 =	vld [tilespmem:s0+$0x1550];
	_ =	sdelay $0x6  }
0x78: {  	v50 =	vld.idx.msk [tilespmem:v0+s19+$0x0], $0xffff  }
0x79: {  	v51 =	vld.idx.msk [tilespmem:v49+s20+$0x0], $0xffff;
	_ =	sdelay $0x4  }
0x7a: {  	v2 =	vadd.f32 v51, v50;
	_ =	sdelay $0x1  }
0x7b: {  	v3 =	vmul.f32 $2.000000030e-01, v2  }
0x7c: {  	vm10 =	vgt.f32 v2, $0.0e+00  }
0x7d: {  	v2 =	vsel vm10, v2, v3  }
0x7e: {  	v2 =	vmul.f32 $1.442695020e+00, v2;
	_ =	sdelay $0x1  }
0x7f: {  	(erf) = vpow2.f32 v2;
	_ =	sdelay $0x6  }
0x80: {  	vm11 =	veq.s32 v0, v49  }
0x81: {  	v52 =	vsel vm11, $0x2710, v49;
	[tilespmem:$0x7A50] =	vst v0  }
0x82: {  	[tilespmem:$0x7AD0] =	vst v52;
	v53 =	vpop (erf)  }
0x83: {  	[tilespmem:$0x7B50] =	vst v53  }
0x84: {  	v0 =	vld [tilespmem:s0+$0x60]  }
0x85: {  	v54 =	vld [tilespmem:s0+$0x1560];
	_ =	sdelay $0x6  }
0x86: {  	v55 =	vld.idx.msk [tilespmem:v0+s19+$0x0], $0xffff  }
0x87: {  	v56 =	vld.idx.msk [tilespmem:v54+s20+$0x0], $0xffff;
	_ =	sdelay $0x4  }
0x88: {  	v2 =	vadd.f32 v56, v55;
	_ =	sdelay $0x1  }
0x89: {  	v3 =	vmul.f32 $2.000000030e-01, v2  }
0x8a: {  	vm12 =	vgt.f32 v2, $0.0e+00  }
0x8b: {  	v2 =	vsel vm12, v2, v3  }
0x8c: {  	v2 =	vmul.f32 $1.442695020e+00, v2;
	_ =	sdelay $0x1  }
0x8d: {  	(erf) = vpow2.f32 v2;
	_ =	sdelay $0x6  }
0x8e: {  	vm13 =	veq.s32 v0, v54  }
0x8f: {  	v57 =	vsel vm13, $0x2710, v54;
	[tilespmem:$0x7A60] =	vst v0  }
0x90: {  	[tilespmem:$0x7AE0] =	vst v57;
	v58 =	vpop (erf)  }
0x91: {  	[tilespmem:$0x7B60] =	vst v58  }
0x92: {  	v0 =	vld [tilespmem:s0+$0x70]  }
0x93: {  	v59 =	vld [tilespmem:s0+$0x1570];
	_ =	sdelay $0x6  }
0x94: {  	v60 =	vld.idx.msk [tilespmem:v0+s19+$0x0], $0xffff  }
0x95: {  	v61 =	vld.idx.msk [tilespmem:v59+s20+$0x0], $0xffff;
	_ =	sdelay $0x4  }
0x96: {  	v2 =	vadd.f32 v61, v60;
	_ =	sdelay $0x1  }
0x97: {  	v3 =	vmul.f32 $2.000000030e-01, v2  }
0x98: {  	vm14 =	vgt.f32 v2, $0.0e+00  }
0x99: {  	v2 =	vsel vm14, v2, v3  }
0x9a: {  	v2 =	vmul.f32 $1.442695020e+00, v2;
	_ =	sdelay $0x1  }
0x9b: {  	(erf) = vpow2.f32 v2;
	_ =	sdelay $0x6  }
0x9c: {  	vm15 =	veq.s32 v0, v59  }
0x9d: {  	v62 =	vsel vm15, $0x2710, v59;
	[tilespmem:$0x7A70] =	vst v0  }
0x9e: {  	[tilespmem:$0x7AF0] =	vst v62;
	v63 =	vpop (erf)  }
0x9f: {  	[tilespmem:$0x7B70] =	vst v63  }
0xa0: {  	[tilespmem:s24], [sflag:$0x1] =	stream.indirect.gather [hbm4b:s7+s22], $0x20, s23, s22, $0xb8;
	[tilespmem:$0x14E00] =	vst v63  }
0xa1: {  	_ =	swait.ge [sflag:s25], $0x1000  }
0xa2: {  	s21 =	simm.s32 $0x8D80;
	[sflag:s25] =	ssyncset.done $0x0  }
0xa3: {  	s5 =	simm.s32 $0x7C80;
	s0 =	simm.s32 $0x0;
	[sflag:s25] =	ssyncadd.s32 $0xFFFFF000  }
.LBB2_3:
0xa4: {  	s6 =	sshra.s32 s0, $0x2  }
0xa5: {  	v0 =	vld [tilespmem:s6+$0x7B00]  }
0xa6: {  	v1 =	vld [tilespmem:s5+$0xFFFFFF00];
	_ =	sdelay $0x3  }
0xa7: {  	v2 =	vbroadcast v0, $0x0  }
0xa8: {  	v3 =	vshll.u32 v1, $0x10  }
0xa9: {  	v1 =	vand.u32 $0xFFFF0000, v1;
	v3 =	vmul.f32 v3, v2  }
0xaa: {  	v1 =	vmul.f32 v1, v2  }
0xab: {  	[tilespmem:s21+$0xFFFFFE00] =	vst v3  }
0xac: {  	[tilespmem:s21+$0xFFFFFE10] =	vst v1  }
0xad: {  	v1 =	vld [tilespmem:s5+$0xFFFFFF10];
	_ =	sdelay $0x4  }
0xae: {  	v19 =	vshll.u32 v1, $0x10  }
0xaf: {  	v1 =	vand.u32 $0xFFFF0000, v1;
	v3 =	vmul.f32 v19, v2  }
0xb0: {  	v1 =	vmul.f32 v1, v2  }
0xb1: {  	[tilespmem:s21+$0xFFFFFE20] =	vst v3  }
0xb2: {  	[tilespmem:s21+$0xFFFFFE30] =	vst v1  }
0xb3: {  	v1 =	vld [tilespmem:s5+$0xFFFFFF20];
	_ =	sdelay $0x3  }
0xb4: {  	v20 =	vbroadcast v0, $0x1  }
0xb5: {  	v21 =	vshll.u32 v1, $0x10  }
0xb6: {  	v1 =	vand.u32 $0xFFFF0000, v1;
	v3 =	vmul.f32 v21, v20  }
0xb7: {  	v1 =	vmul.f32 v1, v20  }
0xb8: {  	[tilespmem:s21+$0xFFFFFE40] =	vst v3  }
0xb9: {  	[tilespmem:s21+$0xFFFFFE50] =	vst v1  }
0xba: {  	v1 =	vld [tilespmem:s5+$0xFFFFFF30];
	_ =	sdelay $0x4  }
0xbb: {  	v22 =	vshll.u32 v1, $0x10  }
0xbc: {  	v1 =	vand.u32 $0xFFFF0000, v1;
	v3 =	vmul.f32 v22, v20  }
0xbd: {  	v1 =	vmul.f32 v1, v20  }
0xbe: {  	[tilespmem:s21+$0xFFFFFE60] =	vst v3  }
0xbf: {  	[tilespmem:s21+$0xFFFFFE70] =	vst v1  }
0xc0: {  	v1 =	vld [tilespmem:s5+$0xFFFFFF40];
	_ =	sdelay $0x3  }
0xc1: {  	v23 =	vbroadcast v0, $0x2  }
0xc2: {  	v24 =	vshll.u32 v1, $0x10  }
0xc3: {  	v1 =	vand.u32 $0xFFFF0000, v1;
	v3 =	vmul.f32 v24, v23  }
0xc4: {  	v1 =	vmul.f32 v1, v23  }
0xc5: {  	[tilespmem:s21+$0xFFFFFE80] =	vst v3  }
0xc6: {  	[tilespmem:s21+$0xFFFFFE90] =	vst v1  }
0xc7: {  	v1 =	vld [tilespmem:s5+$0xFFFFFF50];
	_ =	sdelay $0x4  }
0xc8: {  	v25 =	vshll.u32 v1, $0x10  }
0xc9: {  	v1 =	vand.u32 $0xFFFF0000, v1;
	v3 =	vmul.f32 v25, v23  }
0xca: {  	v1 =	vmul.f32 v1, v23  }
0xcb: {  	[tilespmem:s21+$0xFFFFFEA0] =	vst v3  }
0xcc: {  	[tilespmem:s21+$0xFFFFFEB0] =	vst v1  }
0xcd: {  	v1 =	vld [tilespmem:s5+$0xFFFFFF60];
	_ =	sdelay $0x3  }
0xce: {  	v26 =	vbroadcast v0, $0x3  }
0xcf: {  	v27 =	vshll.u32 v1, $0x10  }
0xd0: {  	v1 =	vand.u32 $0xFFFF0000, v1;
	v3 =	vmul.f32 v27, v26  }
0xd1: {  	v1 =	vmul.f32 v1, v26  }
0xd2: {  	[tilespmem:s21+$0xFFFFFEC0] =	vst v3  }
0xd3: {  	[tilespmem:s21+$0xFFFFFED0] =	vst v1  }
0xd4: {  	v1 =	vld [tilespmem:s5+$0xFFFFFF70];
	_ =	sdelay $0x4  }
0xd5: {  	v28 =	vshll.u32 v1, $0x10  }
0xd6: {  	v1 =	vand.u32 $0xFFFF0000, v1;
	v3 =	vmul.f32 v28, v26  }
0xd7: {  	v1 =	vmul.f32 v1, v26  }
0xd8: {  	[tilespmem:s21+$0xFFFFFEE0] =	vst v3  }
0xd9: {  	[tilespmem:s21+$0xFFFFFEF0] =	vst v1  }
0xda: {  	v1 =	vld [tilespmem:s5+$0xFFFFFF80];
	_ =	sdelay $0x3  }
0xdb: {  	v29 =	vbroadcast v0, $0x4  }
0xdc: {  	v30 =	vshll.u32 v1, $0x10  }
0xdd: {  	v1 =	vand.u32 $0xFFFF0000, v1;
	v3 =	vmul.f32 v30, v29  }
0xde: {  	v1 =	vmul.f32 v1, v29  }
0xdf: {  	[tilespmem:s21+$0xFFFFFF00] =	vst v3  }
0xe0: {  	[tilespmem:s21+$0xFFFFFF10] =	vst v1  }
0xe1: {  	v1 =	vld [tilespmem:s5+$0xFFFFFF90];
	_ =	sdelay $0x4  }
0xe2: {  	v31 =	vshll.u32 v1, $0x10  }
0xe3: {  	v1 =	vand.u32 $0xFFFF0000, v1;
	v3 =	vmul.f32 v31, v29  }
0xe4: {  	v1 =	vmul.f32 v1, v29  }
0xe5: {  	[tilespmem:s21+$0xFFFFFF20] =	vst v3  }
0xe6: {  	[tilespmem:s21+$0xFFFFFF30] =	vst v1  }
0xe7: {  	v1 =	vld [tilespmem:s5+$0xFFFFFFA0];
	_ =	sdelay $0x3  }
0xe8: {  	v32 =	vbroadcast v0, $0x5  }
0xe9: {  	v33 =	vshll.u32 v1, $0x10  }
0xea: {  	v1 =	vand.u32 $0xFFFF0000, v1;
	v3 =	vmul.f32 v33, v32  }
0xeb: {  	v1 =	vmul.f32 v1, v32  }
0xec: {  	[tilespmem:s21+$0xFFFFFF40] =	vst v3  }
0xed: {  	[tilespmem:s21+$0xFFFFFF50] =	vst v1  }
0xee: {  	v1 =	vld [tilespmem:s5+$0xFFFFFFB0];
	_ =	sdelay $0x4  }
0xef: {  	v34 =	vshll.u32 v1, $0x10  }
0xf0: {  	v1 =	vand.u32 $0xFFFF0000, v1;
	v3 =	vmul.f32 v34, v32  }
0xf1: {  	v1 =	vmul.f32 v1, v32  }
0xf2: {  	[tilespmem:s21+$0xFFFFFF60] =	vst v3  }
0xf3: {  	[tilespmem:s21+$0xFFFFFF70] =	vst v1  }
0xf4: {  	v1 =	vld [tilespmem:s5+$0xFFFFFFC0];
	_ =	sdelay $0x3  }
0xf5: {  	v35 =	vbroadcast v0, $0x6  }
0xf6: {  	v36 =	vshll.u32 v1, $0x10  }
0xf7: {  	v1 =	vand.u32 $0xFFFF0000, v1;
	v3 =	vmul.f32 v36, v35  }
0xf8: {  	v1 =	vmul.f32 v1, v35  }
0xf9: {  	[tilespmem:s21+$0xFFFFFF80] =	vst v3  }
0xfa: {  	[tilespmem:s21+$0xFFFFFF90] =	vst v1  }
0xfb: {  	v1 =	vld [tilespmem:s5+$0xFFFFFFD0];
	_ =	sdelay $0x4  }
0xfc: {  	v37 =	vshll.u32 v1, $0x10  }
0xfd: {  	v1 =	vand.u32 $0xFFFF0000, v1;
	v3 =	vmul.f32 v37, v35  }
0xfe: {  	v1 =	vmul.f32 v1, v35  }
0xff: {  	[tilespmem:s21+$0xFFFFFFA0] =	vst v3  }
0x100: {  	[tilespmem:s21+$0xFFFFFFB0] =	vst v1  }
0x101: {  	v1 =	vld [tilespmem:s5+$0xFFFFFFE0];
	_ =	sdelay $0x3  }
0x102: {  	v38 =	vbroadcast v0, $0x7  }
0x103: {  	v39 =	vshll.u32 v1, $0x10  }
0x104: {  	v1 =	vand.u32 $0xFFFF0000, v1;
	v3 =	vmul.f32 v39, v38  }
0x105: {  	v1 =	vmul.f32 v1, v38  }
0x106: {  	[tilespmem:s21+$0xFFFFFFC0] =	vst v3  }
0x107: {  	[tilespmem:s21+$0xFFFFFFD0] =	vst v1  }
0x108: {  	v1 =	vld [tilespmem:s5+$0xFFFFFFF0];
	_ =	sdelay $0x4  }
0x109: {  	v40 =	vshll.u32 v1, $0x10  }
0x10a: {  	v1 =	vand.u32 $0xFFFF0000, v1;
	v3 =	vmul.f32 v40, v38  }
0x10b: {  	v1 =	vmul.f32 v1, v38  }
0x10c: {  	[tilespmem:s21+$0xFFFFFFE0] =	vst v3  }
0x10d: {  	[tilespmem:s21+$0xFFFFFFF0] =	vst v1  }
0x10e: {  	v1 =	vld [tilespmem:s5+$0x0];
	_ =	sdelay $0x3  }
0x10f: {  	v41 =	vbroadcast v0, $0x8  }
0x110: {  	v42 =	vshll.u32 v1, $0x10  }
0x111: {  	v1 =	vand.u32 $0xFFFF0000, v1;
	v3 =	vmul.f32 v42, v41  }
0x112: {  	v1 =	vmul.f32 v1, v41  }
0x113: {  	[tilespmem:s21+$0x0] =	vst v3  }
0x114: {  	[tilespmem:s21+$0x10] =	vst v1  }
0x115: {  	v1 =	vld [tilespmem:s5+$0x10];
	_ =	sdelay $0x4  }
0x116: {  	v43 =	vshll.u32 v1, $0x10  }
0x117: {  	v1 =	vand.u32 $0xFFFF0000, v1;
	v3 =	vmul.f32 v43, v41  }
0x118: {  	v1 =	vmul.f32 v1, v41  }
0x119: {  	[tilespmem:s21+$0x20] =	vst v3  }
0x11a: {  	[tilespmem:s21+$0x30] =	vst v1  }
0x11b: {  	v1 =	vld [tilespmem:s5+$0x20];
	_ =	sdelay $0x3  }
0x11c: {  	v44 =	vbroadcast v0, $0x9  }
0x11d: {  	v45 =	vshll.u32 v1, $0x10  }
0x11e: {  	v1 =	vand.u32 $0xFFFF0000, v1;
	v3 =	vmul.f32 v45, v44  }
0x11f: {  	v1 =	vmul.f32 v1, v44  }
0x120: {  	[tilespmem:s21+$0x40] =	vst v3  }
0x121: {  	[tilespmem:s21+$0x50] =	vst v1  }
0x122: {  	v1 =	vld [tilespmem:s5+$0x30];
	_ =	sdelay $0x4  }
0x123: {  	v46 =	vshll.u32 v1, $0x10  }
0x124: {  	v1 =	vand.u32 $0xFFFF0000, v1;
	v3 =	vmul.f32 v46, v44  }
0x125: {  	v1 =	vmul.f32 v1, v44  }
0x126: {  	[tilespmem:s21+$0x60] =	vst v3  }
0x127: {  	[tilespmem:s21+$0x70] =	vst v1  }
0x128: {  	v1 =	vld [tilespmem:s5+$0x40];
	_ =	sdelay $0x3  }
0x129: {  	v47 =	vbroadcast v0, $0xA  }
0x12a: {  	v48 =	vshll.u32 v1, $0x10  }
0x12b: {  	v1 =	vand.u32 $0xFFFF0000, v1;
	v3 =	vmul.f32 v48, v47  }
0x12c: {  	v1 =	vmul.f32 v1, v47  }
0x12d: {  	[tilespmem:s21+$0x80] =	vst v3  }
0x12e: {  	[tilespmem:s21+$0x90] =	vst v1  }
0x12f: {  	v1 =	vld [tilespmem:s5+$0x50];
	_ =	sdelay $0x4  }
0x130: {  	v49 =	vshll.u32 v1, $0x10  }
0x131: {  	v1 =	vand.u32 $0xFFFF0000, v1;
	v3 =	vmul.f32 v49, v47  }
0x132: {  	v1 =	vmul.f32 v1, v47  }
0x133: {  	[tilespmem:s21+$0xA0] =	vst v3  }
0x134: {  	[tilespmem:s21+$0xB0] =	vst v1  }
0x135: {  	v1 =	vld [tilespmem:s5+$0x60];
	_ =	sdelay $0x3  }
0x136: {  	v50 =	vbroadcast v0, $0xB  }
0x137: {  	v51 =	vshll.u32 v1, $0x10  }
0x138: {  	v1 =	vand.u32 $0xFFFF0000, v1;
	v3 =	vmul.f32 v51, v50  }
0x139: {  	v1 =	vmul.f32 v1, v50  }
0x13a: {  	[tilespmem:s21+$0xC0] =	vst v3  }
0x13b: {  	[tilespmem:s21+$0xD0] =	vst v1  }
0x13c: {  	v1 =	vld [tilespmem:s5+$0x70];
	_ =	sdelay $0x4  }
0x13d: {  	v52 =	vshll.u32 v1, $0x10  }
0x13e: {  	v1 =	vand.u32 $0xFFFF0000, v1;
	v3 =	vmul.f32 v52, v50  }
0x13f: {  	v1 =	vmul.f32 v1, v50  }
0x140: {  	[tilespmem:s21+$0xE0] =	vst v3  }
0x141: {  	[tilespmem:s21+$0xF0] =	vst v1  }
0x142: {  	v1 =	vld [tilespmem:s5+$0x80];
	_ =	sdelay $0x3  }
0x143: {  	v53 =	vbroadcast v0, $0xC  }
0x144: {  	v54 =	vshll.u32 v1, $0x10  }
0x145: {  	v1 =	vand.u32 $0xFFFF0000, v1;
	v3 =	vmul.f32 v54, v53  }
0x146: {  	v1 =	vmul.f32 v1, v53  }
0x147: {  	[tilespmem:s21+$0x100] =	vst v3  }
0x148: {  	[tilespmem:s21+$0x110] =	vst v1  }
0x149: {  	v1 =	vld [tilespmem:s5+$0x90];
	_ =	sdelay $0x4  }
0x14a: {  	v55 =	vshll.u32 v1, $0x10  }
0x14b: {  	v1 =	vand.u32 $0xFFFF0000, v1;
	v3 =	vmul.f32 v55, v53  }
0x14c: {  	v1 =	vmul.f32 v1, v53  }
0x14d: {  	[tilespmem:s21+$0x120] =	vst v3  }
0x14e: {  	[tilespmem:s21+$0x130] =	vst v1  }
0x14f: {  	v1 =	vld [tilespmem:s5+$0xA0];
	_ =	sdelay $0x3  }
0x150: {  	v56 =	vbroadcast v0, $0xD  }
0x151: {  	v57 =	vshll.u32 v1, $0x10  }
0x152: {  	v1 =	vand.u32 $0xFFFF0000, v1;
	v3 =	vmul.f32 v57, v56  }
0x153: {  	v1 =	vmul.f32 v1, v56  }
0x154: {  	[tilespmem:s21+$0x140] =	vst v3  }
0x155: {  	[tilespmem:s21+$0x150] =	vst v1  }
0x156: {  	v1 =	vld [tilespmem:s5+$0xB0];
	_ =	sdelay $0x4  }
0x157: {  	v58 =	vshll.u32 v1, $0x10  }
0x158: {  	v1 =	vand.u32 $0xFFFF0000, v1;
	v3 =	vmul.f32 v58, v56  }
0x159: {  	v1 =	vmul.f32 v1, v56  }
0x15a: {  	[tilespmem:s21+$0x160] =	vst v3  }
0x15b: {  	[tilespmem:s21+$0x170] =	vst v1  }
0x15c: {  	v1 =	vld [tilespmem:s5+$0xC0];
	_ =	sdelay $0x3  }
0x15d: {  	v59 =	vbroadcast v0, $0xE  }
0x15e: {  	v60 =	vshll.u32 v1, $0x10  }
0x15f: {  	v1 =	vand.u32 $0xFFFF0000, v1;
	v3 =	vmul.f32 v60, v59  }
0x160: {  	v1 =	vmul.f32 v1, v59  }
0x161: {  	[tilespmem:s21+$0x180] =	vst v3  }
0x162: {  	[tilespmem:s21+$0x190] =	vst v1  }
0x163: {  	v1 =	vld [tilespmem:s5+$0xD0];
	_ =	sdelay $0x4  }
0x164: {  	v61 =	vshll.u32 v1, $0x10  }
0x165: {  	v1 =	vand.u32 $0xFFFF0000, v1;
	v3 =	vmul.f32 v61, v59  }
0x166: {  	v1 =	vmul.f32 v1, v59  }
0x167: {  	[tilespmem:s21+$0x1A0] =	vst v3  }
0x168: {  	[tilespmem:s21+$0x1B0] =	vst v1  }
0x169: {  	v1 =	vld [tilespmem:s5+$0xE0];
	_ =	sdelay $0x3  }
0x16a: {  	v0 =	vbroadcast v0, $0xF  }
0x16b: {  	v62 =	vshll.u32 v1, $0x10  }
0x16c: {  	v1 =	vand.u32 $0xFFFF0000, v1;
	v2 =	vmul.f32 v62, v0  }
0x16d: {  	v1 =	vmul.f32 v1, v0  }
0x16e: {  	[tilespmem:s21+$0x1C0] =	vst v2  }
0x16f: {  	[tilespmem:s21+$0x1D0] =	vst v1  }
0x170: {  	v1 =	vld [tilespmem:s5+$0xF0];
	_ =	sdelay $0x3  }
0x171: {  	p0 =	sne.s32 s0, $0x1C0  }
.Ltmp0:
0x172: {  	v63 =	vshll.u32 v1, $0x10;
	(pc) =	sbr.rel @p0 .LBB2_3-.Ltmp0, $4  }
0x173: {  	v1 =	vand.u32 $0xFFFF0000, v1;
	v2 =	vmul.f32 v63, v0  }
0x174: {  	v0 =	vmul.f32 v1, v0  }
0x175: {  	[tilespmem:s21+$0x1E0] =	vst v2  }
0x176: {  	s0 =	sadd.s32 $0x40, s0;
	s5 =	sadd.s32 $0x200, s5;
	[tilespmem:s21+$0x1F0] =	vst v0;
	s21 =	sadd.s32 $0x400, s21  }
0x177: {  	[spmem:s3] =	stream.indirect.scatter.add.f32 [tilespmem:s28], [sflag:$0x2], $0x1, s26, s22, $0xb8;
	[tilespmem:$0x14E00] =	vst v63  }
0x178: {  	s1 =	sadd.s32 $0x1, s1  }
0x179: {  	[spmem:s2] =	stream.indirect.scatter.add.f32 [tilespmem:s29], [sflag:$0x1], $0x40, s26, s22, $0xb8;
	[tilespmem:$0x14E00] =	vst v63  }
0x17a: {  	p0 =	sne.s32 s1, $0x28;
	_ =	swait.ge [sflag:s30], $0x80  }
.Ltmp1:
0x17b: {  	[sflag:s30] =	ssyncset.done $0x0;
	(pc) =	sbr.rel @p0 .LBB2_2-.Ltmp1, $4  }
0x17c: {  	[sflag:s30] =	ssyncadd.s32 $0xFFFFFF80  }
0x17d: {  	_ =	swait.ge [sflag:s25], $0x2000  }
0x17e: {  	[sflag:s25] =	ssyncset.done $0x0  }
0x17f: {  	[sflag:s25] =	ssyncadd.s32 $0xFFFFE000  }
0x180: {  	[bflag:$0x0] =	sbarrier.arrive $0xFFFF  }
0x181: {  	[hbm:s13], [sflag:s9] =	dma.local [spmem:s16], $0x1400  }
0x182: {  	s31 =	sadd.s32 $0x1, s31;
	_ =	swait.ge [sflag:s17], $0x1400  }
0x183: {  	p0 =	sne.s32 s31, s15;
	[sflag:s17] =	ssyncset.done $0x0  }
.Ltmp2:
0x184: {  	[sflag:s17] =	ssyncadd.s32 $0xFFFFEC00;
	(pc) =	sbr.rel @p0 .LBB2_1-.Ltmp2, $4  }
0x185: {  	[hbm:s14], [sflag:s9] =	dma.local [spmem:s18], $0x50  }
0x186: {  	_ =	swait.ge [sflag:s17], $0x50  }
0x187: {  	[sflag:s17] =	ssyncset.done $0x0  }
0x188: {  	[sflag:s17] =	ssyncadd.s32 $0xFFFFFFB0  }
0x189: {  	_ =	sfence.sel $0x180000  }
0x18a: {  	[bflag:$0x0] =	sbarrier.arrive $0xFFFF  }
0x18b: {  	_ =	strace $0x90000047  }
0x18c: {  	s0 =	stileid.u32;
	[bflag:$0x2] =	sbarrier.arrive $0xFFFF  }
0x18d: {  	p0 =	sne.s32 s0, $0x0;
	s0 =	rddreg [dreg:$0x3]  }
0x18e: {  	s0 =	sadd.s32 @!p0 $0x100000, s0  }
0x18f: {  	[sflag:s0] =	ssyncadd.tile.s32 @!p0 $0x1;
	_ =	shalt  }
.Lfunc_end2:
_tile_overlayer_lowered:
.L_overlay_start_2:
0x190: {  	(tag) =	ssettag $0x2  }
0x191: {  	s0 =	rddreg [dreg:$0x0];
	s2 =	stileid.u32  }
0x192: {  	s1 =	rddreg [dreg:$0x1];
	p0 =	sne.s32 s2, $0x0  }
0x193: {  	s3 =	rddreg [dreg:$0x2];
	[bflag:$0x3] =	sbarrier.arrive $0xFFFF;
	s2 =	simm.s32 @!p0 $0x1C03  }
0x194: {  	[timem:s3], [sflag:s2] =	dma.local @!p0 [hbm:s0], s1  }
0x195: {  	s0 =	simm.s32 @!p0 $0x3  }
0x196: {  	_ =	swait.ge @!p0 [sflag:s0], s1  }
0x197: {  	s1 =	ssub.s32 @!p0 $0x0, s1;
	[sflag:s0] =	ssyncset.done @!p0 $0x0  }
0x198: {  	[sflag:s0] =	ssyncadd.s32 @!p0 s1  }
0x199: {  	[bflag:$0x3] =	sbarrier.arrive $0xFFFF  }
0x19a: {  	_ =	shalt  }

// kernel: kernel.7.cloned.1.call-start
scs
__scs_entry_jumppad:
0x0: {  	(pc) =	sbr.rel $0x88, $3  }
0x1: {  	(tag) =	ssettag $0x0;
	lr =	simm.s32 $0x1  }
0x2: {  	[smem:$0x3F8A] =	sst lr;
	_ =	strace $0xD0000000  }
0x3: {  	_ = 	snop  }
0x4: {  	_ = 	snop  }
0x5: {  	_ = 	snop  }
0x6: {  	_ = 	snop  }
0x7: {  	_ = 	snop  }
__scs_overlays_trampoline_lowered:
0x8: {  	[smem:$0x3F99] =	sst s0  }
0x9: {  	[smem:$0x3F9A] =	sst s1  }
0xa: {  	[smem:$0x3F9B] =	sst s2  }
0xb: {  	[smem:$0x3F9C] =	sst s3  }
0xc: {  	[smem:$0x3F9D] =	sst s4  }
0xd: {  	[smem:$0x3F9E] =	sst s5  }
0xe: {  	[smem:$0x3F9F] =	sst s6  }
0xf: {  	[smem:$0x3FA0] =	sst s7  }
0x10: {  	[smem:$0x3FA1] =	sst s8  }
0x11: {  	[smem:$0x3FA2] =	sst s9;
	s0 =	simm.s32 @!p0 $0x0  }
0x12: {  	s1 =	sld [smem:$0x3F88];
	s0 =	simm.s32 @p0 $0x1  }
0x13: {  	[smem:$0x3FA3] =	sst s0;
	s0 =	simm.s32 @!p1 $0x0  }
0x14: {  	s2 =	sld [smem:$0x3F87];
	s0 =	simm.s32 @p1 $0x1  }
0x15: {  	[smem:$0x3FA4] =	sst s0;
	s0 =	simm.s32 @!p2 $0x0  }
0x16: {  	s3 =	sld [smem:$0x3FDB];
	s0 =	simm.s32 @p2 $0x1  }
0x17: {  	s4 =	simm.s32 $0x1BF5;
	[smem:$0x3FA6] =	sst s0  }
0x18: {  	s0 =	sld [smem:$0x3F89];
	_ =	swait.ge [sflag:s4], $0x0  }
0x19: {  	s7 =	sld [smem:$0x3F8A]  }
0x1a: {  	s8 =	sadd.s32 $0xFFFFE003, lr  }
0x1b: {  	s9 =	sadd.s32 $0xFFFFFEF7, lr;
	s5 =	simm.s32 $0xFFFFFFFF;
	p2 =	slt.u32 s8, $0xFFFFF086  }
0x1c: {  	p1 =	slt.u32 s9, $0xF7A;
	s5 =	simm.s32 @!p2 $0x0  }
0x1d: {  	s5 =	simm.s32 @p1 $0x1;
	p0 =	seq.s32 s7, s2  }
0x1e: {  	s7 =	smul.u32 @!p0 $0xF7A, s2;
	p2 =	seq.s32 @!p0 s5, $0x0  }
0x1f: {  	s9 =	smul.u32 $0xF7A, s1;
	s8 =	simm.s32 @!p0 $0x1BF5;
	p2 =	por !p2, p0  }
0x20: {  	[sflag:s8] =	ssyncset.s32 @!p0 $0xFFFFF086;
	s6 =	sadd.s32 @!p0 s3, s7;
	s7 =	simm.s32 @!p0 $0x108  }
0x21: {  	s3 =	sadd.s32 s3, s9;
	s6 =	sadd.s32 @!p0 $0x88, s6;
	s7 =	simm.s32 @p2 $0x1082  }
0x22: {  	[simem:s7], [sflag:s8] =	dma.local @!p0 [hbm:s6], $0xF7A  }
0x23: {  	s9 =	sor.u32 $0xD0000000, s2;
	s6 =	simm.s32 $0x108;
	_ =	swait.ge @!p0 [sflag:s8], $0x0  }
0x24: {  	s3 =	sadd.s32 $0x88, s3;
	s6 =	simm.s32 @!p1 $0x1082;
	[sflag:s4] =	ssyncset.s32 $0xFFFFF086  }
0x25: {  	[simem:s6], [sflag:s4] =	dma.local [hbm:s3], $0xF7A  }
0x26: {  	[smem:$0x3F8A] =	sst s1;
	(tag) =	ssettag s2;
	_ =	strace s9  }
0x27: {  	s1 =	sld [smem:$0x3F9A]  }
0x28: {  	s2 =	sld [smem:$0x3F9B]  }
0x29: {  	s4 =	sld [smem:$0x3F9D]  }
0x2a: {  	p0 =	seq.s32 s5, $0x0;
	s5 =	sld [smem:$0x3F9E]  }
0x2b: {  	s6 =	sld [smem:$0x3F9F]  }
0x2c: {  	s7 =	sld [smem:$0x3FA0]  }
0x2d: {  	s3 =	simm.s32 $0x108;
	s8 =	sld [smem:$0x3FA1]  }
0x2e: {  	s3 =	simm.s32 @!p0 $0x1082;
	s9 =	sld [smem:$0x3FA2]  }
0x2f: {  	lr =	sadd.s32 s0, s3;
	s0 =	sld [smem:$0x3F99]  }
0x30: {  	s3 =	sld [smem:$0x3F9C]  }
0x31: {  	[smem:$0x3FA5] =	sst s10  }
0x32: {  	s10 =	sld [smem:$0x3FA3];
	_ =	sdelay $0x3  }
0x33: {  	p0 =	seq.s32 s10, $0x1;
	s10 =	sld [smem:$0x3FA5];
	_ =	sdelay $0x3  }
0x34: {  	[smem:$0x3FA5] =	sst s10  }
0x35: {  	s10 =	sld [smem:$0x3FA4];
	_ =	sdelay $0x3  }
0x36: {  	p1 =	seq.s32 s10, $0x1;
	s10 =	sld [smem:$0x3FA5];
	_ =	sdelay $0x3  }
0x37: {  	[smem:$0x3FA5] =	sst s10  }
0x38: {  	s10 =	sld [smem:$0x3FA6]  }
0x39: {  	_ = 	snop;
	(pc) =	sbr.ind lr, $3  }
0x3a: {  	_ = 	snop  }
0x3b: {  	_ = 	snop  }
0x3c: {  	p2 =	seq.s32 s10, $0x1;
	s10 =	sld [smem:$0x3FA5]  }
0x3d: {  	_ =	shalt  }
0x3e: {  	_ =	shalt  }
0x3f: {  	_ =	shalt  }
0x40: {  	_ =	shalt  }
0x41: {  	_ =	shalt  }
0x42: {  	_ =	shalt  }
0x43: {  	_ =	shalt  }
0x44: {  	_ =	shalt  }
0x45: {  	_ =	shalt  }
0x46: {  	_ =	shalt  }
0x47: {  	_ =	shalt  }
0x48: {  	_ =	shalt  }
0x49: {  	_ =	shalt  }
0x4a: {  	_ =	shalt  }
0x4b: {  	_ =	shalt  }
0x4c: {  	_ =	shalt  }
0x4d: {  	_ =	shalt  }
0x4e: {  	_ =	shalt  }
0x4f: {  	_ =	shalt  }
0x50: {  	_ =	shalt  }
0x51: {  	_ =	shalt  }
0x52: {  	_ =	shalt  }
0x53: {  	_ =	shalt  }
0x54: {  	_ =	shalt  }
0x55: {  	_ =	shalt  }
0x56: {  	_ =	shalt  }
0x57: {  	_ =	shalt  }
0x58: {  	_ =	shalt  }
0x59: {  	_ =	shalt  }
0x5a: {  	_ =	shalt  }
0x5b: {  	_ =	shalt  }
0x5c: {  	_ =	shalt  }
0x5d: {  	_ =	shalt  }
0x5e: {  	_ =	shalt  }
0x5f: {  	_ =	shalt  }
0x60: {  	_ =	shalt  }
0x61: {  	_ =	shalt  }
0x62: {  	_ =	shalt  }
0x63: {  	_ =	shalt  }
0x64: {  	_ =	shalt  }
0x65: {  	_ =	shalt  }
0x66: {  	_ =	shalt  }
0x67: {  	_ =	shalt  }
0x68: {  	_ =	shalt  }
0x69: {  	_ =	shalt  }
0x6a: {  	_ =	shalt  }
0x6b: {  	_ =	shalt  }
0x6c: {  	_ =	shalt  }
0x6d: {  	_ =	shalt  }
0x6e: {  	_ =	shalt  }
0x6f: {  	_ =	shalt  }
0x70: {  	_ =	shalt  }
0x71: {  	_ =	shalt  }
0x72: {  	_ =	shalt  }
0x73: {  	_ =	shalt  }
0x74: {  	_ =	shalt  }
0x75: {  	_ =	shalt  }
0x76: {  	_ =	shalt  }
0x77: {  	_ =	shalt  }
0x78: {  	_ =	shalt  }
0x79: {  	_ =	shalt  }
0x7a: {  	_ =	shalt  }
0x7b: {  	_ =	shalt  }
0x7c: {  	_ =	shalt  }
0x7d: {  	_ =	shalt  }
0x7e: {  	_ =	shalt  }
0x7f: {  	_ =	shalt  }
0x80: {  	_ =	shalt  }
0x81: {  	_ =	shalt  }
0x82: {  	_ =	shalt  }
0x83: {  	_ =	shalt  }
0x84: {  	_ =	shalt  }
0x85: {  	_ =	shalt  }
0x86: {  	_ =	shalt  }
0x87: {  	_ =	shalt  }
.Lfunc_end0:
.L_simem_size_0:
called_computation_lowered:
.L_overlay_start_0:
0x88: {  	s2 =	sld [smem:$0x3FD9]  }
0x89: {  	s3 =	sld [smem:$0x3FFE];
	_ =	sdelay $0x1  }
0x8a: {  	s1 =	srdreg.scid  }
0x8b: {  	s0 =	sand.u32 $0x1, s1  }
0x8c: {  	s17 =	sshll.u32 s0, $0xA;
	s2 =	sadd.s32 s3, s2  }
0x8d: {  	s2 =	sadd.s32 s2, s17  }
0x8e: {  	[smem:$0x3FB1] =	sst s2  }
0x8f: {  	_ = 	snop  }
0x90: {  	s18 =	sld [smem:$0x3FD0];
	(tm) =	ssettm $0x1  }
0x91: {  	s19 =	sld [smem:$0x3FFB];
	_ =	sdelay $0x3  }
0x92: {  	_ =	strace s19  }
0x93: {  	s2 =	sld [smem:$0x3FFC];
	_ =	sdelay $0x3  }
0x94: {  	_ =	strace s2  }
0x95: {  	s2 =	sld [smem:$0x3FFD];
	_ =	sdelay $0x3  }
0x96: {  	_ =	strace s2  }
0x97: {  	_ =	strace $0x8FFFFFFF  }
0x98: {  	s20 =	sld [smem:$0x3FDB];
	_ =	sdelay $0x1  }
0x99: {  	s4 =	simm.s32 $_scs_section_size  }
0x9a: {  	s5 =	simm.s32 $_size__tile_overlayer_lowered;
	s6 =	simm.s32 $_tile_overlayer_lowered  }
0x9b: {  	s7 =	simm.s32 $0x1BFF;
	s21 =	sshll.u32 s6, $0x1;
	s4 =	sadd.s32 s4, s20  }
0x9c: {  	s22 =	simm.s32 $0x0;
	s5 =	sshll.u32 s5, $0x1;
	s6 =	sadd.s32 s21, s4  }
0x9d: {  	[timem:s22], [sflag:s7] =	dma.local [hbm:s6], s5  }
0x9e: {  	_ =	swait.ge [sflag:s7], s5  }
0x9f: {  	s5 =	ssub.s32 $0x0, s5;
	[sflag:s7] =	ssyncset.done $0x0  }
0xa0: {  	[sflag:s7] =	ssyncadd.s32 s5;
	_ =	sdelay $0x1  }
0xa1: {  	s23 =	simm.s32 $0x1B8B  }
0xa2: {  	_ =	swait.ge [sflag:s23], $0x1  }
0xa3: {  	[sflag:s23] =	ssyncset.done $0x0  }
0xa4: {  	[sflag:s23] =	ssyncadd.s32 $0xFFFFFFFF  }
0xa5: {  	s5 =	sld [smem:$0x0]  }
0xa6: {  	s6 =	sand.u32 $0xFFFFFFFE, s1  }
0xa7: {  	p0 =	sne.s32 s1, s6  }
0xa8: {  	s6 =	sshll.u32 @p0 s6, $0xE  }
0xa9: {  	s6 =	sadd.s32 @p0 $0x11B8D, s6;
	s7 =	sshll.u32 @p0 s5, $0x11  }
0xaa: {  	s6 =	sor.u32 @p0 s7, s6  }
0xab: {  	[sflag:s6] =	ssyncadd.remote.s32 @p0 $0x1;
	_ =	sdelay $0x1  }
0xac: {  	s6 =	simm.s32 @p0 $0x1B8D  }
0xad: {  	_ =	swait.eq @p0 [sflag:s6], $0x1  }
0xae: {  	[sflag:s6] =	ssyncadd.s32 @p0 $0xFFFFFFFF  }
0xaf: {  	s7 =	sshll.u32 @!p0 s1, $0xE  }
0xb0: {  	s7 =	sor.u32 @!p0 $0x4000, s7;
	s6 =	simm.s32 @!p0 $0x1B8D  }
0xb1: {  	s5 =	sshll.u32 @!p0 s5, $0x11;
	s7 =	sadd.s32 @!p0 $0x11B8D, s7;
	_ =	swait.eq @!p0 [sflag:s6], $0x1  }
0xb2: {  	s5 =	sor.u32 @!p0 s5, s7;
	[sflag:s6] =	ssyncadd.s32 @!p0 $0xFFFFFFFF  }
0xb3: {  	s25 =	simm.s32 $0x1B8E;
	s24 =	sld [smem:$0x3FFE];
	[sflag:s5] =	ssyncadd.remote.s32 @!p0 $0x1  }
0xb4: {  	s26 =	simm.s32 $execute0_lowered;
	[smem:$0x3FD2] =	sst s25  }
0xb5: {  	s6 =	sshll.u32 s26, $0x1;
	_ =	strace $0x8000004C;
	[dreg:$0x1] =	wrdreg $0xFFFFFFFF  }
0xb6: {  	s28 =	simm.s32 $_size_execute0_lowered;
	s4 =	sadd.s32 s4, s6;
	[dreg:$0x0] =	wrdreg $0x0  }
0xb7: {  	s6 =	sshll.u32 s28, $0x1;
	[dreg:$0x2] =	wrdreg s4  }
0xb8: {  	[dreg:$0x3] =	wrdreg s6  }
0xb9: {  	[dreg:$0x4] =	wrdreg $0xC0  }
0xba: {  	_ =	task [dreg:s22], $0x5FFFF  }
0xbb: {  	[dreg:$0x1] =	wrdreg $0xFFFFFFFF  }
0xbc: {  	[dreg:$0x0] =	wrdreg $0x60  }
0xbd: {  	[dreg:$0x2] =	wrdreg s24  }
0xbe: {  	[dreg:$0x3] =	wrdreg s18  }
0xbf: {  	[dreg:$0x4] =	wrdreg $0xAB800  }
0xc0: {  	[dreg:$0x5] =	wrdreg $0x14B800  }
0xc1: {  	[dreg:$0x6] =	wrdreg $0x9  }
0xc2: {  	_ =	task.clear_ibuf [dreg:s22], $0x7FFFF;
	_ =	strace $0x9000004C  }
0xc3: {  	s29 =	simm.s32 $0x9;
	_ =	strace $0x8000004E  }
0xc4: {  	_ =	swait.ge [sflag:s29], $0x1  }
0xc5: {  	[sflag:s29] =	ssyncadd.s32 $0xFFFFFFFF  }
0xc6: {  	_ =	strace $0x9000004E  }
0xc7: {  	_ =	sfence  }
0xc8: {  	s30 =	sld [smem:$0x0];
	_ =	sdelay $0x2  }
0xc9: {  	s31 =	sshll.u32 s1, $0xD;
	s1 =	sshrl.u32 s1, $0x2  }
0xca: {  	s4 =	sand.u32 $0x4000, s31;
	s1 =	sadd.s32 s1, s30  }
0xcb: {  	s0 =	sor.u32 s4, s0;
	s1 =	sshll.u32 s1, $0x11  }
0xcc: {  	s0 =	sor.u32 s1, s0  }
0xcd: {  	s0 =	sadd.s32 $0x8F2B, s0  }
0xce: {  	[sflag:s0] =	ssyncadd.remote.s32 $0x1  }
0xcf: {  	_ =	sfence.sel $0xFFFF  }
0xd0: {  	[dreg:$0x0] =	wrdreg $0xFFFFFFFF;
	(pc) =	sbr.abs _section_cstart, $3  }
0xd1: {  	[dreg:$0x1] =	wrdreg $0xFFFFFFFF  }
0xd2: {  	_ =	task.clear_ibuf [dreg:s22], $0x2FFFF;
	_ =	strace $0x9FFFFFFF  }
0xd3: {  	(tm) =	ssettm $0x7FFFFFFF  }
tec
execute0_lowered:
.L_overlay_start_1:
0x0: {  	(tag) =	ssettag $0x1  }
0x1: {  	s2 =	rddreg [dreg:$0x0]  }
0x2: {  	s0 =	srdreg.scid;
	s1 =	rddreg [dreg:$0x1]  }
0x3: {  	s7 =	stileid.u32;
	s3 =	rddreg [dreg:$0x2];
	s17 =	simm.s32 $0x3  }
0x4: {  	s19 =	simm.s32 $0x2A00;
	s20 =	simm.s32 $0x5200;
	s22 =	simm.s32 $0x80  }
0x5: {  	s28 =	simm.s32 $0x7B00;
	s29 =	simm.s32 $0x8B80;
	s9 =	smul.u32 $0xA000, s7  }
0x6: {  	s30 =	simm.s32 $0x2;
	s31 =	simm.s32 $0x0;
	s11 =	smul.u32 $0x280, s7  }
0x7: {  	s0 =	sand.u32 $0x1, s0;
	s10 =	sadd.s32 $0x185C00, s2;
	s13 =	sadd.s32 $0x186200, s2  }
0x8: {  	s26 =	sshll.u32 s7, $0x6;
	s4 =	sshll.u32 s0, $0x4;
	s8 =	smul.u32 $0xA0000, s0  }
0x9: {  	s12 =	smul.u32 $0x2800, s0;
	s0 =	ssub.s32 $0x2, s0;
	s5 =	sor.u32 s7, s4  }
0xa: {  	s4 =	rddreg [dreg:$0x3];
	s23 =	sshrl.u32 s9, $0x3;
	s24 =	sshrl.u32 s11, $0x3  }
0xb: {  	s25 =	sshrl.u32 s0, $0x1;
	s16 =	sadd.s32 s9, s3;
	s6 =	smul.u32 $0x2A0, s5  }
0xc: {  	s5 =	simm.s32 $0x0;
	s8 =	sadd.s32 s9, s8;
	s12 =	sadd.s32 s11, s12  }
0xd: {  	s0 =	ssub.s32 s0, s25;
	s9 =	sor.u32 $0x1C03, s26;
	s18 =	sadd.s32 s11, s4  }
0xe: {  	s16 =	sshrl.u32 s16, $0x3;
	s25 =	simm.s32 $0x1;
	s26 =	simm.s32 $0x7A80  }
0xf: {  	[smem:$0x7FF] =	sst s5;
	s8 =	sshrl.u32 s8, $0x3;
	s12 =	sshrl.u32 s12, $0x3  }
0x10: {  	s15 =	smax.u32 s0, $0x1;
	_ =	strace $0x8000004D;
	[dreg:$0x5] =	wrdreg s10  }
0x11: {  	s6 =	sadd.s32 s6, s2;
	[dreg:$0x6] =	wrdreg s13;
	s10 =	sadd.s32 s23, s2  }
0x12: {  	s13 =	sadd.s32 s24, s2;
	s23 =	simm.s32 $0x7A00;
	s24 =	simm.s32 $0x7B80  }
0x13: {  	s14 =	sadd.s32 s8, s2;
	s8 =	sadd.s32 $0x100E00, s10;
	s10 =	sadd.s32 $0x100800, s13  }
0x14: {  	s2 =	sadd.s32 s12, s2;
	s11 =	sadd.s32 $0x180800, s6;
	s12 =	sadd.s32 $0x17B400, s6  }
0x15: {  	s18 =	sshrl.u32 s18, $0x3;
	s13 =	sadd.s32 $0x186800, s14;
	s14 =	sadd.s32 $0x1AE800, s2  }
.LBB2_1:
0x16: {  	[spmem:s16], [sflag:s9] =	dma.local [hbm:s8], $0x1400  }
0x17: {  	_ =	swait.ge [sflag:s17], $0x1400  }
0x18: {  	[sflag:s17] =	ssyncset.done $0x0  }
0x19: {  	[sflag:s17] =	ssyncadd.s32 $0xFFFFEC00  }
0x1a: {  	[spmem:s18], [sflag:s9] =	dma.local [hbm:s10], $0x50  }
0x1b: {  	_ =	swait.ge [sflag:s17], $0x50  }
0x1c: {  	[sflag:s17] =	ssyncset.done $0x0  }
0x1d: {  	s0 =	rddreg [dreg:$0x5];
	[sflag:s17] =	ssyncadd.s32 $0xFFFFFFB0  }
0x1e: {  	[tilespmem:s19], [sflag:$0x3] =	stream.linear.gather [hbm4b:s0+s5], $0x2800, $0x38;
	[tilespmem:$0x14E00] =	vst v63  }
0x1f: {  	_ =	swait.ge [sflag:s17], $0x2800  }
0x20: {  	[sflag:s17] =	ssyncset.done $0x0  }
0x21: {  	s7 =	rddreg [dreg:$0x6];
	[sflag:s17] =	ssyncadd.s32 $0xFFFFD800  }
0x22: {  	[tilespmem:s20], [sflag:$0x3] =	stream.linear.gather [hbm4b:s7+s5], $0x2800, $0x38;
	[tilespmem:$0x14E00] =	vst v63  }
0x23: {  	_ =	swait.ge [sflag:s17], $0x2800  }
0x24: {  	[sflag:s17] =	ssyncset.done $0x0  }
0x25: {  	[sflag:s17] =	ssyncadd.s32 $0xFFFFD800  }
0x26: {  	[tilespmem:s5], [sflag:$0x3] =	stream.linear.gather [hbm4b:s11+s5], $0x1500, $0x38;
	[tilespmem:$0x14E00] =	vst v63  }
0x27: {  	_ =	swait.ge [sflag:s17], $0x1500  }
0x28: {  	[sflag:s17] =	ssyncset.done $0x0  }
0x29: {  	s21 =	simm.s32 $0x1500;
	[sflag:s17] =	ssyncadd.s32 $0xFFFFEB00  }
0x2a: {  	[tilespmem:s21], [sflag:$0x3] =	stream.linear.gather [hbm4b:s12+s5], $0x1500, $0x38;
	[tilespmem:$0x14E00] =	vst v63  }
0x2b: {  	_ =	swait.ge [sflag:s17], $0x1500  }
0x2c: {  	[sflag:s17] =	ssyncset.done $0x0  }
0x2d: {  	[sflag:s17] =	ssyncadd.s32 $0xFFFFEB00  }
0x2e: {  	s2 =	simm.s32 $0x0;
	[bflag:$0x0] =	sbarrier.arrive $0xFFFF  }
.LBB2_2:
0x2f: {  	s0 =	sshll.u32 s2, $0x7  }
0x30: {  	v0 =	vld [tilespmem:s0+$0x0]  }
0x31: {  	v1 =	vld [tilespmem:s0+$0x1500];
	_ =	sdelay $0x6  }
0x32: {  	v2 =	vld.idx.msk [tilespmem:v0+s19+$0x0], $0xffff  }
0x33: {  	v3 =	vld.idx.msk [tilespmem:v1+s20+$0x0], $0xffff;
	_ =	sdelay $0x4  }
0x34: {  	v2 =	vadd.f32 v3, v2;
	_ =	sdelay $0x1  }
0x35: {  	v3 =	vmul.f32 $2.000000030e-01, v2  }
0x36: {  	vm0 =	vgt.f32 v2, $0.0e+00  }
0x37: {  	v2 =	vsel vm0, v2, v3  }
0x38: {  	v2 =	vmul.f32 $1.442695020e+00, v2;
	_ =	sdelay $0x1  }
0x39: {  	(erf) = vpow2.f32 v2;
	_ =	sdelay $0x6  }
0x3a: {  	vm13 =	veq.s32 v0, v1  }
0x3b: {  	v27 =	vsel vm13, $0x2710, v1;
	[tilespmem:$0x7A00] =	vst v0  }
0x3c: {  	[tilespmem:$0x7A80] =	vst v27;
	v28 =	vpop (erf)  }
0x3d: {  	[tilespmem:$0x7B00] =	vst v28  }
0x3e: {  	v0 =	vld [tilespmem:s0+$0x10]  }
0x3f: {  	v29 =	vld [tilespmem:s0+$0x1510];
	_ =	sdelay $0x6  }
0x40: {  	v30 =	vld.idx.msk [tilespmem:v0+s19+$0x0], $0xffff  }
0x41: {  	v31 =	vld.idx.msk [tilespmem:v29+s20+$0x0], $0xffff;
	_ =	sdelay $0x4  }
0x42: {  	v2 =	vadd.f32 v31, v30;
	_ =	sdelay $0x1  }
0x43: {  	v3 =	vmul.f32 $2.000000030e-01, v2  }
0x44: {  	vm14 =	vgt.f32 v2, $0.0e+00  }
0x45: {  	v2 =	vsel vm14, v2, v3  }
0x46: {  	v2 =	vmul.f32 $1.442695020e+00, v2;
	_ =	sdelay $0x1  }
0x47: {  	(erf) = vpow2.f32 v2;
	_ =	sdelay $0x6  }
0x48: {  	vm15 =	veq.s32 v0, v29  }
0x49: {  	v32 =	vsel vm15, $0x2710, v29;
	[tilespmem:$0x7A10] =	vst v0  }
0x4a: {  	[tilespmem:$0x7A90] =	vst v32;
	v33 =	vpop (erf)  }
0x4b: {  	[tilespmem:$0x7B10] =	vst v33  }
0x4c: {  	v0 =	vld [tilespmem:s0+$0x20]  }
0x4d: {  	v34 =	vld [tilespmem:s0+$0x1520];
	_ =	sdelay $0x6  }
0x4e: {  	v35 =	vld.idx.msk [tilespmem:v0+s19+$0x0], $0xffff  }
0x4f: {  	v36 =	vld.idx.msk [tilespmem:v34+s20+$0x0], $0xffff;
	_ =	sdelay $0x4  }
0x50: {  	v2 =	vadd.f32 v36, v35;
	_ =	sdelay $0x1  }
0x51: {  	v3 =	vmul.f32 $2.000000030e-01, v2  }
0x52: {  	vm4 =	vgt.f32 v2, $0.0e+00  }
0x53: {  	v2 =	vsel vm4, v2, v3  }
0x54: {  	v2 =	vmul.f32 $1.442695020e+00, v2;
	_ =	sdelay $0x1  }
0x55: {  	(erf) = vpow2.f32 v2;
	_ =	sdelay $0x6  }
0x56: {  	vm5 =	veq.s32 v0, v34  }
0x57: {  	v37 =	vsel vm5, $0x2710, v34;
	[tilespmem:$0x7A20] =	vst v0  }
0x58: {  	[tilespmem:$0x7AA0] =	vst v37;
	v38 =	vpop (erf)  }
0x59: {  	[tilespmem:$0x7B20] =	vst v38  }
0x5a: {  	v0 =	vld [tilespmem:s0+$0x30]  }
0x5b: {  	v39 =	vld [tilespmem:s0+$0x1530];
	_ =	sdelay $0x6  }
0x5c: {  	v40 =	vld.idx.msk [tilespmem:v0+s19+$0x0], $0xffff  }
0x5d: {  	v41 =	vld.idx.msk [tilespmem:v39+s20+$0x0], $0xffff;
	_ =	sdelay $0x4  }
0x5e: {  	v2 =	vadd.f32 v41, v40;
	_ =	sdelay $0x1  }
0x5f: {  	v3 =	vmul.f32 $2.000000030e-01, v2  }
0x60: {  	vm6 =	vgt.f32 v2, $0.0e+00  }
0x61: {  	v2 =	vsel vm6, v2, v3  }
0x62: {  	v2 =	vmul.f32 $1.442695020e+00, v2;
	_ =	sdelay $0x1  }
0x63: {  	(erf) = vpow2.f32 v2;
	_ =	sdelay $0x6  }
0x64: {  	vm7 =	veq.s32 v0, v39  }
0x65: {  	v42 =	vsel vm7, $0x2710, v39;
	[tilespmem:$0x7A30] =	vst v0  }
0x66: {  	[tilespmem:$0x7AB0] =	vst v42;
	v43 =	vpop (erf)  }
0x67: {  	[tilespmem:$0x7B30] =	vst v43  }
0x68: {  	v0 =	vld [tilespmem:s0+$0x40]  }
0x69: {  	v44 =	vld [tilespmem:s0+$0x1540];
	_ =	sdelay $0x6  }
0x6a: {  	v45 =	vld.idx.msk [tilespmem:v0+s19+$0x0], $0xffff  }
0x6b: {  	v46 =	vld.idx.msk [tilespmem:v44+s20+$0x0], $0xffff;
	_ =	sdelay $0x4  }
0x6c: {  	v2 =	vadd.f32 v46, v45;
	_ =	sdelay $0x1  }
0x6d: {  	v3 =	vmul.f32 $2.000000030e-01, v2  }
0x6e: {  	vm8 =	vgt.f32 v2, $0.0e+00  }
0x6f: {  	v2 =	vsel vm8, v2, v3  }
0x70: {  	v2 =	vmul.f32 $1.442695020e+00, v2;
	_ =	sdelay $0x1  }
0x71: {  	(erf) = vpow2.f32 v2;
	_ =	sdelay $0x6  }
0x72: {  	vm9 =	veq.s32 v0, v44  }
0x73: {  	v47 =	vsel vm9, $0x2710, v44;
	[tilespmem:$0x7A40] =	vst v0  }
0x74: {  	[tilespmem:$0x7AC0] =	vst v47;
	v48 =	vpop (erf)  }
0x75: {  	[tilespmem:$0x7B40] =	vst v48  }
0x76: {  	v0 =	vld [tilespmem:s0+$0x50]  }
0x77: {  	v49 =	vld [tilespmem:s0+$0x1550];
	_ =	sdelay $0x6  }
0x78: {  	v50 =	vld.idx.msk [tilespmem:v0+s19+$0x0], $0xffff  }
0x79: {  	v51 =	vld.idx.msk [tilespmem:v49+s20+$0x0], $0xffff;
	_ =	sdelay $0x4  }
0x7a: {  	v2 =	vadd.f32 v51, v50;
	_ =	sdelay $0x1  }
0x7b: {  	v3 =	vmul.f32 $2.000000030e-01, v2  }
0x7c: {  	vm10 =	vgt.f32 v2, $0.0e+00  }
0x7d: {  	v2 =	vsel vm10, v2, v3  }
0x7e: {  	v2 =	vmul.f32 $1.442695020e+00, v2;
	_ =	sdelay $0x1  }
0x7f: {  	(erf) = vpow2.f32 v2;
	_ =	sdelay $0x6  }
0x80: {  	vm11 =	veq.s32 v0, v49  }
0x81: {  	v52 =	vsel vm11, $0x2710, v49;
	[tilespmem:$0x7A50] =	vst v0  }
0x82: {  	[tilespmem:$0x7AD0] =	vst v52;
	v53 =	vpop (erf)  }
0x83: {  	[tilespmem:$0x7B50] =	vst v53  }
0x84: {  	v0 =	vld [tilespmem:s0+$0x60]  }
0x85: {  	v54 =	vld [tilespmem:s0+$0x1560];
	_ =	sdelay $0x6  }
0x86: {  	v55 =	vld.idx.msk [tilespmem:v0+s19+$0x0], $0xffff  }
0x87: {  	v56 =	vld.idx.msk [tilespmem:v54+s20+$0x0], $0xffff;
	_ =	sdelay $0x4  }
0x88: {  	v2 =	vadd.f32 v56, v55;
	_ =	sdelay $0x1  }
0x89: {  	v3 =	vmul.f32 $2.000000030e-01, v2  }
0x8a: {  	vm12 =	vgt.f32 v2, $0.0e+00  }
0x8b: {  	v2 =	vsel vm12, v2, v3  }
0x8c: {  	v2 =	vmul.f32 $1.442695020e+00, v2;
	_ =	sdelay $0x1  }
0x8d: {  	(erf) = vpow2.f32 v2;
	_ =	sdelay $0x6  }
0x8e: {  	vm13 =	veq.s32 v0, v54  }
0x8f: {  	v57 =	vsel vm13, $0x2710, v54;
	[tilespmem:$0x7A60] =	vst v0  }
0x90: {  	[tilespmem:$0x7AE0] =	vst v57;
	v58 =	vpop (erf)  }
0x91: {  	[tilespmem:$0x7B60] =	vst v58  }
0x92: {  	v0 =	vld [tilespmem:s0+$0x70]  }
0x93: {  	v59 =	vld [tilespmem:s0+$0x1570];
	_ =	sdelay $0x6  }
0x94: {  	v60 =	vld.idx.msk [tilespmem:v0+s19+$0x0], $0xffff  }
0x95: {  	v61 =	vld.idx.msk [tilespmem:v59+s20+$0x0], $0xffff;
	_ =	sdelay $0x4  }
0x96: {  	v2 =	vadd.f32 v61, v60;
	_ =	sdelay $0x1  }
0x97: {  	v3 =	vmul.f32 $2.000000030e-01, v2  }
0x98: {  	vm14 =	vgt.f32 v2, $0.0e+00  }
0x99: {  	v2 =	vsel vm14, v2, v3  }
0x9a: {  	v2 =	vmul.f32 $1.442695020e+00, v2;
	_ =	sdelay $0x1  }
0x9b: {  	(erf) = vpow2.f32 v2;
	_ =	sdelay $0x6  }
0x9c: {  	vm15 =	veq.s32 v0, v59  }
0x9d: {  	v62 =	vsel vm15, $0x2710, v59;
	[tilespmem:$0x7A70] =	vst v0  }
0x9e: {  	[tilespmem:$0x7AF0] =	vst v62;
	v63 =	vpop (erf)  }
0x9f: {  	[tilespmem:$0x7B70] =	vst v63  }
0xa0: {  	[tilespmem:s24], [sflag:$0x1] =	stream.indirect.gather [hbm4b:s1+s22], $0x20, s23, s22, $0xb8;
	[tilespmem:$0x14E00] =	vst v63  }
0xa1: {  	_ =	swait.ge [sflag:s25], $0x1000  }
0xa2: {  	s21 =	simm.s32 $0x8D80;
	[sflag:s25] =	ssyncset.done $0x0  }
0xa3: {  	s6 =	simm.s32 $0x7C80;
	s0 =	simm.s32 $0x0;
	[sflag:s25] =	ssyncadd.s32 $0xFFFFF000  }
.LBB2_3:
0xa4: {  	s7 =	sshra.s32 s0, $0x2  }
0xa5: {  	v0 =	vld [tilespmem:s7+$0x7B00]  }
0xa6: {  	v1 =	vld [tilespmem:s6+$0xFFFFFF00];
	_ =	sdelay $0x3  }
0xa7: {  	v2 =	vbroadcast v0, $0x0  }
0xa8: {  	v3 =	vshll.u32 v1, $0x10  }
0xa9: {  	v1 =	vand.u32 $0xFFFF0000, v1;
	v3 =	vmul.f32 v3, v2  }
0xaa: {  	v1 =	vmul.f32 v1, v2  }
0xab: {  	[tilespmem:s21+$0xFFFFFE00] =	vst v3  }
0xac: {  	[tilespmem:s21+$0xFFFFFE10] =	vst v1  }
0xad: {  	v1 =	vld [tilespmem:s6+$0xFFFFFF10];
	_ =	sdelay $0x4  }
0xae: {  	v19 =	vshll.u32 v1, $0x10  }
0xaf: {  	v1 =	vand.u32 $0xFFFF0000, v1;
	v3 =	vmul.f32 v19, v2  }
0xb0: {  	v1 =	vmul.f32 v1, v2  }
0xb1: {  	[tilespmem:s21+$0xFFFFFE20] =	vst v3  }
0xb2: {  	[tilespmem:s21+$0xFFFFFE30] =	vst v1  }
0xb3: {  	v1 =	vld [tilespmem:s6+$0xFFFFFF20];
	_ =	sdelay $0x3  }
0xb4: {  	v20 =	vbroadcast v0, $0x1  }
0xb5: {  	v21 =	vshll.u32 v1, $0x10  }
0xb6: {  	v1 =	vand.u32 $0xFFFF0000, v1;
	v3 =	vmul.f32 v21, v20  }
0xb7: {  	v1 =	vmul.f32 v1, v20  }
0xb8: {  	[tilespmem:s21+$0xFFFFFE40] =	vst v3  }
0xb9: {  	[tilespmem:s21+$0xFFFFFE50] =	vst v1  }
0xba: {  	v1 =	vld [tilespmem:s6+$0xFFFFFF30];
	_ =	sdelay $0x4  }
0xbb: {  	v22 =	vshll.u32 v1, $0x10  }
0xbc: {  	v1 =	vand.u32 $0xFFFF0000, v1;
	v3 =	vmul.f32 v22, v20  }
0xbd: {  	v1 =	vmul.f32 v1, v20  }
0xbe: {  	[tilespmem:s21+$0xFFFFFE60] =	vst v3  }
0xbf: {  	[tilespmem:s21+$0xFFFFFE70] =	vst v1  }
0xc0: {  	v1 =	vld [tilespmem:s6+$0xFFFFFF40];
	_ =	sdelay $0x3  }
0xc1: {  	v23 =	vbroadcast v0, $0x2  }
0xc2: {  	v24 =	vshll.u32 v1, $0x10  }
0xc3: {  	v1 =	vand.u32 $0xFFFF0000, v1;
	v3 =	vmul.f32 v24, v23  }
0xc4: {  	v1 =	vmul.f32 v1, v23  }
0xc5: {  	[tilespmem:s21+$0xFFFFFE80] =	vst v3  }
0xc6: {  	[tilespmem:s21+$0xFFFFFE90] =	vst v1  }
0xc7: {  	v1 =	vld [tilespmem:s6+$0xFFFFFF50];
	_ =	sdelay $0x4  }
0xc8: {  	v25 =	vshll.u32 v1, $0x10  }
0xc9: {  	v1 =	vand.u32 $0xFFFF0000, v1;
	v3 =	vmul.f32 v25, v23  }
0xca: {  	v1 =	vmul.f32 v1, v23  }
0xcb: {  	[tilespmem:s21+$0xFFFFFEA0] =	vst v3  }
0xcc: {  	[tilespmem:s21+$0xFFFFFEB0] =	vst v1  }
0xcd: {  	v1 =	vld [tilespmem:s6+$0xFFFFFF60];
	_ =	sdelay $0x3  }
0xce: {  	v26 =	vbroadcast v0, $0x3  }
0xcf: {  	v27 =	vshll.u32 v1, $0x10  }
0xd0: {  	v1 =	vand.u32 $0xFFFF0000, v1;
	v3 =	vmul.f32 v27, v26  }
0xd1: {  	v1 =	vmul.f32 v1, v26  }
0xd2: {  	[tilespmem:s21+$0xFFFFFEC0] =	vst v3  }
0xd3: {  	[tilespmem:s21+$0xFFFFFED0] =	vst v1  }
0xd4: {  	v1 =	vld [tilespmem:s6+$0xFFFFFF70];
	_ =	sdelay $0x4  }
0xd5: {  	v28 =	vshll.u32 v1, $0x10  }
0xd6: {  	v1 =	vand.u32 $0xFFFF0000, v1;
	v3 =	vmul.f32 v28, v26  }
0xd7: {  	v1 =	vmul.f32 v1, v26  }
0xd8: {  	[tilespmem:s21+$0xFFFFFEE0] =	vst v3  }
0xd9: {  	[tilespmem:s21+$0xFFFFFEF0] =	vst v1  }
0xda: {  	v1 =	vld [tilespmem:s6+$0xFFFFFF80];
	_ =	sdelay $0x3  }
0xdb: {  	v29 =	vbroadcast v0, $0x4  }
0xdc: {  	v30 =	vshll.u32 v1, $0x10  }
0xdd: {  	v1 =	vand.u32 $0xFFFF0000, v1;
	v3 =	vmul.f32 v30, v29  }
0xde: {  	v1 =	vmul.f32 v1, v29  }
0xdf: {  	[tilespmem:s21+$0xFFFFFF00] =	vst v3  }
0xe0: {  	[tilespmem:s21+$0xFFFFFF10] =	vst v1  }
0xe1: {  	v1 =	vld [tilespmem:s6+$0xFFFFFF90];
	_ =	sdelay $0x4  }
0xe2: {  	v31 =	vshll.u32 v1, $0x10  }
0xe3: {  	v1 =	vand.u32 $0xFFFF0000, v1;
	v3 =	vmul.f32 v31, v29  }
0xe4: {  	v1 =	vmul.f32 v1, v29  }
0xe5: {  	[tilespmem:s21+$0xFFFFFF20] =	vst v3  }
0xe6: {  	[tilespmem:s21+$0xFFFFFF30] =	vst v1  }
0xe7: {  	v1 =	vld [tilespmem:s6+$0xFFFFFFA0];
	_ =	sdelay $0x3  }
0xe8: {  	v32 =	vbroadcast v0, $0x5  }
0xe9: {  	v33 =	vshll.u32 v1, $0x10  }
0xea: {  	v1 =	vand.u32 $0xFFFF0000, v1;
	v3 =	vmul.f32 v33, v32  }
0xeb: {  	v1 =	vmul.f32 v1, v32  }
0xec: {  	[tilespmem:s21+$0xFFFFFF40] =	vst v3  }
0xed: {  	[tilespmem:s21+$0xFFFFFF50] =	vst v1  }
0xee: {  	v1 =	vld [tilespmem:s6+$0xFFFFFFB0];
	_ =	sdelay $0x4  }
0xef: {  	v34 =	vshll.u32 v1, $0x10  }
0xf0: {  	v1 =	vand.u32 $0xFFFF0000, v1;
	v3 =	vmul.f32 v34, v32  }
0xf1: {  	v1 =	vmul.f32 v1, v32  }
0xf2: {  	[tilespmem:s21+$0xFFFFFF60] =	vst v3  }
0xf3: {  	[tilespmem:s21+$0xFFFFFF70] =	vst v1  }
0xf4: {  	v1 =	vld [tilespmem:s6+$0xFFFFFFC0];
	_ =	sdelay $0x3  }
0xf5: {  	v35 =	vbroadcast v0, $0x6  }
0xf6: {  	v36 =	vshll.u32 v1, $0x10  }
0xf7: {  	v1 =	vand.u32 $0xFFFF0000, v1;
	v3 =	vmul.f32 v36, v35  }
0xf8: {  	v1 =	vmul.f32 v1, v35  }
0xf9: {  	[tilespmem:s21+$0xFFFFFF80] =	vst v3  }
0xfa: {  	[tilespmem:s21+$0xFFFFFF90] =	vst v1  }
0xfb: {  	v1 =	vld [tilespmem:s6+$0xFFFFFFD0];
	_ =	sdelay $0x4  }
0xfc: {  	v37 =	vshll.u32 v1, $0x10  }
0xfd: {  	v1 =	vand.u32 $0xFFFF0000, v1;
	v3 =	vmul.f32 v37, v35  }
0xfe: {  	v1 =	vmul.f32 v1, v35  }
0xff: {  	[tilespmem:s21+$0xFFFFFFA0] =	vst v3  }
0x100: {  	[tilespmem:s21+$0xFFFFFFB0] =	vst v1  }
0x101: {  	v1 =	vld [tilespmem:s6+$0xFFFFFFE0];
	_ =	sdelay $0x3  }
0x102: {  	v38 =	vbroadcast v0, $0x7  }
0x103: {  	v39 =	vshll.u32 v1, $0x10  }
0x104: {  	v1 =	vand.u32 $0xFFFF0000, v1;
	v3 =	vmul.f32 v39, v38  }
0x105: {  	v1 =	vmul.f32 v1, v38  }
0x106: {  	[tilespmem:s21+$0xFFFFFFC0] =	vst v3  }
0x107: {  	[tilespmem:s21+$0xFFFFFFD0] =	vst v1  }
0x108: {  	v1 =	vld [tilespmem:s6+$0xFFFFFFF0];
	_ =	sdelay $0x4  }
0x109: {  	v40 =	vshll.u32 v1, $0x10  }
0x10a: {  	v1 =	vand.u32 $0xFFFF0000, v1;
	v3 =	vmul.f32 v40, v38  }
0x10b: {  	v1 =	vmul.f32 v1, v38  }
0x10c: {  	[tilespmem:s21+$0xFFFFFFE0] =	vst v3  }
0x10d: {  	[tilespmem:s21+$0xFFFFFFF0] =	vst v1  }
0x10e: {  	v1 =	vld [tilespmem:s6+$0x0];
	_ =	sdelay $0x3  }
0x10f: {  	v41 =	vbroadcast v0, $0x8  }
0x110: {  	v42 =	vshll.u32 v1, $0x10  }
0x111: {  	v1 =	vand.u32 $0xFFFF0000, v1;
	v3 =	vmul.f32 v42, v41  }
0x112: {  	v1 =	vmul.f32 v1, v41  }
0x113: {  	[tilespmem:s21+$0x0] =	vst v3  }
0x114: {  	[tilespmem:s21+$0x10] =	vst v1  }
0x115: {  	v1 =	vld [tilespmem:s6+$0x10];
	_ =	sdelay $0x4  }
0x116: {  	v43 =	vshll.u32 v1, $0x10  }
0x117: {  	v1 =	vand.u32 $0xFFFF0000, v1;
	v3 =	vmul.f32 v43, v41  }
0x118: {  	v1 =	vmul.f32 v1, v41  }
0x119: {  	[tilespmem:s21+$0x20] =	vst v3  }
0x11a: {  	[tilespmem:s21+$0x30] =	vst v1  }
0x11b: {  	v1 =	vld [tilespmem:s6+$0x20];
	_ =	sdelay $0x3  }
0x11c: {  	v44 =	vbroadcast v0, $0x9  }
0x11d: {  	v45 =	vshll.u32 v1, $0x10  }
0x11e: {  	v1 =	vand.u32 $0xFFFF0000, v1;
	v3 =	vmul.f32 v45, v44  }
0x11f: {  	v1 =	vmul.f32 v1, v44  }
0x120: {  	[tilespmem:s21+$0x40] =	vst v3  }
0x121: {  	[tilespmem:s21+$0x50] =	vst v1  }
0x122: {  	v1 =	vld [tilespmem:s6+$0x30];
	_ =	sdelay $0x4  }
0x123: {  	v46 =	vshll.u32 v1, $0x10  }
0x124: {  	v1 =	vand.u32 $0xFFFF0000, v1;
	v3 =	vmul.f32 v46, v44  }
0x125: {  	v1 =	vmul.f32 v1, v44  }
0x126: {  	[tilespmem:s21+$0x60] =	vst v3  }
0x127: {  	[tilespmem:s21+$0x70] =	vst v1  }
0x128: {  	v1 =	vld [tilespmem:s6+$0x40];
	_ =	sdelay $0x3  }
0x129: {  	v47 =	vbroadcast v0, $0xA  }
0x12a: {  	v48 =	vshll.u32 v1, $0x10  }
0x12b: {  	v1 =	vand.u32 $0xFFFF0000, v1;
	v3 =	vmul.f32 v48, v47  }
0x12c: {  	v1 =	vmul.f32 v1, v47  }
0x12d: {  	[tilespmem:s21+$0x80] =	vst v3  }
0x12e: {  	[tilespmem:s21+$0x90] =	vst v1  }
0x12f: {  	v1 =	vld [tilespmem:s6+$0x50];
	_ =	sdelay $0x4  }
0x130: {  	v49 =	vshll.u32 v1, $0x10  }
0x131: {  	v1 =	vand.u32 $0xFFFF0000, v1;
	v3 =	vmul.f32 v49, v47  }
0x132: {  	v1 =	vmul.f32 v1, v47  }
0x133: {  	[tilespmem:s21+$0xA0] =	vst v3  }
0x134: {  	[tilespmem:s21+$0xB0] =	vst v1  }
0x135: {  	v1 =	vld [tilespmem:s6+$0x60];
	_ =	sdelay $0x3  }
0x136: {  	v50 =	vbroadcast v0, $0xB  }
0x137: {  	v51 =	vshll.u32 v1, $0x10  }
0x138: {  	v1 =	vand.u32 $0xFFFF0000, v1;
	v3 =	vmul.f32 v51, v50  }
0x139: {  	v1 =	vmul.f32 v1, v50  }
0x13a: {  	[tilespmem:s21+$0xC0] =	vst v3  }
0x13b: {  	[tilespmem:s21+$0xD0] =	vst v1  }
0x13c: {  	v1 =	vld [tilespmem:s6+$0x70];
	_ =	sdelay $0x4  }
0x13d: {  	v52 =	vshll.u32 v1, $0x10  }
0x13e: {  	v1 =	vand.u32 $0xFFFF0000, v1;
	v3 =	vmul.f32 v52, v50  }
0x13f: {  	v1 =	vmul.f32 v1, v50  }
0x140: {  	[tilespmem:s21+$0xE0] =	vst v3  }
0x141: {  	[tilespmem:s21+$0xF0] =	vst v1  }
0x142: {  	v1 =	vld [tilespmem:s6+$0x80];
	_ =	sdelay $0x3  }
0x143: {  	v53 =	vbroadcast v0, $0xC  }
0x144: {  	v54 =	vshll.u32 v1, $0x10  }
0x145: {  	v1 =	vand.u32 $0xFFFF0000, v1;
	v3 =	vmul.f32 v54, v53  }
0x146: {  	v1 =	vmul.f32 v1, v53  }
0x147: {  	[tilespmem:s21+$0x100] =	vst v3  }
0x148: {  	[tilespmem:s21+$0x110] =	vst v1  }
0x149: {  	v1 =	vld [tilespmem:s6+$0x90];
	_ =	sdelay $0x4  }
0x14a: {  	v55 =	vshll.u32 v1, $0x10  }
0x14b: {  	v1 =	vand.u32 $0xFFFF0000, v1;
	v3 =	vmul.f32 v55, v53  }
0x14c: {  	v1 =	vmul.f32 v1, v53  }
0x14d: {  	[tilespmem:s21+$0x120] =	vst v3  }
0x14e: {  	[tilespmem:s21+$0x130] =	vst v1  }
0x14f: {  	v1 =	vld [tilespmem:s6+$0xA0];
	_ =	sdelay $0x3  }
0x150: {  	v56 =	vbroadcast v0, $0xD  }
0x151: {  	v57 =	vshll.u32 v1, $0x10  }
0x152: {  	v1 =	vand.u32 $0xFFFF0000, v1;
	v3 =	vmul.f32 v57, v56  }
0x153: {  	v1 =	vmul.f32 v1, v56  }
0x154: {  	[tilespmem:s21+$0x140] =	vst v3  }
0x155: {  	[tilespmem:s21+$0x150] =	vst v1  }
0x156: {  	v1 =	vld [tilespmem:s6+$0xB0];
	_ =	sdelay $0x4  }
0x157: {  	v58 =	vshll.u32 v1, $0x10  }
0x158: {  	v1 =	vand.u32 $0xFFFF0000, v1;
	v3 =	vmul.f32 v58, v56  }
0x159: {  	v1 =	vmul.f32 v1, v56  }
0x15a: {  	[tilespmem:s21+$0x160] =	vst v3  }
0x15b: {  	[tilespmem:s21+$0x170] =	vst v1  }
0x15c: {  	v1 =	vld [tilespmem:s6+$0xC0];
	_ =	sdelay $0x3  }
0x15d: {  	v59 =	vbroadcast v0, $0xE  }
0x15e: {  	v60 =	vshll.u32 v1, $0x10  }
0x15f: {  	v1 =	vand.u32 $0xFFFF0000, v1;
	v3 =	vmul.f32 v60, v59  }
0x160: {  	v1 =	vmul.f32 v1, v59  }
0x161: {  	[tilespmem:s21+$0x180] =	vst v3  }
0x162: {  	[tilespmem:s21+$0x190] =	vst v1  }
0x163: {  	v1 =	vld [tilespmem:s6+$0xD0];
	_ =	sdelay $0x4  }
0x164: {  	v61 =	vshll.u32 v1, $0x10  }
0x165: {  	v1 =	vand.u32 $0xFFFF0000, v1;
	v3 =	vmul.f32 v61, v59  }
0x166: {  	v1 =	vmul.f32 v1, v59  }
0x167: {  	[tilespmem:s21+$0x1A0] =	vst v3  }
0x168: {  	[tilespmem:s21+$0x1B0] =	vst v1  }
0x169: {  	v1 =	vld [tilespmem:s6+$0xE0];
	_ =	sdelay $0x3  }
0x16a: {  	v0 =	vbroadcast v0, $0xF  }
0x16b: {  	v62 =	vshll.u32 v1, $0x10  }
0x16c: {  	v1 =	vand.u32 $0xFFFF0000, v1;
	v2 =	vmul.f32 v62, v0  }
0x16d: {  	v1 =	vmul.f32 v1, v0  }
0x16e: {  	[tilespmem:s21+$0x1C0] =	vst v2  }
0x16f: {  	[tilespmem:s21+$0x1D0] =	vst v1  }
0x170: {  	v1 =	vld [tilespmem:s6+$0xF0];
	_ =	sdelay $0x3  }
0x171: {  	p0 =	sne.s32 s0, $0x1C0  }
.Ltmp0:
0x172: {  	v63 =	vshll.u32 v1, $0x10;
	(pc) =	sbr.rel @p0 .LBB2_3-.Ltmp0, $4  }
0x173: {  	v1 =	vand.u32 $0xFFFF0000, v1;
	v2 =	vmul.f32 v63, v0  }
0x174: {  	v0 =	vmul.f32 v1, v0  }
0x175: {  	[tilespmem:s21+$0x1E0] =	vst v2  }
0x176: {  	s0 =	sadd.s32 $0x40, s0;
	s6 =	sadd.s32 $0x200, s6;
	[tilespmem:s21+$0x1F0] =	vst v0;
	s21 =	sadd.s32 $0x400, s21  }
0x177: {  	[spmem:s4] =	stream.indirect.scatter.add.f32 [tilespmem:s28], [sflag:$0x2], $0x1, s26, s22, $0xb8;
	[tilespmem:$0x14E00] =	vst v63  }
0x178: {  	s2 =	sadd.s32 $0x1, s2  }
0x179: {  	[spmem:s3] =	stream.indirect.scatter.add.f32 [tilespmem:s29], [sflag:$0x1], $0x40, s26, s22, $0xb8;
	[tilespmem:$0x14E00] =	vst v63  }
0x17a: {  	p0 =	sne.s32 s2, $0x28;
	_ =	swait.ge [sflag:s30], $0x80  }
.Ltmp1:
0x17b: {  	[sflag:s30] =	ssyncset.done $0x0;
	(pc) =	sbr.rel @p0 .LBB2_2-.Ltmp1, $4  }
0x17c: {  	[sflag:s30] =	ssyncadd.s32 $0xFFFFFF80  }
0x17d: {  	_ =	swait.ge [sflag:s25], $0x2000  }
0x17e: {  	[sflag:s25] =	ssyncset.done $0x0  }
0x17f: {  	[sflag:s25] =	ssyncadd.s32 $0xFFFFE000  }
0x180: {  	[bflag:$0x0] =	sbarrier.arrive $0xFFFF  }
0x181: {  	[hbm:s13], [sflag:s9] =	dma.local [spmem:s16], $0x1400  }
0x182: {  	s31 =	sadd.s32 $0x1, s31;
	_ =	swait.ge [sflag:s17], $0x1400  }
0x183: {  	p0 =	sne.s32 s31, s15;
	[sflag:s17] =	ssyncset.done $0x0  }
.Ltmp2:
0x184: {  	[sflag:s17] =	ssyncadd.s32 $0xFFFFEC00;
	(pc) =	sbr.rel @p0 .LBB2_1-.Ltmp2, $4  }
0x185: {  	[hbm:s14], [sflag:s9] =	dma.local [spmem:s18], $0x50  }
0x186: {  	_ =	swait.ge [sflag:s17], $0x50  }
0x187: {  	[sflag:s17] =	ssyncset.done $0x0  }
0x188: {  	[sflag:s17] =	ssyncadd.s32 $0xFFFFFFB0  }
0x189: {  	_ =	sfence.sel $0x180000  }
0x18a: {  	[bflag:$0x0] =	sbarrier.arrive $0xFFFF  }
0x18b: {  	_ =	strace $0x9000004D  }
0x18c: {  	s0 =	stileid.u32;
	[bflag:$0x2] =	sbarrier.arrive $0xFFFF  }
0x18d: {  	p0 =	sne.s32 s0, $0x0;
	s0 =	rddreg [dreg:$0x4]  }
0x18e: {  	s0 =	sadd.s32 @!p0 $0x100000, s0  }
0x18f: {  	[sflag:s0] =	ssyncadd.tile.s32 @!p0 $0x1;
	_ =	shalt  }
.Lfunc_end2:
_tile_overlayer_lowered:
.L_overlay_start_2:
0x190: {  	(tag) =	ssettag $0x2  }
0x191: {  	s0 =	rddreg [dreg:$0x0];
	s2 =	stileid.u32  }
0x192: {  	s1 =	rddreg [dreg:$0x1];
	p0 =	sne.s32 s2, $0x0  }
0x193: {  	s3 =	rddreg [dreg:$0x2];
	[bflag:$0x3] =	sbarrier.arrive $0xFFFF;
	s2 =	simm.s32 @!p0 $0x1C03  }
0x194: {  	[timem:s3], [sflag:s2] =	dma.local @!p0 [hbm:s0], s1  }
0x195: {  	s0 =	simm.s32 @!p0 $0x3  }
0x196: {  	_ =	swait.ge @!p0 [sflag:s0], s1  }
0x197: {  	s1 =	ssub.s32 @!p0 $0x0, s1;
	[sflag:s0] =	ssyncset.done @!p0 $0x0  }
0x198: {  	[sflag:s0] =	ssyncadd.s32 @!p0 s1  }
0x199: {  	[bflag:$0x3] =	sbarrier.arrive $0xFFFF  }
0x19a: {  	_ =	shalt  }

</sc_bundles>
